<compile_context>
chip_gen: v7x
topology: tpu7x:2x2x1
jax: 0.10.2.dev20260603
libtpu: 0.0.44.dev20260713+nightly
codegen_flags: <defaults>
</compile_context>

<pallas_src>
import functools

import jax
import jax.numpy as jnp
from jax import lax
from jax.experimental import pallas as pl
from jax.experimental.pallas import tpu as pltpu
from jax.experimental.pallas import tpu_sc as plsc

N = 10000
E = 320000
IN_F = 128
H = 8
F = 16
HF = H * F
ROWW = HF + 16
C = 125
NCORES = 2
NSUB = 16
NW = NCORES * NSUB
EPW = E // NW
CPW = EPW // C
NPAIRS = CPW // 2
NPAD = 10000
TROWS = NPAD // NSUB
ZROWS = 125
B1 = 1000


def _tc1_body(x_ref, w_ref, s1_ref, s2_ref, aug_ref, ns_ref):
    p = jnp.dot(x_ref[...], w_ref[...], preferred_element_type=jnp.float32)
    aug_ref[:, 0:HF] = p
    aug_ref[:, HF:ROWW] = jnp.dot(p, s1_ref[...], preferred_element_type=jnp.float32)
    ns_ref[...] = jnp.dot(p, s2_ref[...], preferred_element_type=jnp.float32)


_tc1 = pl.pallas_call(
    _tc1_body,
    grid=(N // B1,),
    in_specs=[
        pl.BlockSpec((B1, IN_F), lambda i: (i, 0)),
        pl.BlockSpec((IN_F, HF), lambda i: (0, 0)),
        pl.BlockSpec((HF, 16), lambda i: (0, 0)),
        pl.BlockSpec((HF, 16), lambda i: (0, 0)),
    ],
    out_specs=[
        pl.BlockSpec((B1, ROWW), lambda i: (i, 0)),
        pl.BlockSpec((B1, 16), lambda i: (i, 0)),
    ],
    out_shape=[
        jax.ShapeDtypeStruct((N, ROWW), jnp.float32),
        jax.ShapeDtypeStruct((N, 16), jnp.float32),
    ],
)


def _lane_bcast(v, lane):
    idx = jnp.full((16, 1), lane, dtype=jnp.int32)
    dn = lax.GatherDimensionNumbers(
        offset_dims=(), collapsed_slice_dims=(0,), start_index_map=(0,))
    return lax.gather(v, idx, dn, slice_sizes=(1,),
                      mode=lax.GatherScatterMode.PROMISE_IN_BOUNDS)


_sc_mesh = plsc.VectorSubcoreMesh(core_axis_name="c", subcore_axis_name="s")


@functools.partial(
    pl.kernel,
    out_type=jax.ShapeDtypeStruct((NCORES, NPAD, ROWW), jnp.float32),
    mesh=_sc_mesh,
    scratch_types=[
        pltpu.VMEM((2, C), jnp.int32),
        pltpu.VMEM((2, C), jnp.int32),
        pltpu.VMEM((2, C), jnp.int32),
        pltpu.VMEM((2, C), jnp.int32),
        pltpu.VMEM((C, ROWW), jnp.float32),
        pltpu.VMEM((C, ROWW), jnp.float32),
        pltpu.VMEM((C, 16), jnp.float32),
        pltpu.VMEM((C, 16), jnp.float32),
        pltpu.VMEM_SHARED((NPAD, ROWW), jnp.float32),
        pltpu.SemaphoreType.DMA,
        pltpu.SemaphoreType.DMA,
        pltpu.SemaphoreType.DMA,
        pltpu.SemaphoreType.DMA,
        pltpu.SemaphoreType.DMA,
        pltpu.SemaphoreType.DMA,
        pltpu.SemaphoreType.DMA,
        pltpu.SemaphoreType.DMA,
    ],
    compiler_params=pltpu.CompilerParams(use_tc_tiling_on_sc=False),
)
def _sc_edges(aug_hbm, ns_hbm, src_hbm, dst_hbm, out_hbm,
              ipa_s, ipa_d, ipb_s, ipb_d, rows0, rows1, nsr0, nsr1, acc,
              ga0, gb0, ga1, gb1, isa, isb, ss0, ss1):
    cid = lax.axis_index("c")
    sid = lax.axis_index("s")
    w = cid * NSUB + sid
    cbase = w * CPW

    rows = (rows0, rows1)
    nsrs = (nsr0, nsr1)
    gsems = ((ga0, gb0), (ga1, gb1))
    ssems = (ss0, ss1)
    ip_s = (ipa_s, ipb_s)
    ip_d = (ipa_d, ipb_d)
    isems = (isa, isb)

    zv = jnp.zeros((16,), jnp.float32)

    def zfill(k, _):
        i = k // (ROWW // 16)
        j = k % (ROWW // 16)
        rows0[i, pl.ds(j * 16, 16)] = zv
        return 0

    lax.fori_loop(0, C * (ROWW // 16), zfill, 0)

    def zcopy(j, _):
        pltpu.sync_copy(rows0, acc.at[pl.ds(sid * TROWS + j * C, C), :])
        return 0

    lax.fori_loop(0, TROWS // C, zcopy, 0)
    if TROWS % C:
        pltpu.sync_copy(rows0.at[pl.ds(0, TROWS % C), :],
                        acc.at[pl.ds(sid * TROWS + (TROWS // C) * C, TROWS % C), :])
    plsc.subcore_barrier()

    def fetch_pair(P, pp):
        pltpu.async_copy(src_hbm.at[pl.ds(cbase + 2 * P, 2), :], ip_s[pp], isems[pp])
        pltpu.async_copy(dst_hbm.at[pl.ds(cbase + 2 * P, 2), :], ip_d[pp], isems[pp])

    def wait_fetch(pp):
        pltpu.make_async_copy(src_hbm.at[pl.ds(0, 2), :], ip_s[pp], isems[pp]).wait()
        pltpu.make_async_copy(src_hbm.at[pl.ds(0, 2), :], ip_d[pp], isems[pp]).wait()

    def issue_gathers(p, pp, r):
        pltpu.async_copy(aug_hbm.at[ip_s[pp].at[r]], rows[p], gsems[p][0])
        pltpu.async_copy(ns_hbm.at[ip_d[pp].at[r]], nsrs[p], gsems[p][1])

    def wait_gathers(p):
        pltpu.make_async_copy(aug_hbm.at[pl.ds(0, C)], rows[p], gsems[p][0]).wait()
        pltpu.make_async_copy(ns_hbm.at[pl.ds(0, C)], nsrs[p], gsems[p][1]).wait()

    def issue_scatter(p, pp, r):
        pltpu.sync_copy(rows[p], acc.at[ip_d[pp].at[r]], add=True)

    def async_scatter(p, pp, r):
        return pltpu.async_copy(rows[p], acc.at[ip_d[pp].at[r]],
                                ssems[p], add=True)

    def compute(p):
        rp = rows[p]
        nq = nsrs[p]

        @plsc.parallel_loop(0, C, unroll=2)
        def _(ii):
            s = rp[ii, pl.ds(HF, 16)] + nq[ii, :]
            e = jnp.exp(jnp.maximum(s, s * 0.2))
            rp[ii, pl.ds(HF, 16)] = e
            for h in range(H):
                eb = _lane_bcast(e, h)
                rp[ii, pl.ds(h * F, F)] = rp[ii, pl.ds(h * F, F)] * eb

    fetch_pair(0, 0)
    wait_fetch(0)
    issue_gathers(0, 0, 0)
    fetch_pair(1, 1)
    wait_gathers(0)
    issue_gathers(1, 0, 1)
    compute(0)
    sd = async_scatter(0, 0, 0)
    wait_gathers(1)
    wait_fetch(1)
    sd.wait()
    issue_gathers(0, 1, 0)
    compute(1)
    sd = async_scatter(1, 0, 1)
    wait_gathers(0)
    fetch_pair(2, 0)
    sd.wait()
    issue_gathers(1, 1, 1)
    compute(0)
    sd = async_scatter(0, 1, 0)
    wait_gathers(1)
    wait_fetch(0)
    sd.wait()
    issue_gathers(0, 0, 0)
    compute(1)
    issue_scatter(1, 1, 1)

    def quad(q, _):
        wait_gathers(0)
        fetch_pair(2 * q + 1, 1)
        issue_gathers(1, 0, 1)
        compute(0)
        sd0 = async_scatter(0, 0, 0)
        wait_gathers(1)
        wait_fetch(1)
        sd0.wait()
        issue_gathers(0, 1, 0)
        compute(1)
        sd1 = async_scatter(1, 0, 1)
        wait_gathers(0)
        fetch_pair(2 * q + 2, 0)
        sd1.wait()
        issue_gathers(1, 1, 1)
        compute(0)
        sd2 = async_scatter(0, 1, 0)
        wait_gathers(1)
        wait_fetch(0)
        sd2.wait()
        issue_gathers(0, 0, 0)
        compute(1)
        issue_scatter(1, 1, 1)
        return 0

    lax.fori_loop(1, CPW // 4 - 1, quad, 0)

    wait_gathers(0)
    fetch_pair(NPAIRS - 1, 1)
    issue_gathers(1, 0, 1)
    compute(0)
    sd = async_scatter(0, 0, 0)
    wait_gathers(1)
    wait_fetch(1)
    sd.wait()
    issue_gathers(0, 1, 0)
    compute(1)
    sd = async_scatter(1, 0, 1)
    wait_gathers(0)
    sd.wait()
    issue_gathers(1, 1, 1)
    compute(0)
    sd = async_scatter(0, 1, 0)
    wait_gathers(1)
    sd.wait()
    compute(1)
    issue_scatter(1, 1, 1)

    plsc.subcore_barrier()
    pltpu.sync_copy(acc.at[pl.ds(sid * TROWS, TROWS), :],
                    out_hbm.at[cid, pl.ds(sid * TROWS, TROWS), :])


def _tc2_body(p_ref, r_ref, o_ref):
    t = p_ref[0] + p_ref[1]
    num = t[:, 0:HF]
    d = jnp.maximum(t[:, HF:HF + H], 1e-12)
    den = jnp.dot(d, r_ref[...], preferred_element_type=jnp.float32)
    o = num / den
    o_ref[...] = jnp.where(o > 0, o, jnp.exp(o) - 1.0)


B2 = 1000

_tc2 = pl.pallas_call(
    _tc2_body,
    grid=(NPAD // B2,),
    in_specs=[
        pl.BlockSpec((NCORES, B2, ROWW), lambda i: (0, i, 0)),
        pl.BlockSpec((H, HF), lambda i: (0, 0)),
    ],
    out_specs=pl.BlockSpec((B2, HF), lambda i: (i, 0)),
    out_shape=jax.ShapeDtypeStruct((NPAD, HF), jnp.float32),
)


def kernel(x, edge_index, W, a_self, a_neigh):
    head_of = jnp.arange(HF, dtype=jnp.int32) // F
    mask = (head_of[:, None] == jnp.arange(16, dtype=jnp.int32)[None, :])
    s1 = a_self.reshape(HF)[:, None] * mask
    s2 = a_neigh.reshape(HF)[:, None] * mask
    rmat = (jnp.arange(H, dtype=jnp.int32)[:, None] == head_of[None, :]
            ).astype(jnp.float32)

    aug, ns = _tc1(x, W, s1, s2)
    src = edge_index[0].reshape(E // C, C)
    dst = edge_index[1].reshape(E // C, C)
    partials = _sc_edges(aug, ns, src, dst)
    return _tc2(partials, rmat)[:N]

# --- scband reference (transcript-rebuilt; emitter-appended) ---
"""Pipeline reference for scband-gatlayer-2-35424890258181 (READ-ONLY COPY).

The authoritative reference and input builder live on the scoring server;
editing this copy changes nothing except your own understanding.
"""

import jax, jax.numpy as jnp
import numpy as np

N = 10000
E = 320000
IN_F = 128
H = 8
F = 16


def setup_inputs(seed: int = 0) -> dict:
    key = jax.random.key(seed)
    k1, k2, k3, k4, k5 = jax.random.split(key, 5)
    x = jax.random.normal(k1, (N, IN_F), dtype=jnp.float32)
    edge_index = jax.random.randint(k2, (2, E), 0, N, dtype=jnp.int32)
    # Learned parameters (xavier-uniform-style init)
    limit_w = float(np.sqrt(6.0 / (IN_F + H * F)))
    W = jax.random.uniform(k3, (IN_F, H * F), dtype=jnp.float32, minval=-limit_w, maxval=limit_w)
    limit_a = float(np.sqrt(6.0 / (1 + F)))
    a_self = jax.random.uniform(k4, (1, H, F), dtype=jnp.float32, minval=-limit_a, maxval=limit_a)
    a_neigh = jax.random.uniform(k5, (1, H, F), dtype=jnp.float32, minval=-limit_a, maxval=limit_a)
    return {"x": x, "edge_index": edge_index, "W": W, "a_self": a_self, "a_neigh": a_neigh}


def reference(x, edge_index, W, a_self, a_neigh):
    # Dropout is identity in eval mode.
    Nn = x.shape[0]
    nh = a_self.shape[1]
    fo = a_self.shape[2]
    proj = (x @ W).reshape(-1, nh, fo)                      # [N, H, F]
    self_score = jnp.sum(proj * a_self, axis=-1)            # [N, H]
    neigh_score = jnp.sum(proj * a_neigh, axis=-1)          # [N, H]
    src = edge_index[0]
    dst = edge_index[1]
    source_scores = jnp.take(self_score, src, axis=0)       # [E, H]
    target_scores = jnp.take(neigh_score, dst, axis=0)      # [E, H]
    proj_src = jnp.take(proj, src, axis=0)                  # [E, H, F]
    edge_scores = jax.nn.leaky_relu(source_scores + target_scores, negative_slope=0.2)
    e = jnp.exp(edge_scores)                                # [E, H]
    denom = jax.ops.segment_sum(e, dst, num_segments=Nn)    # [N, H]
    edge_attention = (e / jnp.take(denom, dst, axis=0))[..., None]  # [E, H, 1]
    weighted = proj_src * edge_attention                    # [E, H, F]
    out = jax.ops.segment_sum(weighted, dst, num_segments=Nn)  # [N, H, F]
    out = out.reshape(-1, nh * fo)                          # concat=True -> [N, H*F]
    return jax.nn.elu(out)

if __name__ == "__main__":
    import jax
    _d = setup_inputs()
    print(jax.jit(kernel)(*tuple(_d.values())))

</pallas_src>

<mosaic_0001>
#map = affine_map<(d0, d1) -> (0, 0)>
#map1 = affine_map<(d0, d1) -> (0, 0, 0)>
module attributes {stable_mosaic.version = 14 : i64} {
  func.func @_sc_edges(%arg0: i32, %arg1: i32, %arg2: memref<10000x144xf32, #tpu.memory_space<hbm>>, %arg3: memref<10000x16xf32, #tpu.memory_space<hbm>>, %arg4: memref<2560x125xi32, #tpu.memory_space<hbm>>, %arg5: memref<2560x125xi32, #tpu.memory_space<hbm>>, %arg6: memref<2x10000x144xf32, #tpu.memory_space<hbm>>, %arg7: memref<2x125xi32, #tpu.memory_space<vmem>>, %arg8: memref<2x125xi32, #tpu.memory_space<vmem>>, %arg9: memref<2x125xi32, #tpu.memory_space<vmem>>, %arg10: memref<2x125xi32, #tpu.memory_space<vmem>>, %arg11: memref<125x144xf32, #tpu.memory_space<vmem>>, %arg12: memref<125x144xf32, #tpu.memory_space<vmem>>, %arg13: memref<125x16xf32, #tpu.memory_space<vmem>>, %arg14: memref<125x16xf32, #tpu.memory_space<vmem>>, %arg15: memref<10000x144xf32, #tpu.memory_space<vmem_shared>>, %arg16: memref<!tpu.dma_semaphore, #tpu.memory_space<semaphore_mem>>, %arg17: memref<!tpu.dma_semaphore, #tpu.memory_space<semaphore_mem>>, %arg18: memref<!tpu.dma_semaphore, #tpu.memory_space<semaphore_mem>>, %arg19: memref<!tpu.dma_semaphore, #tpu.memory_space<semaphore_mem>>, %arg20: memref<!tpu.dma_semaphore, #tpu.memory_space<semaphore_mem>>, %arg21: memref<!tpu.dma_semaphore, #tpu.memory_space<semaphore_mem>>, %arg22: memref<!tpu.dma_semaphore, #tpu.memory_space<semaphore_mem>>, %arg23: memref<!tpu.dma_semaphore, #tpu.memory_space<semaphore_mem>>) attributes {dimension_semantics = [#tpu.dimension_semantics<core_parallel>, #tpu.dimension_semantics<subcore_parallel>], iteration_bounds = array<i64: 2, 16>, scalar_prefetch = 0 : i64, scratch_operands = 17 : i64, tpu.core_type = #tpu.core_type<sc_vector_subcore>, window_params = [{transform_indices = #map}, {transform_indices = #map}, {transform_indices = #map}, {transform_indices = #map}, {transform_indices = #map1}]} {
    %mul3A = arith.constant 16 : i32
    %mul3A_0 = arith.muli %arg0, %mul3A : i32
    %add3A = arith.addi %mul3A_0, %arg1 : i32
    %mul3A_1 = arith.constant 80 : i32
    %mul3A_2 = arith.muli %add3A, %mul3A_1 : i32
    %broadcast_in_dim3A = arith.constant 0.000000e+00 : f32
    %broadcast_in_dim3A_3 = vector.broadcast %broadcast_in_dim3A : f32 to vector<16xf32>
    %scan3A = arith.constant 0 : i32
    %scan3A_4 = arith.constant 0 : i32
    %scan3A_5 = arith.constant 1125 : i32
    %scan3A_6 = arith.addi %scan3A_4, %scan3A_5 : i32
    %scan3A_7 = arith.constant 1 : i32
    %scan3A_8 = scf.for %scan3A_439 = %scan3A_4 to %scan3A_6 step %scan3A_7 iter_args(%scan3A_440 = %scan3A) -> (i32)  : i32 {
      %jit3A = arith.constant 9 : i32
      %div3A = arith.divsi %scan3A_439, %jit3A : i32
      %sign3A = arith.constant 0 : i32
      %sign3A_441 = arith.cmpi sgt, %scan3A_439, %sign3A : i32
      %sign3A_442 = arith.extui %sign3A_441 : i1 to i32
      %sign3A_443 = arith.constant 0 : i32
      %sign3A_444 = arith.cmpi slt, %scan3A_439, %sign3A_443 : i32
      %sign3A_445 = arith.extui %sign3A_444 : i1 to i32
      %sign3A_446 = arith.subi %sign3A_442, %sign3A_445 : i32
      %sign3A_447 = arith.constant 0 : i32
      %sign3A_448 = arith.cmpi sgt, %jit3A, %sign3A_447 : i32
      %sign3A_449 = arith.extui %sign3A_448 : i1 to i32
      %sign3A_450 = arith.constant 0 : i32
      %sign3A_451 = arith.cmpi slt, %jit3A, %sign3A_450 : i32
      %sign3A_452 = arith.extui %sign3A_451 : i1 to i32
      %sign3A_453 = arith.subi %sign3A_449, %sign3A_452 : i32
      %ne3A = arith.cmpi ne, %sign3A_446, %sign3A_453 : i32
      %rem3A = arith.remsi %scan3A_439, %jit3A : i32
      %ne3A_454 = arith.constant 0 : i32
      %ne3A_455 = arith.cmpi ne, %rem3A, %ne3A_454 : i32
      %and3A = arith.andi %ne3A, %ne3A_455 : i1
      %sub3A = arith.constant 1 : i32
      %sub3A_456 = arith.subi %div3A, %sub3A : i32
      %select_n3A = arith.select %and3A, %sub3A_456, %div3A : i32
      %jit3A_457 = arith.constant 9 : i32
      %eq3A = arith.constant 0 : i32
      %eq3A_458 = arith.cmpi eq, %jit3A_457, %eq3A : i32
      %jit3A_459 = arith.constant 1 : i32
      %select_n3A_460 = arith.select %eq3A_458, %jit3A_459, %jit3A_457 : i32
      %rem3A_461 = arith.remsi %scan3A_439, %select_n3A_460 : i32
      %ne3A_462 = arith.constant 0 : i32
      %ne3A_463 = arith.cmpi ne, %rem3A_461, %ne3A_462 : i32
      %lt3A = arith.constant 0 : i32
      %lt3A_464 = arith.cmpi slt, %rem3A_461, %lt3A : i32
      %lt3A_465 = arith.constant 0 : i32
      %lt3A_466 = arith.cmpi slt, %select_n3A_460, %lt3A_465 : i32
      %ne3A_467 = arith.xori %lt3A_464, %lt3A_466 : i1
      %and3A_468 = arith.andi %ne3A_467, %ne3A_463 : i1
      %add3A_469 = arith.addi %rem3A_461, %select_n3A_460 : i32
      %select_n3A_470 = arith.select %and3A_468, %add3A_469, %rem3A_461 : i32
      %mul3A_471 = arith.constant 16 : i32
      %mul3A_472 = arith.muli %select_n3A_470, %mul3A_471 : i32
      %swap3A = arith.index_cast %select_n3A : i32 to index
      %swap3A_473 = arith.index_cast %mul3A_472 : i32 to index
      %swap3A_474 = tpu.vector_load %arg11[%swap3A, %swap3A_473] {strides = array<i32>} : memref<125x144xf32, #tpu.memory_space<vmem>>, vector<1x16xf32>,
      %swap3A_475 = vector.shape_cast %swap3A_474 : vector<1x16xf32> to vector<16xf32>
      %swap3A_476 = vector.shape_cast %broadcast_in_dim3A_3 : vector<16xf32> to vector<1x16xf32>
      tpu.vector_store %arg11[%swap3A, %swap3A_473], %swap3A_476 {strides = array<i32>} : memref<125x144xf32, #tpu.memory_space<vmem>>, vector<1x16xf32>,
      %scan3A_477 = arith.constant 0 : i32
      scf.yield %scan3A_477 : i32
    }
    %scan3A_9 = arith.constant 1125 : i32
    %scan3A_10 = arith.constant 0 : i32
    %scan3A_11 = arith.constant 0 : i32
    %scan3A_12 = arith.constant 5 : i32
    %scan3A_13 = arith.addi %scan3A_11, %scan3A_12 : i32
    %scan3A_14 = arith.constant 1 : i32
    %scan3A_15 = scf.for %scan3A_439 = %scan3A_11 to %scan3A_13 step %scan3A_14 iter_args(%scan3A_440 = %scan3A_10) -> (i32)  : i32 {
      %mul3A_441 = arith.constant 625 : i32
      %mul3A_442 = arith.muli %arg1, %mul3A_441 : i32
      %mul3A_443 = arith.constant 125 : i32
      %mul3A_444 = arith.muli %scan3A_439, %mul3A_443 : i32
      %add3A_445 = arith.addi %mul3A_442, %mul3A_444 : i32
      "tpu.region"() ({
        %run_scoped3A_447 = tpu.sem_alloc : memref<!tpu.dma_semaphore, #tpu.memory_space<semaphore_mem>>
        %dma_start3A_448 = arith.constant 0 : i32
        %dma_start3A_449 = tpu.memref_slice %arg15[%add3A_445, %dma_start3A_448] : memref<10000x144xf32, #tpu.memory_space<vmem_shared>> -> memref<125x144xf32, #tpu.memory_space<vmem_shared>>
        %dma_start3A_450 = arith.constant 0 : i32
        %dma_start3A_451 = tpu.memref_slice %arg15[%add3A_445, %dma_start3A_450] : memref<10000x144xf32, #tpu.memory_space<vmem_shared>> -> memref<125x144xf32, #tpu.memory_space<vmem_shared>>
        tpu.enqueue_dma source(%arg11 : memref<125x144xf32, #tpu.memory_space<vmem>>) target(%dma_start3A_451 : memref<125x144xf32, #tpu.memory_space<vmem_shared>>) target_semaphore(%run_scoped3A_447 : memref<!tpu.dma_semaphore, #tpu.memory_space<semaphore_mem>>)
        %dma_wait3A_452 = arith.constant 0 : i32
        %dma_wait3A_453 = tpu.memref_slice %arg15[%add3A_445, %dma_wait3A_452] : memref<10000x144xf32, #tpu.memory_space<vmem_shared>> -> memref<125x144xf32, #tpu.memory_space<vmem_shared>>
        %dma_wait3A_454 = arith.constant 0 : i32
        %dma_wait3A_455 = tpu.memref_slice %arg15[%add3A_445, %dma_wait3A_454] : memref<10000x144xf32, #tpu.memory_space<vmem_shared>> -> memref<125x144xf32, #tpu.memory_space<vmem_shared>>
        tpu.wait_dma2 semaphore(%run_scoped3A_447 : memref<!tpu.dma_semaphore, #tpu.memory_space<semaphore_mem>>) src(%arg11 : memref<125x144xf32, #tpu.memory_space<vmem>>) dst(%dma_wait3A_455 : memref<125x144xf32, #tpu.memory_space<vmem_shared>>)
        tpu.yield
      }) : () -> ()
      %scan3A_446 = arith.constant 0 : i32
      scf.yield %scan3A_446 : i32
    }
    %scan3A_16 = arith.constant 5 : i32
    %barrier3A = arith.constant 0 : index
    tpu.barrier barrier_id(%barrier3A)
    %add3A_17 = arith.constant 0 : i32
    %add3A_18 = arith.addi %mul3A_2, %add3A_17 : i32
    %dma_start3A = arith.constant 0 : i32
    %dma_start3A_19 = tpu.memref_slice %arg4[%add3A_18, %dma_start3A] : memref<2560x125xi32, #tpu.memory_space<hbm>> -> memref<2x125xi32, #tpu.memory_space<hbm>>
    %dma_start3A_20 = arith.constant 0 : i32
    %dma_start3A_21 = tpu.memref_slice %arg4[%add3A_18, %dma_start3A_20] : memref<2560x125xi32, #tpu.memory_space<hbm>> -> memref<2x125xi32, #tpu.memory_space<hbm>>
    tpu.enqueue_dma source(%dma_start3A_21 : memref<2x125xi32, #tpu.memory_space<hbm>>) target(%arg7 : memref<2x125xi32, #tpu.memory_space<vmem>>) target_semaphore(%arg20 : memref<!tpu.dma_semaphore, #tpu.memory_space<semaphore_mem>>)
    %add3A_22 = arith.constant 0 : i32
    %add3A_23 = arith.addi %mul3A_2, %add3A_22 : i32
    %dma_start3A_24 = arith.constant 0 : i32
    %dma_start3A_25 = tpu.memref_slice %arg5[%add3A_23, %dma_start3A_24] : memref<2560x125xi32, #tpu.memory_space<hbm>> -> memref<2x125xi32, #tpu.memory_space<hbm>>
    %dma_start3A_26 = arith.constant 0 : i32
    %dma_start3A_27 = tpu.memref_slice %arg5[%add3A_23, %dma_start3A_26] : memref<2560x125xi32, #tpu.memory_space<hbm>> -> memref<2x125xi32, #tpu.memory_space<hbm>>
    tpu.enqueue_dma source(%dma_start3A_27 : memref<2x125xi32, #tpu.memory_space<hbm>>) target(%arg8 : memref<2x125xi32, #tpu.memory_space<vmem>>) target_semaphore(%arg20 : memref<!tpu.dma_semaphore, #tpu.memory_space<semaphore_mem>>)
    %dma_wait3A = arith.constant 0 : i32
    %dma_wait3A_28 = arith.constant 0 : i32
    %dma_wait3A_29 = tpu.memref_slice %arg4[%dma_wait3A, %dma_wait3A_28] : memref<2560x125xi32, #tpu.memory_space<hbm>> -> memref<2x125xi32, #tpu.memory_space<hbm>>
    %dma_wait3A_30 = arith.constant 0 : i32
    %dma_wait3A_31 = arith.constant 0 : i32
    %dma_wait3A_32 = tpu.memref_slice %arg4[%dma_wait3A_30, %dma_wait3A_31] : memref<2560x125xi32, #tpu.memory_space<hbm>> -> memref<2x125xi32, #tpu.memory_space<hbm>>
    tpu.wait_dma2 semaphore(%arg20 : memref<!tpu.dma_semaphore, #tpu.memory_space<semaphore_mem>>) src(%dma_wait3A_32 : memref<2x125xi32, #tpu.memory_space<hbm>>) dst(%arg7 : memref<2x125xi32, #tpu.memory_space<vmem>>)
    %dma_wait3A_33 = arith.constant 0 : i32
    %dma_wait3A_34 = arith.constant 0 : i32
    %dma_wait3A_35 = tpu.memref_slice %arg4[%dma_wait3A_33, %dma_wait3A_34] : memref<2560x125xi32, #tpu.memory_space<hbm>> -> memref<2x125xi32, #tpu.memory_space<hbm>>
    %dma_wait3A_36 = arith.constant 0 : i32
    %dma_wait3A_37 = arith.constant 0 : i32
    %dma_wait3A_38 = tpu.memref_slice %arg4[%dma_wait3A_36, %dma_wait3A_37] : memref<2560x125xi32, #tpu.memory_space<hbm>> -> memref<2x125xi32, #tpu.memory_space<hbm>>
    tpu.wait_dma2 semaphore(%arg20 : memref<!tpu.dma_semaphore, #tpu.memory_space<semaphore_mem>>) src(%dma_wait3A_38 : memref<2x125xi32, #tpu.memory_space<hbm>>) dst(%arg8 : memref<2x125xi32, #tpu.memory_space<vmem>>)
    %dma_start3A_39 = arith.constant 0 : i32
    %dma_start3A_40 = arith.constant 0 : i32
    %dma_start3A_41 = tpu.memref_slice %arg7[%dma_start3A_39, %dma_start3A_40] : memref<2x125xi32, #tpu.memory_space<vmem>> -> memref<1x125xi32, #tpu.memory_space<vmem>>
    %dma_start3A_42 = tpu.memref_squeeze %dma_start3A_41 : memref<1x125xi32, #tpu.memory_space<vmem>> -> memref<125xi32, #tpu.memory_space<vmem>>
    %dma_start3A_43 = arith.constant 0 : i32
    %dma_start3A_44 = arith.constant 0 : i32
    %dma_start3A_45 = tpu.memref_slice %arg2[%dma_start3A_43, %dma_start3A_44] : memref<10000x144xf32, #tpu.memory_space<hbm>> -> memref<10000x144xf32, #tpu.memory_space<hbm>>
    tpu.enqueue_indirect_dma source(%dma_start3A_45 : memref<10000x144xf32, #tpu.memory_space<hbm>>) target(%arg11 : memref<125x144xf32, #tpu.memory_space<vmem>>) offsets(%dma_start3A_42 : memref<125xi32, #tpu.memory_space<vmem>>) semaphore(%arg16 : memref<!tpu.dma_semaphore, #tpu.memory_space<semaphore_mem>>)
    %dma_start3A_46 = arith.constant 0 : i32
    %dma_start3A_47 = arith.constant 0 : i32
    %dma_start3A_48 = tpu.memref_slice %arg8[%dma_start3A_46, %dma_start3A_47] : memref<2x125xi32, #tpu.memory_space<vmem>> -> memref<1x125xi32, #tpu.memory_space<vmem>>
    %dma_start3A_49 = tpu.memref_squeeze %dma_start3A_48 : memref<1x125xi32, #tpu.memory_space<vmem>> -> memref<125xi32, #tpu.memory_space<vmem>>
    %dma_start3A_50 = arith.constant 0 : i32
    %dma_start3A_51 = arith.constant 0 : i32
    %dma_start3A_52 = tpu.memref_slice %arg3[%dma_start3A_50, %dma_start3A_51] : memref<10000x16xf32, #tpu.memory_space<hbm>> -> memref<10000x16xf32, #tpu.memory_space<hbm>>
    tpu.enqueue_indirect_dma source(%dma_start3A_52 : memref<10000x16xf32, #tpu.memory_space<hbm>>) target(%arg13 : memref<125x16xf32, #tpu.memory_space<vmem>>) offsets(%dma_start3A_49 : memref<125xi32, #tpu.memory_space<vmem>>) semaphore(%arg17 : memref<!tpu.dma_semaphore, #tpu.memory_space<semaphore_mem>>)
    %add3A_53 = arith.constant 2 : i32
    %add3A_54 = arith.addi %mul3A_2, %add3A_53 : i32
    %dma_start3A_55 = arith.constant 0 : i32
    %dma_start3A_56 = tpu.memref_slice %arg4[%add3A_54, %dma_start3A_55] : memref<2560x125xi32, #tpu.memory_space<hbm>> -> memref<2x125xi32, #tpu.memory_space<hbm>>
    %dma_start3A_57 = arith.constant 0 : i32
    %dma_start3A_58 = tpu.memref_slice %arg4[%add3A_54, %dma_start3A_57] : memref<2560x125xi32, #tpu.memory_space<hbm>> -> memref<2x125xi32, #tpu.memory_space<hbm>>
    tpu.enqueue_dma source(%dma_start3A_58 : memref<2x125xi32, #tpu.memory_space<hbm>>) target(%arg9 : memref<2x125xi32, #tpu.memory_space<vmem>>) target_semaphore(%arg21 : memref<!tpu.dma_semaphore, #tpu.memory_space<semaphore_mem>>)
    %add3A_59 = arith.constant 2 : i32
    %add3A_60 = arith.addi %mul3A_2, %add3A_59 : i32
    %dma_start3A_61 = arith.constant 0 : i32
    %dma_start3A_62 = tpu.memref_slice %arg5[%add3A_60, %dma_start3A_61] : memref<2560x125xi32, #tpu.memory_space<hbm>> -> memref<2x125xi32, #tpu.memory_space<hbm>>
    %dma_start3A_63 = arith.constant 0 : i32
    %dma_start3A_64 = tpu.memref_slice %arg5[%add3A_60, %dma_start3A_63] : memref<2560x125xi32, #tpu.memory_space<hbm>> -> memref<2x125xi32, #tpu.memory_space<hbm>>
    tpu.enqueue_dma source(%dma_start3A_64 : memref<2x125xi32, #tpu.memory_space<hbm>>) target(%arg10 : memref<2x125xi32, #tpu.memory_space<vmem>>) target_semaphore(%arg21 : memref<!tpu.dma_semaphore, #tpu.memory_space<semaphore_mem>>)
    %dma_wait3A_65 = arith.constant 0 : i32
    %dma_wait3A_66 = arith.constant 0 : i32
    %dma_wait3A_67 = tpu.memref_slice %arg2[%dma_wait3A_65, %dma_wait3A_66] : memref<10000x144xf32, #tpu.memory_space<hbm>> -> memref<125x144xf32, #tpu.memory_space<hbm>>
    %dma_wait3A_68 = arith.constant 0 : i32
    %dma_wait3A_69 = arith.constant 0 : i32
    %dma_wait3A_70 = tpu.memref_slice %arg2[%dma_wait3A_68, %dma_wait3A_69] : memref<10000x144xf32, #tpu.memory_space<hbm>> -> memref<125x144xf32, #tpu.memory_space<hbm>>
    tpu.wait_dma2 semaphore(%arg16 : memref<!tpu.dma_semaphore, #tpu.memory_space<semaphore_mem>>) src(%dma_wait3A_70 : memref<125x144xf32, #tpu.memory_space<hbm>>) dst(%arg11 : memref<125x144xf32, #tpu.memory_space<vmem>>)
    %dma_wait3A_71 = arith.constant 0 : i32
    %dma_wait3A_72 = arith.constant 0 : i32
    %dma_wait3A_73 = tpu.memref_slice %arg3[%dma_wait3A_71, %dma_wait3A_72] : memref<10000x16xf32, #tpu.memory_space<hbm>> -> memref<125x16xf32, #tpu.memory_space<hbm>>
    %dma_wait3A_74 = arith.constant 0 : i32
    %dma_wait3A_75 = arith.constant 0 : i32
    %dma_wait3A_76 = tpu.memref_slice %arg3[%dma_wait3A_74, %dma_wait3A_75] : memref<10000x16xf32, #tpu.memory_space<hbm>> -> memref<125x16xf32, #tpu.memory_space<hbm>>
    tpu.wait_dma2 semaphore(%arg17 : memref<!tpu.dma_semaphore, #tpu.memory_space<semaphore_mem>>) src(%dma_wait3A_76 : memref<125x16xf32, #tpu.memory_space<hbm>>) dst(%arg13 : memref<125x16xf32, #tpu.memory_space<vmem>>)
    %dma_start3A_77 = arith.constant 1 : i32
    %dma_start3A_78 = arith.constant 0 : i32
    %dma_start3A_79 = tpu.memref_slice %arg7[%dma_start3A_77, %dma_start3A_78] : memref<2x125xi32, #tpu.memory_space<vmem>> -> memref<1x125xi32, #tpu.memory_space<vmem>>
    %dma_start3A_80 = tpu.memref_squeeze %dma_start3A_79 : memref<1x125xi32, #tpu.memory_space<vmem>> -> memref<125xi32, #tpu.memory_space<vmem>>
    %dma_start3A_81 = arith.constant 0 : i32
    %dma_start3A_82 = arith.constant 0 : i32
    %dma_start3A_83 = tpu.memref_slice %arg2[%dma_start3A_81, %dma_start3A_82] : memref<10000x144xf32, #tpu.memory_space<hbm>> -> memref<10000x144xf32, #tpu.memory_space<hbm>>
    tpu.enqueue_indirect_dma source(%dma_start3A_83 : memref<10000x144xf32, #tpu.memory_space<hbm>>) target(%arg12 : memref<125x144xf32, #tpu.memory_space<vmem>>) offsets(%dma_start3A_80 : memref<125xi32, #tpu.memory_space<vmem>>) semaphore(%arg18 : memref<!tpu.dma_semaphore, #tpu.memory_space<semaphore_mem>>)
    %dma_start3A_84 = arith.constant 1 : i32
    %dma_start3A_85 = arith.constant 0 : i32
    %dma_start3A_86 = tpu.memref_slice %arg8[%dma_start3A_84, %dma_start3A_85] : memref<2x125xi32, #tpu.memory_space<vmem>> -> memref<1x125xi32, #tpu.memory_space<vmem>>
    %dma_start3A_87 = tpu.memref_squeeze %dma_start3A_86 : memref<1x125xi32, #tpu.memory_space<vmem>> -> memref<125xi32, #tpu.memory_space<vmem>>
    %dma_start3A_88 = arith.constant 0 : i32
    %dma_start3A_89 = arith.constant 0 : i32
    %dma_start3A_90 = tpu.memref_slice %arg3[%dma_start3A_88, %dma_start3A_89] : memref<10000x16xf32, #tpu.memory_space<hbm>> -> memref<10000x16xf32, #tpu.memory_space<hbm>>
    tpu.enqueue_indirect_dma source(%dma_start3A_90 : memref<10000x16xf32, #tpu.memory_space<hbm>>) target(%arg14 : memref<125x16xf32, #tpu.memory_space<vmem>>) offsets(%dma_start3A_87 : memref<125xi32, #tpu.memory_space<vmem>>) semaphore(%arg19 : memref<!tpu.dma_semaphore, #tpu.memory_space<semaphore_mem>>)
    %parallel_loop3A = arith.constant 0 : i32
    %parallel_loop3A_91 = arith.constant 125 : i32
    %parallel_loop3A_92 = arith.constant 1 : i32
    scf.for %parallel_loop3A_439 = %parallel_loop3A to %parallel_loop3A_91 step %parallel_loop3A_92  : i32 {
      %parallel_loop3A_440 = arith.index_cast %parallel_loop3A_439 : i32 to index
      %parallel_loop3A_441 = arith.constant 128 : index
      %parallel_loop3A_442 = tpu.vector_load %arg11[%parallel_loop3A_440, %parallel_loop3A_441] {strides = array<i32>} : memref<125x144xf32, #tpu.memory_space<vmem>>, vector<1x16xf32>,
      %parallel_loop3A_443 = vector.shape_cast %parallel_loop3A_442 : vector<1x16xf32> to vector<16xf32>
      %parallel_loop3A_444 = arith.index_cast %parallel_loop3A_439 : i32 to index
      %parallel_loop3A_445 = arith.constant 0 : index
      %parallel_loop3A_446 = tpu.vector_load %arg13[%parallel_loop3A_444, %parallel_loop3A_445] {strides = array<i32>} : memref<125x16xf32, #tpu.memory_space<vmem>>, vector<1x16xf32>,
      %parallel_loop3A_447 = vector.shape_cast %parallel_loop3A_446 : vector<1x16xf32> to vector<16xf32>
      %parallel_loop3A_448 = arith.addf %parallel_loop3A_443, %parallel_loop3A_447 : vector<16xf32>
      %parallel_loop3A_449 = arith.constant 2.000000e-01 : f32
      %parallel_loop3A_450 = vector.broadcast %parallel_loop3A_449 : f32 to vector<16xf32>
      %parallel_loop3A_451 = arith.mulf %parallel_loop3A_448, %parallel_loop3A_450 : vector<16xf32>
      %parallel_loop3A_452 = arith.maximumf %parallel_loop3A_448, %parallel_loop3A_451 : vector<16xf32>
      %parallel_loop3A_453 = math.exp %parallel_loop3A_452 : vector<16xf32>
      %parallel_loop3A_454 = arith.index_cast %parallel_loop3A_439 : i32 to index
      %parallel_loop3A_455 = arith.constant 128 : index
      %parallel_loop3A_456 = tpu.vector_load %arg11[%parallel_loop3A_454, %parallel_loop3A_455] {strides = array<i32>} : memref<125x144xf32, #tpu.memory_space<vmem>>, vector<1x16xf32>,
      %parallel_loop3A_457 = vector.shape_cast %parallel_loop3A_456 : vector<1x16xf32> to vector<16xf32>
      %parallel_loop3A_458 = vector.shape_cast %parallel_loop3A_453 : vector<16xf32> to vector<1x16xf32>
      tpu.vector_store %arg11[%parallel_loop3A_454, %parallel_loop3A_455], %parallel_loop3A_458 {strides = array<i32>} : memref<125x144xf32, #tpu.memory_space<vmem>>, vector<1x16xf32>,
      %parallel_loop3A_459 = arith.constant 0 : i32
      %parallel_loop3A_460 = vector.broadcast %parallel_loop3A_459 : i32 to vector<16x1xi32>
      %parallel_loop3A_461 = vector.shape_cast %parallel_loop3A_460 : vector<16x1xi32> to vector<16xi32>
      %parallel_loop3A_462 = tpu.dynamic_gather %parallel_loop3A_453[%parallel_loop3A_461] in [0] : vector<16xf32>, vector<16xi32> -> vector<16xf32>
      %parallel_loop3A_463 = arith.index_cast %parallel_loop3A_439 : i32 to index
      %parallel_loop3A_464 = arith.constant 0 : index
      %parallel_loop3A_465 = tpu.vector_load %arg11[%parallel_loop3A_463, %parallel_loop3A_464] {strides = array<i32>} : memref<125x144xf32, #tpu.memory_space<vmem>>, vector<1x16xf32>,
      %parallel_loop3A_466 = vector.shape_cast %parallel_loop3A_465 : vector<1x16xf32> to vector<16xf32>
      %parallel_loop3A_467 = arith.mulf %parallel_loop3A_466, %parallel_loop3A_462 : vector<16xf32>
      %parallel_loop3A_468 = arith.index_cast %parallel_loop3A_439 : i32 to index
      %parallel_loop3A_469 = arith.constant 0 : index
      %parallel_loop3A_470 = tpu.vector_load %arg11[%parallel_loop3A_468, %parallel_loop3A_469] {strides = array<i32>} : memref<125x144xf32, #tpu.memory_space<vmem>>, vector<1x16xf32>,
      %parallel_loop3A_471 = vector.shape_cast %parallel_loop3A_470 : vector<1x16xf32> to vector<16xf32>
      %parallel_loop3A_472 = vector.shape_cast %parallel_loop3A_467 : vector<16xf32> to vector<1x16xf32>
      tpu.vector_store %arg11[%parallel_loop3A_468, %parallel_loop3A_469], %parallel_loop3A_472 {strides = array<i32>} : memref<125x144xf32, #tpu.memory_space<vmem>>, vector<1x16xf32>,
      %parallel_loop3A_473 = arith.constant 1 : i32
      %parallel_loop3A_474 = vector.broadcast %parallel_loop3A_473 : i32 to vector<16x1xi32>
      %parallel_loop3A_475 = vector.shape_cast %parallel_loop3A_474 : vector<16x1xi32> to vector<16xi32>
      %parallel_loop3A_476 = tpu.dynamic_gather %parallel_loop3A_453[%parallel_loop3A_475] in [0] : vector<16xf32>, vector<16xi32> -> vector<16xf32>
      %parallel_loop3A_477 = arith.index_cast %parallel_loop3A_439 : i32 to index
      %parallel_loop3A_478 = arith.constant 16 : index
      %parallel_loop3A_479 = tpu.vector_load %arg11[%parallel_loop3A_477, %parallel_loop3A_478] {strides = array<i32>} : memref<125x144xf32, #tpu.memory_space<vmem>>, vector<1x16xf32>,
      %parallel_loop3A_480 = vector.shape_cast %parallel_loop3A_479 : vector<1x16xf32> to vector<16xf32>
      %parallel_loop3A_481 = arith.mulf %parallel_loop3A_480, %parallel_loop3A_476 : vector<16xf32>
      %parallel_loop3A_482 = arith.index_cast %parallel_loop3A_439 : i32 to index
      %parallel_loop3A_483 = arith.constant 16 : index
      %parallel_loop3A_484 = tpu.vector_load %arg11[%parallel_loop3A_482, %parallel_loop3A_483] {strides = array<i32>} : memref<125x144xf32, #tpu.memory_space<vmem>>, vector<1x16xf32>,
      %parallel_loop3A_485 = vector.shape_cast %parallel_loop3A_484 : vector<1x16xf32> to vector<16xf32>
      %parallel_loop3A_486 = vector.shape_cast %parallel_loop3A_481 : vector<16xf32> to vector<1x16xf32>
      tpu.vector_store %arg11[%parallel_loop3A_482, %parallel_loop3A_483], %parallel_loop3A_486 {strides = array<i32>} : memref<125x144xf32, #tpu.memory_space<vmem>>, vector<1x16xf32>,
      %parallel_loop3A_487 = arith.constant 2 : i32
      %parallel_loop3A_488 = vector.broadcast %parallel_loop3A_487 : i32 to vector<16x1xi32>
      %parallel_loop3A_489 = vector.shape_cast %parallel_loop3A_488 : vector<16x1xi32> to vector<16xi32>
      %parallel_loop3A_490 = tpu.dynamic_gather %parallel_loop3A_453[%parallel_loop3A_489] in [0] : vector<16xf32>, vector<16xi32> -> vector<16xf32>
      %parallel_loop3A_491 = arith.index_cast %parallel_loop3A_439 : i32 to index
      %parallel_loop3A_492 = arith.constant 32 : index
      %parallel_loop3A_493 = tpu.vector_load %arg11[%parallel_loop3A_491, %parallel_loop3A_492] {strides = array<i32>} : memref<125x144xf32, #tpu.memory_space<vmem>>, vector<1x16xf32>,
      %parallel_loop3A_494 = vector.shape_cast %parallel_loop3A_493 : vector<1x16xf32> to vector<16xf32>
      %parallel_loop3A_495 = arith.mulf %parallel_loop3A_494, %parallel_loop3A_490 : vector<16xf32>
      %parallel_loop3A_496 = arith.index_cast %parallel_loop3A_439 : i32 to index
      %parallel_loop3A_497 = arith.constant 32 : index
      %parallel_loop3A_498 = tpu.vector_load %arg11[%parallel_loop3A_496, %parallel_loop3A_497] {strides = array<i32>} : memref<125x144xf32, #tpu.memory_space<vmem>>, vector<1x16xf32>,
      %parallel_loop3A_499 = vector.shape_cast %parallel_loop3A_498 : vector<1x16xf32> to vector<16xf32>
      %parallel_loop3A_500 = vector.shape_cast %parallel_loop3A_495 : vector<16xf32> to vector<1x16xf32>
      tpu.vector_store %arg11[%parallel_loop3A_496, %parallel_loop3A_497], %parallel_loop3A_500 {strides = array<i32>} : memref<125x144xf32, #tpu.memory_space<vmem>>, vector<1x16xf32>,
      %parallel_loop3A_501 = arith.constant 3 : i32
      %parallel_loop3A_502 = vector.broadcast %parallel_loop3A_501 : i32 to vector<16x1xi32>
      %parallel_loop3A_503 = vector.shape_cast %parallel_loop3A_502 : vector<16x1xi32> to vector<16xi32>
      %parallel_loop3A_504 = tpu.dynamic_gather %parallel_loop3A_453[%parallel_loop3A_503] in [0] : vector<16xf32>, vector<16xi32> -> vector<16xf32>
      %parallel_loop3A_505 = arith.index_cast %parallel_loop3A_439 : i32 to index
      %parallel_loop3A_506 = arith.constant 48 : index
      %parallel_loop3A_507 = tpu.vector_load %arg11[%parallel_loop3A_505, %parallel_loop3A_506] {strides = array<i32>} : memref<125x144xf32, #tpu.memory_space<vmem>>, vector<1x16xf32>,
      %parallel_loop3A_508 = vector.shape_cast %parallel_loop3A_507 : vector<1x16xf32> to vector<16xf32>
      %parallel_loop3A_509 = arith.mulf %parallel_loop3A_508, %parallel_loop3A_504 : vector<16xf32>
      %parallel_loop3A_510 = arith.index_cast %parallel_loop3A_439 : i32 to index
      %parallel_loop3A_511 = arith.constant 48 : index
      %parallel_loop3A_512 = tpu.vector_load %arg11[%parallel_loop3A_510, %parallel_loop3A_511] {strides = array<i32>} : memref<125x144xf32, #tpu.memory_space<vmem>>, vector<1x16xf32>,
      %parallel_loop3A_513 = vector.shape_cast %parallel_loop3A_512 : vector<1x16xf32> to vector<16xf32>
      %parallel_loop3A_514 = vector.shape_cast %parallel_loop3A_509 : vector<16xf32> to vector<1x16xf32>
      tpu.vector_store %arg11[%parallel_loop3A_510, %parallel_loop3A_511], %parallel_loop3A_514 {strides = array<i32>} : memref<125x144xf32, #tpu.memory_space<vmem>>, vector<1x16xf32>,
      %parallel_loop3A_515 = arith.constant 4 : i32
      %parallel_loop3A_516 = vector.broadcast %parallel_loop3A_515 : i32 to vector<16x1xi32>
      %parallel_loop3A_517 = vector.shape_cast %parallel_loop3A_516 : vector<16x1xi32> to vector<16xi32>
      %parallel_loop3A_518 = tpu.dynamic_gather %parallel_loop3A_453[%parallel_loop3A_517] in [0] : vector<16xf32>, vector<16xi32> -> vector<16xf32>
      %parallel_loop3A_519 = arith.index_cast %parallel_loop3A_439 : i32 to index
      %parallel_loop3A_520 = arith.constant 64 : index
      %parallel_loop3A_521 = tpu.vector_load %arg11[%parallel_loop3A_519, %parallel_loop3A_520] {strides = array<i32>} : memref<125x144xf32, #tpu.memory_space<vmem>>, vector<1x16xf32>,
      %parallel_loop3A_522 = vector.shape_cast %parallel_loop3A_521 : vector<1x16xf32> to vector<16xf32>
      %parallel_loop3A_523 = arith.mulf %parallel_loop3A_522, %parallel_loop3A_518 : vector<16xf32>
      %parallel_loop3A_524 = arith.index_cast %parallel_loop3A_439 : i32 to index
      %parallel_loop3A_525 = arith.constant 64 : index
      %parallel_loop3A_526 = tpu.vector_load %arg11[%parallel_loop3A_524, %parallel_loop3A_525] {strides = array<i32>} : memref<125x144xf32, #tpu.memory_space<vmem>>, vector<1x16xf32>,
      %parallel_loop3A_527 = vector.shape_cast %parallel_loop3A_526 : vector<1x16xf32> to vector<16xf32>
      %parallel_loop3A_528 = vector.shape_cast %parallel_loop3A_523 : vector<16xf32> to vector<1x16xf32>
      tpu.vector_store %arg11[%parallel_loop3A_524, %parallel_loop3A_525], %parallel_loop3A_528 {strides = array<i32>} : memref<125x144xf32, #tpu.memory_space<vmem>>, vector<1x16xf32>,
      %parallel_loop3A_529 = arith.constant 5 : i32
      %parallel_loop3A_530 = vector.broadcast %parallel_loop3A_529 : i32 to vector<16x1xi32>
      %parallel_loop3A_531 = vector.shape_cast %parallel_loop3A_530 : vector<16x1xi32> to vector<16xi32>
      %parallel_loop3A_532 = tpu.dynamic_gather %parallel_loop3A_453[%parallel_loop3A_531] in [0] : vector<16xf32>, vector<16xi32> -> vector<16xf32>
      %parallel_loop3A_533 = arith.index_cast %parallel_loop3A_439 : i32 to index
      %parallel_loop3A_534 = arith.constant 80 : index
      %parallel_loop3A_535 = tpu.vector_load %arg11[%parallel_loop3A_533, %parallel_loop3A_534] {strides = array<i32>} : memref<125x144xf32, #tpu.memory_space<vmem>>, vector<1x16xf32>,
      %parallel_loop3A_536 = vector.shape_cast %parallel_loop3A_535 : vector<1x16xf32> to vector<16xf32>
      %parallel_loop3A_537 = arith.mulf %parallel_loop3A_536, %parallel_loop3A_532 : vector<16xf32>
      %parallel_loop3A_538 = arith.index_cast %parallel_loop3A_439 : i32 to index
      %parallel_loop3A_539 = arith.constant 80 : index
      %parallel_loop3A_540 = tpu.vector_load %arg11[%parallel_loop3A_538, %parallel_loop3A_539] {strides = array<i32>} : memref<125x144xf32, #tpu.memory_space<vmem>>, vector<1x16xf32>,
      %parallel_loop3A_541 = vector.shape_cast %parallel_loop3A_540 : vector<1x16xf32> to vector<16xf32>
      %parallel_loop3A_542 = vector.shape_cast %parallel_loop3A_537 : vector<16xf32> to vector<1x16xf32>
      tpu.vector_store %arg11[%parallel_loop3A_538, %parallel_loop3A_539], %parallel_loop3A_542 {strides = array<i32>} : memref<125x144xf32, #tpu.memory_space<vmem>>, vector<1x16xf32>,
      %parallel_loop3A_543 = arith.constant 6 : i32
      %parallel_loop3A_544 = vector.broadcast %parallel_loop3A_543 : i32 to vector<16x1xi32>
      %parallel_loop3A_545 = vector.shape_cast %parallel_loop3A_544 : vector<16x1xi32> to vector<16xi32>
      %parallel_loop3A_546 = tpu.dynamic_gather %parallel_loop3A_453[%parallel_loop3A_545] in [0] : vector<16xf32>, vector<16xi32> -> vector<16xf32>
      %parallel_loop3A_547 = arith.index_cast %parallel_loop3A_439 : i32 to index
      %parallel_loop3A_548 = arith.constant 96 : index
      %parallel_loop3A_549 = tpu.vector_load %arg11[%parallel_loop3A_547, %parallel_loop3A_548] {strides = array<i32>} : memref<125x144xf32, #tpu.memory_space<vmem>>, vector<1x16xf32>,
      %parallel_loop3A_550 = vector.shape_cast %parallel_loop3A_549 : vector<1x16xf32> to vector<16xf32>
      %parallel_loop3A_551 = arith.mulf %parallel_loop3A_550, %parallel_loop3A_546 : vector<16xf32>
      %parallel_loop3A_552 = arith.index_cast %parallel_loop3A_439 : i32 to index
      %parallel_loop3A_553 = arith.constant 96 : index
      %parallel_loop3A_554 = tpu.vector_load %arg11[%parallel_loop3A_552, %parallel_loop3A_553] {strides = array<i32>} : memref<125x144xf32, #tpu.memory_space<vmem>>, vector<1x16xf32>,
      %parallel_loop3A_555 = vector.shape_cast %parallel_loop3A_554 : vector<1x16xf32> to vector<16xf32>
      %parallel_loop3A_556 = vector.shape_cast %parallel_loop3A_551 : vector<16xf32> to vector<1x16xf32>
      tpu.vector_store %arg11[%parallel_loop3A_552, %parallel_loop3A_553], %parallel_loop3A_556 {strides = array<i32>} : memref<125x144xf32, #tpu.memory_space<vmem>>, vector<1x16xf32>,
      %parallel_loop3A_557 = arith.constant 7 : i32
      %parallel_loop3A_558 = vector.broadcast %parallel_loop3A_557 : i32 to vector<16x1xi32>
      %parallel_loop3A_559 = vector.shape_cast %parallel_loop3A_558 : vector<16x1xi32> to vector<16xi32>
      %parallel_loop3A_560 = tpu.dynamic_gather %parallel_loop3A_453[%parallel_loop3A_559] in [0] : vector<16xf32>, vector<16xi32> -> vector<16xf32>
      %parallel_loop3A_561 = arith.index_cast %parallel_loop3A_439 : i32 to index
      %parallel_loop3A_562 = arith.constant 112 : index
      %parallel_loop3A_563 = tpu.vector_load %arg11[%parallel_loop3A_561, %parallel_loop3A_562] {strides = array<i32>} : memref<125x144xf32, #tpu.memory_space<vmem>>, vector<1x16xf32>,
      %parallel_loop3A_564 = vector.shape_cast %parallel_loop3A_563 : vector<1x16xf32> to vector<16xf32>
      %parallel_loop3A_565 = arith.mulf %parallel_loop3A_564, %parallel_loop3A_560 : vector<16xf32>
      %parallel_loop3A_566 = arith.index_cast %parallel_loop3A_439 : i32 to index
      %parallel_loop3A_567 = arith.constant 112 : index
      %parallel_loop3A_568 = tpu.vector_load %arg11[%parallel_loop3A_566, %parallel_loop3A_567] {strides = array<i32>} : memref<125x144xf32, #tpu.memory_space<vmem>>, vector<1x16xf32>,
      %parallel_loop3A_569 = vector.shape_cast %parallel_loop3A_568 : vector<1x16xf32> to vector<16xf32>
      %parallel_loop3A_570 = vector.shape_cast %parallel_loop3A_565 : vector<16xf32> to vector<1x16xf32>
      tpu.vector_store %arg11[%parallel_loop3A_566, %parallel_loop3A_567], %parallel_loop3A_570 {strides = array<i32>} : memref<125x144xf32, #tpu.memory_space<vmem>>, vector<1x16xf32>,
    } {sc.loop_unroll_factor = 2 : i64, sc.parallel_access}
    %dma_start3A_93 = arith.constant 0 : i32
    %dma_start3A_94 = arith.constant 0 : i32
    %dma_start3A_95 = tpu.memref_slice %arg8[%dma_start3A_93, %dma_start3A_94] : memref<2x125xi32, #tpu.memory_space<vmem>> -> memref<1x125xi32, #tpu.memory_space<vmem>>
    %dma_start3A_96 = tpu.memref_squeeze %dma_start3A_95 : memref<1x125xi32, #tpu.memory_space<vmem>> -> memref<125xi32, #tpu.memory_space<vmem>>
    %dma_start3A_97 = arith.constant 0 : i32
    %dma_start3A_98 = arith.constant 0 : i32
    %dma_start3A_99 = tpu.memref_slice %arg15[%dma_start3A_97, %dma_start3A_98] : memref<10000x144xf32, #tpu.memory_space<vmem_shared>> -> memref<10000x144xf32, #tpu.memory_space<vmem_shared>>
    tpu.enqueue_indirect_dma source(%arg11 : memref<125x144xf32, #tpu.memory_space<vmem>>) target(%dma_start3A_99 : memref<10000x144xf32, #tpu.memory_space<vmem_shared>>) offsets(%dma_start3A_96 : memref<125xi32, #tpu.memory_space<vmem>>) semaphore(%arg22 : memref<!tpu.dma_semaphore, #tpu.memory_space<semaphore_mem>>) {add = true}
    %dma_wait3A_100 = arith.constant 0 : i32
    %dma_wait3A_101 = arith.constant 0 : i32
    %dma_wait3A_102 = tpu.memref_slice %arg2[%dma_wait3A_100, %dma_wait3A_101] : memref<10000x144xf32, #tpu.memory_space<hbm>> -> memref<125x144xf32, #tpu.memory_space<hbm>>
    %dma_wait3A_103 = arith.constant 0 : i32
    %dma_wait3A_104 = arith.constant 0 : i32
    %dma_wait3A_105 = tpu.memref_slice %arg2[%dma_wait3A_103, %dma_wait3A_104] : memref<10000x144xf32, #tpu.memory_space<hbm>> -> memref<125x144xf32, #tpu.memory_space<hbm>>
    tpu.wait_dma2 semaphore(%arg18 : memref<!tpu.dma_semaphore, #tpu.memory_space<semaphore_mem>>) src(%dma_wait3A_105 : memref<125x144xf32, #tpu.memory_space<hbm>>) dst(%arg12 : memref<125x144xf32, #tpu.memory_space<vmem>>)
    %dma_wait3A_106 = arith.constant 0 : i32
    %dma_wait3A_107 = arith.constant 0 : i32
    %dma_wait3A_108 = tpu.memref_slice %arg3[%dma_wait3A_106, %dma_wait3A_107] : memref<10000x16xf32, #tpu.memory_space<hbm>> -> memref<125x16xf32, #tpu.memory_space<hbm>>
    %dma_wait3A_109 = arith.constant 0 : i32
    %dma_wait3A_110 = arith.constant 0 : i32
    %dma_wait3A_111 = tpu.memref_slice %arg3[%dma_wait3A_109, %dma_wait3A_110] : memref<10000x16xf32, #tpu.memory_space<hbm>> -> memref<125x16xf32, #tpu.memory_space<hbm>>
    tpu.wait_dma2 semaphore(%arg19 : memref<!tpu.dma_semaphore, #tpu.memory_space<semaphore_mem>>) src(%dma_wait3A_111 : memref<125x16xf32, #tpu.memory_space<hbm>>) dst(%arg14 : memref<125x16xf32, #tpu.memory_space<vmem>>)
    %dma_wait3A_112 = arith.constant 0 : i32
    %dma_wait3A_113 = arith.constant 0 : i32
    %dma_wait3A_114 = tpu.memref_slice %arg4[%dma_wait3A_112, %dma_wait3A_113] : memref<2560x125xi32, #tpu.memory_space<hbm>> -> memref<2x125xi32, #tpu.memory_space<hbm>>
    %dma_wait3A_115 = arith.constant 0 : i32
    %dma_wait3A_116 = arith.constant 0 : i32
    %dma_wait3A_117 = tpu.memref_slice %arg4[%dma_wait3A_115, %dma_wait3A_116] : memref<2560x125xi32, #tpu.memory_space<hbm>> -> memref<2x125xi32, #tpu.memory_space<hbm>>
    tpu.wait_dma2 semaphore(%arg21 : memref<!tpu.dma_semaphore, #tpu.memory_space<semaphore_mem>>) src(%dma_wait3A_117 : memref<2x125xi32, #tpu.memory_space<hbm>>) dst(%arg9 : memref<2x125xi32, #tpu.memory_space<vmem>>)
    %dma_wait3A_118 = arith.constant 0 : i32
    %dma_wait3A_119 = arith.constant 0 : i32
    %dma_wait3A_120 = tpu.memref_slice %arg4[%dma_wait3A_118, %dma_wait3A_119] : memref<2560x125xi32, #tpu.memory_space<hbm>> -> memref<2x125xi32, #tpu.memory_space<hbm>>
    %dma_wait3A_121 = arith.constant 0 : i32
    %dma_wait3A_122 = arith.constant 0 : i32
    %dma_wait3A_123 = tpu.memref_slice %arg4[%dma_wait3A_121, %dma_wait3A_122] : memref<2560x125xi32, #tpu.memory_space<hbm>> -> memref<2x125xi32, #tpu.memory_space<hbm>>
    tpu.wait_dma2 semaphore(%arg21 : memref<!tpu.dma_semaphore, #tpu.memory_space<semaphore_mem>>) src(%dma_wait3A_123 : memref<2x125xi32, #tpu.memory_space<hbm>>) dst(%arg10 : memref<2x125xi32, #tpu.memory_space<vmem>>)
    %dma_wait3A_124 = arith.constant 0 : i32
    %dma_wait3A_125 = arith.constant 0 : i32
    %dma_wait3A_126 = tpu.memref_slice %arg8[%dma_wait3A_124, %dma_wait3A_125] : memref<2x125xi32, #tpu.memory_space<vmem>> -> memref<1x125xi32, #tpu.memory_space<vmem>>
    %dma_wait3A_127 = tpu.memref_squeeze %dma_wait3A_126 : memref<1x125xi32, #tpu.memory_space<vmem>> -> memref<125xi32, #tpu.memory_space<vmem>>
    %dma_wait3A_128 = arith.constant 0 : i32
    %dma_wait3A_129 = arith.constant 0 : i32
    %dma_wait3A_130 = tpu.memref_slice %arg15[%dma_wait3A_128, %dma_wait3A_129] : memref<10000x144xf32, #tpu.memory_space<vmem_shared>> -> memref<10000x144xf32, #tpu.memory_space<vmem_shared>>
    tpu.wait_indirect_dma semaphore(%arg22 : memref<!tpu.dma_semaphore, #tpu.memory_space<semaphore_mem>>) src(%arg11 : memref<125x144xf32, #tpu.memory_space<vmem>>) dst(%dma_wait3A_130 : memref<10000x144xf32, #tpu.memory_space<vmem_shared>>)
    %dma_start3A_131 = arith.constant 0 : i32
    %dma_start3A_132 = arith.constant 0 : i32
    %dma_start3A_133 = tpu.memref_slice %arg9[%dma_start3A_131, %dma_start3A_132] : memref<2x125xi32, #tpu.memory_space<vmem>> -> memref<1x125xi32, #tpu.memory_space<vmem>>
    %dma_start3A_134 = tpu.memref_squeeze %dma_start3A_133 : memref<1x125xi32, #tpu.memory_space<vmem>> -> memref<125xi32, #tpu.memory_space<vmem>>
    %dma_start3A_135 = arith.constant 0 : i32
    %dma_start3A_136 = arith.constant 0 : i32
    %dma_start3A_137 = tpu.memref_slice %arg2[%dma_start3A_135, %dma_start3A_136] : memref<10000x144xf32, #tpu.memory_space<hbm>> -> memref<10000x144xf32, #tpu.memory_space<hbm>>
    tpu.enqueue_indirect_dma source(%dma_start3A_137 : memref<10000x144xf32, #tpu.memory_space<hbm>>) target(%arg11 : memref<125x144xf32, #tpu.memory_space<vmem>>) offsets(%dma_start3A_134 : memref<125xi32, #tpu.memory_space<vmem>>) semaphore(%arg16 : memref<!tpu.dma_semaphore, #tpu.memory_space<semaphore_mem>>)
    %dma_start3A_138 = arith.constant 0 : i32
    %dma_start3A_139 = arith.constant 0 : i32
    %dma_start3A_140 = tpu.memref_slice %arg10[%dma_start3A_138, %dma_start3A_139] : memref<2x125xi32, #tpu.memory_space<vmem>> -> memref<1x125xi32, #tpu.memory_space<vmem>>
    %dma_start3A_141 = tpu.memref_squeeze %dma_start3A_140 : memref<1x125xi32, #tpu.memory_space<vmem>> -> memref<125xi32, #tpu.memory_space<vmem>>
    %dma_start3A_142 = arith.constant 0 : i32
    %dma_start3A_143 = arith.constant 0 : i32
    %dma_start3A_144 = tpu.memref_slice %arg3[%dma_start3A_142, %dma_start3A_143] : memref<10000x16xf32, #tpu.memory_space<hbm>> -> memref<10000x16xf32, #tpu.memory_space<hbm>>
    tpu.enqueue_indirect_dma source(%dma_start3A_144 : memref<10000x16xf32, #tpu.memory_space<hbm>>) target(%arg13 : memref<125x16xf32, #tpu.memory_space<vmem>>) offsets(%dma_start3A_141 : memref<125xi32, #tpu.memory_space<vmem>>) semaphore(%arg17 : memref<!tpu.dma_semaphore, #tpu.memory_space<semaphore_mem>>)
    %parallel_loop3A_145 = arith.constant 0 : i32
    %parallel_loop3A_146 = arith.constant 125 : i32
    %parallel_loop3A_147 = arith.constant 1 : i32
    scf.for %parallel_loop3A_439 = %parallel_loop3A_145 to %parallel_loop3A_146 step %parallel_loop3A_147  : i32 {
      %parallel_loop3A_440 = arith.index_cast %parallel_loop3A_439 : i32 to index
      %parallel_loop3A_441 = arith.constant 128 : index
      %parallel_loop3A_442 = tpu.vector_load %arg12[%parallel_loop3A_440, %parallel_loop3A_441] {strides = array<i32>} : memref<125x144xf32, #tpu.memory_space<vmem>>, vector<1x16xf32>,
      %parallel_loop3A_443 = vector.shape_cast %parallel_loop3A_442 : vector<1x16xf32> to vector<16xf32>
      %parallel_loop3A_444 = arith.index_cast %parallel_loop3A_439 : i32 to index
      %parallel_loop3A_445 = arith.constant 0 : index
      %parallel_loop3A_446 = tpu.vector_load %arg14[%parallel_loop3A_444, %parallel_loop3A_445] {strides = array<i32>} : memref<125x16xf32, #tpu.memory_space<vmem>>, vector<1x16xf32>,
      %parallel_loop3A_447 = vector.shape_cast %parallel_loop3A_446 : vector<1x16xf32> to vector<16xf32>
      %parallel_loop3A_448 = arith.addf %parallel_loop3A_443, %parallel_loop3A_447 : vector<16xf32>
      %parallel_loop3A_449 = arith.constant 2.000000e-01 : f32
      %parallel_loop3A_450 = vector.broadcast %parallel_loop3A_449 : f32 to vector<16xf32>
      %parallel_loop3A_451 = arith.mulf %parallel_loop3A_448, %parallel_loop3A_450 : vector<16xf32>
      %parallel_loop3A_452 = arith.maximumf %parallel_loop3A_448, %parallel_loop3A_451 : vector<16xf32>
      %parallel_loop3A_453 = math.exp %parallel_loop3A_452 : vector<16xf32>
      %parallel_loop3A_454 = arith.index_cast %parallel_loop3A_439 : i32 to index
      %parallel_loop3A_455 = arith.constant 128 : index
      %parallel_loop3A_456 = tpu.vector_load %arg12[%parallel_loop3A_454, %parallel_loop3A_455] {strides = array<i32>} : memref<125x144xf32, #tpu.memory_space<vmem>>, vector<1x16xf32>,
      %parallel_loop3A_457 = vector.shape_cast %parallel_loop3A_456 : vector<1x16xf32> to vector<16xf32>
      %parallel_loop3A_458 = vector.shape_cast %parallel_loop3A_453 : vector<16xf32> to vector<1x16xf32>
      tpu.vector_store %arg12[%parallel_loop3A_454, %parallel_loop3A_455], %parallel_loop3A_458 {strides = array<i32>} : memref<125x144xf32, #tpu.memory_space<vmem>>, vector<1x16xf32>,
      %parallel_loop3A_459 = arith.constant 0 : i32
      %parallel_loop3A_460 = vector.broadcast %parallel_loop3A_459 : i32 to vector<16x1xi32>
      %parallel_loop3A_461 = vector.shape_cast %parallel_loop3A_460 : vector<16x1xi32> to vector<16xi32>
      %parallel_loop3A_462 = tpu.dynamic_gather %parallel_loop3A_453[%parallel_loop3A_461] in [0] : vector<16xf32>, vector<16xi32> -> vector<16xf32>
      %parallel_loop3A_463 = arith.index_cast %parallel_loop3A_439 : i32 to index
      %parallel_loop3A_464 = arith.constant 0 : index
      %parallel_loop3A_465 = tpu.vector_load %arg12[%parallel_loop3A_463, %parallel_loop3A_464] {strides = array<i32>} : memref<125x144xf32, #tpu.memory_space<vmem>>, vector<1x16xf32>,
      %parallel_loop3A_466 = vector.shape_cast %parallel_loop3A_465 : vector<1x16xf32> to vector<16xf32>
      %parallel_loop3A_467 = arith.mulf %parallel_loop3A_466, %parallel_loop3A_462 : vector<16xf32>
      %parallel_loop3A_468 = arith.index_cast %parallel_loop3A_439 : i32 to index
      %parallel_loop3A_469 = arith.constant 0 : index
      %parallel_loop3A_470 = tpu.vector_load %arg12[%parallel_loop3A_468, %parallel_loop3A_469] {strides = array<i32>} : memref<125x144xf32, #tpu.memory_space<vmem>>, vector<1x16xf32>,
      %parallel_loop3A_471 = vector.shape_cast %parallel_loop3A_470 : vector<1x16xf32> to vector<16xf32>
      %parallel_loop3A_472 = vector.shape_cast %parallel_loop3A_467 : vector<16xf32> to vector<1x16xf32>
      tpu.vector_store %arg12[%parallel_loop3A_468, %parallel_loop3A_469], %parallel_loop3A_472 {strides = array<i32>} : memref<125x144xf32, #tpu.memory_space<vmem>>, vector<1x16xf32>,
      %parallel_loop3A_473 = arith.constant 1 : i32
      %parallel_loop3A_474 = vector.broadcast %parallel_loop3A_473 : i32 to vector<16x1xi32>
      %parallel_loop3A_475 = vector.shape_cast %parallel_loop3A_474 : vector<16x1xi32> to vector<16xi32>
      %parallel_loop3A_476 = tpu.dynamic_gather %parallel_loop3A_453[%parallel_loop3A_475] in [0] : vector<16xf32>, vector<16xi32> -> vector<16xf32>
      %parallel_loop3A_477 = arith.index_cast %parallel_loop3A_439 : i32 to index
      %parallel_loop3A_478 = arith.constant 16 : index
      %parallel_loop3A_479 = tpu.vector_load %arg12[%parallel_loop3A_477, %parallel_loop3A_478] {strides = array<i32>} : memref<125x144xf32, #tpu.memory_space<vmem>>, vector<1x16xf32>,
      %parallel_loop3A_480 = vector.shape_cast %parallel_loop3A_479 : vector<1x16xf32> to vector<16xf32>
      %parallel_loop3A_481 = arith.mulf %parallel_loop3A_480, %parallel_loop3A_476 : vector<16xf32>
      %parallel_loop3A_482 = arith.index_cast %parallel_loop3A_439 : i32 to index
      %parallel_loop3A_483 = arith.constant 16 : index
      %parallel_loop3A_484 = tpu.vector_load %arg12[%parallel_loop3A_482, %parallel_loop3A_483] {strides = array<i32>} : memref<125x144xf32, #tpu.memory_space<vmem>>, vector<1x16xf32>,
      %parallel_loop3A_485 = vector.shape_cast %parallel_loop3A_484 : vector<1x16xf32> to vector<16xf32>
      %parallel_loop3A_486 = vector.shape_cast %parallel_loop3A_481 : vector<16xf32> to vector<1x16xf32>
      tpu.vector_store %arg12[%parallel_loop3A_482, %parallel_loop3A_483], %parallel_loop3A_486 {strides = array<i32>} : memref<125x144xf32, #tpu.memory_space<vmem>>, vector<1x16xf32>,
      %parallel_loop3A_487 = arith.constant 2 : i32
      %parallel_loop3A_488 = vector.broadcast %parallel_loop3A_487 : i32 to vector<16x1xi32>
      %parallel_loop3A_489 = vector.shape_cast %parallel_loop3A_488 : vector<16x1xi32> to vector<16xi32>
      %parallel_loop3A_490 = tpu.dynamic_gather %parallel_loop3A_453[%parallel_loop3A_489] in [0] : vector<16xf32>, vector<16xi32> -> vector<16xf32>
      %parallel_loop3A_491 = arith.index_cast %parallel_loop3A_439 : i32 to index
      %parallel_loop3A_492 = arith.constant 32 : index
      %parallel_loop3A_493 = tpu.vector_load %arg12[%parallel_loop3A_491, %parallel_loop3A_492] {strides = array<i32>} : memref<125x144xf32, #tpu.memory_space<vmem>>, vector<1x16xf32>,
      %parallel_loop3A_494 = vector.shape_cast %parallel_loop3A_493 : vector<1x16xf32> to vector<16xf32>
      %parallel_loop3A_495 = arith.mulf %parallel_loop3A_494, %parallel_loop3A_490 : vector<16xf32>
      %parallel_loop3A_496 = arith.index_cast %parallel_loop3A_439 : i32 to index
      %parallel_loop3A_497 = arith.constant 32 : index
      %parallel_loop3A_498 = tpu.vector_load %arg12[%parallel_loop3A_496, %parallel_loop3A_497] {strides = array<i32>} : memref<125x144xf32, #tpu.memory_space<vmem>>, vector<1x16xf32>,
      %parallel_loop3A_499 = vector.shape_cast %parallel_loop3A_498 : vector<1x16xf32> to vector<16xf32>
      %parallel_loop3A_500 = vector.shape_cast %parallel_loop3A_495 : vector<16xf32> to vector<1x16xf32>
      tpu.vector_store %arg12[%parallel_loop3A_496, %parallel_loop3A_497], %parallel_loop3A_500 {strides = array<i32>} : memref<125x144xf32, #tpu.memory_space<vmem>>, vector<1x16xf32>,
      %parallel_loop3A_501 = arith.constant 3 : i32
      %parallel_loop3A_502 = vector.broadcast %parallel_loop3A_501 : i32 to vector<16x1xi32>
      %parallel_loop3A_503 = vector.shape_cast %parallel_loop3A_502 : vector<16x1xi32> to vector<16xi32>
      %parallel_loop3A_504 = tpu.dynamic_gather %parallel_loop3A_453[%parallel_loop3A_503] in [0] : vector<16xf32>, vector<16xi32> -> vector<16xf32>
      %parallel_loop3A_505 = arith.index_cast %parallel_loop3A_439 : i32 to index
      %parallel_loop3A_506 = arith.constant 48 : index
      %parallel_loop3A_507 = tpu.vector_load %arg12[%parallel_loop3A_505, %parallel_loop3A_506] {strides = array<i32>} : memref<125x144xf32, #tpu.memory_space<vmem>>, vector<1x16xf32>,
      %parallel_loop3A_508 = vector.shape_cast %parallel_loop3A_507 : vector<1x16xf32> to vector<16xf32>
      %parallel_loop3A_509 = arith.mulf %parallel_loop3A_508, %parallel_loop3A_504 : vector<16xf32>
      %parallel_loop3A_510 = arith.index_cast %parallel_loop3A_439 : i32 to index
      %parallel_loop3A_511 = arith.constant 48 : index
      %parallel_loop3A_512 = tpu.vector_load %arg12[%parallel_loop3A_510, %parallel_loop3A_511] {strides = array<i32>} : memref<125x144xf32, #tpu.memory_space<vmem>>, vector<1x16xf32>,
      %parallel_loop3A_513 = vector.shape_cast %parallel_loop3A_512 : vector<1x16xf32> to vector<16xf32>
      %parallel_loop3A_514 = vector.shape_cast %parallel_loop3A_509 : vector<16xf32> to vector<1x16xf32>
      tpu.vector_store %arg12[%parallel_loop3A_510, %parallel_loop3A_511], %parallel_loop3A_514 {strides = array<i32>} : memref<125x144xf32, #tpu.memory_space<vmem>>, vector<1x16xf32>,
      %parallel_loop3A_515 = arith.constant 4 : i32
      %parallel_loop3A_516 = vector.broadcast %parallel_loop3A_515 : i32 to vector<16x1xi32>
      %parallel_loop3A_517 = vector.shape_cast %parallel_loop3A_516 : vector<16x1xi32> to vector<16xi32>
      %parallel_loop3A_518 = tpu.dynamic_gather %parallel_loop3A_453[%parallel_loop3A_517] in [0] : vector<16xf32>, vector<16xi32> -> vector<16xf32>
      %parallel_loop3A_519 = arith.index_cast %parallel_loop3A_439 : i32 to index
      %parallel_loop3A_520 = arith.constant 64 : index
      %parallel_loop3A_521 = tpu.vector_load %arg12[%parallel_loop3A_519, %parallel_loop3A_520] {strides = array<i32>} : memref<125x144xf32, #tpu.memory_space<vmem>>, vector<1x16xf32>,
      %parallel_loop3A_522 = vector.shape_cast %parallel_loop3A_521 : vector<1x16xf32> to vector<16xf32>
      %parallel_loop3A_523 = arith.mulf %parallel_loop3A_522, %parallel_loop3A_518 : vector<16xf32>
      %parallel_loop3A_524 = arith.index_cast %parallel_loop3A_439 : i32 to index
      %parallel_loop3A_525 = arith.constant 64 : index
      %parallel_loop3A_526 = tpu.vector_load %arg12[%parallel_loop3A_524, %parallel_loop3A_525] {strides = array<i32>} : memref<125x144xf32, #tpu.memory_space<vmem>>, vector<1x16xf32>,
      %parallel_loop3A_527 = vector.shape_cast %parallel_loop3A_526 : vector<1x16xf32> to vector<16xf32>
      %parallel_loop3A_528 = vector.shape_cast %parallel_loop3A_523 : vector<16xf32> to vector<1x16xf32>
      tpu.vector_store %arg12[%parallel_loop3A_524, %parallel_loop3A_525], %parallel_loop3A_528 {strides = array<i32>} : memref<125x144xf32, #tpu.memory_space<vmem>>, vector<1x16xf32>,
      %parallel_loop3A_529 = arith.constant 5 : i32
      %parallel_loop3A_530 = vector.broadcast %parallel_loop3A_529 : i32 to vector<16x1xi32>
      %parallel_loop3A_531 = vector.shape_cast %parallel_loop3A_530 : vector<16x1xi32> to vector<16xi32>
      %parallel_loop3A_532 = tpu.dynamic_gather %parallel_loop3A_453[%parallel_loop3A_531] in [0] : vector<16xf32>, vector<16xi32> -> vector<16xf32>
      %parallel_loop3A_533 = arith.index_cast %parallel_loop3A_439 : i32 to index
      %parallel_loop3A_534 = arith.constant 80 : index
      %parallel_loop3A_535 = tpu.vector_load %arg12[%parallel_loop3A_533, %parallel_loop3A_534] {strides = array<i32>} : memref<125x144xf32, #tpu.memory_space<vmem>>, vector<1x16xf32>,
      %parallel_loop3A_536 = vector.shape_cast %parallel_loop3A_535 : vector<1x16xf32> to vector<16xf32>
      %parallel_loop3A_537 = arith.mulf %parallel_loop3A_536, %parallel_loop3A_532 : vector<16xf32>
      %parallel_loop3A_538 = arith.index_cast %parallel_loop3A_439 : i32 to index
      %parallel_loop3A_539 = arith.constant 80 : index
      %parallel_loop3A_540 = tpu.vector_load %arg12[%parallel_loop3A_538, %parallel_loop3A_539] {strides = array<i32>} : memref<125x144xf32, #tpu.memory_space<vmem>>, vector<1x16xf32>,
      %parallel_loop3A_541 = vector.shape_cast %parallel_loop3A_540 : vector<1x16xf32> to vector<16xf32>
      %parallel_loop3A_542 = vector.shape_cast %parallel_loop3A_537 : vector<16xf32> to vector<1x16xf32>
      tpu.vector_store %arg12[%parallel_loop3A_538, %parallel_loop3A_539], %parallel_loop3A_542 {strides = array<i32>} : memref<125x144xf32, #tpu.memory_space<vmem>>, vector<1x16xf32>,
      %parallel_loop3A_543 = arith.constant 6 : i32
      %parallel_loop3A_544 = vector.broadcast %parallel_loop3A_543 : i32 to vector<16x1xi32>
      %parallel_loop3A_545 = vector.shape_cast %parallel_loop3A_544 : vector<16x1xi32> to vector<16xi32>
      %parallel_loop3A_546 = tpu.dynamic_gather %parallel_loop3A_453[%parallel_loop3A_545] in [0] : vector<16xf32>, vector<16xi32> -> vector<16xf32>
      %parallel_loop3A_547 = arith.index_cast %parallel_loop3A_439 : i32 to index
      %parallel_loop3A_548 = arith.constant 96 : index
      %parallel_loop3A_549 = tpu.vector_load %arg12[%parallel_loop3A_547, %parallel_loop3A_548] {strides = array<i32>} : memref<125x144xf32, #tpu.memory_space<vmem>>, vector<1x16xf32>,
      %parallel_loop3A_550 = vector.shape_cast %parallel_loop3A_549 : vector<1x16xf32> to vector<16xf32>
      %parallel_loop3A_551 = arith.mulf %parallel_loop3A_550, %parallel_loop3A_546 : vector<16xf32>
      %parallel_loop3A_552 = arith.index_cast %parallel_loop3A_439 : i32 to index
      %parallel_loop3A_553 = arith.constant 96 : index
      %parallel_loop3A_554 = tpu.vector_load %arg12[%parallel_loop3A_552, %parallel_loop3A_553] {strides = array<i32>} : memref<125x144xf32, #tpu.memory_space<vmem>>, vector<1x16xf32>,
      %parallel_loop3A_555 = vector.shape_cast %parallel_loop3A_554 : vector<1x16xf32> to vector<16xf32>
      %parallel_loop3A_556 = vector.shape_cast %parallel_loop3A_551 : vector<16xf32> to vector<1x16xf32>
      tpu.vector_store %arg12[%parallel_loop3A_552, %parallel_loop3A_553], %parallel_loop3A_556 {strides = array<i32>} : memref<125x144xf32, #tpu.memory_space<vmem>>, vector<1x16xf32>,
      %parallel_loop3A_557 = arith.constant 7 : i32
      %parallel_loop3A_558 = vector.broadcast %parallel_loop3A_557 : i32 to vector<16x1xi32>
      %parallel_loop3A_559 = vector.shape_cast %parallel_loop3A_558 : vector<16x1xi32> to vector<16xi32>
      %parallel_loop3A_560 = tpu.dynamic_gather %parallel_loop3A_453[%parallel_loop3A_559] in [0] : vector<16xf32>, vector<16xi32> -> vector<16xf32>
      %parallel_loop3A_561 = arith.index_cast %parallel_loop3A_439 : i32 to index
      %parallel_loop3A_562 = arith.constant 112 : index
      %parallel_loop3A_563 = tpu.vector_load %arg12[%parallel_loop3A_561, %parallel_loop3A_562] {strides = array<i32>} : memref<125x144xf32, #tpu.memory_space<vmem>>, vector<1x16xf32>,
      %parallel_loop3A_564 = vector.shape_cast %parallel_loop3A_563 : vector<1x16xf32> to vector<16xf32>
      %parallel_loop3A_565 = arith.mulf %parallel_loop3A_564, %parallel_loop3A_560 : vector<16xf32>
      %parallel_loop3A_566 = arith.index_cast %parallel_loop3A_439 : i32 to index
      %parallel_loop3A_567 = arith.constant 112 : index
      %parallel_loop3A_568 = tpu.vector_load %arg12[%parallel_loop3A_566, %parallel_loop3A_567] {strides = array<i32>} : memref<125x144xf32, #tpu.memory_space<vmem>>, vector<1x16xf32>,
      %parallel_loop3A_569 = vector.shape_cast %parallel_loop3A_568 : vector<1x16xf32> to vector<16xf32>
      %parallel_loop3A_570 = vector.shape_cast %parallel_loop3A_565 : vector<16xf32> to vector<1x16xf32>
      tpu.vector_store %arg12[%parallel_loop3A_566, %parallel_loop3A_567], %parallel_loop3A_570 {strides = array<i32>} : memref<125x144xf32, #tpu.memory_space<vmem>>, vector<1x16xf32>,
    } {sc.loop_unroll_factor = 2 : i64, sc.parallel_access}
    %dma_start3A_148 = arith.constant 1 : i32
    %dma_start3A_149 = arith.constant 0 : i32
    %dma_start3A_150 = tpu.memref_slice %arg8[%dma_start3A_148, %dma_start3A_149] : memref<2x125xi32, #tpu.memory_space<vmem>> -> memref<1x125xi32, #tpu.memory_space<vmem>>
    %dma_start3A_151 = tpu.memref_squeeze %dma_start3A_150 : memref<1x125xi32, #tpu.memory_space<vmem>> -> memref<125xi32, #tpu.memory_space<vmem>>
    %dma_start3A_152 = arith.constant 0 : i32
    %dma_start3A_153 = arith.constant 0 : i32
    %dma_start3A_154 = tpu.memref_slice %arg15[%dma_start3A_152, %dma_start3A_153] : memref<10000x144xf32, #tpu.memory_space<vmem_shared>> -> memref<10000x144xf32, #tpu.memory_space<vmem_shared>>
    tpu.enqueue_indirect_dma source(%arg12 : memref<125x144xf32, #tpu.memory_space<vmem>>) target(%dma_start3A_154 : memref<10000x144xf32, #tpu.memory_space<vmem_shared>>) offsets(%dma_start3A_151 : memref<125xi32, #tpu.memory_space<vmem>>) semaphore(%arg23 : memref<!tpu.dma_semaphore, #tpu.memory_space<semaphore_mem>>) {add = true}
    %dma_wait3A_155 = arith.constant 0 : i32
    %dma_wait3A_156 = arith.constant 0 : i32
    %dma_wait3A_157 = tpu.memref_slice %arg2[%dma_wait3A_155, %dma_wait3A_156] : memref<10000x144xf32, #tpu.memory_space<hbm>> -> memref<125x144xf32, #tpu.memory_space<hbm>>
    %dma_wait3A_158 = arith.constant 0 : i32
    %dma_wait3A_159 = arith.constant 0 : i32
    %dma_wait3A_160 = tpu.memref_slice %arg2[%dma_wait3A_158, %dma_wait3A_159] : memref<10000x144xf32, #tpu.memory_space<hbm>> -> memref<125x144xf32, #tpu.memory_space<hbm>>
    tpu.wait_dma2 semaphore(%arg16 : memref<!tpu.dma_semaphore, #tpu.memory_space<semaphore_mem>>) src(%dma_wait3A_160 : memref<125x144xf32, #tpu.memory_space<hbm>>) dst(%arg11 : memref<125x144xf32, #tpu.memory_space<vmem>>)
    %dma_wait3A_161 = arith.constant 0 : i32
    %dma_wait3A_162 = arith.constant 0 : i32
    %dma_wait3A_163 = tpu.memref_slice %arg3[%dma_wait3A_161, %dma_wait3A_162] : memref<10000x16xf32, #tpu.memory_space<hbm>> -> memref<125x16xf32, #tpu.memory_space<hbm>>
    %dma_wait3A_164 = arith.constant 0 : i32
    %dma_wait3A_165 = arith.constant 0 : i32
    %dma_wait3A_166 = tpu.memref_slice %arg3[%dma_wait3A_164, %dma_wait3A_165] : memref<10000x16xf32, #tpu.memory_space<hbm>> -> memref<125x16xf32, #tpu.memory_space<hbm>>
    tpu.wait_dma2 semaphore(%arg17 : memref<!tpu.dma_semaphore, #tpu.memory_space<semaphore_mem>>) src(%dma_wait3A_166 : memref<125x16xf32, #tpu.memory_space<hbm>>) dst(%arg13 : memref<125x16xf32, #tpu.memory_space<vmem>>)
    %add3A_167 = arith.constant 4 : i32
    %add3A_168 = arith.addi %mul3A_2, %add3A_167 : i32
    %dma_start3A_169 = arith.constant 0 : i32
    %dma_start3A_170 = tpu.memref_slice %arg4[%add3A_168, %dma_start3A_169] : memref<2560x125xi32, #tpu.memory_space<hbm>> -> memref<2x125xi32, #tpu.memory_space<hbm>>
    %dma_start3A_171 = arith.constant 0 : i32
    %dma_start3A_172 = tpu.memref_slice %arg4[%add3A_168, %dma_start3A_171] : memref<2560x125xi32, #tpu.memory_space<hbm>> -> memref<2x125xi32, #tpu.memory_space<hbm>>
    tpu.enqueue_dma source(%dma_start3A_172 : memref<2x125xi32, #tpu.memory_space<hbm>>) target(%arg7 : memref<2x125xi32, #tpu.memory_space<vmem>>) target_semaphore(%arg20 : memref<!tpu.dma_semaphore, #tpu.memory_space<semaphore_mem>>)
    %add3A_173 = arith.constant 4 : i32
    %add3A_174 = arith.addi %mul3A_2, %add3A_173 : i32
    %dma_start3A_175 = arith.constant 0 : i32
    %dma_start3A_176 = tpu.memref_slice %arg5[%add3A_174, %dma_start3A_175] : memref<2560x125xi32, #tpu.memory_space<hbm>> -> memref<2x125xi32, #tpu.memory_space<hbm>>
    %dma_start3A_177 = arith.constant 0 : i32
    %dma_start3A_178 = tpu.memref_slice %arg5[%add3A_174, %dma_start3A_177] : memref<2560x125xi32, #tpu.memory_space<hbm>> -> memref<2x125xi32, #tpu.memory_space<hbm>>
    tpu.enqueue_dma source(%dma_start3A_178 : memref<2x125xi32, #tpu.memory_space<hbm>>) target(%arg8 : memref<2x125xi32, #tpu.memory_space<vmem>>) target_semaphore(%arg20 : memref<!tpu.dma_semaphore, #tpu.memory_space<semaphore_mem>>)
    %dma_wait3A_179 = arith.constant 1 : i32
    %dma_wait3A_180 = arith.constant 0 : i32
    %dma_wait3A_181 = tpu.memref_slice %arg8[%dma_wait3A_179, %dma_wait3A_180] : memref<2x125xi32, #tpu.memory_space<vmem>> -> memref<1x125xi32, #tpu.memory_space<vmem>>
    %dma_wait3A_182 = tpu.memref_squeeze %dma_wait3A_181 : memref<1x125xi32, #tpu.memory_space<vmem>> -> memref<125xi32, #tpu.memory_space<vmem>>
    %dma_wait3A_183 = arith.constant 0 : i32
    %dma_wait3A_184 = arith.constant 0 : i32
    %dma_wait3A_185 = tpu.memref_slice %arg15[%dma_wait3A_183, %dma_wait3A_184] : memref<10000x144xf32, #tpu.memory_space<vmem_shared>> -> memref<10000x144xf32, #tpu.memory_space<vmem_shared>>
    tpu.wait_indirect_dma semaphore(%arg23 : memref<!tpu.dma_semaphore, #tpu.memory_space<semaphore_mem>>) src(%arg12 : memref<125x144xf32, #tpu.memory_space<vmem>>) dst(%dma_wait3A_185 : memref<10000x144xf32, #tpu.memory_space<vmem_shared>>)
    %dma_start3A_186 = arith.constant 1 : i32
    %dma_start3A_187 = arith.constant 0 : i32
    %dma_start3A_188 = tpu.memref_slice %arg9[%dma_start3A_186, %dma_start3A_187] : memref<2x125xi32, #tpu.memory_space<vmem>> -> memref<1x125xi32, #tpu.memory_space<vmem>>
    %dma_start3A_189 = tpu.memref_squeeze %dma_start3A_188 : memref<1x125xi32, #tpu.memory_space<vmem>> -> memref<125xi32, #tpu.memory_space<vmem>>
    %dma_start3A_190 = arith.constant 0 : i32
    %dma_start3A_191 = arith.constant 0 : i32
    %dma_start3A_192 = tpu.memref_slice %arg2[%dma_start3A_190, %dma_start3A_191] : memref<10000x144xf32, #tpu.memory_space<hbm>> -> memref<10000x144xf32, #tpu.memory_space<hbm>>
    tpu.enqueue_indirect_dma source(%dma_start3A_192 : memref<10000x144xf32, #tpu.memory_space<hbm>>) target(%arg12 : memref<125x144xf32, #tpu.memory_space<vmem>>) offsets(%dma_start3A_189 : memref<125xi32, #tpu.memory_space<vmem>>) semaphore(%arg18 : memref<!tpu.dma_semaphore, #tpu.memory_space<semaphore_mem>>)
    %dma_start3A_193 = arith.constant 1 : i32
    %dma_start3A_194 = arith.constant 0 : i32
    %dma_start3A_195 = tpu.memref_slice %arg10[%dma_start3A_193, %dma_start3A_194] : memref<2x125xi32, #tpu.memory_space<vmem>> -> memref<1x125xi32, #tpu.memory_space<vmem>>
    %dma_start3A_196 = tpu.memref_squeeze %dma_start3A_195 : memref<1x125xi32, #tpu.memory_space<vmem>> -> memref<125xi32, #tpu.memory_space<vmem>>
    %dma_start3A_197 = arith.constant 0 : i32
    %dma_start3A_198 = arith.constant 0 : i32
    %dma_start3A_199 = tpu.memref_slice %arg3[%dma_start3A_197, %dma_start3A_198] : memref<10000x16xf32, #tpu.memory_space<hbm>> -> memref<10000x16xf32, #tpu.memory_space<hbm>>
    tpu.enqueue_indirect_dma source(%dma_start3A_199 : memref<10000x16xf32, #tpu.memory_space<hbm>>) target(%arg14 : memref<125x16xf32, #tpu.memory_space<vmem>>) offsets(%dma_start3A_196 : memref<125xi32, #tpu.memory_space<vmem>>) semaphore(%arg19 : memref<!tpu.dma_semaphore, #tpu.memory_space<semaphore_mem>>)
    %parallel_loop3A_200 = arith.constant 0 : i32
    %parallel_loop3A_201 = arith.constant 125 : i32
    %parallel_loop3A_202 = arith.constant 1 : i32
    scf.for %parallel_loop3A_439 = %parallel_loop3A_200 to %parallel_loop3A_201 step %parallel_loop3A_202  : i32 {
      %parallel_loop3A_440 = arith.index_cast %parallel_loop3A_439 : i32 to index
      %parallel_loop3A_441 = arith.constant 128 : index
      %parallel_loop3A_442 = tpu.vector_load %arg11[%parallel_loop3A_440, %parallel_loop3A_441] {strides = array<i32>} : memref<125x144xf32, #tpu.memory_space<vmem>>, vector<1x16xf32>,
      %parallel_loop3A_443 = vector.shape_cast %parallel_loop3A_442 : vector<1x16xf32> to vector<16xf32>
      %parallel_loop3A_444 = arith.index_cast %parallel_loop3A_439 : i32 to index
      %parallel_loop3A_445 = arith.constant 0 : index
      %parallel_loop3A_446 = tpu.vector_load %arg13[%parallel_loop3A_444, %parallel_loop3A_445] {strides = array<i32>} : memref<125x16xf32, #tpu.memory_space<vmem>>, vector<1x16xf32>,
      %parallel_loop3A_447 = vector.shape_cast %parallel_loop3A_446 : vector<1x16xf32> to vector<16xf32>
      %parallel_loop3A_448 = arith.addf %parallel_loop3A_443, %parallel_loop3A_447 : vector<16xf32>
      %parallel_loop3A_449 = arith.constant 2.000000e-01 : f32
      %parallel_loop3A_450 = vector.broadcast %parallel_loop3A_449 : f32 to vector<16xf32>
      %parallel_loop3A_451 = arith.mulf %parallel_loop3A_448, %parallel_loop3A_450 : vector<16xf32>
      %parallel_loop3A_452 = arith.maximumf %parallel_loop3A_448, %parallel_loop3A_451 : vector<16xf32>
      %parallel_loop3A_453 = math.exp %parallel_loop3A_452 : vector<16xf32>
      %parallel_loop3A_454 = arith.index_cast %parallel_loop3A_439 : i32 to index
      %parallel_loop3A_455 = arith.constant 128 : index
      %parallel_loop3A_456 = tpu.vector_load %arg11[%parallel_loop3A_454, %parallel_loop3A_455] {strides = array<i32>} : memref<125x144xf32, #tpu.memory_space<vmem>>, vector<1x16xf32>,
      %parallel_loop3A_457 = vector.shape_cast %parallel_loop3A_456 : vector<1x16xf32> to vector<16xf32>
      %parallel_loop3A_458 = vector.shape_cast %parallel_loop3A_453 : vector<16xf32> to vector<1x16xf32>
      tpu.vector_store %arg11[%parallel_loop3A_454, %parallel_loop3A_455], %parallel_loop3A_458 {strides = array<i32>} : memref<125x144xf32, #tpu.memory_space<vmem>>, vector<1x16xf32>,
      %parallel_loop3A_459 = arith.constant 0 : i32
      %parallel_loop3A_460 = vector.broadcast %parallel_loop3A_459 : i32 to vector<16x1xi32>
      %parallel_loop3A_461 = vector.shape_cast %parallel_loop3A_460 : vector<16x1xi32> to vector<16xi32>
      %parallel_loop3A_462 = tpu.dynamic_gather %parallel_loop3A_453[%parallel_loop3A_461] in [0] : vector<16xf32>, vector<16xi32> -> vector<16xf32>
      %parallel_loop3A_463 = arith.index_cast %parallel_loop3A_439 : i32 to index
      %parallel_loop3A_464 = arith.constant 0 : index
      %parallel_loop3A_465 = tpu.vector_load %arg11[%parallel_loop3A_463, %parallel_loop3A_464] {strides = array<i32>} : memref<125x144xf32, #tpu.memory_space<vmem>>, vector<1x16xf32>,
      %parallel_loop3A_466 = vector.shape_cast %parallel_loop3A_465 : vector<1x16xf32> to vector<16xf32>
      %parallel_loop3A_467 = arith.mulf %parallel_loop3A_466, %parallel_loop3A_462 : vector<16xf32>
      %parallel_loop3A_468 = arith.index_cast %parallel_loop3A_439 : i32 to index
      %parallel_loop3A_469 = arith.constant 0 : index
      %parallel_loop3A_470 = tpu.vector_load %arg11[%parallel_loop3A_468, %parallel_loop3A_469] {strides = array<i32>} : memref<125x144xf32, #tpu.memory_space<vmem>>, vector<1x16xf32>,
      %parallel_loop3A_471 = vector.shape_cast %parallel_loop3A_470 : vector<1x16xf32> to vector<16xf32>
      %parallel_loop3A_472 = vector.shape_cast %parallel_loop3A_467 : vector<16xf32> to vector<1x16xf32>
      tpu.vector_store %arg11[%parallel_loop3A_468, %parallel_loop3A_469], %parallel_loop3A_472 {strides = array<i32>} : memref<125x144xf32, #tpu.memory_space<vmem>>, vector<1x16xf32>,
      %parallel_loop3A_473 = arith.constant 1 : i32
      %parallel_loop3A_474 = vector.broadcast %parallel_loop3A_473 : i32 to vector<16x1xi32>
      %parallel_loop3A_475 = vector.shape_cast %parallel_loop3A_474 : vector<16x1xi32> to vector<16xi32>
      %parallel_loop3A_476 = tpu.dynamic_gather %parallel_loop3A_453[%parallel_loop3A_475] in [0] : vector<16xf32>, vector<16xi32> -> vector<16xf32>
      %parallel_loop3A_477 = arith.index_cast %parallel_loop3A_439 : i32 to index
      %parallel_loop3A_478 = arith.constant 16 : index
      %parallel_loop3A_479 = tpu.vector_load %arg11[%parallel_loop3A_477, %parallel_loop3A_478] {strides = array<i32>} : memref<125x144xf32, #tpu.memory_space<vmem>>, vector<1x16xf32>,
      %parallel_loop3A_480 = vector.shape_cast %parallel_loop3A_479 : vector<1x16xf32> to vector<16xf32>
      %parallel_loop3A_481 = arith.mulf %parallel_loop3A_480, %parallel_loop3A_476 : vector<16xf32>
      %parallel_loop3A_482 = arith.index_cast %parallel_loop3A_439 : i32 to index
      %parallel_loop3A_483 = arith.constant 16 : index
      %parallel_loop3A_484 = tpu.vector_load %arg11[%parallel_loop3A_482, %parallel_loop3A_483] {strides = array<i32>} : memref<125x144xf32, #tpu.memory_space<vmem>>, vector<1x16xf32>,
      %parallel_loop3A_485 = vector.shape_cast %parallel_loop3A_484 : vector<1x16xf32> to vector<16xf32>
      %parallel_loop3A_486 = vector.shape_cast %parallel_loop3A_481 : vector<16xf32> to vector<1x16xf32>
      tpu.vector_store %arg11[%parallel_loop3A_482, %parallel_loop3A_483], %parallel_loop3A_486 {strides = array<i32>} : memref<125x144xf32, #tpu.memory_space<vmem>>, vector<1x16xf32>,
      %parallel_loop3A_487 = arith.constant 2 : i32
      %parallel_loop3A_488 = vector.broadcast %parallel_loop3A_487 : i32 to vector<16x1xi32>
      %parallel_loop3A_489 = vector.shape_cast %parallel_loop3A_488 : vector<16x1xi32> to vector<16xi32>
      %parallel_loop3A_490 = tpu.dynamic_gather %parallel_loop3A_453[%parallel_loop3A_489] in [0] : vector<16xf32>, vector<16xi32> -> vector<16xf32>
      %parallel_loop3A_491 = arith.index_cast %parallel_loop3A_439 : i32 to index
      %parallel_loop3A_492 = arith.constant 32 : index
      %parallel_loop3A_493 = tpu.vector_load %arg11[%parallel_loop3A_491, %parallel_loop3A_492] {strides = array<i32>} : memref<125x144xf32, #tpu.memory_space<vmem>>, vector<1x16xf32>,
      %parallel_loop3A_494 = vector.shape_cast %parallel_loop3A_493 : vector<1x16xf32> to vector<16xf32>
      %parallel_loop3A_495 = arith.mulf %parallel_loop3A_494, %parallel_loop3A_490 : vector<16xf32>
      %parallel_loop3A_496 = arith.index_cast %parallel_loop3A_439 : i32 to index
      %parallel_loop3A_497 = arith.constant 32 : index
      %parallel_loop3A_498 = tpu.vector_load %arg11[%parallel_loop3A_496, %parallel_loop3A_497] {strides = array<i32>} : memref<125x144xf32, #tpu.memory_space<vmem>>, vector<1x16xf32>,
      %parallel_loop3A_499 = vector.shape_cast %parallel_loop3A_498 : vector<1x16xf32> to vector<16xf32>
      %parallel_loop3A_500 = vector.shape_cast %parallel_loop3A_495 : vector<16xf32> to vector<1x16xf32>
      tpu.vector_store %arg11[%parallel_loop3A_496, %parallel_loop3A_497], %parallel_loop3A_500 {strides = array<i32>} : memref<125x144xf32, #tpu.memory_space<vmem>>, vector<1x16xf32>,
      %parallel_loop3A_501 = arith.constant 3 : i32
      %parallel_loop3A_502 = vector.broadcast %parallel_loop3A_501 : i32 to vector<16x1xi32>
      %parallel_loop3A_503 = vector.shape_cast %parallel_loop3A_502 : vector<16x1xi32> to vector<16xi32>
      %parallel_loop3A_504 = tpu.dynamic_gather %parallel_loop3A_453[%parallel_loop3A_503] in [0] : vector<16xf32>, vector<16xi32> -> vector<16xf32>
      %parallel_loop3A_505 = arith.index_cast %parallel_loop3A_439 : i32 to index
      %parallel_loop3A_506 = arith.constant 48 : index
      %parallel_loop3A_507 = tpu.vector_load %arg11[%parallel_loop3A_505, %parallel_loop3A_506] {strides = array<i32>} : memref<125x144xf32, #tpu.memory_space<vmem>>, vector<1x16xf32>,
      %parallel_loop3A_508 = vector.shape_cast %parallel_loop3A_507 : vector<1x16xf32> to vector<16xf32>
      %parallel_loop3A_509 = arith.mulf %parallel_loop3A_508, %parallel_loop3A_504 : vector<16xf32>
      %parallel_loop3A_510 = arith.index_cast %parallel_loop3A_439 : i32 to index
      %parallel_loop3A_511 = arith.constant 48 : index
      %parallel_loop3A_512 = tpu.vector_load %arg11[%parallel_loop3A_510, %parallel_loop3A_511] {strides = array<i32>} : memref<125x144xf32, #tpu.memory_space<vmem>>, vector<1x16xf32>,
      %parallel_loop3A_513 = vector.shape_cast %parallel_loop3A_512 : vector<1x16xf32> to vector<16xf32>
      %parallel_loop3A_514 = vector.shape_cast %parallel_loop3A_509 : vector<16xf32> to vector<1x16xf32>
      tpu.vector_store %arg11[%parallel_loop3A_510, %parallel_loop3A_511], %parallel_loop3A_514 {strides = array<i32>} : memref<125x144xf32, #tpu.memory_space<vmem>>, vector<1x16xf32>,
      %parallel_loop3A_515 = arith.constant 4 : i32
      %parallel_loop3A_516 = vector.broadcast %parallel_loop3A_515 : i32 to vector<16x1xi32>
      %parallel_loop3A_517 = vector.shape_cast %parallel_loop3A_516 : vector<16x1xi32> to vector<16xi32>
      %parallel_loop3A_518 = tpu.dynamic_gather %parallel_loop3A_453[%parallel_loop3A_517] in [0] : vector<16xf32>, vector<16xi32> -> vector<16xf32>
      %parallel_loop3A_519 = arith.index_cast %parallel_loop3A_439 : i32 to index
      %parallel_loop3A_520 = arith.constant 64 : index
      %parallel_loop3A_521 = tpu.vector_load %arg11[%parallel_loop3A_519, %parallel_loop3A_520] {strides = array<i32>} : memref<125x144xf32, #tpu.memory_space<vmem>>, vector<1x16xf32>,
      %parallel_loop3A_522 = vector.shape_cast %parallel_loop3A_521 : vector<1x16xf32> to vector<16xf32>
      %parallel_loop3A_523 = arith.mulf %parallel_loop3A_522, %parallel_loop3A_518 : vector<16xf32>
      %parallel_loop3A_524 = arith.index_cast %parallel_loop3A_439 : i32 to index
      %parallel_loop3A_525 = arith.constant 64 : index
      %parallel_loop3A_526 = tpu.vector_load %arg11[%parallel_loop3A_524, %parallel_loop3A_525] {strides = array<i32>} : memref<125x144xf32, #tpu.memory_space<vmem>>, vector<1x16xf32>,
      %parallel_loop3A_527 = vector.shape_cast %parallel_loop3A_526 : vector<1x16xf32> to vector<16xf32>
      %parallel_loop3A_528 = vector.shape_cast %parallel_loop3A_523 : vector<16xf32> to vector<1x16xf32>
      tpu.vector_store %arg11[%parallel_loop3A_524, %parallel_loop3A_525], %parallel_loop3A_528 {strides = array<i32>} : memref<125x144xf32, #tpu.memory_space<vmem>>, vector<1x16xf32>,
      %parallel_loop3A_529 = arith.constant 5 : i32
      %parallel_loop3A_530 = vector.broadcast %parallel_loop3A_529 : i32 to vector<16x1xi32>
      %parallel_loop3A_531 = vector.shape_cast %parallel_loop3A_530 : vector<16x1xi32> to vector<16xi32>
      %parallel_loop3A_532 = tpu.dynamic_gather %parallel_loop3A_453[%parallel_loop3A_531] in [0] : vector<16xf32>, vector<16xi32> -> vector<16xf32>
      %parallel_loop3A_533 = arith.index_cast %parallel_loop3A_439 : i32 to index
      %parallel_loop3A_534 = arith.constant 80 : index
      %parallel_loop3A_535 = tpu.vector_load %arg11[%parallel_loop3A_533, %parallel_loop3A_534] {strides = array<i32>} : memref<125x144xf32, #tpu.memory_space<vmem>>, vector<1x16xf32>,
      %parallel_loop3A_536 = vector.shape_cast %parallel_loop3A_535 : vector<1x16xf32> to vector<16xf32>
      %parallel_loop3A_537 = arith.mulf %parallel_loop3A_536, %parallel_loop3A_532 : vector<16xf32>
      %parallel_loop3A_538 = arith.index_cast %parallel_loop3A_439 : i32 to index
      %parallel_loop3A_539 = arith.constant 80 : index
      %parallel_loop3A_540 = tpu.vector_load %arg11[%parallel_loop3A_538, %parallel_loop3A_539] {strides = array<i32>} : memref<125x144xf32, #tpu.memory_space<vmem>>, vector<1x16xf32>,
      %parallel_loop3A_541 = vector.shape_cast %parallel_loop3A_540 : vector<1x16xf32> to vector<16xf32>
      %parallel_loop3A_542 = vector.shape_cast %parallel_loop3A_537 : vector<16xf32> to vector<1x16xf32>
      tpu.vector_store %arg11[%parallel_loop3A_538, %parallel_loop3A_539], %parallel_loop3A_542 {strides = array<i32>} : memref<125x144xf32, #tpu.memory_space<vmem>>, vector<1x16xf32>,
      %parallel_loop3A_543 = arith.constant 6 : i32
      %parallel_loop3A_544 = vector.broadcast %parallel_loop3A_543 : i32 to vector<16x1xi32>
      %parallel_loop3A_545 = vector.shape_cast %parallel_loop3A_544 : vector<16x1xi32> to vector<16xi32>
      %parallel_loop3A_546 = tpu.dynamic_gather %parallel_loop3A_453[%parallel_loop3A_545] in [0] : vector<16xf32>, vector<16xi32> -> vector<16xf32>
      %parallel_loop3A_547 = arith.index_cast %parallel_loop3A_439 : i32 to index
      %parallel_loop3A_548 = arith.constant 96 : index
      %parallel_loop3A_549 = tpu.vector_load %arg11[%parallel_loop3A_547, %parallel_loop3A_548] {strides = array<i32>} : memref<125x144xf32, #tpu.memory_space<vmem>>, vector<1x16xf32>,
      %parallel_loop3A_550 = vector.shape_cast %parallel_loop3A_549 : vector<1x16xf32> to vector<16xf32>
      %parallel_loop3A_551 = arith.mulf %parallel_loop3A_550, %parallel_loop3A_546 : vector<16xf32>
      %parallel_loop3A_552 = arith.index_cast %parallel_loop3A_439 : i32 to index
      %parallel_loop3A_553 = arith.constant 96 : index
      %parallel_loop3A_554 = tpu.vector_load %arg11[%parallel_loop3A_552, %parallel_loop3A_553] {strides = array<i32>} : memref<125x144xf32, #tpu.memory_space<vmem>>, vector<1x16xf32>,
      %parallel_loop3A_555 = vector.shape_cast %parallel_loop3A_554 : vector<1x16xf32> to vector<16xf32>
      %parallel_loop3A_556 = vector.shape_cast %parallel_loop3A_551 : vector<16xf32> to vector<1x16xf32>
      tpu.vector_store %arg11[%parallel_loop3A_552, %parallel_loop3A_553], %parallel_loop3A_556 {strides = array<i32>} : memref<125x144xf32, #tpu.memory_space<vmem>>, vector<1x16xf32>,
      %parallel_loop3A_557 = arith.constant 7 : i32
      %parallel_loop3A_558 = vector.broadcast %parallel_loop3A_557 : i32 to vector<16x1xi32>
      %parallel_loop3A_559 = vector.shape_cast %parallel_loop3A_558 : vector<16x1xi32> to vector<16xi32>
      %parallel_loop3A_560 = tpu.dynamic_gather %parallel_loop3A_453[%parallel_loop3A_559] in [0] : vector<16xf32>, vector<16xi32> -> vector<16xf32>
      %parallel_loop3A_561 = arith.index_cast %parallel_loop3A_439 : i32 to index
      %parallel_loop3A_562 = arith.constant 112 : index
      %parallel_loop3A_563 = tpu.vector_load %arg11[%parallel_loop3A_561, %parallel_loop3A_562] {strides = array<i32>} : memref<125x144xf32, #tpu.memory_space<vmem>>, vector<1x16xf32>,
      %parallel_loop3A_564 = vector.shape_cast %parallel_loop3A_563 : vector<1x16xf32> to vector<16xf32>
      %parallel_loop3A_565 = arith.mulf %parallel_loop3A_564, %parallel_loop3A_560 : vector<16xf32>
      %parallel_loop3A_566 = arith.index_cast %parallel_loop3A_439 : i32 to index
      %parallel_loop3A_567 = arith.constant 112 : index
      %parallel_loop3A_568 = tpu.vector_load %arg11[%parallel_loop3A_566, %parallel_loop3A_567] {strides = array<i32>} : memref<125x144xf32, #tpu.memory_space<vmem>>, vector<1x16xf32>,
      %parallel_loop3A_569 = vector.shape_cast %parallel_loop3A_568 : vector<1x16xf32> to vector<16xf32>
      %parallel_loop3A_570 = vector.shape_cast %parallel_loop3A_565 : vector<16xf32> to vector<1x16xf32>
      tpu.vector_store %arg11[%parallel_loop3A_566, %parallel_loop3A_567], %parallel_loop3A_570 {strides = array<i32>} : memref<125x144xf32, #tpu.memory_space<vmem>>, vector<1x16xf32>,
    } {sc.loop_unroll_factor = 2 : i64, sc.parallel_access}
    %dma_start3A_203 = arith.constant 0 : i32
    %dma_start3A_204 = arith.constant 0 : i32
    %dma_start3A_205 = tpu.memref_slice %arg10[%dma_start3A_203, %dma_start3A_204] : memref<2x125xi32, #tpu.memory_space<vmem>> -> memref<1x125xi32, #tpu.memory_space<vmem>>
    %dma_start3A_206 = tpu.memref_squeeze %dma_start3A_205 : memref<1x125xi32, #tpu.memory_space<vmem>> -> memref<125xi32, #tpu.memory_space<vmem>>
    %dma_start3A_207 = arith.constant 0 : i32
    %dma_start3A_208 = arith.constant 0 : i32
    %dma_start3A_209 = tpu.memref_slice %arg15[%dma_start3A_207, %dma_start3A_208] : memref<10000x144xf32, #tpu.memory_space<vmem_shared>> -> memref<10000x144xf32, #tpu.memory_space<vmem_shared>>
    tpu.enqueue_indirect_dma source(%arg11 : memref<125x144xf32, #tpu.memory_space<vmem>>) target(%dma_start3A_209 : memref<10000x144xf32, #tpu.memory_space<vmem_shared>>) offsets(%dma_start3A_206 : memref<125xi32, #tpu.memory_space<vmem>>) semaphore(%arg22 : memref<!tpu.dma_semaphore, #tpu.memory_space<semaphore_mem>>) {add = true}
    %dma_wait3A_210 = arith.constant 0 : i32
    %dma_wait3A_211 = arith.constant 0 : i32
    %dma_wait3A_212 = tpu.memref_slice %arg2[%dma_wait3A_210, %dma_wait3A_211] : memref<10000x144xf32, #tpu.memory_space<hbm>> -> memref<125x144xf32, #tpu.memory_space<hbm>>
    %dma_wait3A_213 = arith.constant 0 : i32
    %dma_wait3A_214 = arith.constant 0 : i32
    %dma_wait3A_215 = tpu.memref_slice %arg2[%dma_wait3A_213, %dma_wait3A_214] : memref<10000x144xf32, #tpu.memory_space<hbm>> -> memref<125x144xf32, #tpu.memory_space<hbm>>
    tpu.wait_dma2 semaphore(%arg18 : memref<!tpu.dma_semaphore, #tpu.memory_space<semaphore_mem>>) src(%dma_wait3A_215 : memref<125x144xf32, #tpu.memory_space<hbm>>) dst(%arg12 : memref<125x144xf32, #tpu.memory_space<vmem>>)
    %dma_wait3A_216 = arith.constant 0 : i32
    %dma_wait3A_217 = arith.constant 0 : i32
    %dma_wait3A_218 = tpu.memref_slice %arg3[%dma_wait3A_216, %dma_wait3A_217] : memref<10000x16xf32, #tpu.memory_space<hbm>> -> memref<125x16xf32, #tpu.memory_space<hbm>>
    %dma_wait3A_219 = arith.constant 0 : i32
    %dma_wait3A_220 = arith.constant 0 : i32
    %dma_wait3A_221 = tpu.memref_slice %arg3[%dma_wait3A_219, %dma_wait3A_220] : memref<10000x16xf32, #tpu.memory_space<hbm>> -> memref<125x16xf32, #tpu.memory_space<hbm>>
    tpu.wait_dma2 semaphore(%arg19 : memref<!tpu.dma_semaphore, #tpu.memory_space<semaphore_mem>>) src(%dma_wait3A_221 : memref<125x16xf32, #tpu.memory_space<hbm>>) dst(%arg14 : memref<125x16xf32, #tpu.memory_space<vmem>>)
    %dma_wait3A_222 = arith.constant 0 : i32
    %dma_wait3A_223 = arith.constant 0 : i32
    %dma_wait3A_224 = tpu.memref_slice %arg4[%dma_wait3A_222, %dma_wait3A_223] : memref<2560x125xi32, #tpu.memory_space<hbm>> -> memref<2x125xi32, #tpu.memory_space<hbm>>
    %dma_wait3A_225 = arith.constant 0 : i32
    %dma_wait3A_226 = arith.constant 0 : i32
    %dma_wait3A_227 = tpu.memref_slice %arg4[%dma_wait3A_225, %dma_wait3A_226] : memref<2560x125xi32, #tpu.memory_space<hbm>> -> memref<2x125xi32, #tpu.memory_space<hbm>>
    tpu.wait_dma2 semaphore(%arg20 : memref<!tpu.dma_semaphore, #tpu.memory_space<semaphore_mem>>) src(%dma_wait3A_227 : memref<2x125xi32, #tpu.memory_space<hbm>>) dst(%arg7 : memref<2x125xi32, #tpu.memory_space<vmem>>)
    %dma_wait3A_228 = arith.constant 0 : i32
    %dma_wait3A_229 = arith.constant 0 : i32
    %dma_wait3A_230 = tpu.memref_slice %arg4[%dma_wait3A_228, %dma_wait3A_229] : memref<2560x125xi32, #tpu.memory_space<hbm>> -> memref<2x125xi32, #tpu.memory_space<hbm>>
    %dma_wait3A_231 = arith.constant 0 : i32
    %dma_wait3A_232 = arith.constant 0 : i32
    %dma_wait3A_233 = tpu.memref_slice %arg4[%dma_wait3A_231, %dma_wait3A_232] : memref<2560x125xi32, #tpu.memory_space<hbm>> -> memref<2x125xi32, #tpu.memory_space<hbm>>
    tpu.wait_dma2 semaphore(%arg20 : memref<!tpu.dma_semaphore, #tpu.memory_space<semaphore_mem>>) src(%dma_wait3A_233 : memref<2x125xi32, #tpu.memory_space<hbm>>) dst(%arg8 : memref<2x125xi32, #tpu.memory_space<vmem>>)
    %dma_wait3A_234 = arith.constant 0 : i32
    %dma_wait3A_235 = arith.constant 0 : i32
    %dma_wait3A_236 = tpu.memref_slice %arg10[%dma_wait3A_234, %dma_wait3A_235] : memref<2x125xi32, #tpu.memory_space<vmem>> -> memref<1x125xi32, #tpu.memory_space<vmem>>
    %dma_wait3A_237 = tpu.memref_squeeze %dma_wait3A_236 : memref<1x125xi32, #tpu.memory_space<vmem>> -> memref<125xi32, #tpu.memory_space<vmem>>
    %dma_wait3A_238 = arith.constant 0 : i32
    %dma_wait3A_239 = arith.constant 0 : i32
    %dma_wait3A_240 = tpu.memref_slice %arg15[%dma_wait3A_238, %dma_wait3A_239] : memref<10000x144xf32, #tpu.memory_space<vmem_shared>> -> memref<10000x144xf32, #tpu.memory_space<vmem_shared>>
    tpu.wait_indirect_dma semaphore(%arg22 : memref<!tpu.dma_semaphore, #tpu.memory_space<semaphore_mem>>) src(%arg11 : memref<125x144xf32, #tpu.memory_space<vmem>>) dst(%dma_wait3A_240 : memref<10000x144xf32, #tpu.memory_space<vmem_shared>>)
    %dma_start3A_241 = arith.constant 0 : i32
    %dma_start3A_242 = arith.constant 0 : i32
    %dma_start3A_243 = tpu.memref_slice %arg7[%dma_start3A_241, %dma_start3A_242] : memref<2x125xi32, #tpu.memory_space<vmem>> -> memref<1x125xi32, #tpu.memory_space<vmem>>
    %dma_start3A_244 = tpu.memref_squeeze %dma_start3A_243 : memref<1x125xi32, #tpu.memory_space<vmem>> -> memref<125xi32, #tpu.memory_space<vmem>>
    %dma_start3A_245 = arith.constant 0 : i32
    %dma_start3A_246 = arith.constant 0 : i32
    %dma_start3A_247 = tpu.memref_slice %arg2[%dma_start3A_245, %dma_start3A_246] : memref<10000x144xf32, #tpu.memory_space<hbm>> -> memref<10000x144xf32, #tpu.memory_space<hbm>>
    tpu.enqueue_indirect_dma source(%dma_start3A_247 : memref<10000x144xf32, #tpu.memory_space<hbm>>) target(%arg11 : memref<125x144xf32, #tpu.memory_space<vmem>>) offsets(%dma_start3A_244 : memref<125xi32, #tpu.memory_space<vmem>>) semaphore(%arg16 : memref<!tpu.dma_semaphore, #tpu.memory_space<semaphore_mem>>)
    %dma_start3A_248 = arith.constant 0 : i32
    %dma_start3A_249 = arith.constant 0 : i32
    %dma_start3A_250 = tpu.memref_slice %arg8[%dma_start3A_248, %dma_start3A_249] : memref<2x125xi32, #tpu.memory_space<vmem>> -> memref<1x125xi32, #tpu.memory_space<vmem>>
    %dma_start3A_251 = tpu.memref_squeeze %dma_start3A_250 : memref<1x125xi32, #tpu.memory_space<vmem>> -> memref<125xi32, #tpu.memory_space<vmem>>
    %dma_start3A_252 = arith.constant 0 : i32
    %dma_start3A_253 = arith.constant 0 : i32
    %dma_start3A_254 = tpu.memref_slice %arg3[%dma_start3A_252, %dma_start3A_253] : memref<10000x16xf32, #tpu.memory_space<hbm>> -> memref<10000x16xf32, #tpu.memory_space<hbm>>
    tpu.enqueue_indirect_dma source(%dma_start3A_254 : memref<10000x16xf32, #tpu.memory_space<hbm>>) target(%arg13 : memref<125x16xf32, #tpu.memory_space<vmem>>) offsets(%dma_start3A_251 : memref<125xi32, #tpu.memory_space<vmem>>) semaphore(%arg17 : memref<!tpu.dma_semaphore, #tpu.memory_space<semaphore_mem>>)
    %parallel_loop3A_255 = arith.constant 0 : i32
    %parallel_loop3A_256 = arith.constant 125 : i32
    %parallel_loop3A_257 = arith.constant 1 : i32
    scf.for %parallel_loop3A_439 = %parallel_loop3A_255 to %parallel_loop3A_256 step %parallel_loop3A_257  : i32 {
      %parallel_loop3A_440 = arith.index_cast %parallel_loop3A_439 : i32 to index
      %parallel_loop3A_441 = arith.constant 128 : index
      %parallel_loop3A_442 = tpu.vector_load %arg12[%parallel_loop3A_440, %parallel_loop3A_441] {strides = array<i32>} : memref<125x144xf32, #tpu.memory_space<vmem>>, vector<1x16xf32>,
      %parallel_loop3A_443 = vector.shape_cast %parallel_loop3A_442 : vector<1x16xf32> to vector<16xf32>
      %parallel_loop3A_444 = arith.index_cast %parallel_loop3A_439 : i32 to index
      %parallel_loop3A_445 = arith.constant 0 : index
      %parallel_loop3A_446 = tpu.vector_load %arg14[%parallel_loop3A_444, %parallel_loop3A_445] {strides = array<i32>} : memref<125x16xf32, #tpu.memory_space<vmem>>, vector<1x16xf32>,
      %parallel_loop3A_447 = vector.shape_cast %parallel_loop3A_446 : vector<1x16xf32> to vector<16xf32>
      %parallel_loop3A_448 = arith.addf %parallel_loop3A_443, %parallel_loop3A_447 : vector<16xf32>
      %parallel_loop3A_449 = arith.constant 2.000000e-01 : f32
      %parallel_loop3A_450 = vector.broadcast %parallel_loop3A_449 : f32 to vector<16xf32>
      %parallel_loop3A_451 = arith.mulf %parallel_loop3A_448, %parallel_loop3A_450 : vector<16xf32>
      %parallel_loop3A_452 = arith.maximumf %parallel_loop3A_448, %parallel_loop3A_451 : vector<16xf32>
      %parallel_loop3A_453 = math.exp %parallel_loop3A_452 : vector<16xf32>
      %parallel_loop3A_454 = arith.index_cast %parallel_loop3A_439 : i32 to index
      %parallel_loop3A_455 = arith.constant 128 : index
      %parallel_loop3A_456 = tpu.vector_load %arg12[%parallel_loop3A_454, %parallel_loop3A_455] {strides = array<i32>} : memref<125x144xf32, #tpu.memory_space<vmem>>, vector<1x16xf32>,
      %parallel_loop3A_457 = vector.shape_cast %parallel_loop3A_456 : vector<1x16xf32> to vector<16xf32>
      %parallel_loop3A_458 = vector.shape_cast %parallel_loop3A_453 : vector<16xf32> to vector<1x16xf32>
      tpu.vector_store %arg12[%parallel_loop3A_454, %parallel_loop3A_455], %parallel_loop3A_458 {strides = array<i32>} : memref<125x144xf32, #tpu.memory_space<vmem>>, vector<1x16xf32>,
      %parallel_loop3A_459 = arith.constant 0 : i32
      %parallel_loop3A_460 = vector.broadcast %parallel_loop3A_459 : i32 to vector<16x1xi32>
      %parallel_loop3A_461 = vector.shape_cast %parallel_loop3A_460 : vector<16x1xi32> to vector<16xi32>
      %parallel_loop3A_462 = tpu.dynamic_gather %parallel_loop3A_453[%parallel_loop3A_461] in [0] : vector<16xf32>, vector<16xi32> -> vector<16xf32>
      %parallel_loop3A_463 = arith.index_cast %parallel_loop3A_439 : i32 to index
      %parallel_loop3A_464 = arith.constant 0 : index
      %parallel_loop3A_465 = tpu.vector_load %arg12[%parallel_loop3A_463, %parallel_loop3A_464] {strides = array<i32>} : memref<125x144xf32, #tpu.memory_space<vmem>>, vector<1x16xf32>,
      %parallel_loop3A_466 = vector.shape_cast %parallel_loop3A_465 : vector<1x16xf32> to vector<16xf32>
      %parallel_loop3A_467 = arith.mulf %parallel_loop3A_466, %parallel_loop3A_462 : vector<16xf32>
      %parallel_loop3A_468 = arith.index_cast %parallel_loop3A_439 : i32 to index
      %parallel_loop3A_469 = arith.constant 0 : index
      %parallel_loop3A_470 = tpu.vector_load %arg12[%parallel_loop3A_468, %parallel_loop3A_469] {strides = array<i32>} : memref<125x144xf32, #tpu.memory_space<vmem>>, vector<1x16xf32>,
      %parallel_loop3A_471 = vector.shape_cast %parallel_loop3A_470 : vector<1x16xf32> to vector<16xf32>
      %parallel_loop3A_472 = vector.shape_cast %parallel_loop3A_467 : vector<16xf32> to vector<1x16xf32>
      tpu.vector_store %arg12[%parallel_loop3A_468, %parallel_loop3A_469], %parallel_loop3A_472 {strides = array<i32>} : memref<125x144xf32, #tpu.memory_space<vmem>>, vector<1x16xf32>,
      %parallel_loop3A_473 = arith.constant 1 : i32
      %parallel_loop3A_474 = vector.broadcast %parallel_loop3A_473 : i32 to vector<16x1xi32>
      %parallel_loop3A_475 = vector.shape_cast %parallel_loop3A_474 : vector<16x1xi32> to vector<16xi32>
      %parallel_loop3A_476 = tpu.dynamic_gather %parallel_loop3A_453[%parallel_loop3A_475] in [0] : vector<16xf32>, vector<16xi32> -> vector<16xf32>
      %parallel_loop3A_477 = arith.index_cast %parallel_loop3A_439 : i32 to index
      %parallel_loop3A_478 = arith.constant 16 : index
      %parallel_loop3A_479 = tpu.vector_load %arg12[%parallel_loop3A_477, %parallel_loop3A_478] {strides = array<i32>} : memref<125x144xf32, #tpu.memory_space<vmem>>, vector<1x16xf32>,
      %parallel_loop3A_480 = vector.shape_cast %parallel_loop3A_479 : vector<1x16xf32> to vector<16xf32>
      %parallel_loop3A_481 = arith.mulf %parallel_loop3A_480, %parallel_loop3A_476 : vector<16xf32>
      %parallel_loop3A_482 = arith.index_cast %parallel_loop3A_439 : i32 to index
      %parallel_loop3A_483 = arith.constant 16 : index
      %parallel_loop3A_484 = tpu.vector_load %arg12[%parallel_loop3A_482, %parallel_loop3A_483] {strides = array<i32>} : memref<125x144xf32, #tpu.memory_space<vmem>>, vector<1x16xf32>,
      %parallel_loop3A_485 = vector.shape_cast %parallel_loop3A_484 : vector<1x16xf32> to vector<16xf32>
      %parallel_loop3A_486 = vector.shape_cast %parallel_loop3A_481 : vector<16xf32> to vector<1x16xf32>
      tpu.vector_store %arg12[%parallel_loop3A_482, %parallel_loop3A_483], %parallel_loop3A_486 {strides = array<i32>} : memref<125x144xf32, #tpu.memory_space<vmem>>, vector<1x16xf32>,
      %parallel_loop3A_487 = arith.constant 2 : i32
      %parallel_loop3A_488 = vector.broadcast %parallel_loop3A_487 : i32 to vector<16x1xi32>
      %parallel_loop3A_489 = vector.shape_cast %parallel_loop3A_488 : vector<16x1xi32> to vector<16xi32>
      %parallel_loop3A_490 = tpu.dynamic_gather %parallel_loop3A_453[%parallel_loop3A_489] in [0] : vector<16xf32>, vector<16xi32> -> vector<16xf32>
      %parallel_loop3A_491 = arith.index_cast %parallel_loop3A_439 : i32 to index
      %parallel_loop3A_492 = arith.constant 32 : index
      %parallel_loop3A_493 = tpu.vector_load %arg12[%parallel_loop3A_491, %parallel_loop3A_492] {strides = array<i32>} : memref<125x144xf32, #tpu.memory_space<vmem>>, vector<1x16xf32>,
      %parallel_loop3A_494 = vector.shape_cast %parallel_loop3A_493 : vector<1x16xf32> to vector<16xf32>
      %parallel_loop3A_495 = arith.mulf %parallel_loop3A_494, %parallel_loop3A_490 : vector<16xf32>
      %parallel_loop3A_496 = arith.index_cast %parallel_loop3A_439 : i32 to index
      %parallel_loop3A_497 = arith.constant 32 : index
      %parallel_loop3A_498 = tpu.vector_load %arg12[%parallel_loop3A_496, %parallel_loop3A_497] {strides = array<i32>} : memref<125x144xf32, #tpu.memory_space<vmem>>, vector<1x16xf32>,
      %parallel_loop3A_499 = vector.shape_cast %parallel_loop3A_498 : vector<1x16xf32> to vector<16xf32>
      %parallel_loop3A_500 = vector.shape_cast %parallel_loop3A_495 : vector<16xf32> to vector<1x16xf32>
      tpu.vector_store %arg12[%parallel_loop3A_496, %parallel_loop3A_497], %parallel_loop3A_500 {strides = array<i32>} : memref<125x144xf32, #tpu.memory_space<vmem>>, vector<1x16xf32>,
      %parallel_loop3A_501 = arith.constant 3 : i32
      %parallel_loop3A_502 = vector.broadcast %parallel_loop3A_501 : i32 to vector<16x1xi32>
      %parallel_loop3A_503 = vector.shape_cast %parallel_loop3A_502 : vector<16x1xi32> to vector<16xi32>
      %parallel_loop3A_504 = tpu.dynamic_gather %parallel_loop3A_453[%parallel_loop3A_503] in [0] : vector<16xf32>, vector<16xi32> -> vector<16xf32>
      %parallel_loop3A_505 = arith.index_cast %parallel_loop3A_439 : i32 to index
      %parallel_loop3A_506 = arith.constant 48 : index
      %parallel_loop3A_507 = tpu.vector_load %arg12[%parallel_loop3A_505, %parallel_loop3A_506] {strides = array<i32>} : memref<125x144xf32, #tpu.memory_space<vmem>>, vector<1x16xf32>,
      %parallel_loop3A_508 = vector.shape_cast %parallel_loop3A_507 : vector<1x16xf32> to vector<16xf32>
      %parallel_loop3A_509 = arith.mulf %parallel_loop3A_508, %parallel_loop3A_504 : vector<16xf32>
      %parallel_loop3A_510 = arith.index_cast %parallel_loop3A_439 : i32 to index
      %parallel_loop3A_511 = arith.constant 48 : index
      %parallel_loop3A_512 = tpu.vector_load %arg12[%parallel_loop3A_510, %parallel_loop3A_511] {strides = array<i32>} : memref<125x144xf32, #tpu.memory_space<vmem>>, vector<1x16xf32>,
      %parallel_loop3A_513 = vector.shape_cast %parallel_loop3A_512 : vector<1x16xf32> to vector<16xf32>
      %parallel_loop3A_514 = vector.shape_cast %parallel_loop3A_509 : vector<16xf32> to vector<1x16xf32>
      tpu.vector_store %arg12[%parallel_loop3A_510, %parallel_loop3A_511], %parallel_loop3A_514 {strides = array<i32>} : memref<125x144xf32, #tpu.memory_space<vmem>>, vector<1x16xf32>,
      %parallel_loop3A_515 = arith.constant 4 : i32
      %parallel_loop3A_516 = vector.broadcast %parallel_loop3A_515 : i32 to vector<16x1xi32>
      %parallel_loop3A_517 = vector.shape_cast %parallel_loop3A_516 : vector<16x1xi32> to vector<16xi32>
      %parallel_loop3A_518 = tpu.dynamic_gather %parallel_loop3A_453[%parallel_loop3A_517] in [0] : vector<16xf32>, vector<16xi32> -> vector<16xf32>
      %parallel_loop3A_519 = arith.index_cast %parallel_loop3A_439 : i32 to index
      %parallel_loop3A_520 = arith.constant 64 : index
      %parallel_loop3A_521 = tpu.vector_load %arg12[%parallel_loop3A_519, %parallel_loop3A_520] {strides = array<i32>} : memref<125x144xf32, #tpu.memory_space<vmem>>, vector<1x16xf32>,
      %parallel_loop3A_522 = vector.shape_cast %parallel_loop3A_521 : vector<1x16xf32> to vector<16xf32>
      %parallel_loop3A_523 = arith.mulf %parallel_loop3A_522, %parallel_loop3A_518 : vector<16xf32>
      %parallel_loop3A_524 = arith.index_cast %parallel_loop3A_439 : i32 to index
      %parallel_loop3A_525 = arith.constant 64 : index
      %parallel_loop3A_526 = tpu.vector_load %arg12[%parallel_loop3A_524, %parallel_loop3A_525] {strides = array<i32>} : memref<125x144xf32, #tpu.memory_space<vmem>>, vector<1x16xf32>,
      %parallel_loop3A_527 = vector.shape_cast %parallel_loop3A_526 : vector<1x16xf32> to vector<16xf32>
      %parallel_loop3A_528 = vector.shape_cast %parallel_loop3A_523 : vector<16xf32> to vector<1x16xf32>
      tpu.vector_store %arg12[%parallel_loop3A_524, %parallel_loop3A_525], %parallel_loop3A_528 {strides = array<i32>} : memref<125x144xf32, #tpu.memory_space<vmem>>, vector<1x16xf32>,
      %parallel_loop3A_529 = arith.constant 5 : i32
      %parallel_loop3A_530 = vector.broadcast %parallel_loop3A_529 : i32 to vector<16x1xi32>
      %parallel_loop3A_531 = vector.shape_cast %parallel_loop3A_530 : vector<16x1xi32> to vector<16xi32>
      %parallel_loop3A_532 = tpu.dynamic_gather %parallel_loop3A_453[%parallel_loop3A_531] in [0] : vector<16xf32>, vector<16xi32> -> vector<16xf32>
      %parallel_loop3A_533 = arith.index_cast %parallel_loop3A_439 : i32 to index
      %parallel_loop3A_534 = arith.constant 80 : index
      %parallel_loop3A_535 = tpu.vector_load %arg12[%parallel_loop3A_533, %parallel_loop3A_534] {strides = array<i32>} : memref<125x144xf32, #tpu.memory_space<vmem>>, vector<1x16xf32>,
      %parallel_loop3A_536 = vector.shape_cast %parallel_loop3A_535 : vector<1x16xf32> to vector<16xf32>
      %parallel_loop3A_537 = arith.mulf %parallel_loop3A_536, %parallel_loop3A_532 : vector<16xf32>
      %parallel_loop3A_538 = arith.index_cast %parallel_loop3A_439 : i32 to index
      %parallel_loop3A_539 = arith.constant 80 : index
      %parallel_loop3A_540 = tpu.vector_load %arg12[%parallel_loop3A_538, %parallel_loop3A_539] {strides = array<i32>} : memref<125x144xf32, #tpu.memory_space<vmem>>, vector<1x16xf32>,
      %parallel_loop3A_541 = vector.shape_cast %parallel_loop3A_540 : vector<1x16xf32> to vector<16xf32>
      %parallel_loop3A_542 = vector.shape_cast %parallel_loop3A_537 : vector<16xf32> to vector<1x16xf32>
      tpu.vector_store %arg12[%parallel_loop3A_538, %parallel_loop3A_539], %parallel_loop3A_542 {strides = array<i32>} : memref<125x144xf32, #tpu.memory_space<vmem>>, vector<1x16xf32>,
      %parallel_loop3A_543 = arith.constant 6 : i32
      %parallel_loop3A_544 = vector.broadcast %parallel_loop3A_543 : i32 to vector<16x1xi32>
      %parallel_loop3A_545 = vector.shape_cast %parallel_loop3A_544 : vector<16x1xi32> to vector<16xi32>
      %parallel_loop3A_546 = tpu.dynamic_gather %parallel_loop3A_453[%parallel_loop3A_545] in [0] : vector<16xf32>, vector<16xi32> -> vector<16xf32>
      %parallel_loop3A_547 = arith.index_cast %parallel_loop3A_439 : i32 to index
      %parallel_loop3A_548 = arith.constant 96 : index
      %parallel_loop3A_549 = tpu.vector_load %arg12[%parallel_loop3A_547, %parallel_loop3A_548] {strides = array<i32>} : memref<125x144xf32, #tpu.memory_space<vmem>>, vector<1x16xf32>,
      %parallel_loop3A_550 = vector.shape_cast %parallel_loop3A_549 : vector<1x16xf32> to vector<16xf32>
      %parallel_loop3A_551 = arith.mulf %parallel_loop3A_550, %parallel_loop3A_546 : vector<16xf32>
      %parallel_loop3A_552 = arith.index_cast %parallel_loop3A_439 : i32 to index
      %parallel_loop3A_553 = arith.constant 96 : index
      %parallel_loop3A_554 = tpu.vector_load %arg12[%parallel_loop3A_552, %parallel_loop3A_553] {strides = array<i32>} : memref<125x144xf32, #tpu.memory_space<vmem>>, vector<1x16xf32>,
      %parallel_loop3A_555 = vector.shape_cast %parallel_loop3A_554 : vector<1x16xf32> to vector<16xf32>
      %parallel_loop3A_556 = vector.shape_cast %parallel_loop3A_551 : vector<16xf32> to vector<1x16xf32>
      tpu.vector_store %arg12[%parallel_loop3A_552, %parallel_loop3A_553], %parallel_loop3A_556 {strides = array<i32>} : memref<125x144xf32, #tpu.memory_space<vmem>>, vector<1x16xf32>,
      %parallel_loop3A_557 = arith.constant 7 : i32
      %parallel_loop3A_558 = vector.broadcast %parallel_loop3A_557 : i32 to vector<16x1xi32>
      %parallel_loop3A_559 = vector.shape_cast %parallel_loop3A_558 : vector<16x1xi32> to vector<16xi32>
      %parallel_loop3A_560 = tpu.dynamic_gather %parallel_loop3A_453[%parallel_loop3A_559] in [0] : vector<16xf32>, vector<16xi32> -> vector<16xf32>
      %parallel_loop3A_561 = arith.index_cast %parallel_loop3A_439 : i32 to index
      %parallel_loop3A_562 = arith.constant 112 : index
      %parallel_loop3A_563 = tpu.vector_load %arg12[%parallel_loop3A_561, %parallel_loop3A_562] {strides = array<i32>} : memref<125x144xf32, #tpu.memory_space<vmem>>, vector<1x16xf32>,
      %parallel_loop3A_564 = vector.shape_cast %parallel_loop3A_563 : vector<1x16xf32> to vector<16xf32>
      %parallel_loop3A_565 = arith.mulf %parallel_loop3A_564, %parallel_loop3A_560 : vector<16xf32>
      %parallel_loop3A_566 = arith.index_cast %parallel_loop3A_439 : i32 to index
      %parallel_loop3A_567 = arith.constant 112 : index
      %parallel_loop3A_568 = tpu.vector_load %arg12[%parallel_loop3A_566, %parallel_loop3A_567] {strides = array<i32>} : memref<125x144xf32, #tpu.memory_space<vmem>>, vector<1x16xf32>,
      %parallel_loop3A_569 = vector.shape_cast %parallel_loop3A_568 : vector<1x16xf32> to vector<16xf32>
      %parallel_loop3A_570 = vector.shape_cast %parallel_loop3A_565 : vector<16xf32> to vector<1x16xf32>
      tpu.vector_store %arg12[%parallel_loop3A_566, %parallel_loop3A_567], %parallel_loop3A_570 {strides = array<i32>} : memref<125x144xf32, #tpu.memory_space<vmem>>, vector<1x16xf32>,
    } {sc.loop_unroll_factor = 2 : i64, sc.parallel_access}
    %run_scoped3A = arith.constant 1 : i32
    "tpu.region"() ({
      %run_scoped3A_439 = tpu.sem_alloc : memref<!tpu.dma_semaphore, #tpu.memory_space<semaphore_mem>>
      %dma_start3A_440 = arith.constant 0 : i32
      %dma_start3A_441 = tpu.memref_slice %arg10[%run_scoped3A, %dma_start3A_440] : memref<2x125xi32, #tpu.memory_space<vmem>> -> memref<1x125xi32, #tpu.memory_space<vmem>>
      %dma_start3A_442 = tpu.memref_squeeze %dma_start3A_441 : memref<1x125xi32, #tpu.memory_space<vmem>> -> memref<125xi32, #tpu.memory_space<vmem>>
      %dma_start3A_443 = arith.constant 0 : i32
      %dma_start3A_444 = arith.constant 0 : i32
      %dma_start3A_445 = tpu.memref_slice %arg15[%dma_start3A_443, %dma_start3A_444] : memref<10000x144xf32, #tpu.memory_space<vmem_shared>> -> memref<10000x144xf32, #tpu.memory_space<vmem_shared>>
      tpu.enqueue_indirect_dma source(%arg12 : memref<125x144xf32, #tpu.memory_space<vmem>>) target(%dma_start3A_445 : memref<10000x144xf32, #tpu.memory_space<vmem_shared>>) offsets(%dma_start3A_442 : memref<125xi32, #tpu.memory_space<vmem>>) semaphore(%run_scoped3A_439 : memref<!tpu.dma_semaphore, #tpu.memory_space<semaphore_mem>>) {add = true}
      %dma_wait3A_446 = arith.constant 0 : i32
      %dma_wait3A_447 = tpu.memref_slice %arg10[%run_scoped3A, %dma_wait3A_446] : memref<2x125xi32, #tpu.memory_space<vmem>> -> memref<1x125xi32, #tpu.memory_space<vmem>>
      %dma_wait3A_448 = tpu.memref_squeeze %dma_wait3A_447 : memref<1x125xi32, #tpu.memory_space<vmem>> -> memref<125xi32, #tpu.memory_space<vmem>>
      %dma_wait3A_449 = arith.constant 0 : i32
      %dma_wait3A_450 = arith.constant 0 : i32
      %dma_wait3A_451 = tpu.memref_slice %arg15[%dma_wait3A_449, %dma_wait3A_450] : memref<10000x144xf32, #tpu.memory_space<vmem_shared>> -> memref<10000x144xf32, #tpu.memory_space<vmem_shared>>
      tpu.wait_indirect_dma semaphore(%run_scoped3A_439 : memref<!tpu.dma_semaphore, #tpu.memory_space<semaphore_mem>>) src(%arg12 : memref<125x144xf32, #tpu.memory_space<vmem>>) dst(%dma_wait3A_451 : memref<10000x144xf32, #tpu.memory_space<vmem_shared>>)
      tpu.yield
    }) : () -> ()
    %scan3A_258 = arith.constant 0 : i32
    %scan3A_259 = arith.constant 1 : i32
    %scan3A_260 = arith.constant 18 : i32
    %scan3A_261 = arith.addi %scan3A_259, %scan3A_260 : i32
    %scan3A_262 = arith.constant 1 : i32
    %scan3A_263 = scf.for %scan3A_439 = %scan3A_259 to %scan3A_261 step %scan3A_262 iter_args(%scan3A_440 = %scan3A_258) -> (i32)  : i32 {
      %dma_wait3A_441 = arith.constant 0 : i32
      %dma_wait3A_442 = arith.constant 0 : i32
      %dma_wait3A_443 = tpu.memref_slice %arg2[%dma_wait3A_441, %dma_wait3A_442] : memref<10000x144xf32, #tpu.memory_space<hbm>> -> memref<125x144xf32, #tpu.memory_space<hbm>>
      %dma_wait3A_444 = arith.constant 0 : i32
      %dma_wait3A_445 = arith.constant 0 : i32
      %dma_wait3A_446 = tpu.memref_slice %arg2[%dma_wait3A_444, %dma_wait3A_445] : memref<10000x144xf32, #tpu.memory_space<hbm>> -> memref<125x144xf32, #tpu.memory_space<hbm>>
      tpu.wait_dma2 semaphore(%arg16 : memref<!tpu.dma_semaphore, #tpu.memory_space<semaphore_mem>>) src(%dma_wait3A_446 : memref<125x144xf32, #tpu.memory_space<hbm>>) dst(%arg11 : memref<125x144xf32, #tpu.memory_space<vmem>>)
      %dma_wait3A_447 = arith.constant 0 : i32
      %dma_wait3A_448 = arith.constant 0 : i32
      %dma_wait3A_449 = tpu.memref_slice %arg3[%dma_wait3A_447, %dma_wait3A_448] : memref<10000x16xf32, #tpu.memory_space<hbm>> -> memref<125x16xf32, #tpu.memory_space<hbm>>
      %dma_wait3A_450 = arith.constant 0 : i32
      %dma_wait3A_451 = arith.constant 0 : i32
      %dma_wait3A_452 = tpu.memref_slice %arg3[%dma_wait3A_450, %dma_wait3A_451] : memref<10000x16xf32, #tpu.memory_space<hbm>> -> memref<125x16xf32, #tpu.memory_space<hbm>>
      tpu.wait_dma2 semaphore(%arg17 : memref<!tpu.dma_semaphore, #tpu.memory_space<semaphore_mem>>) src(%dma_wait3A_452 : memref<125x16xf32, #tpu.memory_space<hbm>>) dst(%arg13 : memref<125x16xf32, #tpu.memory_space<vmem>>)
      %mul3A_453 = arith.constant 2 : i32
      %mul3A_454 = arith.muli %mul3A_453, %scan3A_439 : i32
      %add3A_455 = arith.constant 1 : i32
      %add3A_456 = arith.addi %mul3A_454, %add3A_455 : i32
      %mul3A_457 = arith.constant 2 : i32
      %mul3A_458 = arith.muli %mul3A_457, %add3A_456 : i32
      %add3A_459 = arith.addi %mul3A_2, %mul3A_458 : i32
      %dma_start3A_460 = arith.constant 0 : i32
      %dma_start3A_461 = tpu.memref_slice %arg4[%add3A_459, %dma_start3A_460] : memref<2560x125xi32, #tpu.memory_space<hbm>> -> memref<2x125xi32, #tpu.memory_space<hbm>>
      %dma_start3A_462 = arith.constant 0 : i32
      %dma_start3A_463 = tpu.memref_slice %arg4[%add3A_459, %dma_start3A_462] : memref<2560x125xi32, #tpu.memory_space<hbm>> -> memref<2x125xi32, #tpu.memory_space<hbm>>
      tpu.enqueue_dma source(%dma_start3A_463 : memref<2x125xi32, #tpu.memory_space<hbm>>) target(%arg9 : memref<2x125xi32, #tpu.memory_space<vmem>>) target_semaphore(%arg21 : memref<!tpu.dma_semaphore, #tpu.memory_space<semaphore_mem>>)
      %mul3A_464 = arith.constant 2 : i32
      %mul3A_465 = arith.muli %mul3A_464, %add3A_456 : i32
      %add3A_466 = arith.addi %mul3A_2, %mul3A_465 : i32
      %dma_start3A_467 = arith.constant 0 : i32
      %dma_start3A_468 = tpu.memref_slice %arg5[%add3A_466, %dma_start3A_467] : memref<2560x125xi32, #tpu.memory_space<hbm>> -> memref<2x125xi32, #tpu.memory_space<hbm>>
      %dma_start3A_469 = arith.constant 0 : i32
      %dma_start3A_470 = tpu.memref_slice %arg5[%add3A_466, %dma_start3A_469] : memref<2560x125xi32, #tpu.memory_space<hbm>> -> memref<2x125xi32, #tpu.memory_space<hbm>>
      tpu.enqueue_dma source(%dma_start3A_470 : memref<2x125xi32, #tpu.memory_space<hbm>>) target(%arg10 : memref<2x125xi32, #tpu.memory_space<vmem>>) target_semaphore(%arg21 : memref<!tpu.dma_semaphore, #tpu.memory_space<semaphore_mem>>)
      %dma_start3A_471 = arith.constant 1 : i32
      %dma_start3A_472 = arith.constant 0 : i32
      %dma_start3A_473 = tpu.memref_slice %arg7[%dma_start3A_471, %dma_start3A_472] : memref<2x125xi32, #tpu.memory_space<vmem>> -> memref<1x125xi32, #tpu.memory_space<vmem>>
      %dma_start3A_474 = tpu.memref_squeeze %dma_start3A_473 : memref<1x125xi32, #tpu.memory_space<vmem>> -> memref<125xi32, #tpu.memory_space<vmem>>
      %dma_start3A_475 = arith.constant 0 : i32
      %dma_start3A_476 = arith.constant 0 : i32
      %dma_start3A_477 = tpu.memref_slice %arg2[%dma_start3A_475, %dma_start3A_476] : memref<10000x144xf32, #tpu.memory_space<hbm>> -> memref<10000x144xf32, #tpu.memory_space<hbm>>
      tpu.enqueue_indirect_dma source(%dma_start3A_477 : memref<10000x144xf32, #tpu.memory_space<hbm>>) target(%arg12 : memref<125x144xf32, #tpu.memory_space<vmem>>) offsets(%dma_start3A_474 : memref<125xi32, #tpu.memory_space<vmem>>) semaphore(%arg18 : memref<!tpu.dma_semaphore, #tpu.memory_space<semaphore_mem>>)
      %dma_start3A_478 = arith.constant 1 : i32
      %dma_start3A_479 = arith.constant 0 : i32
      %dma_start3A_480 = tpu.memref_slice %arg8[%dma_start3A_478, %dma_start3A_479] : memref<2x125xi32, #tpu.memory_space<vmem>> -> memref<1x125xi32, #tpu.memory_space<vmem>>
      %dma_start3A_481 = tpu.memref_squeeze %dma_start3A_480 : memref<1x125xi32, #tpu.memory_space<vmem>> -> memref<125xi32, #tpu.memory_space<vmem>>
      %dma_start3A_482 = arith.constant 0 : i32
      %dma_start3A_483 = arith.constant 0 : i32
      %dma_start3A_484 = tpu.memref_slice %arg3[%dma_start3A_482, %dma_start3A_483] : memref<10000x16xf32, #tpu.memory_space<hbm>> -> memref<10000x16xf32, #tpu.memory_space<hbm>>
      tpu.enqueue_indirect_dma source(%dma_start3A_484 : memref<10000x16xf32, #tpu.memory_space<hbm>>) target(%arg14 : memref<125x16xf32, #tpu.memory_space<vmem>>) offsets(%dma_start3A_481 : memref<125xi32, #tpu.memory_space<vmem>>) semaphore(%arg19 : memref<!tpu.dma_semaphore, #tpu.memory_space<semaphore_mem>>)
      %parallel_loop3A_485 = arith.constant 0 : i32
      %parallel_loop3A_486 = arith.constant 125 : i32
      %parallel_loop3A_487 = arith.constant 1 : i32
      scf.for %parallel_loop3A_661 = %parallel_loop3A_485 to %parallel_loop3A_486 step %parallel_loop3A_487  : i32 {
        %parallel_loop3A_662 = arith.index_cast %parallel_loop3A_661 : i32 to index
        %parallel_loop3A_663 = arith.constant 128 : index
        %parallel_loop3A_664 = tpu.vector_load %arg11[%parallel_loop3A_662, %parallel_loop3A_663] {strides = array<i32>} : memref<125x144xf32, #tpu.memory_space<vmem>>, vector<1x16xf32>,
        %parallel_loop3A_665 = vector.shape_cast %parallel_loop3A_664 : vector<1x16xf32> to vector<16xf32>
        %parallel_loop3A_666 = arith.index_cast %parallel_loop3A_661 : i32 to index
        %parallel_loop3A_667 = arith.constant 0 : index
        %parallel_loop3A_668 = tpu.vector_load %arg13[%parallel_loop3A_666, %parallel_loop3A_667] {strides = array<i32>} : memref<125x16xf32, #tpu.memory_space<vmem>>, vector<1x16xf32>,
        %parallel_loop3A_669 = vector.shape_cast %parallel_loop3A_668 : vector<1x16xf32> to vector<16xf32>
        %parallel_loop3A_670 = arith.addf %parallel_loop3A_665, %parallel_loop3A_669 : vector<16xf32>
        %parallel_loop3A_671 = arith.constant 2.000000e-01 : f32
        %parallel_loop3A_672 = vector.broadcast %parallel_loop3A_671 : f32 to vector<16xf32>
        %parallel_loop3A_673 = arith.mulf %parallel_loop3A_670, %parallel_loop3A_672 : vector<16xf32>
        %parallel_loop3A_674 = arith.maximumf %parallel_loop3A_670, %parallel_loop3A_673 : vector<16xf32>
        %parallel_loop3A_675 = math.exp %parallel_loop3A_674 : vector<16xf32>
        %parallel_loop3A_676 = arith.index_cast %parallel_loop3A_661 : i32 to index
        %parallel_loop3A_677 = arith.constant 128 : index
        %parallel_loop3A_678 = tpu.vector_load %arg11[%parallel_loop3A_676, %parallel_loop3A_677] {strides = array<i32>} : memref<125x144xf32, #tpu.memory_space<vmem>>, vector<1x16xf32>,
        %parallel_loop3A_679 = vector.shape_cast %parallel_loop3A_678 : vector<1x16xf32> to vector<16xf32>
        %parallel_loop3A_680 = vector.shape_cast %parallel_loop3A_675 : vector<16xf32> to vector<1x16xf32>
        tpu.vector_store %arg11[%parallel_loop3A_676, %parallel_loop3A_677], %parallel_loop3A_680 {strides = array<i32>} : memref<125x144xf32, #tpu.memory_space<vmem>>, vector<1x16xf32>,
        %parallel_loop3A_681 = arith.constant 0 : i32
        %parallel_loop3A_682 = vector.broadcast %parallel_loop3A_681 : i32 to vector<16x1xi32>
        %parallel_loop3A_683 = vector.shape_cast %parallel_loop3A_682 : vector<16x1xi32> to vector<16xi32>
        %parallel_loop3A_684 = tpu.dynamic_gather %parallel_loop3A_675[%parallel_loop3A_683] in [0] : vector<16xf32>, vector<16xi32> -> vector<16xf32>
        %parallel_loop3A_685 = arith.index_cast %parallel_loop3A_661 : i32 to index
        %parallel_loop3A_686 = arith.constant 0 : index
        %parallel_loop3A_687 = tpu.vector_load %arg11[%parallel_loop3A_685, %parallel_loop3A_686] {strides = array<i32>} : memref<125x144xf32, #tpu.memory_space<vmem>>, vector<1x16xf32>,
        %parallel_loop3A_688 = vector.shape_cast %parallel_loop3A_687 : vector<1x16xf32> to vector<16xf32>
        %parallel_loop3A_689 = arith.mulf %parallel_loop3A_688, %parallel_loop3A_684 : vector<16xf32>
        %parallel_loop3A_690 = arith.index_cast %parallel_loop3A_661 : i32 to index
        %parallel_loop3A_691 = arith.constant 0 : index
        %parallel_loop3A_692 = tpu.vector_load %arg11[%parallel_loop3A_690, %parallel_loop3A_691] {strides = array<i32>} : memref<125x144xf32, #tpu.memory_space<vmem>>, vector<1x16xf32>,
        %parallel_loop3A_693 = vector.shape_cast %parallel_loop3A_692 : vector<1x16xf32> to vector<16xf32>
        %parallel_loop3A_694 = vector.shape_cast %parallel_loop3A_689 : vector<16xf32> to vector<1x16xf32>
        tpu.vector_store %arg11[%parallel_loop3A_690, %parallel_loop3A_691], %parallel_loop3A_694 {strides = array<i32>} : memref<125x144xf32, #tpu.memory_space<vmem>>, vector<1x16xf32>,
        %parallel_loop3A_695 = arith.constant 1 : i32
        %parallel_loop3A_696 = vector.broadcast %parallel_loop3A_695 : i32 to vector<16x1xi32>
        %parallel_loop3A_697 = vector.shape_cast %parallel_loop3A_696 : vector<16x1xi32> to vector<16xi32>
        %parallel_loop3A_698 = tpu.dynamic_gather %parallel_loop3A_675[%parallel_loop3A_697] in [0] : vector<16xf32>, vector<16xi32> -> vector<16xf32>
        %parallel_loop3A_699 = arith.index_cast %parallel_loop3A_661 : i32 to index
        %parallel_loop3A_700 = arith.constant 16 : index
        %parallel_loop3A_701 = tpu.vector_load %arg11[%parallel_loop3A_699, %parallel_loop3A_700] {strides = array<i32>} : memref<125x144xf32, #tpu.memory_space<vmem>>, vector<1x16xf32>,
        %parallel_loop3A_702 = vector.shape_cast %parallel_loop3A_701 : vector<1x16xf32> to vector<16xf32>
        %parallel_loop3A_703 = arith.mulf %parallel_loop3A_702, %parallel_loop3A_698 : vector<16xf32>
        %parallel_loop3A_704 = arith.index_cast %parallel_loop3A_661 : i32 to index
        %parallel_loop3A_705 = arith.constant 16 : index
        %parallel_loop3A_706 = tpu.vector_load %arg11[%parallel_loop3A_704, %parallel_loop3A_705] {strides = array<i32>} : memref<125x144xf32, #tpu.memory_space<vmem>>, vector<1x16xf32>,
        %parallel_loop3A_707 = vector.shape_cast %parallel_loop3A_706 : vector<1x16xf32> to vector<16xf32>
        %parallel_loop3A_708 = vector.shape_cast %parallel_loop3A_703 : vector<16xf32> to vector<1x16xf32>
        tpu.vector_store %arg11[%parallel_loop3A_704, %parallel_loop3A_705], %parallel_loop3A_708 {strides = array<i32>} : memref<125x144xf32, #tpu.memory_space<vmem>>, vector<1x16xf32>,
        %parallel_loop3A_709 = arith.constant 2 : i32
        %parallel_loop3A_710 = vector.broadcast %parallel_loop3A_709 : i32 to vector<16x1xi32>
        %parallel_loop3A_711 = vector.shape_cast %parallel_loop3A_710 : vector<16x1xi32> to vector<16xi32>
        %parallel_loop3A_712 = tpu.dynamic_gather %parallel_loop3A_675[%parallel_loop3A_711] in [0] : vector<16xf32>, vector<16xi32> -> vector<16xf32>
        %parallel_loop3A_713 = arith.index_cast %parallel_loop3A_661 : i32 to index
        %parallel_loop3A_714 = arith.constant 32 : index
        %parallel_loop3A_715 = tpu.vector_load %arg11[%parallel_loop3A_713, %parallel_loop3A_714] {strides = array<i32>} : memref<125x144xf32, #tpu.memory_space<vmem>>, vector<1x16xf32>,
        %parallel_loop3A_716 = vector.shape_cast %parallel_loop3A_715 : vector<1x16xf32> to vector<16xf32>
        %parallel_loop3A_717 = arith.mulf %parallel_loop3A_716, %parallel_loop3A_712 : vector<16xf32>
        %parallel_loop3A_718 = arith.index_cast %parallel_loop3A_661 : i32 to index
        %parallel_loop3A_719 = arith.constant 32 : index
        %parallel_loop3A_720 = tpu.vector_load %arg11[%parallel_loop3A_718, %parallel_loop3A_719] {strides = array<i32>} : memref<125x144xf32, #tpu.memory_space<vmem>>, vector<1x16xf32>,
        %parallel_loop3A_721 = vector.shape_cast %parallel_loop3A_720 : vector<1x16xf32> to vector<16xf32>
        %parallel_loop3A_722 = vector.shape_cast %parallel_loop3A_717 : vector<16xf32> to vector<1x16xf32>
        tpu.vector_store %arg11[%parallel_loop3A_718, %parallel_loop3A_719], %parallel_loop3A_722 {strides = array<i32>} : memref<125x144xf32, #tpu.memory_space<vmem>>, vector<1x16xf32>,
        %parallel_loop3A_723 = arith.constant 3 : i32
        %parallel_loop3A_724 = vector.broadcast %parallel_loop3A_723 : i32 to vector<16x1xi32>
        %parallel_loop3A_725 = vector.shape_cast %parallel_loop3A_724 : vector<16x1xi32> to vector<16xi32>
        %parallel_loop3A_726 = tpu.dynamic_gather %parallel_loop3A_675[%parallel_loop3A_725] in [0] : vector<16xf32>, vector<16xi32> -> vector<16xf32>
        %parallel_loop3A_727 = arith.index_cast %parallel_loop3A_661 : i32 to index
        %parallel_loop3A_728 = arith.constant 48 : index
        %parallel_loop3A_729 = tpu.vector_load %arg11[%parallel_loop3A_727, %parallel_loop3A_728] {strides = array<i32>} : memref<125x144xf32, #tpu.memory_space<vmem>>, vector<1x16xf32>,
        %parallel_loop3A_730 = vector.shape_cast %parallel_loop3A_729 : vector<1x16xf32> to vector<16xf32>
        %parallel_loop3A_731 = arith.mulf %parallel_loop3A_730, %parallel_loop3A_726 : vector<16xf32>
        %parallel_loop3A_732 = arith.index_cast %parallel_loop3A_661 : i32 to index
        %parallel_loop3A_733 = arith.constant 48 : index
        %parallel_loop3A_734 = tpu.vector_load %arg11[%parallel_loop3A_732, %parallel_loop3A_733] {strides = array<i32>} : memref<125x144xf32, #tpu.memory_space<vmem>>, vector<1x16xf32>,
        %parallel_loop3A_735 = vector.shape_cast %parallel_loop3A_734 : vector<1x16xf32> to vector<16xf32>
        %parallel_loop3A_736 = vector.shape_cast %parallel_loop3A_731 : vector<16xf32> to vector<1x16xf32>
        tpu.vector_store %arg11[%parallel_loop3A_732, %parallel_loop3A_733], %parallel_loop3A_736 {strides = array<i32>} : memref<125x144xf32, #tpu.memory_space<vmem>>, vector<1x16xf32>,
        %parallel_loop3A_737 = arith.constant 4 : i32
        %parallel_loop3A_738 = vector.broadcast %parallel_loop3A_737 : i32 to vector<16x1xi32>
        %parallel_loop3A_739 = vector.shape_cast %parallel_loop3A_738 : vector<16x1xi32> to vector<16xi32>
        %parallel_loop3A_740 = tpu.dynamic_gather %parallel_loop3A_675[%parallel_loop3A_739] in [0] : vector<16xf32>, vector<16xi32> -> vector<16xf32>
        %parallel_loop3A_741 = arith.index_cast %parallel_loop3A_661 : i32 to index
        %parallel_loop3A_742 = arith.constant 64 : index
        %parallel_loop3A_743 = tpu.vector_load %arg11[%parallel_loop3A_741, %parallel_loop3A_742] {strides = array<i32>} : memref<125x144xf32, #tpu.memory_space<vmem>>, vector<1x16xf32>,
        %parallel_loop3A_744 = vector.shape_cast %parallel_loop3A_743 : vector<1x16xf32> to vector<16xf32>
        %parallel_loop3A_745 = arith.mulf %parallel_loop3A_744, %parallel_loop3A_740 : vector<16xf32>
        %parallel_loop3A_746 = arith.index_cast %parallel_loop3A_661 : i32 to index
        %parallel_loop3A_747 = arith.constant 64 : index
        %parallel_loop3A_748 = tpu.vector_load %arg11[%parallel_loop3A_746, %parallel_loop3A_747] {strides = array<i32>} : memref<125x144xf32, #tpu.memory_space<vmem>>, vector<1x16xf32>,
        %parallel_loop3A_749 = vector.shape_cast %parallel_loop3A_748 : vector<1x16xf32> to vector<16xf32>
        %parallel_loop3A_750 = vector.shape_cast %parallel_loop3A_745 : vector<16xf32> to vector<1x16xf32>
        tpu.vector_store %arg11[%parallel_loop3A_746, %parallel_loop3A_747], %parallel_loop3A_750 {strides = array<i32>} : memref<125x144xf32, #tpu.memory_space<vmem>>, vector<1x16xf32>,
        %parallel_loop3A_751 = arith.constant 5 : i32
        %parallel_loop3A_752 = vector.broadcast %parallel_loop3A_751 : i32 to vector<16x1xi32>
        %parallel_loop3A_753 = vector.shape_cast %parallel_loop3A_752 : vector<16x1xi32> to vector<16xi32>
        %parallel_loop3A_754 = tpu.dynamic_gather %parallel_loop3A_675[%parallel_loop3A_753] in [0] : vector<16xf32>, vector<16xi32> -> vector<16xf32>
        %parallel_loop3A_755 = arith.index_cast %parallel_loop3A_661 : i32 to index
        %parallel_loop3A_756 = arith.constant 80 : index
        %parallel_loop3A_757 = tpu.vector_load %arg11[%parallel_loop3A_755, %parallel_loop3A_756] {strides = array<i32>} : memref<125x144xf32, #tpu.memory_space<vmem>>, vector<1x16xf32>,
        %parallel_loop3A_758 = vector.shape_cast %parallel_loop3A_757 : vector<1x16xf32> to vector<16xf32>
        %parallel_loop3A_759 = arith.mulf %parallel_loop3A_758, %parallel_loop3A_754 : vector<16xf32>
        %parallel_loop3A_760 = arith.index_cast %parallel_loop3A_661 : i32 to index
        %parallel_loop3A_761 = arith.constant 80 : index
        %parallel_loop3A_762 = tpu.vector_load %arg11[%parallel_loop3A_760, %parallel_loop3A_761] {strides = array<i32>} : memref<125x144xf32, #tpu.memory_space<vmem>>, vector<1x16xf32>,
        %parallel_loop3A_763 = vector.shape_cast %parallel_loop3A_762 : vector<1x16xf32> to vector<16xf32>
        %parallel_loop3A_764 = vector.shape_cast %parallel_loop3A_759 : vector<16xf32> to vector<1x16xf32>
        tpu.vector_store %arg11[%parallel_loop3A_760, %parallel_loop3A_761], %parallel_loop3A_764 {strides = array<i32>} : memref<125x144xf32, #tpu.memory_space<vmem>>, vector<1x16xf32>,
        %parallel_loop3A_765 = arith.constant 6 : i32
        %parallel_loop3A_766 = vector.broadcast %parallel_loop3A_765 : i32 to vector<16x1xi32>
        %parallel_loop3A_767 = vector.shape_cast %parallel_loop3A_766 : vector<16x1xi32> to vector<16xi32>
        %parallel_loop3A_768 = tpu.dynamic_gather %parallel_loop3A_675[%parallel_loop3A_767] in [0] : vector<16xf32>, vector<16xi32> -> vector<16xf32>
        %parallel_loop3A_769 = arith.index_cast %parallel_loop3A_661 : i32 to index
        %parallel_loop3A_770 = arith.constant 96 : index
        %parallel_loop3A_771 = tpu.vector_load %arg11[%parallel_loop3A_769, %parallel_loop3A_770] {strides = array<i32>} : memref<125x144xf32, #tpu.memory_space<vmem>>, vector<1x16xf32>,
        %parallel_loop3A_772 = vector.shape_cast %parallel_loop3A_771 : vector<1x16xf32> to vector<16xf32>
        %parallel_loop3A_773 = arith.mulf %parallel_loop3A_772, %parallel_loop3A_768 : vector<16xf32>
        %parallel_loop3A_774 = arith.index_cast %parallel_loop3A_661 : i32 to index
        %parallel_loop3A_775 = arith.constant 96 : index
        %parallel_loop3A_776 = tpu.vector_load %arg11[%parallel_loop3A_774, %parallel_loop3A_775] {strides = array<i32>} : memref<125x144xf32, #tpu.memory_space<vmem>>, vector<1x16xf32>,
        %parallel_loop3A_777 = vector.shape_cast %parallel_loop3A_776 : vector<1x16xf32> to vector<16xf32>
        %parallel_loop3A_778 = vector.shape_cast %parallel_loop3A_773 : vector<16xf32> to vector<1x16xf32>
        tpu.vector_store %arg11[%parallel_loop3A_774, %parallel_loop3A_775], %parallel_loop3A_778 {strides = array<i32>} : memref<125x144xf32, #tpu.memory_space<vmem>>, vector<1x16xf32>,
        %parallel_loop3A_779 = arith.constant 7 : i32
        %parallel_loop3A_780 = vector.broadcast %parallel_loop3A_779 : i32 to vector<16x1xi32>
        %parallel_loop3A_781 = vector.shape_cast %parallel_loop3A_780 : vector<16x1xi32> to vector<16xi32>
        %parallel_loop3A_782 = tpu.dynamic_gather %parallel_loop3A_675[%parallel_loop3A_781] in [0] : vector<16xf32>, vector<16xi32> -> vector<16xf32>
        %parallel_loop3A_783 = arith.index_cast %parallel_loop3A_661 : i32 to index
        %parallel_loop3A_784 = arith.constant 112 : index
        %parallel_loop3A_785 = tpu.vector_load %arg11[%parallel_loop3A_783, %parallel_loop3A_784] {strides = array<i32>} : memref<125x144xf32, #tpu.memory_space<vmem>>, vector<1x16xf32>,
        %parallel_loop3A_786 = vector.shape_cast %parallel_loop3A_785 : vector<1x16xf32> to vector<16xf32>
        %parallel_loop3A_787 = arith.mulf %parallel_loop3A_786, %parallel_loop3A_782 : vector<16xf32>
        %parallel_loop3A_788 = arith.index_cast %parallel_loop3A_661 : i32 to index
        %parallel_loop3A_789 = arith.constant 112 : index
        %parallel_loop3A_790 = tpu.vector_load %arg11[%parallel_loop3A_788, %parallel_loop3A_789] {strides = array<i32>} : memref<125x144xf32, #tpu.memory_space<vmem>>, vector<1x16xf32>,
        %parallel_loop3A_791 = vector.shape_cast %parallel_loop3A_790 : vector<1x16xf32> to vector<16xf32>
        %parallel_loop3A_792 = vector.shape_cast %parallel_loop3A_787 : vector<16xf32> to vector<1x16xf32>
        tpu.vector_store %arg11[%parallel_loop3A_788, %parallel_loop3A_789], %parallel_loop3A_792 {strides = array<i32>} : memref<125x144xf32, #tpu.memory_space<vmem>>, vector<1x16xf32>,
      } {sc.loop_unroll_factor = 2 : i64, sc.parallel_access}
      %dma_start3A_488 = arith.constant 0 : i32
      %dma_start3A_489 = arith.constant 0 : i32
      %dma_start3A_490 = tpu.memref_slice %arg8[%dma_start3A_488, %dma_start3A_489] : memref<2x125xi32, #tpu.memory_space<vmem>> -> memref<1x125xi32, #tpu.memory_space<vmem>>
      %dma_start3A_491 = tpu.memref_squeeze %dma_start3A_490 : memref<1x125xi32, #tpu.memory_space<vmem>> -> memref<125xi32, #tpu.memory_space<vmem>>
      %dma_start3A_492 = arith.constant 0 : i32
      %dma_start3A_493 = arith.constant 0 : i32
      %dma_start3A_494 = tpu.memref_slice %arg15[%dma_start3A_492, %dma_start3A_493] : memref<10000x144xf32, #tpu.memory_space<vmem_shared>> -> memref<10000x144xf32, #tpu.memory_space<vmem_shared>>
      tpu.enqueue_indirect_dma source(%arg11 : memref<125x144xf32, #tpu.memory_space<vmem>>) target(%dma_start3A_494 : memref<10000x144xf32, #tpu.memory_space<vmem_shared>>) offsets(%dma_start3A_491 : memref<125xi32, #tpu.memory_space<vmem>>) semaphore(%arg22 : memref<!tpu.dma_semaphore, #tpu.memory_space<semaphore_mem>>) {add = true}
      %dma_wait3A_495 = arith.constant 0 : i32
      %dma_wait3A_496 = arith.constant 0 : i32
      %dma_wait3A_497 = tpu.memref_slice %arg2[%dma_wait3A_495, %dma_wait3A_496] : memref<10000x144xf32, #tpu.memory_space<hbm>> -> memref<125x144xf32, #tpu.memory_space<hbm>>
      %dma_wait3A_498 = arith.constant 0 : i32
      %dma_wait3A_499 = arith.constant 0 : i32
      %dma_wait3A_500 = tpu.memref_slice %arg2[%dma_wait3A_498, %dma_wait3A_499] : memref<10000x144xf32, #tpu.memory_space<hbm>> -> memref<125x144xf32, #tpu.memory_space<hbm>>
      tpu.wait_dma2 semaphore(%arg18 : memref<!tpu.dma_semaphore, #tpu.memory_space<semaphore_mem>>) src(%dma_wait3A_500 : memref<125x144xf32, #tpu.memory_space<hbm>>) dst(%arg12 : memref<125x144xf32, #tpu.memory_space<vmem>>)
      %dma_wait3A_501 = arith.constant 0 : i32
      %dma_wait3A_502 = arith.constant 0 : i32
      %dma_wait3A_503 = tpu.memref_slice %arg3[%dma_wait3A_501, %dma_wait3A_502] : memref<10000x16xf32, #tpu.memory_space<hbm>> -> memref<125x16xf32, #tpu.memory_space<hbm>>
      %dma_wait3A_504 = arith.constant 0 : i32
      %dma_wait3A_505 = arith.constant 0 : i32
      %dma_wait3A_506 = tpu.memref_slice %arg3[%dma_wait3A_504, %dma_wait3A_505] : memref<10000x16xf32, #tpu.memory_space<hbm>> -> memref<125x16xf32, #tpu.memory_space<hbm>>
      tpu.wait_dma2 semaphore(%arg19 : memref<!tpu.dma_semaphore, #tpu.memory_space<semaphore_mem>>) src(%dma_wait3A_506 : memref<125x16xf32, #tpu.memory_space<hbm>>) dst(%arg14 : memref<125x16xf32, #tpu.memory_space<vmem>>)
      %dma_wait3A_507 = arith.constant 0 : i32
      %dma_wait3A_508 = arith.constant 0 : i32
      %dma_wait3A_509 = tpu.memref_slice %arg4[%dma_wait3A_507, %dma_wait3A_508] : memref<2560x125xi32, #tpu.memory_space<hbm>> -> memref<2x125xi32, #tpu.memory_space<hbm>>
      %dma_wait3A_510 = arith.constant 0 : i32
      %dma_wait3A_511 = arith.constant 0 : i32
      %dma_wait3A_512 = tpu.memref_slice %arg4[%dma_wait3A_510, %dma_wait3A_511] : memref<2560x125xi32, #tpu.memory_space<hbm>> -> memref<2x125xi32, #tpu.memory_space<hbm>>
      tpu.wait_dma2 semaphore(%arg21 : memref<!tpu.dma_semaphore, #tpu.memory_space<semaphore_mem>>) src(%dma_wait3A_512 : memref<2x125xi32, #tpu.memory_space<hbm>>) dst(%arg9 : memref<2x125xi32, #tpu.memory_space<vmem>>)
      %dma_wait3A_513 = arith.constant 0 : i32
      %dma_wait3A_514 = arith.constant 0 : i32
      %dma_wait3A_515 = tpu.memref_slice %arg4[%dma_wait3A_513, %dma_wait3A_514] : memref<2560x125xi32, #tpu.memory_space<hbm>> -> memref<2x125xi32, #tpu.memory_space<hbm>>
      %dma_wait3A_516 = arith.constant 0 : i32
      %dma_wait3A_517 = arith.constant 0 : i32
      %dma_wait3A_518 = tpu.memref_slice %arg4[%dma_wait3A_516, %dma_wait3A_517] : memref<2560x125xi32, #tpu.memory_space<hbm>> -> memref<2x125xi32, #tpu.memory_space<hbm>>
      tpu.wait_dma2 semaphore(%arg21 : memref<!tpu.dma_semaphore, #tpu.memory_space<semaphore_mem>>) src(%dma_wait3A_518 : memref<2x125xi32, #tpu.memory_space<hbm>>) dst(%arg10 : memref<2x125xi32, #tpu.memory_space<vmem>>)
      %dma_wait3A_519 = arith.constant 0 : i32
      %dma_wait3A_520 = arith.constant 0 : i32
      %dma_wait3A_521 = tpu.memref_slice %arg8[%dma_wait3A_519, %dma_wait3A_520] : memref<2x125xi32, #tpu.memory_space<vmem>> -> memref<1x125xi32, #tpu.memory_space<vmem>>
      %dma_wait3A_522 = tpu.memref_squeeze %dma_wait3A_521 : memref<1x125xi32, #tpu.memory_space<vmem>> -> memref<125xi32, #tpu.memory_space<vmem>>
      %dma_wait3A_523 = arith.constant 0 : i32
      %dma_wait3A_524 = arith.constant 0 : i32
      %dma_wait3A_525 = tpu.memref_slice %arg15[%dma_wait3A_523, %dma_wait3A_524] : memref<10000x144xf32, #tpu.memory_space<vmem_shared>> -> memref<10000x144xf32, #tpu.memory_space<vmem_shared>>
      tpu.wait_indirect_dma semaphore(%arg22 : memref<!tpu.dma_semaphore, #tpu.memory_space<semaphore_mem>>) src(%arg11 : memref<125x144xf32, #tpu.memory_space<vmem>>) dst(%dma_wait3A_525 : memref<10000x144xf32, #tpu.memory_space<vmem_shared>>)
      %dma_start3A_526 = arith.constant 0 : i32
      %dma_start3A_527 = arith.constant 0 : i32
      %dma_start3A_528 = tpu.memref_slice %arg9[%dma_start3A_526, %dma_start3A_527] : memref<2x125xi32, #tpu.memory_space<vmem>> -> memref<1x125xi32, #tpu.memory_space<vmem>>
      %dma_start3A_529 = tpu.memref_squeeze %dma_start3A_528 : memref<1x125xi32, #tpu.memory_space<vmem>> -> memref<125xi32, #tpu.memory_space<vmem>>
      %dma_start3A_530 = arith.constant 0 : i32
      %dma_start3A_531 = arith.constant 0 : i32
      %dma_start3A_532 = tpu.memref_slice %arg2[%dma_start3A_530, %dma_start3A_531] : memref<10000x144xf32, #tpu.memory_space<hbm>> -> memref<10000x144xf32, #tpu.memory_space<hbm>>
      tpu.enqueue_indirect_dma source(%dma_start3A_532 : memref<10000x144xf32, #tpu.memory_space<hbm>>) target(%arg11 : memref<125x144xf32, #tpu.memory_space<vmem>>) offsets(%dma_start3A_529 : memref<125xi32, #tpu.memory_space<vmem>>) semaphore(%arg16 : memref<!tpu.dma_semaphore, #tpu.memory_space<semaphore_mem>>)
      %dma_start3A_533 = arith.constant 0 : i32
      %dma_start3A_534 = arith.constant 0 : i32
      %dma_start3A_535 = tpu.memref_slice %arg10[%dma_start3A_533, %dma_start3A_534] : memref<2x125xi32, #tpu.memory_space<vmem>> -> memref<1x125xi32, #tpu.memory_space<vmem>>
      %dma_start3A_536 = tpu.memref_squeeze %dma_start3A_535 : memref<1x125xi32, #tpu.memory_space<vmem>> -> memref<125xi32, #tpu.memory_space<vmem>>
      %dma_start3A_537 = arith.constant 0 : i32
      %dma_start3A_538 = arith.constant 0 : i32
      %dma_start3A_539 = tpu.memref_slice %arg3[%dma_start3A_537, %dma_start3A_538] : memref<10000x16xf32, #tpu.memory_space<hbm>> -> memref<10000x16xf32, #tpu.memory_space<hbm>>
      tpu.enqueue_indirect_dma source(%dma_start3A_539 : memref<10000x16xf32, #tpu.memory_space<hbm>>) target(%arg13 : memref<125x16xf32, #tpu.memory_space<vmem>>) offsets(%dma_start3A_536 : memref<125xi32, #tpu.memory_space<vmem>>) semaphore(%arg17 : memref<!tpu.dma_semaphore, #tpu.memory_space<semaphore_mem>>)
      %parallel_loop3A_540 = arith.constant 0 : i32
      %parallel_loop3A_541 = arith.constant 125 : i32
      %parallel_loop3A_542 = arith.constant 1 : i32
      scf.for %parallel_loop3A_661 = %parallel_loop3A_540 to %parallel_loop3A_541 step %parallel_loop3A_542  : i32 {
        %parallel_loop3A_662 = arith.index_cast %parallel_loop3A_661 : i32 to index
        %parallel_loop3A_663 = arith.constant 128 : index
        %parallel_loop3A_664 = tpu.vector_load %arg12[%parallel_loop3A_662, %parallel_loop3A_663] {strides = array<i32>} : memref<125x144xf32, #tpu.memory_space<vmem>>, vector<1x16xf32>,
        %parallel_loop3A_665 = vector.shape_cast %parallel_loop3A_664 : vector<1x16xf32> to vector<16xf32>
        %parallel_loop3A_666 = arith.index_cast %parallel_loop3A_661 : i32 to index
        %parallel_loop3A_667 = arith.constant 0 : index
        %parallel_loop3A_668 = tpu.vector_load %arg14[%parallel_loop3A_666, %parallel_loop3A_667] {strides = array<i32>} : memref<125x16xf32, #tpu.memory_space<vmem>>, vector<1x16xf32>,
        %parallel_loop3A_669 = vector.shape_cast %parallel_loop3A_668 : vector<1x16xf32> to vector<16xf32>
        %parallel_loop3A_670 = arith.addf %parallel_loop3A_665, %parallel_loop3A_669 : vector<16xf32>
        %parallel_loop3A_671 = arith.constant 2.000000e-01 : f32
        %parallel_loop3A_672 = vector.broadcast %parallel_loop3A_671 : f32 to vector<16xf32>
        %parallel_loop3A_673 = arith.mulf %parallel_loop3A_670, %parallel_loop3A_672 : vector<16xf32>
        %parallel_loop3A_674 = arith.maximumf %parallel_loop3A_670, %parallel_loop3A_673 : vector<16xf32>
        %parallel_loop3A_675 = math.exp %parallel_loop3A_674 : vector<16xf32>
        %parallel_loop3A_676 = arith.index_cast %parallel_loop3A_661 : i32 to index
        %parallel_loop3A_677 = arith.constant 128 : index
        %parallel_loop3A_678 = tpu.vector_load %arg12[%parallel_loop3A_676, %parallel_loop3A_677] {strides = array<i32>} : memref<125x144xf32, #tpu.memory_space<vmem>>, vector<1x16xf32>,
        %parallel_loop3A_679 = vector.shape_cast %parallel_loop3A_678 : vector<1x16xf32> to vector<16xf32>
        %parallel_loop3A_680 = vector.shape_cast %parallel_loop3A_675 : vector<16xf32> to vector<1x16xf32>
        tpu.vector_store %arg12[%parallel_loop3A_676, %parallel_loop3A_677], %parallel_loop3A_680 {strides = array<i32>} : memref<125x144xf32, #tpu.memory_space<vmem>>, vector<1x16xf32>,
        %parallel_loop3A_681 = arith.constant 0 : i32
        %parallel_loop3A_682 = vector.broadcast %parallel_loop3A_681 : i32 to vector<16x1xi32>
        %parallel_loop3A_683 = vector.shape_cast %parallel_loop3A_682 : vector<16x1xi32> to vector<16xi32>
        %parallel_loop3A_684 = tpu.dynamic_gather %parallel_loop3A_675[%parallel_loop3A_683] in [0] : vector<16xf32>, vector<16xi32> -> vector<16xf32>
        %parallel_loop3A_685 = arith.index_cast %parallel_loop3A_661 : i32 to index
        %parallel_loop3A_686 = arith.constant 0 : index
        %parallel_loop3A_687 = tpu.vector_load %arg12[%parallel_loop3A_685, %parallel_loop3A_686] {strides = array<i32>} : memref<125x144xf32, #tpu.memory_space<vmem>>, vector<1x16xf32>,
        %parallel_loop3A_688 = vector.shape_cast %parallel_loop3A_687 : vector<1x16xf32> to vector<16xf32>
        %parallel_loop3A_689 = arith.mulf %parallel_loop3A_688, %parallel_loop3A_684 : vector<16xf32>
        %parallel_loop3A_690 = arith.index_cast %parallel_loop3A_661 : i32 to index
        %parallel_loop3A_691 = arith.constant 0 : index
        %parallel_loop3A_692 = tpu.vector_load %arg12[%parallel_loop3A_690, %parallel_loop3A_691] {strides = array<i32>} : memref<125x144xf32, #tpu.memory_space<vmem>>, vector<1x16xf32>,
        %parallel_loop3A_693 = vector.shape_cast %parallel_loop3A_692 : vector<1x16xf32> to vector<16xf32>
        %parallel_loop3A_694 = vector.shape_cast %parallel_loop3A_689 : vector<16xf32> to vector<1x16xf32>
        tpu.vector_store %arg12[%parallel_loop3A_690, %parallel_loop3A_691], %parallel_loop3A_694 {strides = array<i32>} : memref<125x144xf32, #tpu.memory_space<vmem>>, vector<1x16xf32>,
        %parallel_loop3A_695 = arith.constant 1 : i32
        %parallel_loop3A_696 = vector.broadcast %parallel_loop3A_695 : i32 to vector<16x1xi32>
        %parallel_loop3A_697 = vector.shape_cast %parallel_loop3A_696 : vector<16x1xi32> to vector<16xi32>
        %parallel_loop3A_698 = tpu.dynamic_gather %parallel_loop3A_675[%parallel_loop3A_697] in [0] : vector<16xf32>, vector<16xi32> -> vector<16xf32>
        %parallel_loop3A_699 = arith.index_cast %parallel_loop3A_661 : i32 to index
        %parallel_loop3A_700 = arith.constant 16 : index
        %parallel_loop3A_701 = tpu.vector_load %arg12[%parallel_loop3A_699, %parallel_loop3A_700] {strides = array<i32>} : memref<125x144xf32, #tpu.memory_space<vmem>>, vector<1x16xf32>,
        %parallel_loop3A_702 = vector.shape_cast %parallel_loop3A_701 : vector<1x16xf32> to vector<16xf32>
        %parallel_loop3A_703 = arith.mulf %parallel_loop3A_702, %parallel_loop3A_698 : vector<16xf32>
        %parallel_loop3A_704 = arith.index_cast %parallel_loop3A_661 : i32 to index
        %parallel_loop3A_705 = arith.constant 16 : index
        %parallel_loop3A_706 = tpu.vector_load %arg12[%parallel_loop3A_704, %parallel_loop3A_705] {strides = array<i32>} : memref<125x144xf32, #tpu.memory_space<vmem>>, vector<1x16xf32>,
        %parallel_loop3A_707 = vector.shape_cast %parallel_loop3A_706 : vector<1x16xf32> to vector<16xf32>
        %parallel_loop3A_708 = vector.shape_cast %parallel_loop3A_703 : vector<16xf32> to vector<1x16xf32>
        tpu.vector_store %arg12[%parallel_loop3A_704, %parallel_loop3A_705], %parallel_loop3A_708 {strides = array<i32>} : memref<125x144xf32, #tpu.memory_space<vmem>>, vector<1x16xf32>,
        %parallel_loop3A_709 = arith.constant 2 : i32
        %parallel_loop3A_710 = vector.broadcast %parallel_loop3A_709 : i32 to vector<16x1xi32>
        %parallel_loop3A_711 = vector.shape_cast %parallel_loop3A_710 : vector<16x1xi32> to vector<16xi32>
        %parallel_loop3A_712 = tpu.dynamic_gather %parallel_loop3A_675[%parallel_loop3A_711] in [0] : vector<16xf32>, vector<16xi32> -> vector<16xf32>
        %parallel_loop3A_713 = arith.index_cast %parallel_loop3A_661 : i32 to index
        %parallel_loop3A_714 = arith.constant 32 : index
        %parallel_loop3A_715 = tpu.vector_load %arg12[%parallel_loop3A_713, %parallel_loop3A_714] {strides = array<i32>} : memref<125x144xf32, #tpu.memory_space<vmem>>, vector<1x16xf32>,
        %parallel_loop3A_716 = vector.shape_cast %parallel_loop3A_715 : vector<1x16xf32> to vector<16xf32>
        %parallel_loop3A_717 = arith.mulf %parallel_loop3A_716, %parallel_loop3A_712 : vector<16xf32>
        %parallel_loop3A_718 = arith.index_cast %parallel_loop3A_661 : i32 to index
        %parallel_loop3A_719 = arith.constant 32 : index
        %parallel_loop3A_720 = tpu.vector_load %arg12[%parallel_loop3A_718, %parallel_loop3A_719] {strides = array<i32>} : memref<125x144xf32, #tpu.memory_space<vmem>>, vector<1x16xf32>,
        %parallel_loop3A_721 = vector.shape_cast %parallel_loop3A_720 : vector<1x16xf32> to vector<16xf32>
        %parallel_loop3A_722 = vector.shape_cast %parallel_loop3A_717 : vector<16xf32> to vector<1x16xf32>
        tpu.vector_store %arg12[%parallel_loop3A_718, %parallel_loop3A_719], %parallel_loop3A_722 {strides = array<i32>} : memref<125x144xf32, #tpu.memory_space<vmem>>, vector<1x16xf32>,
        %parallel_loop3A_723 = arith.constant 3 : i32
        %parallel_loop3A_724 = vector.broadcast %parallel_loop3A_723 : i32 to vector<16x1xi32>
        %parallel_loop3A_725 = vector.shape_cast %parallel_loop3A_724 : vector<16x1xi32> to vector<16xi32>
        %parallel_loop3A_726 = tpu.dynamic_gather %parallel_loop3A_675[%parallel_loop3A_725] in [0] : vector<16xf32>, vector<16xi32> -> vector<16xf32>
        %parallel_loop3A_727 = arith.index_cast %parallel_loop3A_661 : i32 to index
        %parallel_loop3A_728 = arith.constant 48 : index
        %parallel_loop3A_729 = tpu.vector_load %arg12[%parallel_loop3A_727, %parallel_loop3A_728] {strides = array<i32>} : memref<125x144xf32, #tpu.memory_space<vmem>>, vector<1x16xf32>,
        %parallel_loop3A_730 = vector.shape_cast %parallel_loop3A_729 : vector<1x16xf32> to vector<16xf32>
        %parallel_loop3A_731 = arith.mulf %parallel_loop3A_730, %parallel_loop3A_726 : vector<16xf32>
        %parallel_loop3A_732 = arith.index_cast %parallel_loop3A_661 : i32 to index
        %parallel_loop3A_733 = arith.constant 48 : index
        %parallel_loop3A_734 = tpu.vector_load %arg12[%parallel_loop3A_732, %parallel_loop3A_733] {strides = array<i32>} : memref<125x144xf32, #tpu.memory_space<vmem>>, vector<1x16xf32>,
        %parallel_loop3A_735 = vector.shape_cast %parallel_loop3A_734 : vector<1x16xf32> to vector<16xf32>
        %parallel_loop3A_736 = vector.shape_cast %parallel_loop3A_731 : vector<16xf32> to vector<1x16xf32>
        tpu.vector_store %arg12[%parallel_loop3A_732, %parallel_loop3A_733], %parallel_loop3A_736 {strides = array<i32>} : memref<125x144xf32, #tpu.memory_space<vmem>>, vector<1x16xf32>,
        %parallel_loop3A_737 = arith.constant 4 : i32
        %parallel_loop3A_738 = vector.broadcast %parallel_loop3A_737 : i32 to vector<16x1xi32>
        %parallel_loop3A_739 = vector.shape_cast %parallel_loop3A_738 : vector<16x1xi32> to vector<16xi32>
        %parallel_loop3A_740 = tpu.dynamic_gather %parallel_loop3A_675[%parallel_loop3A_739] in [0] : vector<16xf32>, vector<16xi32> -> vector<16xf32>
        %parallel_loop3A_741 = arith.index_cast %parallel_loop3A_661 : i32 to index
        %parallel_loop3A_742 = arith.constant 64 : index
        %parallel_loop3A_743 = tpu.vector_load %arg12[%parallel_loop3A_741, %parallel_loop3A_742] {strides = array<i32>} : memref<125x144xf32, #tpu.memory_space<vmem>>, vector<1x16xf32>,
        %parallel_loop3A_744 = vector.shape_cast %parallel_loop3A_743 : vector<1x16xf32> to vector<16xf32>
        %parallel_loop3A_745 = arith.mulf %parallel_loop3A_744, %parallel_loop3A_740 : vector<16xf32>
        %parallel_loop3A_746 = arith.index_cast %parallel_loop3A_661 : i32 to index
        %parallel_loop3A_747 = arith.constant 64 : index
        %parallel_loop3A_748 = tpu.vector_load %arg12[%parallel_loop3A_746, %parallel_loop3A_747] {strides = array<i32>} : memref<125x144xf32, #tpu.memory_space<vmem>>, vector<1x16xf32>,
        %parallel_loop3A_749 = vector.shape_cast %parallel_loop3A_748 : vector<1x16xf32> to vector<16xf32>
        %parallel_loop3A_750 = vector.shape_cast %parallel_loop3A_745 : vector<16xf32> to vector<1x16xf32>
        tpu.vector_store %arg12[%parallel_loop3A_746, %parallel_loop3A_747], %parallel_loop3A_750 {strides = array<i32>} : memref<125x144xf32, #tpu.memory_space<vmem>>, vector<1x16xf32>,
        %parallel_loop3A_751 = arith.constant 5 : i32
        %parallel_loop3A_752 = vector.broadcast %parallel_loop3A_751 : i32 to vector<16x1xi32>
        %parallel_loop3A_753 = vector.shape_cast %parallel_loop3A_752 : vector<16x1xi32> to vector<16xi32>
        %parallel_loop3A_754 = tpu.dynamic_gather %parallel_loop3A_675[%parallel_loop3A_753] in [0] : vector<16xf32>, vector<16xi32> -> vector<16xf32>
        %parallel_loop3A_755 = arith.index_cast %parallel_loop3A_661 : i32 to index
        %parallel_loop3A_756 = arith.constant 80 : index
        %parallel_loop3A_757 = tpu.vector_load %arg12[%parallel_loop3A_755, %parallel_loop3A_756] {strides = array<i32>} : memref<125x144xf32, #tpu.memory_space<vmem>>, vector<1x16xf32>,
        %parallel_loop3A_758 = vector.shape_cast %parallel_loop3A_757 : vector<1x16xf32> to vector<16xf32>
        %parallel_loop3A_759 = arith.mulf %parallel_loop3A_758, %parallel_loop3A_754 : vector<16xf32>
        %parallel_loop3A_760 = arith.index_cast %parallel_loop3A_661 : i32 to index
        %parallel_loop3A_761 = arith.constant 80 : index
        %parallel_loop3A_762 = tpu.vector_load %arg12[%parallel_loop3A_760, %parallel_loop3A_761] {strides = array<i32>} : memref<125x144xf32, #tpu.memory_space<vmem>>, vector<1x16xf32>,
        %parallel_loop3A_763 = vector.shape_cast %parallel_loop3A_762 : vector<1x16xf32> to vector<16xf32>
        %parallel_loop3A_764 = vector.shape_cast %parallel_loop3A_759 : vector<16xf32> to vector<1x16xf32>
        tpu.vector_store %arg12[%parallel_loop3A_760, %parallel_loop3A_761], %parallel_loop3A_764 {strides = array<i32>} : memref<125x144xf32, #tpu.memory_space<vmem>>, vector<1x16xf32>,
        %parallel_loop3A_765 = arith.constant 6 : i32
        %parallel_loop3A_766 = vector.broadcast %parallel_loop3A_765 : i32 to vector<16x1xi32>
        %parallel_loop3A_767 = vector.shape_cast %parallel_loop3A_766 : vector<16x1xi32> to vector<16xi32>
        %parallel_loop3A_768 = tpu.dynamic_gather %parallel_loop3A_675[%parallel_loop3A_767] in [0] : vector<16xf32>, vector<16xi32> -> vector<16xf32>
        %parallel_loop3A_769 = arith.index_cast %parallel_loop3A_661 : i32 to index
        %parallel_loop3A_770 = arith.constant 96 : index
        %parallel_loop3A_771 = tpu.vector_load %arg12[%parallel_loop3A_769, %parallel_loop3A_770] {strides = array<i32>} : memref<125x144xf32, #tpu.memory_space<vmem>>, vector<1x16xf32>,
        %parallel_loop3A_772 = vector.shape_cast %parallel_loop3A_771 : vector<1x16xf32> to vector<16xf32>
        %parallel_loop3A_773 = arith.mulf %parallel_loop3A_772, %parallel_loop3A_768 : vector<16xf32>
        %parallel_loop3A_774 = arith.index_cast %parallel_loop3A_661 : i32 to index
        %parallel_loop3A_775 = arith.constant 96 : index
        %parallel_loop3A_776 = tpu.vector_load %arg12[%parallel_loop3A_774, %parallel_loop3A_775] {strides = array<i32>} : memref<125x144xf32, #tpu.memory_space<vmem>>, vector<1x16xf32>,
        %parallel_loop3A_777 = vector.shape_cast %parallel_loop3A_776 : vector<1x16xf32> to vector<16xf32>
        %parallel_loop3A_778 = vector.shape_cast %parallel_loop3A_773 : vector<16xf32> to vector<1x16xf32>
        tpu.vector_store %arg12[%parallel_loop3A_774, %parallel_loop3A_775], %parallel_loop3A_778 {strides = array<i32>} : memref<125x144xf32, #tpu.memory_space<vmem>>, vector<1x16xf32>,
        %parallel_loop3A_779 = arith.constant 7 : i32
        %parallel_loop3A_780 = vector.broadcast %parallel_loop3A_779 : i32 to vector<16x1xi32>
        %parallel_loop3A_781 = vector.shape_cast %parallel_loop3A_780 : vector<16x1xi32> to vector<16xi32>
        %parallel_loop3A_782 = tpu.dynamic_gather %parallel_loop3A_675[%parallel_loop3A_781] in [0] : vector<16xf32>, vector<16xi32> -> vector<16xf32>
        %parallel_loop3A_783 = arith.index_cast %parallel_loop3A_661 : i32 to index
        %parallel_loop3A_784 = arith.constant 112 : index
        %parallel_loop3A_785 = tpu.vector_load %arg12[%parallel_loop3A_783, %parallel_loop3A_784] {strides = array<i32>} : memref<125x144xf32, #tpu.memory_space<vmem>>, vector<1x16xf32>,
        %parallel_loop3A_786 = vector.shape_cast %parallel_loop3A_785 : vector<1x16xf32> to vector<16xf32>
        %parallel_loop3A_787 = arith.mulf %parallel_loop3A_786, %parallel_loop3A_782 : vector<16xf32>
        %parallel_loop3A_788 = arith.index_cast %parallel_loop3A_661 : i32 to index
        %parallel_loop3A_789 = arith.constant 112 : index
        %parallel_loop3A_790 = tpu.vector_load %arg12[%parallel_loop3A_788, %parallel_loop3A_789] {strides = array<i32>} : memref<125x144xf32, #tpu.memory_space<vmem>>, vector<1x16xf32>,
        %parallel_loop3A_791 = vector.shape_cast %parallel_loop3A_790 : vector<1x16xf32> to vector<16xf32>
        %parallel_loop3A_792 = vector.shape_cast %parallel_loop3A_787 : vector<16xf32> to vector<1x16xf32>
        tpu.vector_store %arg12[%parallel_loop3A_788, %parallel_loop3A_789], %parallel_loop3A_792 {strides = array<i32>} : memref<125x144xf32, #tpu.memory_space<vmem>>, vector<1x16xf32>,
      } {sc.loop_unroll_factor = 2 : i64, sc.parallel_access}
      %dma_start3A_543 = arith.constant 1 : i32
      %dma_start3A_544 = arith.constant 0 : i32
      %dma_start3A_545 = tpu.memref_slice %arg8[%dma_start3A_543, %dma_start3A_544] : memref<2x125xi32, #tpu.memory_space<vmem>> -> memref<1x125xi32, #tpu.memory_space<vmem>>
      %dma_start3A_546 = tpu.memref_squeeze %dma_start3A_545 : memref<1x125xi32, #tpu.memory_space<vmem>> -> memref<125xi32, #tpu.memory_space<vmem>>
      %dma_start3A_547 = arith.constant 0 : i32
      %dma_start3A_548 = arith.constant 0 : i32
      %dma_start3A_549 = tpu.memref_slice %arg15[%dma_start3A_547, %dma_start3A_548] : memref<10000x144xf32, #tpu.memory_space<vmem_shared>> -> memref<10000x144xf32, #tpu.memory_space<vmem_shared>>
      tpu.enqueue_indirect_dma source(%arg12 : memref<125x144xf32, #tpu.memory_space<vmem>>) target(%dma_start3A_549 : memref<10000x144xf32, #tpu.memory_space<vmem_shared>>) offsets(%dma_start3A_546 : memref<125xi32, #tpu.memory_space<vmem>>) semaphore(%arg23 : memref<!tpu.dma_semaphore, #tpu.memory_space<semaphore_mem>>) {add = true}
      %dma_wait3A_550 = arith.constant 0 : i32
      %dma_wait3A_551 = arith.constant 0 : i32
      %dma_wait3A_552 = tpu.memref_slice %arg2[%dma_wait3A_550, %dma_wait3A_551] : memref<10000x144xf32, #tpu.memory_space<hbm>> -> memref<125x144xf32, #tpu.memory_space<hbm>>
      %dma_wait3A_553 = arith.constant 0 : i32
      %dma_wait3A_554 = arith.constant 0 : i32
      %dma_wait3A_555 = tpu.memref_slice %arg2[%dma_wait3A_553, %dma_wait3A_554] : memref<10000x144xf32, #tpu.memory_space<hbm>> -> memref<125x144xf32, #tpu.memory_space<hbm>>
      tpu.wait_dma2 semaphore(%arg16 : memref<!tpu.dma_semaphore, #tpu.memory_space<semaphore_mem>>) src(%dma_wait3A_555 : memref<125x144xf32, #tpu.memory_space<hbm>>) dst(%arg11 : memref<125x144xf32, #tpu.memory_space<vmem>>)
      %dma_wait3A_556 = arith.constant 0 : i32
      %dma_wait3A_557 = arith.constant 0 : i32
      %dma_wait3A_558 = tpu.memref_slice %arg3[%dma_wait3A_556, %dma_wait3A_557] : memref<10000x16xf32, #tpu.memory_space<hbm>> -> memref<125x16xf32, #tpu.memory_space<hbm>>
      %dma_wait3A_559 = arith.constant 0 : i32
      %dma_wait3A_560 = arith.constant 0 : i32
      %dma_wait3A_561 = tpu.memref_slice %arg3[%dma_wait3A_559, %dma_wait3A_560] : memref<10000x16xf32, #tpu.memory_space<hbm>> -> memref<125x16xf32, #tpu.memory_space<hbm>>
      tpu.wait_dma2 semaphore(%arg17 : memref<!tpu.dma_semaphore, #tpu.memory_space<semaphore_mem>>) src(%dma_wait3A_561 : memref<125x16xf32, #tpu.memory_space<hbm>>) dst(%arg13 : memref<125x16xf32, #tpu.memory_space<vmem>>)
      %mul3A_562 = arith.constant 2 : i32
      %mul3A_563 = arith.muli %mul3A_562, %scan3A_439 : i32
      %add3A_564 = arith.constant 2 : i32
      %add3A_565 = arith.addi %mul3A_563, %add3A_564 : i32
      %mul3A_566 = arith.constant 2 : i32
      %mul3A_567 = arith.muli %mul3A_566, %add3A_565 : i32
      %add3A_568 = arith.addi %mul3A_2, %mul3A_567 : i32
      %dma_start3A_569 = arith.constant 0 : i32
      %dma_start3A_570 = tpu.memref_slice %arg4[%add3A_568, %dma_start3A_569] : memref<2560x125xi32, #tpu.memory_space<hbm>> -> memref<2x125xi32, #tpu.memory_space<hbm>>
      %dma_start3A_571 = arith.constant 0 : i32
      %dma_start3A_572 = tpu.memref_slice %arg4[%add3A_568, %dma_start3A_571] : memref<2560x125xi32, #tpu.memory_space<hbm>> -> memref<2x125xi32, #tpu.memory_space<hbm>>
      tpu.enqueue_dma source(%dma_start3A_572 : memref<2x125xi32, #tpu.memory_space<hbm>>) target(%arg7 : memref<2x125xi32, #tpu.memory_space<vmem>>) target_semaphore(%arg20 : memref<!tpu.dma_semaphore, #tpu.memory_space<semaphore_mem>>)
      %mul3A_573 = arith.constant 2 : i32
      %mul3A_574 = arith.muli %mul3A_573, %add3A_565 : i32
      %add3A_575 = arith.addi %mul3A_2, %mul3A_574 : i32
      %dma_start3A_576 = arith.constant 0 : i32
      %dma_start3A_577 = tpu.memref_slice %arg5[%add3A_575, %dma_start3A_576] : memref<2560x125xi32, #tpu.memory_space<hbm>> -> memref<2x125xi32, #tpu.memory_space<hbm>>
      %dma_start3A_578 = arith.constant 0 : i32
      %dma_start3A_579 = tpu.memref_slice %arg5[%add3A_575, %dma_start3A_578] : memref<2560x125xi32, #tpu.memory_space<hbm>> -> memref<2x125xi32, #tpu.memory_space<hbm>>
      tpu.enqueue_dma source(%dma_start3A_579 : memref<2x125xi32, #tpu.memory_space<hbm>>) target(%arg8 : memref<2x125xi32, #tpu.memory_space<vmem>>) target_semaphore(%arg20 : memref<!tpu.dma_semaphore, #tpu.memory_space<semaphore_mem>>)
      %dma_wait3A_580 = arith.constant 1 : i32
      %dma_wait3A_581 = arith.constant 0 : i32
      %dma_wait3A_582 = tpu.memref_slice %arg8[%dma_wait3A_580, %dma_wait3A_581] : memref<2x125xi32, #tpu.memory_space<vmem>> -> memref<1x125xi32, #tpu.memory_space<vmem>>
      %dma_wait3A_583 = tpu.memref_squeeze %dma_wait3A_582 : memref<1x125xi32, #tpu.memory_space<vmem>> -> memref<125xi32, #tpu.memory_space<vmem>>
      %dma_wait3A_584 = arith.constant 0 : i32
      %dma_wait3A_585 = arith.constant 0 : i32
      %dma_wait3A_586 = tpu.memref_slice %arg15[%dma_wait3A_584, %dma_wait3A_585] : memref<10000x144xf32, #tpu.memory_space<vmem_shared>> -> memref<10000x144xf32, #tpu.memory_space<vmem_shared>>
      tpu.wait_indirect_dma semaphore(%arg23 : memref<!tpu.dma_semaphore, #tpu.memory_space<semaphore_mem>>) src(%arg12 : memref<125x144xf32, #tpu.memory_space<vmem>>) dst(%dma_wait3A_586 : memref<10000x144xf32, #tpu.memory_space<vmem_shared>>)
      %dma_start3A_587 = arith.constant 1 : i32
      %dma_start3A_588 = arith.constant 0 : i32
      %dma_start3A_589 = tpu.memref_slice %arg9[%dma_start3A_587, %dma_start3A_588] : memref<2x125xi32, #tpu.memory_space<vmem>> -> memref<1x125xi32, #tpu.memory_space<vmem>>
      %dma_start3A_590 = tpu.memref_squeeze %dma_start3A_589 : memref<1x125xi32, #tpu.memory_space<vmem>> -> memref<125xi32, #tpu.memory_space<vmem>>
      %dma_start3A_591 = arith.constant 0 : i32
      %dma_start3A_592 = arith.constant 0 : i32
      %dma_start3A_593 = tpu.memref_slice %arg2[%dma_start3A_591, %dma_start3A_592] : memref<10000x144xf32, #tpu.memory_space<hbm>> -> memref<10000x144xf32, #tpu.memory_space<hbm>>
      tpu.enqueue_indirect_dma source(%dma_start3A_593 : memref<10000x144xf32, #tpu.memory_space<hbm>>) target(%arg12 : memref<125x144xf32, #tpu.memory_space<vmem>>) offsets(%dma_start3A_590 : memref<125xi32, #tpu.memory_space<vmem>>) semaphore(%arg18 : memref<!tpu.dma_semaphore, #tpu.memory_space<semaphore_mem>>)
      %dma_start3A_594 = arith.constant 1 : i32
      %dma_start3A_595 = arith.constant 0 : i32
      %dma_start3A_596 = tpu.memref_slice %arg10[%dma_start3A_594, %dma_start3A_595] : memref<2x125xi32, #tpu.memory_space<vmem>> -> memref<1x125xi32, #tpu.memory_space<vmem>>
      %dma_start3A_597 = tpu.memref_squeeze %dma_start3A_596 : memref<1x125xi32, #tpu.memory_space<vmem>> -> memref<125xi32, #tpu.memory_space<vmem>>
      %dma_start3A_598 = arith.constant 0 : i32
      %dma_start3A_599 = arith.constant 0 : i32
      %dma_start3A_600 = tpu.memref_slice %arg3[%dma_start3A_598, %dma_start3A_599] : memref<10000x16xf32, #tpu.memory_space<hbm>> -> memref<10000x16xf32, #tpu.memory_space<hbm>>
      tpu.enqueue_indirect_dma source(%dma_start3A_600 : memref<10000x16xf32, #tpu.memory_space<hbm>>) target(%arg14 : memref<125x16xf32, #tpu.memory_space<vmem>>) offsets(%dma_start3A_597 : memref<125xi32, #tpu.memory_space<vmem>>) semaphore(%arg19 : memref<!tpu.dma_semaphore, #tpu.memory_space<semaphore_mem>>)
      %parallel_loop3A_601 = arith.constant 0 : i32
      %parallel_loop3A_602 = arith.constant 125 : i32
      %parallel_loop3A_603 = arith.constant 1 : i32
      scf.for %parallel_loop3A_661 = %parallel_loop3A_601 to %parallel_loop3A_602 step %parallel_loop3A_603  : i32 {
        %parallel_loop3A_662 = arith.index_cast %parallel_loop3A_661 : i32 to index
        %parallel_loop3A_663 = arith.constant 128 : index
        %parallel_loop3A_664 = tpu.vector_load %arg11[%parallel_loop3A_662, %parallel_loop3A_663] {strides = array<i32>} : memref<125x144xf32, #tpu.memory_space<vmem>>, vector<1x16xf32>,
        %parallel_loop3A_665 = vector.shape_cast %parallel_loop3A_664 : vector<1x16xf32> to vector<16xf32>
        %parallel_loop3A_666 = arith.index_cast %parallel_loop3A_661 : i32 to index
        %parallel_loop3A_667 = arith.constant 0 : index
        %parallel_loop3A_668 = tpu.vector_load %arg13[%parallel_loop3A_666, %parallel_loop3A_667] {strides = array<i32>} : memref<125x16xf32, #tpu.memory_space<vmem>>, vector<1x16xf32>,
        %parallel_loop3A_669 = vector.shape_cast %parallel_loop3A_668 : vector<1x16xf32> to vector<16xf32>
        %parallel_loop3A_670 = arith.addf %parallel_loop3A_665, %parallel_loop3A_669 : vector<16xf32>
        %parallel_loop3A_671 = arith.constant 2.000000e-01 : f32
        %parallel_loop3A_672 = vector.broadcast %parallel_loop3A_671 : f32 to vector<16xf32>
        %parallel_loop3A_673 = arith.mulf %parallel_loop3A_670, %parallel_loop3A_672 : vector<16xf32>
        %parallel_loop3A_674 = arith.maximumf %parallel_loop3A_670, %parallel_loop3A_673 : vector<16xf32>
        %parallel_loop3A_675 = math.exp %parallel_loop3A_674 : vector<16xf32>
        %parallel_loop3A_676 = arith.index_cast %parallel_loop3A_661 : i32 to index
        %parallel_loop3A_677 = arith.constant 128 : index
        %parallel_loop3A_678 = tpu.vector_load %arg11[%parallel_loop3A_676, %parallel_loop3A_677] {strides = array<i32>} : memref<125x144xf32, #tpu.memory_space<vmem>>, vector<1x16xf32>,
        %parallel_loop3A_679 = vector.shape_cast %parallel_loop3A_678 : vector<1x16xf32> to vector<16xf32>
        %parallel_loop3A_680 = vector.shape_cast %parallel_loop3A_675 : vector<16xf32> to vector<1x16xf32>
        tpu.vector_store %arg11[%parallel_loop3A_676, %parallel_loop3A_677], %parallel_loop3A_680 {strides = array<i32>} : memref<125x144xf32, #tpu.memory_space<vmem>>, vector<1x16xf32>,
        %parallel_loop3A_681 = arith.constant 0 : i32
        %parallel_loop3A_682 = vector.broadcast %parallel_loop3A_681 : i32 to vector<16x1xi32>
        %parallel_loop3A_683 = vector.shape_cast %parallel_loop3A_682 : vector<16x1xi32> to vector<16xi32>
        %parallel_loop3A_684 = tpu.dynamic_gather %parallel_loop3A_675[%parallel_loop3A_683] in [0] : vector<16xf32>, vector<16xi32> -> vector<16xf32>
        %parallel_loop3A_685 = arith.index_cast %parallel_loop3A_661 : i32 to index
        %parallel_loop3A_686 = arith.constant 0 : index
        %parallel_loop3A_687 = tpu.vector_load %arg11[%parallel_loop3A_685, %parallel_loop3A_686] {strides = array<i32>} : memref<125x144xf32, #tpu.memory_space<vmem>>, vector<1x16xf32>,
        %parallel_loop3A_688 = vector.shape_cast %parallel_loop3A_687 : vector<1x16xf32> to vector<16xf32>
        %parallel_loop3A_689 = arith.mulf %parallel_loop3A_688, %parallel_loop3A_684 : vector<16xf32>
        %parallel_loop3A_690 = arith.index_cast %parallel_loop3A_661 : i32 to index
        %parallel_loop3A_691 = arith.constant 0 : index
        %parallel_loop3A_692 = tpu.vector_load %arg11[%parallel_loop3A_690, %parallel_loop3A_691] {strides = array<i32>} : memref<125x144xf32, #tpu.memory_space<vmem>>, vector<1x16xf32>,
        %parallel_loop3A_693 = vector.shape_cast %parallel_loop3A_692 : vector<1x16xf32> to vector<16xf32>
        %parallel_loop3A_694 = vector.shape_cast %parallel_loop3A_689 : vector<16xf32> to vector<1x16xf32>
        tpu.vector_store %arg11[%parallel_loop3A_690, %parallel_loop3A_691], %parallel_loop3A_694 {strides = array<i32>} : memref<125x144xf32, #tpu.memory_space<vmem>>, vector<1x16xf32>,
        %parallel_loop3A_695 = arith.constant 1 : i32
        %parallel_loop3A_696 = vector.broadcast %parallel_loop3A_695 : i32 to vector<16x1xi32>
        %parallel_loop3A_697 = vector.shape_cast %parallel_loop3A_696 : vector<16x1xi32> to vector<16xi32>
        %parallel_loop3A_698 = tpu.dynamic_gather %parallel_loop3A_675[%parallel_loop3A_697] in [0] : vector<16xf32>, vector<16xi32> -> vector<16xf32>
        %parallel_loop3A_699 = arith.index_cast %parallel_loop3A_661 : i32 to index
        %parallel_loop3A_700 = arith.constant 16 : index
        %parallel_loop3A_701 = tpu.vector_load %arg11[%parallel_loop3A_699, %parallel_loop3A_700] {strides = array<i32>} : memref<125x144xf32, #tpu.memory_space<vmem>>, vector<1x16xf32>,
        %parallel_loop3A_702 = vector.shape_cast %parallel_loop3A_701 : vector<1x16xf32> to vector<16xf32>
        %parallel_loop3A_703 = arith.mulf %parallel_loop3A_702, %parallel_loop3A_698 : vector<16xf32>
        %parallel_loop3A_704 = arith.index_cast %parallel_loop3A_661 : i32 to index
        %parallel_loop3A_705 = arith.constant 16 : index
        %parallel_loop3A_706 = tpu.vector_load %arg11[%parallel_loop3A_704, %parallel_loop3A_705] {strides = array<i32>} : memref<125x144xf32, #tpu.memory_space<vmem>>, vector<1x16xf32>,
        %parallel_loop3A_707 = vector.shape_cast %parallel_loop3A_706 : vector<1x16xf32> to vector<16xf32>
        %parallel_loop3A_708 = vector.shape_cast %parallel_loop3A_703 : vector<16xf32> to vector<1x16xf32>
        tpu.vector_store %arg11[%parallel_loop3A_704, %parallel_loop3A_705], %parallel_loop3A_708 {strides = array<i32>} : memref<125x144xf32, #tpu.memory_space<vmem>>, vector<1x16xf32>,
        %parallel_loop3A_709 = arith.constant 2 : i32
        %parallel_loop3A_710 = vector.broadcast %parallel_loop3A_709 : i32 to vector<16x1xi32>
        %parallel_loop3A_711 = vector.shape_cast %parallel_loop3A_710 : vector<16x1xi32> to vector<16xi32>
        %parallel_loop3A_712 = tpu.dynamic_gather %parallel_loop3A_675[%parallel_loop3A_711] in [0] : vector<16xf32>, vector<16xi32> -> vector<16xf32>
        %parallel_loop3A_713 = arith.index_cast %parallel_loop3A_661 : i32 to index
        %parallel_loop3A_714 = arith.constant 32 : index
        %parallel_loop3A_715 = tpu.vector_load %arg11[%parallel_loop3A_713, %parallel_loop3A_714] {strides = array<i32>} : memref<125x144xf32, #tpu.memory_space<vmem>>, vector<1x16xf32>,
        %parallel_loop3A_716 = vector.shape_cast %parallel_loop3A_715 : vector<1x16xf32> to vector<16xf32>
        %parallel_loop3A_717 = arith.mulf %parallel_loop3A_716, %parallel_loop3A_712 : vector<16xf32>
        %parallel_loop3A_718 = arith.index_cast %parallel_loop3A_661 : i32 to index
        %parallel_loop3A_719 = arith.constant 32 : index
        %parallel_loop3A_720 = tpu.vector_load %arg11[%parallel_loop3A_718, %parallel_loop3A_719] {strides = array<i32>} : memref<125x144xf32, #tpu.memory_space<vmem>>, vector<1x16xf32>,
        %parallel_loop3A_721 = vector.shape_cast %parallel_loop3A_720 : vector<1x16xf32> to vector<16xf32>
        %parallel_loop3A_722 = vector.shape_cast %parallel_loop3A_717 : vector<16xf32> to vector<1x16xf32>
        tpu.vector_store %arg11[%parallel_loop3A_718, %parallel_loop3A_719], %parallel_loop3A_722 {strides = array<i32>} : memref<125x144xf32, #tpu.memory_space<vmem>>, vector<1x16xf32>,
        %parallel_loop3A_723 = arith.constant 3 : i32
        %parallel_loop3A_724 = vector.broadcast %parallel_loop3A_723 : i32 to vector<16x1xi32>
        %parallel_loop3A_725 = vector.shape_cast %parallel_loop3A_724 : vector<16x1xi32> to vector<16xi32>
        %parallel_loop3A_726 = tpu.dynamic_gather %parallel_loop3A_675[%parallel_loop3A_725] in [0] : vector<16xf32>, vector<16xi32> -> vector<16xf32>
        %parallel_loop3A_727 = arith.index_cast %parallel_loop3A_661 : i32 to index
        %parallel_loop3A_728 = arith.constant 48 : index
        %parallel_loop3A_729 = tpu.vector_load %arg11[%parallel_loop3A_727, %parallel_loop3A_728] {strides = array<i32>} : memref<125x144xf32, #tpu.memory_space<vmem>>, vector<1x16xf32>,
        %parallel_loop3A_730 = vector.shape_cast %parallel_loop3A_729 : vector<1x16xf32> to vector<16xf32>
        %parallel_loop3A_731 = arith.mulf %parallel_loop3A_730, %parallel_loop3A_726 : vector<16xf32>
        %parallel_loop3A_732 = arith.index_cast %parallel_loop3A_661 : i32 to index
        %parallel_loop3A_733 = arith.constant 48 : index
        %parallel_loop3A_734 = tpu.vector_load %arg11[%parallel_loop3A_732, %parallel_loop3A_733] {strides = array<i32>} : memref<125x144xf32, #tpu.memory_space<vmem>>, vector<1x16xf32>,
        %parallel_loop3A_735 = vector.shape_cast %parallel_loop3A_734 : vector<1x16xf32> to vector<16xf32>
        %parallel_loop3A_736 = vector.shape_cast %parallel_loop3A_731 : vector<16xf32> to vector<1x16xf32>
        tpu.vector_store %arg11[%parallel_loop3A_732, %parallel_loop3A_733], %parallel_loop3A_736 {strides = array<i32>} : memref<125x144xf32, #tpu.memory_space<vmem>>, vector<1x16xf32>,
        %parallel_loop3A_737 = arith.constant 4 : i32
        %parallel_loop3A_738 = vector.broadcast %parallel_loop3A_737 : i32 to vector<16x1xi32>
        %parallel_loop3A_739 = vector.shape_cast %parallel_loop3A_738 : vector<16x1xi32> to vector<16xi32>
        %parallel_loop3A_740 = tpu.dynamic_gather %parallel_loop3A_675[%parallel_loop3A_739] in [0] : vector<16xf32>, vector<16xi32> -> vector<16xf32>
        %parallel_loop3A_741 = arith.index_cast %parallel_loop3A_661 : i32 to index
        %parallel_loop3A_742 = arith.constant 64 : index
        %parallel_loop3A_743 = tpu.vector_load %arg11[%parallel_loop3A_741, %parallel_loop3A_742] {strides = array<i32>} : memref<125x144xf32, #tpu.memory_space<vmem>>, vector<1x16xf32>,
        %parallel_loop3A_744 = vector.shape_cast %parallel_loop3A_743 : vector<1x16xf32> to vector<16xf32>
        %parallel_loop3A_745 = arith.mulf %parallel_loop3A_744, %parallel_loop3A_740 : vector<16xf32>
        %parallel_loop3A_746 = arith.index_cast %parallel_loop3A_661 : i32 to index
        %parallel_loop3A_747 = arith.constant 64 : index
        %parallel_loop3A_748 = tpu.vector_load %arg11[%parallel_loop3A_746, %parallel_loop3A_747] {strides = array<i32>} : memref<125x144xf32, #tpu.memory_space<vmem>>, vector<1x16xf32>,
        %parallel_loop3A_749 = vector.shape_cast %parallel_loop3A_748 : vector<1x16xf32> to vector<16xf32>
        %parallel_loop3A_750 = vector.shape_cast %parallel_loop3A_745 : vector<16xf32> to vector<1x16xf32>
        tpu.vector_store %arg11[%parallel_loop3A_746, %parallel_loop3A_747], %parallel_loop3A_750 {strides = array<i32>} : memref<125x144xf32, #tpu.memory_space<vmem>>, vector<1x16xf32>,
        %parallel_loop3A_751 = arith.constant 5 : i32
        %parallel_loop3A_752 = vector.broadcast %parallel_loop3A_751 : i32 to vector<16x1xi32>
        %parallel_loop3A_753 = vector.shape_cast %parallel_loop3A_752 : vector<16x1xi32> to vector<16xi32>
        %parallel_loop3A_754 = tpu.dynamic_gather %parallel_loop3A_675[%parallel_loop3A_753] in [0] : vector<16xf32>, vector<16xi32> -> vector<16xf32>
        %parallel_loop3A_755 = arith.index_cast %parallel_loop3A_661 : i32 to index
        %parallel_loop3A_756 = arith.constant 80 : index
        %parallel_loop3A_757 = tpu.vector_load %arg11[%parallel_loop3A_755, %parallel_loop3A_756] {strides = array<i32>} : memref<125x144xf32, #tpu.memory_space<vmem>>, vector<1x16xf32>,
        %parallel_loop3A_758 = vector.shape_cast %parallel_loop3A_757 : vector<1x16xf32> to vector<16xf32>
        %parallel_loop3A_759 = arith.mulf %parallel_loop3A_758, %parallel_loop3A_754 : vector<16xf32>
        %parallel_loop3A_760 = arith.index_cast %parallel_loop3A_661 : i32 to index
        %parallel_loop3A_761 = arith.constant 80 : index
        %parallel_loop3A_762 = tpu.vector_load %arg11[%parallel_loop3A_760, %parallel_loop3A_761] {strides = array<i32>} : memref<125x144xf32, #tpu.memory_space<vmem>>, vector<1x16xf32>,
        %parallel_loop3A_763 = vector.shape_cast %parallel_loop3A_762 : vector<1x16xf32> to vector<16xf32>
        %parallel_loop3A_764 = vector.shape_cast %parallel_loop3A_759 : vector<16xf32> to vector<1x16xf32>
        tpu.vector_store %arg11[%parallel_loop3A_760, %parallel_loop3A_761], %parallel_loop3A_764 {strides = array<i32>} : memref<125x144xf32, #tpu.memory_space<vmem>>, vector<1x16xf32>,
        %parallel_loop3A_765 = arith.constant 6 : i32
        %parallel_loop3A_766 = vector.broadcast %parallel_loop3A_765 : i32 to vector<16x1xi32>
        %parallel_loop3A_767 = vector.shape_cast %parallel_loop3A_766 : vector<16x1xi32> to vector<16xi32>
        %parallel_loop3A_768 = tpu.dynamic_gather %parallel_loop3A_675[%parallel_loop3A_767] in [0] : vector<16xf32>, vector<16xi32> -> vector<16xf32>
        %parallel_loop3A_769 = arith.index_cast %parallel_loop3A_661 : i32 to index
        %parallel_loop3A_770 = arith.constant 96 : index
        %parallel_loop3A_771 = tpu.vector_load %arg11[%parallel_loop3A_769, %parallel_loop3A_770] {strides = array<i32>} : memref<125x144xf32, #tpu.memory_space<vmem>>, vector<1x16xf32>,
        %parallel_loop3A_772 = vector.shape_cast %parallel_loop3A_771 : vector<1x16xf32> to vector<16xf32>
        %parallel_loop3A_773 = arith.mulf %parallel_loop3A_772, %parallel_loop3A_768 : vector<16xf32>
        %parallel_loop3A_774 = arith.index_cast %parallel_loop3A_661 : i32 to index
        %parallel_loop3A_775 = arith.constant 96 : index
        %parallel_loop3A_776 = tpu.vector_load %arg11[%parallel_loop3A_774, %parallel_loop3A_775] {strides = array<i32>} : memref<125x144xf32, #tpu.memory_space<vmem>>, vector<1x16xf32>,
        %parallel_loop3A_777 = vector.shape_cast %parallel_loop3A_776 : vector<1x16xf32> to vector<16xf32>
        %parallel_loop3A_778 = vector.shape_cast %parallel_loop3A_773 : vector<16xf32> to vector<1x16xf32>
        tpu.vector_store %arg11[%parallel_loop3A_774, %parallel_loop3A_775], %parallel_loop3A_778 {strides = array<i32>} : memref<125x144xf32, #tpu.memory_space<vmem>>, vector<1x16xf32>,
        %parallel_loop3A_779 = arith.constant 7 : i32
        %parallel_loop3A_780 = vector.broadcast %parallel_loop3A_779 : i32 to vector<16x1xi32>
        %parallel_loop3A_781 = vector.shape_cast %parallel_loop3A_780 : vector<16x1xi32> to vector<16xi32>
        %parallel_loop3A_782 = tpu.dynamic_gather %parallel_loop3A_675[%parallel_loop3A_781] in [0] : vector<16xf32>, vector<16xi32> -> vector<16xf32>
        %parallel_loop3A_783 = arith.index_cast %parallel_loop3A_661 : i32 to index
        %parallel_loop3A_784 = arith.constant 112 : index
        %parallel_loop3A_785 = tpu.vector_load %arg11[%parallel_loop3A_783, %parallel_loop3A_784] {strides = array<i32>} : memref<125x144xf32, #tpu.memory_space<vmem>>, vector<1x16xf32>,
        %parallel_loop3A_786 = vector.shape_cast %parallel_loop3A_785 : vector<1x16xf32> to vector<16xf32>
        %parallel_loop3A_787 = arith.mulf %parallel_loop3A_786, %parallel_loop3A_782 : vector<16xf32>
        %parallel_loop3A_788 = arith.index_cast %parallel_loop3A_661 : i32 to index
        %parallel_loop3A_789 = arith.constant 112 : index
        %parallel_loop3A_790 = tpu.vector_load %arg11[%parallel_loop3A_788, %parallel_loop3A_789] {strides = array<i32>} : memref<125x144xf32, #tpu.memory_space<vmem>>, vector<1x16xf32>,
        %parallel_loop3A_791 = vector.shape_cast %parallel_loop3A_790 : vector<1x16xf32> to vector<16xf32>
        %parallel_loop3A_792 = vector.shape_cast %parallel_loop3A_787 : vector<16xf32> to vector<1x16xf32>
        tpu.vector_store %arg11[%parallel_loop3A_788, %parallel_loop3A_789], %parallel_loop3A_792 {strides = array<i32>} : memref<125x144xf32, #tpu.memory_space<vmem>>, vector<1x16xf32>,
      } {sc.loop_unroll_factor = 2 : i64, sc.parallel_access}
      %dma_start3A_604 = arith.constant 0 : i32
      %dma_start3A_605 = arith.constant 0 : i32
      %dma_start3A_606 = tpu.memref_slice %arg10[%dma_start3A_604, %dma_start3A_605] : memref<2x125xi32, #tpu.memory_space<vmem>> -> memref<1x125xi32, #tpu.memory_space<vmem>>
      %dma_start3A_607 = tpu.memref_squeeze %dma_start3A_606 : memref<1x125xi32, #tpu.memory_space<vmem>> -> memref<125xi32, #tpu.memory_space<vmem>>
      %dma_start3A_608 = arith.constant 0 : i32
      %dma_start3A_609 = arith.constant 0 : i32
      %dma_start3A_610 = tpu.memref_slice %arg15[%dma_start3A_608, %dma_start3A_609] : memref<10000x144xf32, #tpu.memory_space<vmem_shared>> -> memref<10000x144xf32, #tpu.memory_space<vmem_shared>>
      tpu.enqueue_indirect_dma source(%arg11 : memref<125x144xf32, #tpu.memory_space<vmem>>) target(%dma_start3A_610 : memref<10000x144xf32, #tpu.memory_space<vmem_shared>>) offsets(%dma_start3A_607 : memref<125xi32, #tpu.memory_space<vmem>>) semaphore(%arg22 : memref<!tpu.dma_semaphore, #tpu.memory_space<semaphore_mem>>) {add = true}
      %dma_wait3A_611 = arith.constant 0 : i32
      %dma_wait3A_612 = arith.constant 0 : i32
      %dma_wait3A_613 = tpu.memref_slice %arg2[%dma_wait3A_611, %dma_wait3A_612] : memref<10000x144xf32, #tpu.memory_space<hbm>> -> memref<125x144xf32, #tpu.memory_space<hbm>>
      %dma_wait3A_614 = arith.constant 0 : i32
      %dma_wait3A_615 = arith.constant 0 : i32
      %dma_wait3A_616 = tpu.memref_slice %arg2[%dma_wait3A_614, %dma_wait3A_615] : memref<10000x144xf32, #tpu.memory_space<hbm>> -> memref<125x144xf32, #tpu.memory_space<hbm>>
      tpu.wait_dma2 semaphore(%arg18 : memref<!tpu.dma_semaphore, #tpu.memory_space<semaphore_mem>>) src(%dma_wait3A_616 : memref<125x144xf32, #tpu.memory_space<hbm>>) dst(%arg12 : memref<125x144xf32, #tpu.memory_space<vmem>>)
      %dma_wait3A_617 = arith.constant 0 : i32
      %dma_wait3A_618 = arith.constant 0 : i32
      %dma_wait3A_619 = tpu.memref_slice %arg3[%dma_wait3A_617, %dma_wait3A_618] : memref<10000x16xf32, #tpu.memory_space<hbm>> -> memref<125x16xf32, #tpu.memory_space<hbm>>
      %dma_wait3A_620 = arith.constant 0 : i32
      %dma_wait3A_621 = arith.constant 0 : i32
      %dma_wait3A_622 = tpu.memref_slice %arg3[%dma_wait3A_620, %dma_wait3A_621] : memref<10000x16xf32, #tpu.memory_space<hbm>> -> memref<125x16xf32, #tpu.memory_space<hbm>>
      tpu.wait_dma2 semaphore(%arg19 : memref<!tpu.dma_semaphore, #tpu.memory_space<semaphore_mem>>) src(%dma_wait3A_622 : memref<125x16xf32, #tpu.memory_space<hbm>>) dst(%arg14 : memref<125x16xf32, #tpu.memory_space<vmem>>)
      %dma_wait3A_623 = arith.constant 0 : i32
      %dma_wait3A_624 = arith.constant 0 : i32
      %dma_wait3A_625 = tpu.memref_slice %arg4[%dma_wait3A_623, %dma_wait3A_624] : memref<2560x125xi32, #tpu.memory_space<hbm>> -> memref<2x125xi32, #tpu.memory_space<hbm>>
      %dma_wait3A_626 = arith.constant 0 : i32
      %dma_wait3A_627 = arith.constant 0 : i32
      %dma_wait3A_628 = tpu.memref_slice %arg4[%dma_wait3A_626, %dma_wait3A_627] : memref<2560x125xi32, #tpu.memory_space<hbm>> -> memref<2x125xi32, #tpu.memory_space<hbm>>
      tpu.wait_dma2 semaphore(%arg20 : memref<!tpu.dma_semaphore, #tpu.memory_space<semaphore_mem>>) src(%dma_wait3A_628 : memref<2x125xi32, #tpu.memory_space<hbm>>) dst(%arg7 : memref<2x125xi32, #tpu.memory_space<vmem>>)
      %dma_wait3A_629 = arith.constant 0 : i32
      %dma_wait3A_630 = arith.constant 0 : i32
      %dma_wait3A_631 = tpu.memref_slice %arg4[%dma_wait3A_629, %dma_wait3A_630] : memref<2560x125xi32, #tpu.memory_space<hbm>> -> memref<2x125xi32, #tpu.memory_space<hbm>>
      %dma_wait3A_632 = arith.constant 0 : i32
      %dma_wait3A_633 = arith.constant 0 : i32
      %dma_wait3A_634 = tpu.memref_slice %arg4[%dma_wait3A_632, %dma_wait3A_633] : memref<2560x125xi32, #tpu.memory_space<hbm>> -> memref<2x125xi32, #tpu.memory_space<hbm>>
      tpu.wait_dma2 semaphore(%arg20 : memref<!tpu.dma_semaphore, #tpu.memory_space<semaphore_mem>>) src(%dma_wait3A_634 : memref<2x125xi32, #tpu.memory_space<hbm>>) dst(%arg8 : memref<2x125xi32, #tpu.memory_space<vmem>>)
      %dma_wait3A_635 = arith.constant 0 : i32
      %dma_wait3A_636 = arith.constant 0 : i32
      %dma_wait3A_637 = tpu.memref_slice %arg10[%dma_wait3A_635, %dma_wait3A_636] : memref<2x125xi32, #tpu.memory_space<vmem>> -> memref<1x125xi32, #tpu.memory_space<vmem>>
      %dma_wait3A_638 = tpu.memref_squeeze %dma_wait3A_637 : memref<1x125xi32, #tpu.memory_space<vmem>> -> memref<125xi32, #tpu.memory_space<vmem>>
      %dma_wait3A_639 = arith.constant 0 : i32
      %dma_wait3A_640 = arith.constant 0 : i32
      %dma_wait3A_641 = tpu.memref_slice %arg15[%dma_wait3A_639, %dma_wait3A_640] : memref<10000x144xf32, #tpu.memory_space<vmem_shared>> -> memref<10000x144xf32, #tpu.memory_space<vmem_shared>>
      tpu.wait_indirect_dma semaphore(%arg22 : memref<!tpu.dma_semaphore, #tpu.memory_space<semaphore_mem>>) src(%arg11 : memref<125x144xf32, #tpu.memory_space<vmem>>) dst(%dma_wait3A_641 : memref<10000x144xf32, #tpu.memory_space<vmem_shared>>)
      %dma_start3A_642 = arith.constant 0 : i32
      %dma_start3A_643 = arith.constant 0 : i32
      %dma_start3A_644 = tpu.memref_slice %arg7[%dma_start3A_642, %dma_start3A_643] : memref<2x125xi32, #tpu.memory_space<vmem>> -> memref<1x125xi32, #tpu.memory_space<vmem>>
      %dma_start3A_645 = tpu.memref_squeeze %dma_start3A_644 : memref<1x125xi32, #tpu.memory_space<vmem>> -> memref<125xi32, #tpu.memory_space<vmem>>
      %dma_start3A_646 = arith.constant 0 : i32
      %dma_start3A_647 = arith.constant 0 : i32
      %dma_start3A_648 = tpu.memref_slice %arg2[%dma_start3A_646, %dma_start3A_647] : memref<10000x144xf32, #tpu.memory_space<hbm>> -> memref<10000x144xf32, #tpu.memory_space<hbm>>
      tpu.enqueue_indirect_dma source(%dma_start3A_648 : memref<10000x144xf32, #tpu.memory_space<hbm>>) target(%arg11 : memref<125x144xf32, #tpu.memory_space<vmem>>) offsets(%dma_start3A_645 : memref<125xi32, #tpu.memory_space<vmem>>) semaphore(%arg16 : memref<!tpu.dma_semaphore, #tpu.memory_space<semaphore_mem>>)
      %dma_start3A_649 = arith.constant 0 : i32
      %dma_start3A_650 = arith.constant 0 : i32
      %dma_start3A_651 = tpu.memref_slice %arg8[%dma_start3A_649, %dma_start3A_650] : memref<2x125xi32, #tpu.memory_space<vmem>> -> memref<1x125xi32, #tpu.memory_space<vmem>>
      %dma_start3A_652 = tpu.memref_squeeze %dma_start3A_651 : memref<1x125xi32, #tpu.memory_space<vmem>> -> memref<125xi32, #tpu.memory_space<vmem>>
      %dma_start3A_653 = arith.constant 0 : i32
      %dma_start3A_654 = arith.constant 0 : i32
      %dma_start3A_655 = tpu.memref_slice %arg3[%dma_start3A_653, %dma_start3A_654] : memref<10000x16xf32, #tpu.memory_space<hbm>> -> memref<10000x16xf32, #tpu.memory_space<hbm>>
      tpu.enqueue_indirect_dma source(%dma_start3A_655 : memref<10000x16xf32, #tpu.memory_space<hbm>>) target(%arg13 : memref<125x16xf32, #tpu.memory_space<vmem>>) offsets(%dma_start3A_652 : memref<125xi32, #tpu.memory_space<vmem>>) semaphore(%arg17 : memref<!tpu.dma_semaphore, #tpu.memory_space<semaphore_mem>>)
      %parallel_loop3A_656 = arith.constant 0 : i32
      %parallel_loop3A_657 = arith.constant 125 : i32
      %parallel_loop3A_658 = arith.constant 1 : i32
      scf.for %parallel_loop3A_661 = %parallel_loop3A_656 to %parallel_loop3A_657 step %parallel_loop3A_658  : i32 {
        %parallel_loop3A_662 = arith.index_cast %parallel_loop3A_661 : i32 to index
        %parallel_loop3A_663 = arith.constant 128 : index
        %parallel_loop3A_664 = tpu.vector_load %arg12[%parallel_loop3A_662, %parallel_loop3A_663] {strides = array<i32>} : memref<125x144xf32, #tpu.memory_space<vmem>>, vector<1x16xf32>,
        %parallel_loop3A_665 = vector.shape_cast %parallel_loop3A_664 : vector<1x16xf32> to vector<16xf32>
        %parallel_loop3A_666 = arith.index_cast %parallel_loop3A_661 : i32 to index
        %parallel_loop3A_667 = arith.constant 0 : index
        %parallel_loop3A_668 = tpu.vector_load %arg14[%parallel_loop3A_666, %parallel_loop3A_667] {strides = array<i32>} : memref<125x16xf32, #tpu.memory_space<vmem>>, vector<1x16xf32>,
        %parallel_loop3A_669 = vector.shape_cast %parallel_loop3A_668 : vector<1x16xf32> to vector<16xf32>
        %parallel_loop3A_670 = arith.addf %parallel_loop3A_665, %parallel_loop3A_669 : vector<16xf32>
        %parallel_loop3A_671 = arith.constant 2.000000e-01 : f32
        %parallel_loop3A_672 = vector.broadcast %parallel_loop3A_671 : f32 to vector<16xf32>
        %parallel_loop3A_673 = arith.mulf %parallel_loop3A_670, %parallel_loop3A_672 : vector<16xf32>
        %parallel_loop3A_674 = arith.maximumf %parallel_loop3A_670, %parallel_loop3A_673 : vector<16xf32>
        %parallel_loop3A_675 = math.exp %parallel_loop3A_674 : vector<16xf32>
        %parallel_loop3A_676 = arith.index_cast %parallel_loop3A_661 : i32 to index
        %parallel_loop3A_677 = arith.constant 128 : index
        %parallel_loop3A_678 = tpu.vector_load %arg12[%parallel_loop3A_676, %parallel_loop3A_677] {strides = array<i32>} : memref<125x144xf32, #tpu.memory_space<vmem>>, vector<1x16xf32>,
        %parallel_loop3A_679 = vector.shape_cast %parallel_loop3A_678 : vector<1x16xf32> to vector<16xf32>
        %parallel_loop3A_680 = vector.shape_cast %parallel_loop3A_675 : vector<16xf32> to vector<1x16xf32>
        tpu.vector_store %arg12[%parallel_loop3A_676, %parallel_loop3A_677], %parallel_loop3A_680 {strides = array<i32>} : memref<125x144xf32, #tpu.memory_space<vmem>>, vector<1x16xf32>,
        %parallel_loop3A_681 = arith.constant 0 : i32
        %parallel_loop3A_682 = vector.broadcast %parallel_loop3A_681 : i32 to vector<16x1xi32>
        %parallel_loop3A_683 = vector.shape_cast %parallel_loop3A_682 : vector<16x1xi32> to vector<16xi32>
        %parallel_loop3A_684 = tpu.dynamic_gather %parallel_loop3A_675[%parallel_loop3A_683] in [0] : vector<16xf32>, vector<16xi32> -> vector<16xf32>
        %parallel_loop3A_685 = arith.index_cast %parallel_loop3A_661 : i32 to index
        %parallel_loop3A_686 = arith.constant 0 : index
        %parallel_loop3A_687 = tpu.vector_load %arg12[%parallel_loop3A_685, %parallel_loop3A_686] {strides = array<i32>} : memref<125x144xf32, #tpu.memory_space<vmem>>, vector<1x16xf32>,
        %parallel_loop3A_688 = vector.shape_cast %parallel_loop3A_687 : vector<1x16xf32> to vector<16xf32>
        %parallel_loop3A_689 = arith.mulf %parallel_loop3A_688, %parallel_loop3A_684 : vector<16xf32>
        %parallel_loop3A_690 = arith.index_cast %parallel_loop3A_661 : i32 to index
        %parallel_loop3A_691 = arith.constant 0 : index
        %parallel_loop3A_692 = tpu.vector_load %arg12[%parallel_loop3A_690, %parallel_loop3A_691] {strides = array<i32>} : memref<125x144xf32, #tpu.memory_space<vmem>>, vector<1x16xf32>,
        %parallel_loop3A_693 = vector.shape_cast %parallel_loop3A_692 : vector<1x16xf32> to vector<16xf32>
        %parallel_loop3A_694 = vector.shape_cast %parallel_loop3A_689 : vector<16xf32> to vector<1x16xf32>
        tpu.vector_store %arg12[%parallel_loop3A_690, %parallel_loop3A_691], %parallel_loop3A_694 {strides = array<i32>} : memref<125x144xf32, #tpu.memory_space<vmem>>, vector<1x16xf32>,
        %parallel_loop3A_695 = arith.constant 1 : i32
        %parallel_loop3A_696 = vector.broadcast %parallel_loop3A_695 : i32 to vector<16x1xi32>
        %parallel_loop3A_697 = vector.shape_cast %parallel_loop3A_696 : vector<16x1xi32> to vector<16xi32>
        %parallel_loop3A_698 = tpu.dynamic_gather %parallel_loop3A_675[%parallel_loop3A_697] in [0] : vector<16xf32>, vector<16xi32> -> vector<16xf32>
        %parallel_loop3A_699 = arith.index_cast %parallel_loop3A_661 : i32 to index
        %parallel_loop3A_700 = arith.constant 16 : index
        %parallel_loop3A_701 = tpu.vector_load %arg12[%parallel_loop3A_699, %parallel_loop3A_700] {strides = array<i32>} : memref<125x144xf32, #tpu.memory_space<vmem>>, vector<1x16xf32>,
        %parallel_loop3A_702 = vector.shape_cast %parallel_loop3A_701 : vector<1x16xf32> to vector<16xf32>
        %parallel_loop3A_703 = arith.mulf %parallel_loop3A_702, %parallel_loop3A_698 : vector<16xf32>
        %parallel_loop3A_704 = arith.index_cast %parallel_loop3A_661 : i32 to index
        %parallel_loop3A_705 = arith.constant 16 : index
        %parallel_loop3A_706 = tpu.vector_load %arg12[%parallel_loop3A_704, %parallel_loop3A_705] {strides = array<i32>} : memref<125x144xf32, #tpu.memory_space<vmem>>, vector<1x16xf32>,
        %parallel_loop3A_707 = vector.shape_cast %parallel_loop3A_706 : vector<1x16xf32> to vector<16xf32>
        %parallel_loop3A_708 = vector.shape_cast %parallel_loop3A_703 : vector<16xf32> to vector<1x16xf32>
        tpu.vector_store %arg12[%parallel_loop3A_704, %parallel_loop3A_705], %parallel_loop3A_708 {strides = array<i32>} : memref<125x144xf32, #tpu.memory_space<vmem>>, vector<1x16xf32>,
        %parallel_loop3A_709 = arith.constant 2 : i32
        %parallel_loop3A_710 = vector.broadcast %parallel_loop3A_709 : i32 to vector<16x1xi32>
        %parallel_loop3A_711 = vector.shape_cast %parallel_loop3A_710 : vector<16x1xi32> to vector<16xi32>
        %parallel_loop3A_712 = tpu.dynamic_gather %parallel_loop3A_675[%parallel_loop3A_711] in [0] : vector<16xf32>, vector<16xi32> -> vector<16xf32>
        %parallel_loop3A_713 = arith.index_cast %parallel_loop3A_661 : i32 to index
        %parallel_loop3A_714 = arith.constant 32 : index
        %parallel_loop3A_715 = tpu.vector_load %arg12[%parallel_loop3A_713, %parallel_loop3A_714] {strides = array<i32>} : memref<125x144xf32, #tpu.memory_space<vmem>>, vector<1x16xf32>,
        %parallel_loop3A_716 = vector.shape_cast %parallel_loop3A_715 : vector<1x16xf32> to vector<16xf32>
        %parallel_loop3A_717 = arith.mulf %parallel_loop3A_716, %parallel_loop3A_712 : vector<16xf32>
        %parallel_loop3A_718 = arith.index_cast %parallel_loop3A_661 : i32 to index
        %parallel_loop3A_719 = arith.constant 32 : index
        %parallel_loop3A_720 = tpu.vector_load %arg12[%parallel_loop3A_718, %parallel_loop3A_719] {strides = array<i32>} : memref<125x144xf32, #tpu.memory_space<vmem>>, vector<1x16xf32>,
        %parallel_loop3A_721 = vector.shape_cast %parallel_loop3A_720 : vector<1x16xf32> to vector<16xf32>
        %parallel_loop3A_722 = vector.shape_cast %parallel_loop3A_717 : vector<16xf32> to vector<1x16xf32>
        tpu.vector_store %arg12[%parallel_loop3A_718, %parallel_loop3A_719], %parallel_loop3A_722 {strides = array<i32>} : memref<125x144xf32, #tpu.memory_space<vmem>>, vector<1x16xf32>,
        %parallel_loop3A_723 = arith.constant 3 : i32
        %parallel_loop3A_724 = vector.broadcast %parallel_loop3A_723 : i32 to vector<16x1xi32>
        %parallel_loop3A_725 = vector.shape_cast %parallel_loop3A_724 : vector<16x1xi32> to vector<16xi32>
        %parallel_loop3A_726 = tpu.dynamic_gather %parallel_loop3A_675[%parallel_loop3A_725] in [0] : vector<16xf32>, vector<16xi32> -> vector<16xf32>
        %parallel_loop3A_727 = arith.index_cast %parallel_loop3A_661 : i32 to index
        %parallel_loop3A_728 = arith.constant 48 : index
        %parallel_loop3A_729 = tpu.vector_load %arg12[%parallel_loop3A_727, %parallel_loop3A_728] {strides = array<i32>} : memref<125x144xf32, #tpu.memory_space<vmem>>, vector<1x16xf32>,
        %parallel_loop3A_730 = vector.shape_cast %parallel_loop3A_729 : vector<1x16xf32> to vector<16xf32>
        %parallel_loop3A_731 = arith.mulf %parallel_loop3A_730, %parallel_loop3A_726 : vector<16xf32>
        %parallel_loop3A_732 = arith.index_cast %parallel_loop3A_661 : i32 to index
        %parallel_loop3A_733 = arith.constant 48 : index
        %parallel_loop3A_734 = tpu.vector_load %arg12[%parallel_loop3A_732, %parallel_loop3A_733] {strides = array<i32>} : memref<125x144xf32, #tpu.memory_space<vmem>>, vector<1x16xf32>,
        %parallel_loop3A_735 = vector.shape_cast %parallel_loop3A_734 : vector<1x16xf32> to vector<16xf32>
        %parallel_loop3A_736 = vector.shape_cast %parallel_loop3A_731 : vector<16xf32> to vector<1x16xf32>
        tpu.vector_store %arg12[%parallel_loop3A_732, %parallel_loop3A_733], %parallel_loop3A_736 {strides = array<i32>} : memref<125x144xf32, #tpu.memory_space<vmem>>, vector<1x16xf32>,
        %parallel_loop3A_737 = arith.constant 4 : i32
        %parallel_loop3A_738 = vector.broadcast %parallel_loop3A_737 : i32 to vector<16x1xi32>
        %parallel_loop3A_739 = vector.shape_cast %parallel_loop3A_738 : vector<16x1xi32> to vector<16xi32>
        %parallel_loop3A_740 = tpu.dynamic_gather %parallel_loop3A_675[%parallel_loop3A_739] in [0] : vector<16xf32>, vector<16xi32> -> vector<16xf32>
        %parallel_loop3A_741 = arith.index_cast %parallel_loop3A_661 : i32 to index
        %parallel_loop3A_742 = arith.constant 64 : index
        %parallel_loop3A_743 = tpu.vector_load %arg12[%parallel_loop3A_741, %parallel_loop3A_742] {strides = array<i32>} : memref<125x144xf32, #tpu.memory_space<vmem>>, vector<1x16xf32>,
        %parallel_loop3A_744 = vector.shape_cast %parallel_loop3A_743 : vector<1x16xf32> to vector<16xf32>
        %parallel_loop3A_745 = arith.mulf %parallel_loop3A_744, %parallel_loop3A_740 : vector<16xf32>
        %parallel_loop3A_746 = arith.index_cast %parallel_loop3A_661 : i32 to index
        %parallel_loop3A_747 = arith.constant 64 : index
        %parallel_loop3A_748 = tpu.vector_load %arg12[%parallel_loop3A_746, %parallel_loop3A_747] {strides = array<i32>} : memref<125x144xf32, #tpu.memory_space<vmem>>, vector<1x16xf32>,
        %parallel_loop3A_749 = vector.shape_cast %parallel_loop3A_748 : vector<1x16xf32> to vector<16xf32>
        %parallel_loop3A_750 = vector.shape_cast %parallel_loop3A_745 : vector<16xf32> to vector<1x16xf32>
        tpu.vector_store %arg12[%parallel_loop3A_746, %parallel_loop3A_747], %parallel_loop3A_750 {strides = array<i32>} : memref<125x144xf32, #tpu.memory_space<vmem>>, vector<1x16xf32>,
        %parallel_loop3A_751 = arith.constant 5 : i32
        %parallel_loop3A_752 = vector.broadcast %parallel_loop3A_751 : i32 to vector<16x1xi32>
        %parallel_loop3A_753 = vector.shape_cast %parallel_loop3A_752 : vector<16x1xi32> to vector<16xi32>
        %parallel_loop3A_754 = tpu.dynamic_gather %parallel_loop3A_675[%parallel_loop3A_753] in [0] : vector<16xf32>, vector<16xi32> -> vector<16xf32>
        %parallel_loop3A_755 = arith.index_cast %parallel_loop3A_661 : i32 to index
        %parallel_loop3A_756 = arith.constant 80 : index
        %parallel_loop3A_757 = tpu.vector_load %arg12[%parallel_loop3A_755, %parallel_loop3A_756] {strides = array<i32>} : memref<125x144xf32, #tpu.memory_space<vmem>>, vector<1x16xf32>,
        %parallel_loop3A_758 = vector.shape_cast %parallel_loop3A_757 : vector<1x16xf32> to vector<16xf32>
        %parallel_loop3A_759 = arith.mulf %parallel_loop3A_758, %parallel_loop3A_754 : vector<16xf32>
        %parallel_loop3A_760 = arith.index_cast %parallel_loop3A_661 : i32 to index
        %parallel_loop3A_761 = arith.constant 80 : index
        %parallel_loop3A_762 = tpu.vector_load %arg12[%parallel_loop3A_760, %parallel_loop3A_761] {strides = array<i32>} : memref<125x144xf32, #tpu.memory_space<vmem>>, vector<1x16xf32>,
        %parallel_loop3A_763 = vector.shape_cast %parallel_loop3A_762 : vector<1x16xf32> to vector<16xf32>
        %parallel_loop3A_764 = vector.shape_cast %parallel_loop3A_759 : vector<16xf32> to vector<1x16xf32>
        tpu.vector_store %arg12[%parallel_loop3A_760, %parallel_loop3A_761], %parallel_loop3A_764 {strides = array<i32>} : memref<125x144xf32, #tpu.memory_space<vmem>>, vector<1x16xf32>,
        %parallel_loop3A_765 = arith.constant 6 : i32
        %parallel_loop3A_766 = vector.broadcast %parallel_loop3A_765 : i32 to vector<16x1xi32>
        %parallel_loop3A_767 = vector.shape_cast %parallel_loop3A_766 : vector<16x1xi32> to vector<16xi32>
        %parallel_loop3A_768 = tpu.dynamic_gather %parallel_loop3A_675[%parallel_loop3A_767] in [0] : vector<16xf32>, vector<16xi32> -> vector<16xf32>
        %parallel_loop3A_769 = arith.index_cast %parallel_loop3A_661 : i32 to index
        %parallel_loop3A_770 = arith.constant 96 : index
        %parallel_loop3A_771 = tpu.vector_load %arg12[%parallel_loop3A_769, %parallel_loop3A_770] {strides = array<i32>} : memref<125x144xf32, #tpu.memory_space<vmem>>, vector<1x16xf32>,
        %parallel_loop3A_772 = vector.shape_cast %parallel_loop3A_771 : vector<1x16xf32> to vector<16xf32>
        %parallel_loop3A_773 = arith.mulf %parallel_loop3A_772, %parallel_loop3A_768 : vector<16xf32>
        %parallel_loop3A_774 = arith.index_cast %parallel_loop3A_661 : i32 to index
        %parallel_loop3A_775 = arith.constant 96 : index
        %parallel_loop3A_776 = tpu.vector_load %arg12[%parallel_loop3A_774, %parallel_loop3A_775] {strides = array<i32>} : memref<125x144xf32, #tpu.memory_space<vmem>>, vector<1x16xf32>,
        %parallel_loop3A_777 = vector.shape_cast %parallel_loop3A_776 : vector<1x16xf32> to vector<16xf32>
        %parallel_loop3A_778 = vector.shape_cast %parallel_loop3A_773 : vector<16xf32> to vector<1x16xf32>
        tpu.vector_store %arg12[%parallel_loop3A_774, %parallel_loop3A_775], %parallel_loop3A_778 {strides = array<i32>} : memref<125x144xf32, #tpu.memory_space<vmem>>, vector<1x16xf32>,
        %parallel_loop3A_779 = arith.constant 7 : i32
        %parallel_loop3A_780 = vector.broadcast %parallel_loop3A_779 : i32 to vector<16x1xi32>
        %parallel_loop3A_781 = vector.shape_cast %parallel_loop3A_780 : vector<16x1xi32> to vector<16xi32>
        %parallel_loop3A_782 = tpu.dynamic_gather %parallel_loop3A_675[%parallel_loop3A_781] in [0] : vector<16xf32>, vector<16xi32> -> vector<16xf32>
        %parallel_loop3A_783 = arith.index_cast %parallel_loop3A_661 : i32 to index
        %parallel_loop3A_784 = arith.constant 112 : index
        %parallel_loop3A_785 = tpu.vector_load %arg12[%parallel_loop3A_783, %parallel_loop3A_784] {strides = array<i32>} : memref<125x144xf32, #tpu.memory_space<vmem>>, vector<1x16xf32>,
        %parallel_loop3A_786 = vector.shape_cast %parallel_loop3A_785 : vector<1x16xf32> to vector<16xf32>
        %parallel_loop3A_787 = arith.mulf %parallel_loop3A_786, %parallel_loop3A_782 : vector<16xf32>
        %parallel_loop3A_788 = arith.index_cast %parallel_loop3A_661 : i32 to index
        %parallel_loop3A_789 = arith.constant 112 : index
        %parallel_loop3A_790 = tpu.vector_load %arg12[%parallel_loop3A_788, %parallel_loop3A_789] {strides = array<i32>} : memref<125x144xf32, #tpu.memory_space<vmem>>, vector<1x16xf32>,
        %parallel_loop3A_791 = vector.shape_cast %parallel_loop3A_790 : vector<1x16xf32> to vector<16xf32>
        %parallel_loop3A_792 = vector.shape_cast %parallel_loop3A_787 : vector<16xf32> to vector<1x16xf32>
        tpu.vector_store %arg12[%parallel_loop3A_788, %parallel_loop3A_789], %parallel_loop3A_792 {strides = array<i32>} : memref<125x144xf32, #tpu.memory_space<vmem>>, vector<1x16xf32>,
      } {sc.loop_unroll_factor = 2 : i64, sc.parallel_access}
      %run_scoped3A_659 = arith.constant 1 : i32
      "tpu.region"() ({
        %run_scoped3A_661 = tpu.sem_alloc : memref<!tpu.dma_semaphore, #tpu.memory_space<semaphore_mem>>
        %dma_start3A_662 = arith.constant 0 : i32
        %dma_start3A_663 = tpu.memref_slice %arg10[%run_scoped3A_659, %dma_start3A_662] : memref<2x125xi32, #tpu.memory_space<vmem>> -> memref<1x125xi32, #tpu.memory_space<vmem>>
        %dma_start3A_664 = tpu.memref_squeeze %dma_start3A_663 : memref<1x125xi32, #tpu.memory_space<vmem>> -> memref<125xi32, #tpu.memory_space<vmem>>
        %dma_start3A_665 = arith.constant 0 : i32
        %dma_start3A_666 = arith.constant 0 : i32
        %dma_start3A_667 = tpu.memref_slice %arg15[%dma_start3A_665, %dma_start3A_666] : memref<10000x144xf32, #tpu.memory_space<vmem_shared>> -> memref<10000x144xf32, #tpu.memory_space<vmem_shared>>
        tpu.enqueue_indirect_dma source(%arg12 : memref<125x144xf32, #tpu.memory_space<vmem>>) target(%dma_start3A_667 : memref<10000x144xf32, #tpu.memory_space<vmem_shared>>) offsets(%dma_start3A_664 : memref<125xi32, #tpu.memory_space<vmem>>) semaphore(%run_scoped3A_661 : memref<!tpu.dma_semaphore, #tpu.memory_space<semaphore_mem>>) {add = true}
        %dma_wait3A_668 = arith.constant 0 : i32
        %dma_wait3A_669 = tpu.memref_slice %arg10[%run_scoped3A_659, %dma_wait3A_668] : memref<2x125xi32, #tpu.memory_space<vmem>> -> memref<1x125xi32, #tpu.memory_space<vmem>>
        %dma_wait3A_670 = tpu.memref_squeeze %dma_wait3A_669 : memref<1x125xi32, #tpu.memory_space<vmem>> -> memref<125xi32, #tpu.memory_space<vmem>>
        %dma_wait3A_671 = arith.constant 0 : i32
        %dma_wait3A_672 = arith.constant 0 : i32
        %dma_wait3A_673 = tpu.memref_slice %arg15[%dma_wait3A_671, %dma_wait3A_672] : memref<10000x144xf32, #tpu.memory_space<vmem_shared>> -> memref<10000x144xf32, #tpu.memory_space<vmem_shared>>
        tpu.wait_indirect_dma semaphore(%run_scoped3A_661 : memref<!tpu.dma_semaphore, #tpu.memory_space<semaphore_mem>>) src(%arg12 : memref<125x144xf32, #tpu.memory_space<vmem>>) dst(%dma_wait3A_673 : memref<10000x144xf32, #tpu.memory_space<vmem_shared>>)
        tpu.yield
      }) : () -> ()
      %scan3A_660 = arith.constant 0 : i32
      scf.yield %scan3A_660 : i32
    }
    %scan3A_264 = arith.constant 18 : i32
    %dma_wait3A_265 = arith.constant 0 : i32
    %dma_wait3A_266 = arith.constant 0 : i32
    %dma_wait3A_267 = tpu.memref_slice %arg2[%dma_wait3A_265, %dma_wait3A_266] : memref<10000x144xf32, #tpu.memory_space<hbm>> -> memref<125x144xf32, #tpu.memory_space<hbm>>
    %dma_wait3A_268 = arith.constant 0 : i32
    %dma_wait3A_269 = arith.constant 0 : i32
    %dma_wait3A_270 = tpu.memref_slice %arg2[%dma_wait3A_268, %dma_wait3A_269] : memref<10000x144xf32, #tpu.memory_space<hbm>> -> memref<125x144xf32, #tpu.memory_space<hbm>>
    tpu.wait_dma2 semaphore(%arg16 : memref<!tpu.dma_semaphore, #tpu.memory_space<semaphore_mem>>) src(%dma_wait3A_270 : memref<125x144xf32, #tpu.memory_space<hbm>>) dst(%arg11 : memref<125x144xf32, #tpu.memory_space<vmem>>)
    %dma_wait3A_271 = arith.constant 0 : i32
    %dma_wait3A_272 = arith.constant 0 : i32
    %dma_wait3A_273 = tpu.memref_slice %arg3[%dma_wait3A_271, %dma_wait3A_272] : memref<10000x16xf32, #tpu.memory_space<hbm>> -> memref<125x16xf32, #tpu.memory_space<hbm>>
    %dma_wait3A_274 = arith.constant 0 : i32
    %dma_wait3A_275 = arith.constant 0 : i32
    %dma_wait3A_276 = tpu.memref_slice %arg3[%dma_wait3A_274, %dma_wait3A_275] : memref<10000x16xf32, #tpu.memory_space<hbm>> -> memref<125x16xf32, #tpu.memory_space<hbm>>
    tpu.wait_dma2 semaphore(%arg17 : memref<!tpu.dma_semaphore, #tpu.memory_space<semaphore_mem>>) src(%dma_wait3A_276 : memref<125x16xf32, #tpu.memory_space<hbm>>) dst(%arg13 : memref<125x16xf32, #tpu.memory_space<vmem>>)
    %add3A_277 = arith.constant 78 : i32
    %add3A_278 = arith.addi %mul3A_2, %add3A_277 : i32
    %dma_start3A_279 = arith.constant 0 : i32
    %dma_start3A_280 = tpu.memref_slice %arg4[%add3A_278, %dma_start3A_279] : memref<2560x125xi32, #tpu.memory_space<hbm>> -> memref<2x125xi32, #tpu.memory_space<hbm>>
    %dma_start3A_281 = arith.constant 0 : i32
    %dma_start3A_282 = tpu.memref_slice %arg4[%add3A_278, %dma_start3A_281] : memref<2560x125xi32, #tpu.memory_space<hbm>> -> memref<2x125xi32, #tpu.memory_space<hbm>>
    tpu.enqueue_dma source(%dma_start3A_282 : memref<2x125xi32, #tpu.memory_space<hbm>>) target(%arg9 : memref<2x125xi32, #tpu.memory_space<vmem>>) target_semaphore(%arg21 : memref<!tpu.dma_semaphore, #tpu.memory_space<semaphore_mem>>)
    %add3A_283 = arith.constant 78 : i32
    %add3A_284 = arith.addi %mul3A_2, %add3A_283 : i32
    %dma_start3A_285 = arith.constant 0 : i32
    %dma_start3A_286 = tpu.memref_slice %arg5[%add3A_284, %dma_start3A_285] : memref<2560x125xi32, #tpu.memory_space<hbm>> -> memref<2x125xi32, #tpu.memory_space<hbm>>
    %dma_start3A_287 = arith.constant 0 : i32
    %dma_start3A_288 = tpu.memref_slice %arg5[%add3A_284, %dma_start3A_287] : memref<2560x125xi32, #tpu.memory_space<hbm>> -> memref<2x125xi32, #tpu.memory_space<hbm>>
    tpu.enqueue_dma source(%dma_start3A_288 : memref<2x125xi32, #tpu.memory_space<hbm>>) target(%arg10 : memref<2x125xi32, #tpu.memory_space<vmem>>) target_semaphore(%arg21 : memref<!tpu.dma_semaphore, #tpu.memory_space<semaphore_mem>>)
    %dma_start3A_289 = arith.constant 1 : i32
    %dma_start3A_290 = arith.constant 0 : i32
    %dma_start3A_291 = tpu.memref_slice %arg7[%dma_start3A_289, %dma_start3A_290] : memref<2x125xi32, #tpu.memory_space<vmem>> -> memref<1x125xi32, #tpu.memory_space<vmem>>
    %dma_start3A_292 = tpu.memref_squeeze %dma_start3A_291 : memref<1x125xi32, #tpu.memory_space<vmem>> -> memref<125xi32, #tpu.memory_space<vmem>>
    %dma_start3A_293 = arith.constant 0 : i32
    %dma_start3A_294 = arith.constant 0 : i32
    %dma_start3A_295 = tpu.memref_slice %arg2[%dma_start3A_293, %dma_start3A_294] : memref<10000x144xf32, #tpu.memory_space<hbm>> -> memref<10000x144xf32, #tpu.memory_space<hbm>>
    tpu.enqueue_indirect_dma source(%dma_start3A_295 : memref<10000x144xf32, #tpu.memory_space<hbm>>) target(%arg12 : memref<125x144xf32, #tpu.memory_space<vmem>>) offsets(%dma_start3A_292 : memref<125xi32, #tpu.memory_space<vmem>>) semaphore(%arg18 : memref<!tpu.dma_semaphore, #tpu.memory_space<semaphore_mem>>)
    %dma_start3A_296 = arith.constant 1 : i32
    %dma_start3A_297 = arith.constant 0 : i32
    %dma_start3A_298 = tpu.memref_slice %arg8[%dma_start3A_296, %dma_start3A_297] : memref<2x125xi32, #tpu.memory_space<vmem>> -> memref<1x125xi32, #tpu.memory_space<vmem>>
    %dma_start3A_299 = tpu.memref_squeeze %dma_start3A_298 : memref<1x125xi32, #tpu.memory_space<vmem>> -> memref<125xi32, #tpu.memory_space<vmem>>
    %dma_start3A_300 = arith.constant 0 : i32
    %dma_start3A_301 = arith.constant 0 : i32
    %dma_start3A_302 = tpu.memref_slice %arg3[%dma_start3A_300, %dma_start3A_301] : memref<10000x16xf32, #tpu.memory_space<hbm>> -> memref<10000x16xf32, #tpu.memory_space<hbm>>
    tpu.enqueue_indirect_dma source(%dma_start3A_302 : memref<10000x16xf32, #tpu.memory_space<hbm>>) target(%arg14 : memref<125x16xf32, #tpu.memory_space<vmem>>) offsets(%dma_start3A_299 : memref<125xi32, #tpu.memory_space<vmem>>) semaphore(%arg19 : memref<!tpu.dma_semaphore, #tpu.memory_space<semaphore_mem>>)
    %parallel_loop3A_303 = arith.constant 0 : i32
    %parallel_loop3A_304 = arith.constant 125 : i32
    %parallel_loop3A_305 = arith.constant 1 : i32
    scf.for %parallel_loop3A_439 = %parallel_loop3A_303 to %parallel_loop3A_304 step %parallel_loop3A_305  : i32 {
      %parallel_loop3A_440 = arith.index_cast %parallel_loop3A_439 : i32 to index
      %parallel_loop3A_441 = arith.constant 128 : index
      %parallel_loop3A_442 = tpu.vector_load %arg11[%parallel_loop3A_440, %parallel_loop3A_441] {strides = array<i32>} : memref<125x144xf32, #tpu.memory_space<vmem>>, vector<1x16xf32>,
      %parallel_loop3A_443 = vector.shape_cast %parallel_loop3A_442 : vector<1x16xf32> to vector<16xf32>
      %parallel_loop3A_444 = arith.index_cast %parallel_loop3A_439 : i32 to index
      %parallel_loop3A_445 = arith.constant 0 : index
      %parallel_loop3A_446 = tpu.vector_load %arg13[%parallel_loop3A_444, %parallel_loop3A_445] {strides = array<i32>} : memref<125x16xf32, #tpu.memory_space<vmem>>, vector<1x16xf32>,
      %parallel_loop3A_447 = vector.shape_cast %parallel_loop3A_446 : vector<1x16xf32> to vector<16xf32>
      %parallel_loop3A_448 = arith.addf %parallel_loop3A_443, %parallel_loop3A_447 : vector<16xf32>
      %parallel_loop3A_449 = arith.constant 2.000000e-01 : f32
      %parallel_loop3A_450 = vector.broadcast %parallel_loop3A_449 : f32 to vector<16xf32>
      %parallel_loop3A_451 = arith.mulf %parallel_loop3A_448, %parallel_loop3A_450 : vector<16xf32>
      %parallel_loop3A_452 = arith.maximumf %parallel_loop3A_448, %parallel_loop3A_451 : vector<16xf32>
      %parallel_loop3A_453 = math.exp %parallel_loop3A_452 : vector<16xf32>
      %parallel_loop3A_454 = arith.index_cast %parallel_loop3A_439 : i32 to index
      %parallel_loop3A_455 = arith.constant 128 : index
      %parallel_loop3A_456 = tpu.vector_load %arg11[%parallel_loop3A_454, %parallel_loop3A_455] {strides = array<i32>} : memref<125x144xf32, #tpu.memory_space<vmem>>, vector<1x16xf32>,
      %parallel_loop3A_457 = vector.shape_cast %parallel_loop3A_456 : vector<1x16xf32> to vector<16xf32>
      %parallel_loop3A_458 = vector.shape_cast %parallel_loop3A_453 : vector<16xf32> to vector<1x16xf32>
      tpu.vector_store %arg11[%parallel_loop3A_454, %parallel_loop3A_455], %parallel_loop3A_458 {strides = array<i32>} : memref<125x144xf32, #tpu.memory_space<vmem>>, vector<1x16xf32>,
      %parallel_loop3A_459 = arith.constant 0 : i32
      %parallel_loop3A_460 = vector.broadcast %parallel_loop3A_459 : i32 to vector<16x1xi32>
      %parallel_loop3A_461 = vector.shape_cast %parallel_loop3A_460 : vector<16x1xi32> to vector<16xi32>
      %parallel_loop3A_462 = tpu.dynamic_gather %parallel_loop3A_453[%parallel_loop3A_461] in [0] : vector<16xf32>, vector<16xi32> -> vector<16xf32>
      %parallel_loop3A_463 = arith.index_cast %parallel_loop3A_439 : i32 to index
      %parallel_loop3A_464 = arith.constant 0 : index
      %parallel_loop3A_465 = tpu.vector_load %arg11[%parallel_loop3A_463, %parallel_loop3A_464] {strides = array<i32>} : memref<125x144xf32, #tpu.memory_space<vmem>>, vector<1x16xf32>,
      %parallel_loop3A_466 = vector.shape_cast %parallel_loop3A_465 : vector<1x16xf32> to vector<16xf32>
      %parallel_loop3A_467 = arith.mulf %parallel_loop3A_466, %parallel_loop3A_462 : vector<16xf32>
      %parallel_loop3A_468 = arith.index_cast %parallel_loop3A_439 : i32 to index
      %parallel_loop3A_469 = arith.constant 0 : index
      %parallel_loop3A_470 = tpu.vector_load %arg11[%parallel_loop3A_468, %parallel_loop3A_469] {strides = array<i32>} : memref<125x144xf32, #tpu.memory_space<vmem>>, vector<1x16xf32>,
      %parallel_loop3A_471 = vector.shape_cast %parallel_loop3A_470 : vector<1x16xf32> to vector<16xf32>
      %parallel_loop3A_472 = vector.shape_cast %parallel_loop3A_467 : vector<16xf32> to vector<1x16xf32>
      tpu.vector_store %arg11[%parallel_loop3A_468, %parallel_loop3A_469], %parallel_loop3A_472 {strides = array<i32>} : memref<125x144xf32, #tpu.memory_space<vmem>>, vector<1x16xf32>,
      %parallel_loop3A_473 = arith.constant 1 : i32
      %parallel_loop3A_474 = vector.broadcast %parallel_loop3A_473 : i32 to vector<16x1xi32>
      %parallel_loop3A_475 = vector.shape_cast %parallel_loop3A_474 : vector<16x1xi32> to vector<16xi32>
      %parallel_loop3A_476 = tpu.dynamic_gather %parallel_loop3A_453[%parallel_loop3A_475] in [0] : vector<16xf32>, vector<16xi32> -> vector<16xf32>
      %parallel_loop3A_477 = arith.index_cast %parallel_loop3A_439 : i32 to index
      %parallel_loop3A_478 = arith.constant 16 : index
      %parallel_loop3A_479 = tpu.vector_load %arg11[%parallel_loop3A_477, %parallel_loop3A_478] {strides = array<i32>} : memref<125x144xf32, #tpu.memory_space<vmem>>, vector<1x16xf32>,
      %parallel_loop3A_480 = vector.shape_cast %parallel_loop3A_479 : vector<1x16xf32> to vector<16xf32>
      %parallel_loop3A_481 = arith.mulf %parallel_loop3A_480, %parallel_loop3A_476 : vector<16xf32>
      %parallel_loop3A_482 = arith.index_cast %parallel_loop3A_439 : i32 to index
      %parallel_loop3A_483 = arith.constant 16 : index
      %parallel_loop3A_484 = tpu.vector_load %arg11[%parallel_loop3A_482, %parallel_loop3A_483] {strides = array<i32>} : memref<125x144xf32, #tpu.memory_space<vmem>>, vector<1x16xf32>,
      %parallel_loop3A_485 = vector.shape_cast %parallel_loop3A_484 : vector<1x16xf32> to vector<16xf32>
      %parallel_loop3A_486 = vector.shape_cast %parallel_loop3A_481 : vector<16xf32> to vector<1x16xf32>
      tpu.vector_store %arg11[%parallel_loop3A_482, %parallel_loop3A_483], %parallel_loop3A_486 {strides = array<i32>} : memref<125x144xf32, #tpu.memory_space<vmem>>, vector<1x16xf32>,
      %parallel_loop3A_487 = arith.constant 2 : i32
      %parallel_loop3A_488 = vector.broadcast %parallel_loop3A_487 : i32 to vector<16x1xi32>
      %parallel_loop3A_489 = vector.shape_cast %parallel_loop3A_488 : vector<16x1xi32> to vector<16xi32>
      %parallel_loop3A_490 = tpu.dynamic_gather %parallel_loop3A_453[%parallel_loop3A_489] in [0] : vector<16xf32>, vector<16xi32> -> vector<16xf32>
      %parallel_loop3A_491 = arith.index_cast %parallel_loop3A_439 : i32 to index
      %parallel_loop3A_492 = arith.constant 32 : index
      %parallel_loop3A_493 = tpu.vector_load %arg11[%parallel_loop3A_491, %parallel_loop3A_492] {strides = array<i32>} : memref<125x144xf32, #tpu.memory_space<vmem>>, vector<1x16xf32>,
      %parallel_loop3A_494 = vector.shape_cast %parallel_loop3A_493 : vector<1x16xf32> to vector<16xf32>
      %parallel_loop3A_495 = arith.mulf %parallel_loop3A_494, %parallel_loop3A_490 : vector<16xf32>
      %parallel_loop3A_496 = arith.index_cast %parallel_loop3A_439 : i32 to index
      %parallel_loop3A_497 = arith.constant 32 : index
      %parallel_loop3A_498 = tpu.vector_load %arg11[%parallel_loop3A_496, %parallel_loop3A_497] {strides = array<i32>} : memref<125x144xf32, #tpu.memory_space<vmem>>, vector<1x16xf32>,
      %parallel_loop3A_499 = vector.shape_cast %parallel_loop3A_498 : vector<1x16xf32> to vector<16xf32>
      %parallel_loop3A_500 = vector.shape_cast %parallel_loop3A_495 : vector<16xf32> to vector<1x16xf32>
      tpu.vector_store %arg11[%parallel_loop3A_496, %parallel_loop3A_497], %parallel_loop3A_500 {strides = array<i32>} : memref<125x144xf32, #tpu.memory_space<vmem>>, vector<1x16xf32>,
      %parallel_loop3A_501 = arith.constant 3 : i32
      %parallel_loop3A_502 = vector.broadcast %parallel_loop3A_501 : i32 to vector<16x1xi32>
      %parallel_loop3A_503 = vector.shape_cast %parallel_loop3A_502 : vector<16x1xi32> to vector<16xi32>
      %parallel_loop3A_504 = tpu.dynamic_gather %parallel_loop3A_453[%parallel_loop3A_503] in [0] : vector<16xf32>, vector<16xi32> -> vector<16xf32>
      %parallel_loop3A_505 = arith.index_cast %parallel_loop3A_439 : i32 to index
      %parallel_loop3A_506 = arith.constant 48 : index
      %parallel_loop3A_507 = tpu.vector_load %arg11[%parallel_loop3A_505, %parallel_loop3A_506] {strides = array<i32>} : memref<125x144xf32, #tpu.memory_space<vmem>>, vector<1x16xf32>,
      %parallel_loop3A_508 = vector.shape_cast %parallel_loop3A_507 : vector<1x16xf32> to vector<16xf32>
      %parallel_loop3A_509 = arith.mulf %parallel_loop3A_508, %parallel_loop3A_504 : vector<16xf32>
      %parallel_loop3A_510 = arith.index_cast %parallel_loop3A_439 : i32 to index
      %parallel_loop3A_511 = arith.constant 48 : index
      %parallel_loop3A_512 = tpu.vector_load %arg11[%parallel_loop3A_510, %parallel_loop3A_511] {strides = array<i32>} : memref<125x144xf32, #tpu.memory_space<vmem>>, vector<1x16xf32>,
      %parallel_loop3A_513 = vector.shape_cast %parallel_loop3A_512 : vector<1x16xf32> to vector<16xf32>
      %parallel_loop3A_514 = vector.shape_cast %parallel_loop3A_509 : vector<16xf32> to vector<1x16xf32>
      tpu.vector_store %arg11[%parallel_loop3A_510, %parallel_loop3A_511], %parallel_loop3A_514 {strides = array<i32>} : memref<125x144xf32, #tpu.memory_space<vmem>>, vector<1x16xf32>,
      %parallel_loop3A_515 = arith.constant 4 : i32
      %parallel_loop3A_516 = vector.broadcast %parallel_loop3A_515 : i32 to vector<16x1xi32>
      %parallel_loop3A_517 = vector.shape_cast %parallel_loop3A_516 : vector<16x1xi32> to vector<16xi32>
      %parallel_loop3A_518 = tpu.dynamic_gather %parallel_loop3A_453[%parallel_loop3A_517] in [0] : vector<16xf32>, vector<16xi32> -> vector<16xf32>
      %parallel_loop3A_519 = arith.index_cast %parallel_loop3A_439 : i32 to index
      %parallel_loop3A_520 = arith.constant 64 : index
      %parallel_loop3A_521 = tpu.vector_load %arg11[%parallel_loop3A_519, %parallel_loop3A_520] {strides = array<i32>} : memref<125x144xf32, #tpu.memory_space<vmem>>, vector<1x16xf32>,
      %parallel_loop3A_522 = vector.shape_cast %parallel_loop3A_521 : vector<1x16xf32> to vector<16xf32>
      %parallel_loop3A_523 = arith.mulf %parallel_loop3A_522, %parallel_loop3A_518 : vector<16xf32>
      %parallel_loop3A_524 = arith.index_cast %parallel_loop3A_439 : i32 to index
      %parallel_loop3A_525 = arith.constant 64 : index
      %parallel_loop3A_526 = tpu.vector_load %arg11[%parallel_loop3A_524, %parallel_loop3A_525] {strides = array<i32>} : memref<125x144xf32, #tpu.memory_space<vmem>>, vector<1x16xf32>,
      %parallel_loop3A_527 = vector.shape_cast %parallel_loop3A_526 : vector<1x16xf32> to vector<16xf32>
      %parallel_loop3A_528 = vector.shape_cast %parallel_loop3A_523 : vector<16xf32> to vector<1x16xf32>
      tpu.vector_store %arg11[%parallel_loop3A_524, %parallel_loop3A_525], %parallel_loop3A_528 {strides = array<i32>} : memref<125x144xf32, #tpu.memory_space<vmem>>, vector<1x16xf32>,
      %parallel_loop3A_529 = arith.constant 5 : i32
      %parallel_loop3A_530 = vector.broadcast %parallel_loop3A_529 : i32 to vector<16x1xi32>
      %parallel_loop3A_531 = vector.shape_cast %parallel_loop3A_530 : vector<16x1xi32> to vector<16xi32>
      %parallel_loop3A_532 = tpu.dynamic_gather %parallel_loop3A_453[%parallel_loop3A_531] in [0] : vector<16xf32>, vector<16xi32> -> vector<16xf32>
      %parallel_loop3A_533 = arith.index_cast %parallel_loop3A_439 : i32 to index
      %parallel_loop3A_534 = arith.constant 80 : index
      %parallel_loop3A_535 = tpu.vector_load %arg11[%parallel_loop3A_533, %parallel_loop3A_534] {strides = array<i32>} : memref<125x144xf32, #tpu.memory_space<vmem>>, vector<1x16xf32>,
      %parallel_loop3A_536 = vector.shape_cast %parallel_loop3A_535 : vector<1x16xf32> to vector<16xf32>
      %parallel_loop3A_537 = arith.mulf %parallel_loop3A_536, %parallel_loop3A_532 : vector<16xf32>
      %parallel_loop3A_538 = arith.index_cast %parallel_loop3A_439 : i32 to index
      %parallel_loop3A_539 = arith.constant 80 : index
      %parallel_loop3A_540 = tpu.vector_load %arg11[%parallel_loop3A_538, %parallel_loop3A_539] {strides = array<i32>} : memref<125x144xf32, #tpu.memory_space<vmem>>, vector<1x16xf32>,
      %parallel_loop3A_541 = vector.shape_cast %parallel_loop3A_540 : vector<1x16xf32> to vector<16xf32>
      %parallel_loop3A_542 = vector.shape_cast %parallel_loop3A_537 : vector<16xf32> to vector<1x16xf32>
      tpu.vector_store %arg11[%parallel_loop3A_538, %parallel_loop3A_539], %parallel_loop3A_542 {strides = array<i32>} : memref<125x144xf32, #tpu.memory_space<vmem>>, vector<1x16xf32>,
      %parallel_loop3A_543 = arith.constant 6 : i32
      %parallel_loop3A_544 = vector.broadcast %parallel_loop3A_543 : i32 to vector<16x1xi32>
      %parallel_loop3A_545 = vector.shape_cast %parallel_loop3A_544 : vector<16x1xi32> to vector<16xi32>
      %parallel_loop3A_546 = tpu.dynamic_gather %parallel_loop3A_453[%parallel_loop3A_545] in [0] : vector<16xf32>, vector<16xi32> -> vector<16xf32>
      %parallel_loop3A_547 = arith.index_cast %parallel_loop3A_439 : i32 to index
      %parallel_loop3A_548 = arith.constant 96 : index
      %parallel_loop3A_549 = tpu.vector_load %arg11[%parallel_loop3A_547, %parallel_loop3A_548] {strides = array<i32>} : memref<125x144xf32, #tpu.memory_space<vmem>>, vector<1x16xf32>,
      %parallel_loop3A_550 = vector.shape_cast %parallel_loop3A_549 : vector<1x16xf32> to vector<16xf32>
      %parallel_loop3A_551 = arith.mulf %parallel_loop3A_550, %parallel_loop3A_546 : vector<16xf32>
      %parallel_loop3A_552 = arith.index_cast %parallel_loop3A_439 : i32 to index
      %parallel_loop3A_553 = arith.constant 96 : index
      %parallel_loop3A_554 = tpu.vector_load %arg11[%parallel_loop3A_552, %parallel_loop3A_553] {strides = array<i32>} : memref<125x144xf32, #tpu.memory_space<vmem>>, vector<1x16xf32>,
      %parallel_loop3A_555 = vector.shape_cast %parallel_loop3A_554 : vector<1x16xf32> to vector<16xf32>
      %parallel_loop3A_556 = vector.shape_cast %parallel_loop3A_551 : vector<16xf32> to vector<1x16xf32>
      tpu.vector_store %arg11[%parallel_loop3A_552, %parallel_loop3A_553], %parallel_loop3A_556 {strides = array<i32>} : memref<125x144xf32, #tpu.memory_space<vmem>>, vector<1x16xf32>,
      %parallel_loop3A_557 = arith.constant 7 : i32
      %parallel_loop3A_558 = vector.broadcast %parallel_loop3A_557 : i32 to vector<16x1xi32>
      %parallel_loop3A_559 = vector.shape_cast %parallel_loop3A_558 : vector<16x1xi32> to vector<16xi32>
      %parallel_loop3A_560 = tpu.dynamic_gather %parallel_loop3A_453[%parallel_loop3A_559] in [0] : vector<16xf32>, vector<16xi32> -> vector<16xf32>
      %parallel_loop3A_561 = arith.index_cast %parallel_loop3A_439 : i32 to index
      %parallel_loop3A_562 = arith.constant 112 : index
      %parallel_loop3A_563 = tpu.vector_load %arg11[%parallel_loop3A_561, %parallel_loop3A_562] {strides = array<i32>} : memref<125x144xf32, #tpu.memory_space<vmem>>, vector<1x16xf32>,
      %parallel_loop3A_564 = vector.shape_cast %parallel_loop3A_563 : vector<1x16xf32> to vector<16xf32>
      %parallel_loop3A_565 = arith.mulf %parallel_loop3A_564, %parallel_loop3A_560 : vector<16xf32>
      %parallel_loop3A_566 = arith.index_cast %parallel_loop3A_439 : i32 to index
      %parallel_loop3A_567 = arith.constant 112 : index
      %parallel_loop3A_568 = tpu.vector_load %arg11[%parallel_loop3A_566, %parallel_loop3A_567] {strides = array<i32>} : memref<125x144xf32, #tpu.memory_space<vmem>>, vector<1x16xf32>,
      %parallel_loop3A_569 = vector.shape_cast %parallel_loop3A_568 : vector<1x16xf32> to vector<16xf32>
      %parallel_loop3A_570 = vector.shape_cast %parallel_loop3A_565 : vector<16xf32> to vector<1x16xf32>
      tpu.vector_store %arg11[%parallel_loop3A_566, %parallel_loop3A_567], %parallel_loop3A_570 {strides = array<i32>} : memref<125x144xf32, #tpu.memory_space<vmem>>, vector<1x16xf32>,
    } {sc.loop_unroll_factor = 2 : i64, sc.parallel_access}
    %dma_start3A_306 = arith.constant 0 : i32
    %dma_start3A_307 = arith.constant 0 : i32
    %dma_start3A_308 = tpu.memref_slice %arg8[%dma_start3A_306, %dma_start3A_307] : memref<2x125xi32, #tpu.memory_space<vmem>> -> memref<1x125xi32, #tpu.memory_space<vmem>>
    %dma_start3A_309 = tpu.memref_squeeze %dma_start3A_308 : memref<1x125xi32, #tpu.memory_space<vmem>> -> memref<125xi32, #tpu.memory_space<vmem>>
    %dma_start3A_310 = arith.constant 0 : i32
    %dma_start3A_311 = arith.constant 0 : i32
    %dma_start3A_312 = tpu.memref_slice %arg15[%dma_start3A_310, %dma_start3A_311] : memref<10000x144xf32, #tpu.memory_space<vmem_shared>> -> memref<10000x144xf32, #tpu.memory_space<vmem_shared>>
    tpu.enqueue_indirect_dma source(%arg11 : memref<125x144xf32, #tpu.memory_space<vmem>>) target(%dma_start3A_312 : memref<10000x144xf32, #tpu.memory_space<vmem_shared>>) offsets(%dma_start3A_309 : memref<125xi32, #tpu.memory_space<vmem>>) semaphore(%arg22 : memref<!tpu.dma_semaphore, #tpu.memory_space<semaphore_mem>>) {add = true}
    %dma_wait3A_313 = arith.constant 0 : i32
    %dma_wait3A_314 = arith.constant 0 : i32
    %dma_wait3A_315 = tpu.memref_slice %arg2[%dma_wait3A_313, %dma_wait3A_314] : memref<10000x144xf32, #tpu.memory_space<hbm>> -> memref<125x144xf32, #tpu.memory_space<hbm>>
    %dma_wait3A_316 = arith.constant 0 : i32
    %dma_wait3A_317 = arith.constant 0 : i32
    %dma_wait3A_318 = tpu.memref_slice %arg2[%dma_wait3A_316, %dma_wait3A_317] : memref<10000x144xf32, #tpu.memory_space<hbm>> -> memref<125x144xf32, #tpu.memory_space<hbm>>
    tpu.wait_dma2 semaphore(%arg18 : memref<!tpu.dma_semaphore, #tpu.memory_space<semaphore_mem>>) src(%dma_wait3A_318 : memref<125x144xf32, #tpu.memory_space<hbm>>) dst(%arg12 : memref<125x144xf32, #tpu.memory_space<vmem>>)
    %dma_wait3A_319 = arith.constant 0 : i32
    %dma_wait3A_320 = arith.constant 0 : i32
    %dma_wait3A_321 = tpu.memref_slice %arg3[%dma_wait3A_319, %dma_wait3A_320] : memref<10000x16xf32, #tpu.memory_space<hbm>> -> memref<125x16xf32, #tpu.memory_space<hbm>>
    %dma_wait3A_322 = arith.constant 0 : i32
    %dma_wait3A_323 = arith.constant 0 : i32
    %dma_wait3A_324 = tpu.memref_slice %arg3[%dma_wait3A_322, %dma_wait3A_323] : memref<10000x16xf32, #tpu.memory_space<hbm>> -> memref<125x16xf32, #tpu.memory_space<hbm>>
    tpu.wait_dma2 semaphore(%arg19 : memref<!tpu.dma_semaphore, #tpu.memory_space<semaphore_mem>>) src(%dma_wait3A_324 : memref<125x16xf32, #tpu.memory_space<hbm>>) dst(%arg14 : memref<125x16xf32, #tpu.memory_space<vmem>>)
    %dma_wait3A_325 = arith.constant 0 : i32
    %dma_wait3A_326 = arith.constant 0 : i32
    %dma_wait3A_327 = tpu.memref_slice %arg4[%dma_wait3A_325, %dma_wait3A_326] : memref<2560x125xi32, #tpu.memory_space<hbm>> -> memref<2x125xi32, #tpu.memory_space<hbm>>
    %dma_wait3A_328 = arith.constant 0 : i32
    %dma_wait3A_329 = arith.constant 0 : i32
    %dma_wait3A_330 = tpu.memref_slice %arg4[%dma_wait3A_328, %dma_wait3A_329] : memref<2560x125xi32, #tpu.memory_space<hbm>> -> memref<2x125xi32, #tpu.memory_space<hbm>>
    tpu.wait_dma2 semaphore(%arg21 : memref<!tpu.dma_semaphore, #tpu.memory_space<semaphore_mem>>) src(%dma_wait3A_330 : memref<2x125xi32, #tpu.memory_space<hbm>>) dst(%arg9 : memref<2x125xi32, #tpu.memory_space<vmem>>)
    %dma_wait3A_331 = arith.constant 0 : i32
    %dma_wait3A_332 = arith.constant 0 : i32
    %dma_wait3A_333 = tpu.memref_slice %arg4[%dma_wait3A_331, %dma_wait3A_332] : memref<2560x125xi32, #tpu.memory_space<hbm>> -> memref<2x125xi32, #tpu.memory_space<hbm>>
    %dma_wait3A_334 = arith.constant 0 : i32
    %dma_wait3A_335 = arith.constant 0 : i32
    %dma_wait3A_336 = tpu.memref_slice %arg4[%dma_wait3A_334, %dma_wait3A_335] : memref<2560x125xi32, #tpu.memory_space<hbm>> -> memref<2x125xi32, #tpu.memory_space<hbm>>
    tpu.wait_dma2 semaphore(%arg21 : memref<!tpu.dma_semaphore, #tpu.memory_space<semaphore_mem>>) src(%dma_wait3A_336 : memref<2x125xi32, #tpu.memory_space<hbm>>) dst(%arg10 : memref<2x125xi32, #tpu.memory_space<vmem>>)
    %dma_wait3A_337 = arith.constant 0 : i32
    %dma_wait3A_338 = arith.constant 0 : i32
    %dma_wait3A_339 = tpu.memref_slice %arg8[%dma_wait3A_337, %dma_wait3A_338] : memref<2x125xi32, #tpu.memory_space<vmem>> -> memref<1x125xi32, #tpu.memory_space<vmem>>
    %dma_wait3A_340 = tpu.memref_squeeze %dma_wait3A_339 : memref<1x125xi32, #tpu.memory_space<vmem>> -> memref<125xi32, #tpu.memory_space<vmem>>
    %dma_wait3A_341 = arith.constant 0 : i32
    %dma_wait3A_342 = arith.constant 0 : i32
    %dma_wait3A_343 = tpu.memref_slice %arg15[%dma_wait3A_341, %dma_wait3A_342] : memref<10000x144xf32, #tpu.memory_space<vmem_shared>> -> memref<10000x144xf32, #tpu.memory_space<vmem_shared>>
    tpu.wait_indirect_dma semaphore(%arg22 : memref<!tpu.dma_semaphore, #tpu.memory_space<semaphore_mem>>) src(%arg11 : memref<125x144xf32, #tpu.memory_space<vmem>>) dst(%dma_wait3A_343 : memref<10000x144xf32, #tpu.memory_space<vmem_shared>>)
    %dma_start3A_344 = arith.constant 0 : i32
    %dma_start3A_345 = arith.constant 0 : i32
    %dma_start3A_346 = tpu.memref_slice %arg9[%dma_start3A_344, %dma_start3A_345] : memref<2x125xi32, #tpu.memory_space<vmem>> -> memref<1x125xi32, #tpu.memory_space<vmem>>
    %dma_start3A_347 = tpu.memref_squeeze %dma_start3A_346 : memref<1x125xi32, #tpu.memory_space<vmem>> -> memref<125xi32, #tpu.memory_space<vmem>>
    %dma_start3A_348 = arith.constant 0 : i32
    %dma_start3A_349 = arith.constant 0 : i32
    %dma_start3A_350 = tpu.memref_slice %arg2[%dma_start3A_348, %dma_start3A_349] : memref<10000x144xf32, #tpu.memory_space<hbm>> -> memref<10000x144xf32, #tpu.memory_space<hbm>>
    tpu.enqueue_indirect_dma source(%dma_start3A_350 : memref<10000x144xf32, #tpu.memory_space<hbm>>) target(%arg11 : memref<125x144xf32, #tpu.memory_space<vmem>>) offsets(%dma_start3A_347 : memref<125xi32, #tpu.memory_space<vmem>>) semaphore(%arg16 : memref<!tpu.dma_semaphore, #tpu.memory_space<semaphore_mem>>)
    %dma_start3A_351 = arith.constant 0 : i32
    %dma_start3A_352 = arith.constant 0 : i32
    %dma_start3A_353 = tpu.memref_slice %arg10[%dma_start3A_351, %dma_start3A_352] : memref<2x125xi32, #tpu.memory_space<vmem>> -> memref<1x125xi32, #tpu.memory_space<vmem>>
    %dma_start3A_354 = tpu.memref_squeeze %dma_start3A_353 : memref<1x125xi32, #tpu.memory_space<vmem>> -> memref<125xi32, #tpu.memory_space<vmem>>
    %dma_start3A_355 = arith.constant 0 : i32
    %dma_start3A_356 = arith.constant 0 : i32
    %dma_start3A_357 = tpu.memref_slice %arg3[%dma_start3A_355, %dma_start3A_356] : memref<10000x16xf32, #tpu.memory_space<hbm>> -> memref<10000x16xf32, #tpu.memory_space<hbm>>
    tpu.enqueue_indirect_dma source(%dma_start3A_357 : memref<10000x16xf32, #tpu.memory_space<hbm>>) target(%arg13 : memref<125x16xf32, #tpu.memory_space<vmem>>) offsets(%dma_start3A_354 : memref<125xi32, #tpu.memory_space<vmem>>) semaphore(%arg17 : memref<!tpu.dma_semaphore, #tpu.memory_space<semaphore_mem>>)
    %parallel_loop3A_358 = arith.constant 0 : i32
    %parallel_loop3A_359 = arith.constant 125 : i32
    %parallel_loop3A_360 = arith.constant 1 : i32
    scf.for %parallel_loop3A_439 = %parallel_loop3A_358 to %parallel_loop3A_359 step %parallel_loop3A_360  : i32 {
      %parallel_loop3A_440 = arith.index_cast %parallel_loop3A_439 : i32 to index
      %parallel_loop3A_441 = arith.constant 128 : index
      %parallel_loop3A_442 = tpu.vector_load %arg12[%parallel_loop3A_440, %parallel_loop3A_441] {strides = array<i32>} : memref<125x144xf32, #tpu.memory_space<vmem>>, vector<1x16xf32>,
      %parallel_loop3A_443 = vector.shape_cast %parallel_loop3A_442 : vector<1x16xf32> to vector<16xf32>
      %parallel_loop3A_444 = arith.index_cast %parallel_loop3A_439 : i32 to index
      %parallel_loop3A_445 = arith.constant 0 : index
      %parallel_loop3A_446 = tpu.vector_load %arg14[%parallel_loop3A_444, %parallel_loop3A_445] {strides = array<i32>} : memref<125x16xf32, #tpu.memory_space<vmem>>, vector<1x16xf32>,
      %parallel_loop3A_447 = vector.shape_cast %parallel_loop3A_446 : vector<1x16xf32> to vector<16xf32>
      %parallel_loop3A_448 = arith.addf %parallel_loop3A_443, %parallel_loop3A_447 : vector<16xf32>
      %parallel_loop3A_449 = arith.constant 2.000000e-01 : f32
      %parallel_loop3A_450 = vector.broadcast %parallel_loop3A_449 : f32 to vector<16xf32>
      %parallel_loop3A_451 = arith.mulf %parallel_loop3A_448, %parallel_loop3A_450 : vector<16xf32>
      %parallel_loop3A_452 = arith.maximumf %parallel_loop3A_448, %parallel_loop3A_451 : vector<16xf32>
      %parallel_loop3A_453 = math.exp %parallel_loop3A_452 : vector<16xf32>
      %parallel_loop3A_454 = arith.index_cast %parallel_loop3A_439 : i32 to index
      %parallel_loop3A_455 = arith.constant 128 : index
      %parallel_loop3A_456 = tpu.vector_load %arg12[%parallel_loop3A_454, %parallel_loop3A_455] {strides = array<i32>} : memref<125x144xf32, #tpu.memory_space<vmem>>, vector<1x16xf32>,
      %parallel_loop3A_457 = vector.shape_cast %parallel_loop3A_456 : vector<1x16xf32> to vector<16xf32>
      %parallel_loop3A_458 = vector.shape_cast %parallel_loop3A_453 : vector<16xf32> to vector<1x16xf32>
      tpu.vector_store %arg12[%parallel_loop3A_454, %parallel_loop3A_455], %parallel_loop3A_458 {strides = array<i32>} : memref<125x144xf32, #tpu.memory_space<vmem>>, vector<1x16xf32>,
      %parallel_loop3A_459 = arith.constant 0 : i32
      %parallel_loop3A_460 = vector.broadcast %parallel_loop3A_459 : i32 to vector<16x1xi32>
      %parallel_loop3A_461 = vector.shape_cast %parallel_loop3A_460 : vector<16x1xi32> to vector<16xi32>
      %parallel_loop3A_462 = tpu.dynamic_gather %parallel_loop3A_453[%parallel_loop3A_461] in [0] : vector<16xf32>, vector<16xi32> -> vector<16xf32>
      %parallel_loop3A_463 = arith.index_cast %parallel_loop3A_439 : i32 to index
      %parallel_loop3A_464 = arith.constant 0 : index
      %parallel_loop3A_465 = tpu.vector_load %arg12[%parallel_loop3A_463, %parallel_loop3A_464] {strides = array<i32>} : memref<125x144xf32, #tpu.memory_space<vmem>>, vector<1x16xf32>,
      %parallel_loop3A_466 = vector.shape_cast %parallel_loop3A_465 : vector<1x16xf32> to vector<16xf32>
      %parallel_loop3A_467 = arith.mulf %parallel_loop3A_466, %parallel_loop3A_462 : vector<16xf32>
      %parallel_loop3A_468 = arith.index_cast %parallel_loop3A_439 : i32 to index
      %parallel_loop3A_469 = arith.constant 0 : index
      %parallel_loop3A_470 = tpu.vector_load %arg12[%parallel_loop3A_468, %parallel_loop3A_469] {strides = array<i32>} : memref<125x144xf32, #tpu.memory_space<vmem>>, vector<1x16xf32>,
      %parallel_loop3A_471 = vector.shape_cast %parallel_loop3A_470 : vector<1x16xf32> to vector<16xf32>
      %parallel_loop3A_472 = vector.shape_cast %parallel_loop3A_467 : vector<16xf32> to vector<1x16xf32>
      tpu.vector_store %arg12[%parallel_loop3A_468, %parallel_loop3A_469], %parallel_loop3A_472 {strides = array<i32>} : memref<125x144xf32, #tpu.memory_space<vmem>>, vector<1x16xf32>,
      %parallel_loop3A_473 = arith.constant 1 : i32
      %parallel_loop3A_474 = vector.broadcast %parallel_loop3A_473 : i32 to vector<16x1xi32>
      %parallel_loop3A_475 = vector.shape_cast %parallel_loop3A_474 : vector<16x1xi32> to vector<16xi32>
      %parallel_loop3A_476 = tpu.dynamic_gather %parallel_loop3A_453[%parallel_loop3A_475] in [0] : vector<16xf32>, vector<16xi32> -> vector<16xf32>
      %parallel_loop3A_477 = arith.index_cast %parallel_loop3A_439 : i32 to index
      %parallel_loop3A_478 = arith.constant 16 : index
      %parallel_loop3A_479 = tpu.vector_load %arg12[%parallel_loop3A_477, %parallel_loop3A_478] {strides = array<i32>} : memref<125x144xf32, #tpu.memory_space<vmem>>, vector<1x16xf32>,
      %parallel_loop3A_480 = vector.shape_cast %parallel_loop3A_479 : vector<1x16xf32> to vector<16xf32>
      %parallel_loop3A_481 = arith.mulf %parallel_loop3A_480, %parallel_loop3A_476 : vector<16xf32>
      %parallel_loop3A_482 = arith.index_cast %parallel_loop3A_439 : i32 to index
      %parallel_loop3A_483 = arith.constant 16 : index
      %parallel_loop3A_484 = tpu.vector_load %arg12[%parallel_loop3A_482, %parallel_loop3A_483] {strides = array<i32>} : memref<125x144xf32, #tpu.memory_space<vmem>>, vector<1x16xf32>,
      %parallel_loop3A_485 = vector.shape_cast %parallel_loop3A_484 : vector<1x16xf32> to vector<16xf32>
      %parallel_loop3A_486 = vector.shape_cast %parallel_loop3A_481 : vector<16xf32> to vector<1x16xf32>
      tpu.vector_store %arg12[%parallel_loop3A_482, %parallel_loop3A_483], %parallel_loop3A_486 {strides = array<i32>} : memref<125x144xf32, #tpu.memory_space<vmem>>, vector<1x16xf32>,
      %parallel_loop3A_487 = arith.constant 2 : i32
      %parallel_loop3A_488 = vector.broadcast %parallel_loop3A_487 : i32 to vector<16x1xi32>
      %parallel_loop3A_489 = vector.shape_cast %parallel_loop3A_488 : vector<16x1xi32> to vector<16xi32>
      %parallel_loop3A_490 = tpu.dynamic_gather %parallel_loop3A_453[%parallel_loop3A_489] in [0] : vector<16xf32>, vector<16xi32> -> vector<16xf32>
      %parallel_loop3A_491 = arith.index_cast %parallel_loop3A_439 : i32 to index
      %parallel_loop3A_492 = arith.constant 32 : index
      %parallel_loop3A_493 = tpu.vector_load %arg12[%parallel_loop3A_491, %parallel_loop3A_492] {strides = array<i32>} : memref<125x144xf32, #tpu.memory_space<vmem>>, vector<1x16xf32>,
      %parallel_loop3A_494 = vector.shape_cast %parallel_loop3A_493 : vector<1x16xf32> to vector<16xf32>
      %parallel_loop3A_495 = arith.mulf %parallel_loop3A_494, %parallel_loop3A_490 : vector<16xf32>
      %parallel_loop3A_496 = arith.index_cast %parallel_loop3A_439 : i32 to index
      %parallel_loop3A_497 = arith.constant 32 : index
      %parallel_loop3A_498 = tpu.vector_load %arg12[%parallel_loop3A_496, %parallel_loop3A_497] {strides = array<i32>} : memref<125x144xf32, #tpu.memory_space<vmem>>, vector<1x16xf32>,
      %parallel_loop3A_499 = vector.shape_cast %parallel_loop3A_498 : vector<1x16xf32> to vector<16xf32>
      %parallel_loop3A_500 = vector.shape_cast %parallel_loop3A_495 : vector<16xf32> to vector<1x16xf32>
      tpu.vector_store %arg12[%parallel_loop3A_496, %parallel_loop3A_497], %parallel_loop3A_500 {strides = array<i32>} : memref<125x144xf32, #tpu.memory_space<vmem>>, vector<1x16xf32>,
      %parallel_loop3A_501 = arith.constant 3 : i32
      %parallel_loop3A_502 = vector.broadcast %parallel_loop3A_501 : i32 to vector<16x1xi32>
      %parallel_loop3A_503 = vector.shape_cast %parallel_loop3A_502 : vector<16x1xi32> to vector<16xi32>
      %parallel_loop3A_504 = tpu.dynamic_gather %parallel_loop3A_453[%parallel_loop3A_503] in [0] : vector<16xf32>, vector<16xi32> -> vector<16xf32>
      %parallel_loop3A_505 = arith.index_cast %parallel_loop3A_439 : i32 to index
      %parallel_loop3A_506 = arith.constant 48 : index
      %parallel_loop3A_507 = tpu.vector_load %arg12[%parallel_loop3A_505, %parallel_loop3A_506] {strides = array<i32>} : memref<125x144xf32, #tpu.memory_space<vmem>>, vector<1x16xf32>,
      %parallel_loop3A_508 = vector.shape_cast %parallel_loop3A_507 : vector<1x16xf32> to vector<16xf32>
      %parallel_loop3A_509 = arith.mulf %parallel_loop3A_508, %parallel_loop3A_504 : vector<16xf32>
      %parallel_loop3A_510 = arith.index_cast %parallel_loop3A_439 : i32 to index
      %parallel_loop3A_511 = arith.constant 48 : index
      %parallel_loop3A_512 = tpu.vector_load %arg12[%parallel_loop3A_510, %parallel_loop3A_511] {strides = array<i32>} : memref<125x144xf32, #tpu.memory_space<vmem>>, vector<1x16xf32>,
      %parallel_loop3A_513 = vector.shape_cast %parallel_loop3A_512 : vector<1x16xf32> to vector<16xf32>
      %parallel_loop3A_514 = vector.shape_cast %parallel_loop3A_509 : vector<16xf32> to vector<1x16xf32>
      tpu.vector_store %arg12[%parallel_loop3A_510, %parallel_loop3A_511], %parallel_loop3A_514 {strides = array<i32>} : memref<125x144xf32, #tpu.memory_space<vmem>>, vector<1x16xf32>,
      %parallel_loop3A_515 = arith.constant 4 : i32
      %parallel_loop3A_516 = vector.broadcast %parallel_loop3A_515 : i32 to vector<16x1xi32>
      %parallel_loop3A_517 = vector.shape_cast %parallel_loop3A_516 : vector<16x1xi32> to vector<16xi32>
      %parallel_loop3A_518 = tpu.dynamic_gather %parallel_loop3A_453[%parallel_loop3A_517] in [0] : vector<16xf32>, vector<16xi32> -> vector<16xf32>
      %parallel_loop3A_519 = arith.index_cast %parallel_loop3A_439 : i32 to index
      %parallel_loop3A_520 = arith.constant 64 : index
      %parallel_loop3A_521 = tpu.vector_load %arg12[%parallel_loop3A_519, %parallel_loop3A_520] {strides = array<i32>} : memref<125x144xf32, #tpu.memory_space<vmem>>, vector<1x16xf32>,
      %parallel_loop3A_522 = vector.shape_cast %parallel_loop3A_521 : vector<1x16xf32> to vector<16xf32>
      %parallel_loop3A_523 = arith.mulf %parallel_loop3A_522, %parallel_loop3A_518 : vector<16xf32>
      %parallel_loop3A_524 = arith.index_cast %parallel_loop3A_439 : i32 to index
      %parallel_loop3A_525 = arith.constant 64 : index
      %parallel_loop3A_526 = tpu.vector_load %arg12[%parallel_loop3A_524, %parallel_loop3A_525] {strides = array<i32>} : memref<125x144xf32, #tpu.memory_space<vmem>>, vector<1x16xf32>,
      %parallel_loop3A_527 = vector.shape_cast %parallel_loop3A_526 : vector<1x16xf32> to vector<16xf32>
      %parallel_loop3A_528 = vector.shape_cast %parallel_loop3A_523 : vector<16xf32> to vector<1x16xf32>
      tpu.vector_store %arg12[%parallel_loop3A_524, %parallel_loop3A_525], %parallel_loop3A_528 {strides = array<i32>} : memref<125x144xf32, #tpu.memory_space<vmem>>, vector<1x16xf32>,
      %parallel_loop3A_529 = arith.constant 5 : i32
      %parallel_loop3A_530 = vector.broadcast %parallel_loop3A_529 : i32 to vector<16x1xi32>
      %parallel_loop3A_531 = vector.shape_cast %parallel_loop3A_530 : vector<16x1xi32> to vector<16xi32>
      %parallel_loop3A_532 = tpu.dynamic_gather %parallel_loop3A_453[%parallel_loop3A_531] in [0] : vector<16xf32>, vector<16xi32> -> vector<16xf32>
      %parallel_loop3A_533 = arith.index_cast %parallel_loop3A_439 : i32 to index
      %parallel_loop3A_534 = arith.constant 80 : index
      %parallel_loop3A_535 = tpu.vector_load %arg12[%parallel_loop3A_533, %parallel_loop3A_534] {strides = array<i32>} : memref<125x144xf32, #tpu.memory_space<vmem>>, vector<1x16xf32>,
      %parallel_loop3A_536 = vector.shape_cast %parallel_loop3A_535 : vector<1x16xf32> to vector<16xf32>
      %parallel_loop3A_537 = arith.mulf %parallel_loop3A_536, %parallel_loop3A_532 : vector<16xf32>
      %parallel_loop3A_538 = arith.index_cast %parallel_loop3A_439 : i32 to index
      %parallel_loop3A_539 = arith.constant 80 : index
      %parallel_loop3A_540 = tpu.vector_load %arg12[%parallel_loop3A_538, %parallel_loop3A_539] {strides = array<i32>} : memref<125x144xf32, #tpu.memory_space<vmem>>, vector<1x16xf32>,
      %parallel_loop3A_541 = vector.shape_cast %parallel_loop3A_540 : vector<1x16xf32> to vector<16xf32>
      %parallel_loop3A_542 = vector.shape_cast %parallel_loop3A_537 : vector<16xf32> to vector<1x16xf32>
      tpu.vector_store %arg12[%parallel_loop3A_538, %parallel_loop3A_539], %parallel_loop3A_542 {strides = array<i32>} : memref<125x144xf32, #tpu.memory_space<vmem>>, vector<1x16xf32>,
      %parallel_loop3A_543 = arith.constant 6 : i32
      %parallel_loop3A_544 = vector.broadcast %parallel_loop3A_543 : i32 to vector<16x1xi32>
      %parallel_loop3A_545 = vector.shape_cast %parallel_loop3A_544 : vector<16x1xi32> to vector<16xi32>
      %parallel_loop3A_546 = tpu.dynamic_gather %parallel_loop3A_453[%parallel_loop3A_545] in [0] : vector<16xf32>, vector<16xi32> -> vector<16xf32>
      %parallel_loop3A_547 = arith.index_cast %parallel_loop3A_439 : i32 to index
      %parallel_loop3A_548 = arith.constant 96 : index
      %parallel_loop3A_549 = tpu.vector_load %arg12[%parallel_loop3A_547, %parallel_loop3A_548] {strides = array<i32>} : memref<125x144xf32, #tpu.memory_space<vmem>>, vector<1x16xf32>,
      %parallel_loop3A_550 = vector.shape_cast %parallel_loop3A_549 : vector<1x16xf32> to vector<16xf32>
      %parallel_loop3A_551 = arith.mulf %parallel_loop3A_550, %parallel_loop3A_546 : vector<16xf32>
      %parallel_loop3A_552 = arith.index_cast %parallel_loop3A_439 : i32 to index
      %parallel_loop3A_553 = arith.constant 96 : index
      %parallel_loop3A_554 = tpu.vector_load %arg12[%parallel_loop3A_552, %parallel_loop3A_553] {strides = array<i32>} : memref<125x144xf32, #tpu.memory_space<vmem>>, vector<1x16xf32>,
      %parallel_loop3A_555 = vector.shape_cast %parallel_loop3A_554 : vector<1x16xf32> to vector<16xf32>
      %parallel_loop3A_556 = vector.shape_cast %parallel_loop3A_551 : vector<16xf32> to vector<1x16xf32>
      tpu.vector_store %arg12[%parallel_loop3A_552, %parallel_loop3A_553], %parallel_loop3A_556 {strides = array<i32>} : memref<125x144xf32, #tpu.memory_space<vmem>>, vector<1x16xf32>,
      %parallel_loop3A_557 = arith.constant 7 : i32
      %parallel_loop3A_558 = vector.broadcast %parallel_loop3A_557 : i32 to vector<16x1xi32>
      %parallel_loop3A_559 = vector.shape_cast %parallel_loop3A_558 : vector<16x1xi32> to vector<16xi32>
      %parallel_loop3A_560 = tpu.dynamic_gather %parallel_loop3A_453[%parallel_loop3A_559] in [0] : vector<16xf32>, vector<16xi32> -> vector<16xf32>
      %parallel_loop3A_561 = arith.index_cast %parallel_loop3A_439 : i32 to index
      %parallel_loop3A_562 = arith.constant 112 : index
      %parallel_loop3A_563 = tpu.vector_load %arg12[%parallel_loop3A_561, %parallel_loop3A_562] {strides = array<i32>} : memref<125x144xf32, #tpu.memory_space<vmem>>, vector<1x16xf32>,
      %parallel_loop3A_564 = vector.shape_cast %parallel_loop3A_563 : vector<1x16xf32> to vector<16xf32>
      %parallel_loop3A_565 = arith.mulf %parallel_loop3A_564, %parallel_loop3A_560 : vector<16xf32>
      %parallel_loop3A_566 = arith.index_cast %parallel_loop3A_439 : i32 to index
      %parallel_loop3A_567 = arith.constant 112 : index
      %parallel_loop3A_568 = tpu.vector_load %arg12[%parallel_loop3A_566, %parallel_loop3A_567] {strides = array<i32>} : memref<125x144xf32, #tpu.memory_space<vmem>>, vector<1x16xf32>,
      %parallel_loop3A_569 = vector.shape_cast %parallel_loop3A_568 : vector<1x16xf32> to vector<16xf32>
      %parallel_loop3A_570 = vector.shape_cast %parallel_loop3A_565 : vector<16xf32> to vector<1x16xf32>
      tpu.vector_store %arg12[%parallel_loop3A_566, %parallel_loop3A_567], %parallel_loop3A_570 {strides = array<i32>} : memref<125x144xf32, #tpu.memory_space<vmem>>, vector<1x16xf32>,
    } {sc.loop_unroll_factor = 2 : i64, sc.parallel_access}
    %dma_start3A_361 = arith.constant 1 : i32
    %dma_start3A_362 = arith.constant 0 : i32
    %dma_start3A_363 = tpu.memref_slice %arg8[%dma_start3A_361, %dma_start3A_362] : memref<2x125xi32, #tpu.memory_space<vmem>> -> memref<1x125xi32, #tpu.memory_space<vmem>>
    %dma_start3A_364 = tpu.memref_squeeze %dma_start3A_363 : memref<1x125xi32, #tpu.memory_space<vmem>> -> memref<125xi32, #tpu.memory_space<vmem>>
    %dma_start3A_365 = arith.constant 0 : i32
    %dma_start3A_366 = arith.constant 0 : i32
    %dma_start3A_367 = tpu.memref_slice %arg15[%dma_start3A_365, %dma_start3A_366] : memref<10000x144xf32, #tpu.memory_space<vmem_shared>> -> memref<10000x144xf32, #tpu.memory_space<vmem_shared>>
    tpu.enqueue_indirect_dma source(%arg12 : memref<125x144xf32, #tpu.memory_space<vmem>>) target(%dma_start3A_367 : memref<10000x144xf32, #tpu.memory_space<vmem_shared>>) offsets(%dma_start3A_364 : memref<125xi32, #tpu.memory_space<vmem>>) semaphore(%arg23 : memref<!tpu.dma_semaphore, #tpu.memory_space<semaphore_mem>>) {add = true}
    %dma_wait3A_368 = arith.constant 0 : i32
    %dma_wait3A_369 = arith.constant 0 : i32
    %dma_wait3A_370 = tpu.memref_slice %arg2[%dma_wait3A_368, %dma_wait3A_369] : memref<10000x144xf32, #tpu.memory_space<hbm>> -> memref<125x144xf32, #tpu.memory_space<hbm>>
    %dma_wait3A_371 = arith.constant 0 : i32
    %dma_wait3A_372 = arith.constant 0 : i32
    %dma_wait3A_373 = tpu.memref_slice %arg2[%dma_wait3A_371, %dma_wait3A_372] : memref<10000x144xf32, #tpu.memory_space<hbm>> -> memref<125x144xf32, #tpu.memory_space<hbm>>
    tpu.wait_dma2 semaphore(%arg16 : memref<!tpu.dma_semaphore, #tpu.memory_space<semaphore_mem>>) src(%dma_wait3A_373 : memref<125x144xf32, #tpu.memory_space<hbm>>) dst(%arg11 : memref<125x144xf32, #tpu.memory_space<vmem>>)
    %dma_wait3A_374 = arith.constant 0 : i32
    %dma_wait3A_375 = arith.constant 0 : i32
    %dma_wait3A_376 = tpu.memref_slice %arg3[%dma_wait3A_374, %dma_wait3A_375] : memref<10000x16xf32, #tpu.memory_space<hbm>> -> memref<125x16xf32, #tpu.memory_space<hbm>>
    %dma_wait3A_377 = arith.constant 0 : i32
    %dma_wait3A_378 = arith.constant 0 : i32
    %dma_wait3A_379 = tpu.memref_slice %arg3[%dma_wait3A_377, %dma_wait3A_378] : memref<10000x16xf32, #tpu.memory_space<hbm>> -> memref<125x16xf32, #tpu.memory_space<hbm>>
    tpu.wait_dma2 semaphore(%arg17 : memref<!tpu.dma_semaphore, #tpu.memory_space<semaphore_mem>>) src(%dma_wait3A_379 : memref<125x16xf32, #tpu.memory_space<hbm>>) dst(%arg13 : memref<125x16xf32, #tpu.memory_space<vmem>>)
    %dma_wait3A_380 = arith.constant 1 : i32
    %dma_wait3A_381 = arith.constant 0 : i32
    %dma_wait3A_382 = tpu.memref_slice %arg8[%dma_wait3A_380, %dma_wait3A_381] : memref<2x125xi32, #tpu.memory_space<vmem>> -> memref<1x125xi32, #tpu.memory_space<vmem>>
    %dma_wait3A_383 = tpu.memref_squeeze %dma_wait3A_382 : memref<1x125xi32, #tpu.memory_space<vmem>> -> memref<125xi32, #tpu.memory_space<vmem>>
    %dma_wait3A_384 = arith.constant 0 : i32
    %dma_wait3A_385 = arith.constant 0 : i32
    %dma_wait3A_386 = tpu.memref_slice %arg15[%dma_wait3A_384, %dma_wait3A_385] : memref<10000x144xf32, #tpu.memory_space<vmem_shared>> -> memref<10000x144xf32, #tpu.memory_space<vmem_shared>>
    tpu.wait_indirect_dma semaphore(%arg23 : memref<!tpu.dma_semaphore, #tpu.memory_space<semaphore_mem>>) src(%arg12 : memref<125x144xf32, #tpu.memory_space<vmem>>) dst(%dma_wait3A_386 : memref<10000x144xf32, #tpu.memory_space<vmem_shared>>)
    %dma_start3A_387 = arith.constant 1 : i32
    %dma_start3A_388 = arith.constant 0 : i32
    %dma_start3A_389 = tpu.memref_slice %arg9[%dma_start3A_387, %dma_start3A_388] : memref<2x125xi32, #tpu.memory_space<vmem>> -> memref<1x125xi32, #tpu.memory_space<vmem>>
    %dma_start3A_390 = tpu.memref_squeeze %dma_start3A_389 : memref<1x125xi32, #tpu.memory_space<vmem>> -> memref<125xi32, #tpu.memory_space<vmem>>
    %dma_start3A_391 = arith.constant 0 : i32
    %dma_start3A_392 = arith.constant 0 : i32
    %dma_start3A_393 = tpu.memref_slice %arg2[%dma_start3A_391, %dma_start3A_392] : memref<10000x144xf32, #tpu.memory_space<hbm>> -> memref<10000x144xf32, #tpu.memory_space<hbm>>
    tpu.enqueue_indirect_dma source(%dma_start3A_393 : memref<10000x144xf32, #tpu.memory_space<hbm>>) target(%arg12 : memref<125x144xf32, #tpu.memory_space<vmem>>) offsets(%dma_start3A_390 : memref<125xi32, #tpu.memory_space<vmem>>) semaphore(%arg18 : memref<!tpu.dma_semaphore, #tpu.memory_space<semaphore_mem>>)
    %dma_start3A_394 = arith.constant 1 : i32
    %dma_start3A_395 = arith.constant 0 : i32
    %dma_start3A_396 = tpu.memref_slice %arg10[%dma_start3A_394, %dma_start3A_395] : memref<2x125xi32, #tpu.memory_space<vmem>> -> memref<1x125xi32, #tpu.memory_space<vmem>>
    %dma_start3A_397 = tpu.memref_squeeze %dma_start3A_396 : memref<1x125xi32, #tpu.memory_space<vmem>> -> memref<125xi32, #tpu.memory_space<vmem>>
    %dma_start3A_398 = arith.constant 0 : i32
    %dma_start3A_399 = arith.constant 0 : i32
    %dma_start3A_400 = tpu.memref_slice %arg3[%dma_start3A_398, %dma_start3A_399] : memref<10000x16xf32, #tpu.memory_space<hbm>> -> memref<10000x16xf32, #tpu.memory_space<hbm>>
    tpu.enqueue_indirect_dma source(%dma_start3A_400 : memref<10000x16xf32, #tpu.memory_space<hbm>>) target(%arg14 : memref<125x16xf32, #tpu.memory_space<vmem>>) offsets(%dma_start3A_397 : memref<125xi32, #tpu.memory_space<vmem>>) semaphore(%arg19 : memref<!tpu.dma_semaphore, #tpu.memory_space<semaphore_mem>>)
    %parallel_loop3A_401 = arith.constant 0 : i32
    %parallel_loop3A_402 = arith.constant 125 : i32
    %parallel_loop3A_403 = arith.constant 1 : i32
    scf.for %parallel_loop3A_439 = %parallel_loop3A_401 to %parallel_loop3A_402 step %parallel_loop3A_403  : i32 {
      %parallel_loop3A_440 = arith.index_cast %parallel_loop3A_439 : i32 to index
      %parallel_loop3A_441 = arith.constant 128 : index
      %parallel_loop3A_442 = tpu.vector_load %arg11[%parallel_loop3A_440, %parallel_loop3A_441] {strides = array<i32>} : memref<125x144xf32, #tpu.memory_space<vmem>>, vector<1x16xf32>,
      %parallel_loop3A_443 = vector.shape_cast %parallel_loop3A_442 : vector<1x16xf32> to vector<16xf32>
      %parallel_loop3A_444 = arith.index_cast %parallel_loop3A_439 : i32 to index
      %parallel_loop3A_445 = arith.constant 0 : index
      %parallel_loop3A_446 = tpu.vector_load %arg13[%parallel_loop3A_444, %parallel_loop3A_445] {strides = array<i32>} : memref<125x16xf32, #tpu.memory_space<vmem>>, vector<1x16xf32>,
      %parallel_loop3A_447 = vector.shape_cast %parallel_loop3A_446 : vector<1x16xf32> to vector<16xf32>
      %parallel_loop3A_448 = arith.addf %parallel_loop3A_443, %parallel_loop3A_447 : vector<16xf32>
      %parallel_loop3A_449 = arith.constant 2.000000e-01 : f32
      %parallel_loop3A_450 = vector.broadcast %parallel_loop3A_449 : f32 to vector<16xf32>
      %parallel_loop3A_451 = arith.mulf %parallel_loop3A_448, %parallel_loop3A_450 : vector<16xf32>
      %parallel_loop3A_452 = arith.maximumf %parallel_loop3A_448, %parallel_loop3A_451 : vector<16xf32>
      %parallel_loop3A_453 = math.exp %parallel_loop3A_452 : vector<16xf32>
      %parallel_loop3A_454 = arith.index_cast %parallel_loop3A_439 : i32 to index
      %parallel_loop3A_455 = arith.constant 128 : index
      %parallel_loop3A_456 = tpu.vector_load %arg11[%parallel_loop3A_454, %parallel_loop3A_455] {strides = array<i32>} : memref<125x144xf32, #tpu.memory_space<vmem>>, vector<1x16xf32>,
      %parallel_loop3A_457 = vector.shape_cast %parallel_loop3A_456 : vector<1x16xf32> to vector<16xf32>
      %parallel_loop3A_458 = vector.shape_cast %parallel_loop3A_453 : vector<16xf32> to vector<1x16xf32>
      tpu.vector_store %arg11[%parallel_loop3A_454, %parallel_loop3A_455], %parallel_loop3A_458 {strides = array<i32>} : memref<125x144xf32, #tpu.memory_space<vmem>>, vector<1x16xf32>,
      %parallel_loop3A_459 = arith.constant 0 : i32
      %parallel_loop3A_460 = vector.broadcast %parallel_loop3A_459 : i32 to vector<16x1xi32>
      %parallel_loop3A_461 = vector.shape_cast %parallel_loop3A_460 : vector<16x1xi32> to vector<16xi32>
      %parallel_loop3A_462 = tpu.dynamic_gather %parallel_loop3A_453[%parallel_loop3A_461] in [0] : vector<16xf32>, vector<16xi32> -> vector<16xf32>
      %parallel_loop3A_463 = arith.index_cast %parallel_loop3A_439 : i32 to index
      %parallel_loop3A_464 = arith.constant 0 : index
      %parallel_loop3A_465 = tpu.vector_load %arg11[%parallel_loop3A_463, %parallel_loop3A_464] {strides = array<i32>} : memref<125x144xf32, #tpu.memory_space<vmem>>, vector<1x16xf32>,
      %parallel_loop3A_466 = vector.shape_cast %parallel_loop3A_465 : vector<1x16xf32> to vector<16xf32>
      %parallel_loop3A_467 = arith.mulf %parallel_loop3A_466, %parallel_loop3A_462 : vector<16xf32>
      %parallel_loop3A_468 = arith.index_cast %parallel_loop3A_439 : i32 to index
      %parallel_loop3A_469 = arith.constant 0 : index
      %parallel_loop3A_470 = tpu.vector_load %arg11[%parallel_loop3A_468, %parallel_loop3A_469] {strides = array<i32>} : memref<125x144xf32, #tpu.memory_space<vmem>>, vector<1x16xf32>,
      %parallel_loop3A_471 = vector.shape_cast %parallel_loop3A_470 : vector<1x16xf32> to vector<16xf32>
      %parallel_loop3A_472 = vector.shape_cast %parallel_loop3A_467 : vector<16xf32> to vector<1x16xf32>
      tpu.vector_store %arg11[%parallel_loop3A_468, %parallel_loop3A_469], %parallel_loop3A_472 {strides = array<i32>} : memref<125x144xf32, #tpu.memory_space<vmem>>, vector<1x16xf32>,
      %parallel_loop3A_473 = arith.constant 1 : i32
      %parallel_loop3A_474 = vector.broadcast %parallel_loop3A_473 : i32 to vector<16x1xi32>
      %parallel_loop3A_475 = vector.shape_cast %parallel_loop3A_474 : vector<16x1xi32> to vector<16xi32>
      %parallel_loop3A_476 = tpu.dynamic_gather %parallel_loop3A_453[%parallel_loop3A_475] in [0] : vector<16xf32>, vector<16xi32> -> vector<16xf32>
      %parallel_loop3A_477 = arith.index_cast %parallel_loop3A_439 : i32 to index
      %parallel_loop3A_478 = arith.constant 16 : index
      %parallel_loop3A_479 = tpu.vector_load %arg11[%parallel_loop3A_477, %parallel_loop3A_478] {strides = array<i32>} : memref<125x144xf32, #tpu.memory_space<vmem>>, vector<1x16xf32>,
      %parallel_loop3A_480 = vector.shape_cast %parallel_loop3A_479 : vector<1x16xf32> to vector<16xf32>
      %parallel_loop3A_481 = arith.mulf %parallel_loop3A_480, %parallel_loop3A_476 : vector<16xf32>
      %parallel_loop3A_482 = arith.index_cast %parallel_loop3A_439 : i32 to index
      %parallel_loop3A_483 = arith.constant 16 : index
      %parallel_loop3A_484 = tpu.vector_load %arg11[%parallel_loop3A_482, %parallel_loop3A_483] {strides = array<i32>} : memref<125x144xf32, #tpu.memory_space<vmem>>, vector<1x16xf32>,
      %parallel_loop3A_485 = vector.shape_cast %parallel_loop3A_484 : vector<1x16xf32> to vector<16xf32>
      %parallel_loop3A_486 = vector.shape_cast %parallel_loop3A_481 : vector<16xf32> to vector<1x16xf32>
      tpu.vector_store %arg11[%parallel_loop3A_482, %parallel_loop3A_483], %parallel_loop3A_486 {strides = array<i32>} : memref<125x144xf32, #tpu.memory_space<vmem>>, vector<1x16xf32>,
      %parallel_loop3A_487 = arith.constant 2 : i32
      %parallel_loop3A_488 = vector.broadcast %parallel_loop3A_487 : i32 to vector<16x1xi32>
      %parallel_loop3A_489 = vector.shape_cast %parallel_loop3A_488 : vector<16x1xi32> to vector<16xi32>
      %parallel_loop3A_490 = tpu.dynamic_gather %parallel_loop3A_453[%parallel_loop3A_489] in [0] : vector<16xf32>, vector<16xi32> -> vector<16xf32>
      %parallel_loop3A_491 = arith.index_cast %parallel_loop3A_439 : i32 to index
      %parallel_loop3A_492 = arith.constant 32 : index
      %parallel_loop3A_493 = tpu.vector_load %arg11[%parallel_loop3A_491, %parallel_loop3A_492] {strides = array<i32>} : memref<125x144xf32, #tpu.memory_space<vmem>>, vector<1x16xf32>,
      %parallel_loop3A_494 = vector.shape_cast %parallel_loop3A_493 : vector<1x16xf32> to vector<16xf32>
      %parallel_loop3A_495 = arith.mulf %parallel_loop3A_494, %parallel_loop3A_490 : vector<16xf32>
      %parallel_loop3A_496 = arith.index_cast %parallel_loop3A_439 : i32 to index
      %parallel_loop3A_497 = arith.constant 32 : index
      %parallel_loop3A_498 = tpu.vector_load %arg11[%parallel_loop3A_496, %parallel_loop3A_497] {strides = array<i32>} : memref<125x144xf32, #tpu.memory_space<vmem>>, vector<1x16xf32>,
      %parallel_loop3A_499 = vector.shape_cast %parallel_loop3A_498 : vector<1x16xf32> to vector<16xf32>
      %parallel_loop3A_500 = vector.shape_cast %parallel_loop3A_495 : vector<16xf32> to vector<1x16xf32>
      tpu.vector_store %arg11[%parallel_loop3A_496, %parallel_loop3A_497], %parallel_loop3A_500 {strides = array<i32>} : memref<125x144xf32, #tpu.memory_space<vmem>>, vector<1x16xf32>,
      %parallel_loop3A_501 = arith.constant 3 : i32
      %parallel_loop3A_502 = vector.broadcast %parallel_loop3A_501 : i32 to vector<16x1xi32>
      %parallel_loop3A_503 = vector.shape_cast %parallel_loop3A_502 : vector<16x1xi32> to vector<16xi32>
      %parallel_loop3A_504 = tpu.dynamic_gather %parallel_loop3A_453[%parallel_loop3A_503] in [0] : vector<16xf32>, vector<16xi32> -> vector<16xf32>
      %parallel_loop3A_505 = arith.index_cast %parallel_loop3A_439 : i32 to index
      %parallel_loop3A_506 = arith.constant 48 : index
      %parallel_loop3A_507 = tpu.vector_load %arg11[%parallel_loop3A_505, %parallel_loop3A_506] {strides = array<i32>} : memref<125x144xf32, #tpu.memory_space<vmem>>, vector<1x16xf32>,
      %parallel_loop3A_508 = vector.shape_cast %parallel_loop3A_507 : vector<1x16xf32> to vector<16xf32>
      %parallel_loop3A_509 = arith.mulf %parallel_loop3A_508, %parallel_loop3A_504 : vector<16xf32>
      %parallel_loop3A_510 = arith.index_cast %parallel_loop3A_439 : i32 to index
      %parallel_loop3A_511 = arith.constant 48 : index
      %parallel_loop3A_512 = tpu.vector_load %arg11[%parallel_loop3A_510, %parallel_loop3A_511] {strides = array<i32>} : memref<125x144xf32, #tpu.memory_space<vmem>>, vector<1x16xf32>,
      %parallel_loop3A_513 = vector.shape_cast %parallel_loop3A_512 : vector<1x16xf32> to vector<16xf32>
      %parallel_loop3A_514 = vector.shape_cast %parallel_loop3A_509 : vector<16xf32> to vector<1x16xf32>
      tpu.vector_store %arg11[%parallel_loop3A_510, %parallel_loop3A_511], %parallel_loop3A_514 {strides = array<i32>} : memref<125x144xf32, #tpu.memory_space<vmem>>, vector<1x16xf32>,
      %parallel_loop3A_515 = arith.constant 4 : i32
      %parallel_loop3A_516 = vector.broadcast %parallel_loop3A_515 : i32 to vector<16x1xi32>
      %parallel_loop3A_517 = vector.shape_cast %parallel_loop3A_516 : vector<16x1xi32> to vector<16xi32>
      %parallel_loop3A_518 = tpu.dynamic_gather %parallel_loop3A_453[%parallel_loop3A_517] in [0] : vector<16xf32>, vector<16xi32> -> vector<16xf32>
      %parallel_loop3A_519 = arith.index_cast %parallel_loop3A_439 : i32 to index
      %parallel_loop3A_520 = arith.constant 64 : index
      %parallel_loop3A_521 = tpu.vector_load %arg11[%parallel_loop3A_519, %parallel_loop3A_520] {strides = array<i32>} : memref<125x144xf32, #tpu.memory_space<vmem>>, vector<1x16xf32>,
      %parallel_loop3A_522 = vector.shape_cast %parallel_loop3A_521 : vector<1x16xf32> to vector<16xf32>
      %parallel_loop3A_523 = arith.mulf %parallel_loop3A_522, %parallel_loop3A_518 : vector<16xf32>
      %parallel_loop3A_524 = arith.index_cast %parallel_loop3A_439 : i32 to index
      %parallel_loop3A_525 = arith.constant 64 : index
      %parallel_loop3A_526 = tpu.vector_load %arg11[%parallel_loop3A_524, %parallel_loop3A_525] {strides = array<i32>} : memref<125x144xf32, #tpu.memory_space<vmem>>, vector<1x16xf32>,
      %parallel_loop3A_527 = vector.shape_cast %parallel_loop3A_526 : vector<1x16xf32> to vector<16xf32>
      %parallel_loop3A_528 = vector.shape_cast %parallel_loop3A_523 : vector<16xf32> to vector<1x16xf32>
      tpu.vector_store %arg11[%parallel_loop3A_524, %parallel_loop3A_525], %parallel_loop3A_528 {strides = array<i32>} : memref<125x144xf32, #tpu.memory_space<vmem>>, vector<1x16xf32>,
      %parallel_loop3A_529 = arith.constant 5 : i32
      %parallel_loop3A_530 = vector.broadcast %parallel_loop3A_529 : i32 to vector<16x1xi32>
      %parallel_loop3A_531 = vector.shape_cast %parallel_loop3A_530 : vector<16x1xi32> to vector<16xi32>
      %parallel_loop3A_532 = tpu.dynamic_gather %parallel_loop3A_453[%parallel_loop3A_531] in [0] : vector<16xf32>, vector<16xi32> -> vector<16xf32>
      %parallel_loop3A_533 = arith.index_cast %parallel_loop3A_439 : i32 to index
      %parallel_loop3A_534 = arith.constant 80 : index
      %parallel_loop3A_535 = tpu.vector_load %arg11[%parallel_loop3A_533, %parallel_loop3A_534] {strides = array<i32>} : memref<125x144xf32, #tpu.memory_space<vmem>>, vector<1x16xf32>,
      %parallel_loop3A_536 = vector.shape_cast %parallel_loop3A_535 : vector<1x16xf32> to vector<16xf32>
      %parallel_loop3A_537 = arith.mulf %parallel_loop3A_536, %parallel_loop3A_532 : vector<16xf32>
      %parallel_loop3A_538 = arith.index_cast %parallel_loop3A_439 : i32 to index
      %parallel_loop3A_539 = arith.constant 80 : index
      %parallel_loop3A_540 = tpu.vector_load %arg11[%parallel_loop3A_538, %parallel_loop3A_539] {strides = array<i32>} : memref<125x144xf32, #tpu.memory_space<vmem>>, vector<1x16xf32>,
      %parallel_loop3A_541 = vector.shape_cast %parallel_loop3A_540 : vector<1x16xf32> to vector<16xf32>
      %parallel_loop3A_542 = vector.shape_cast %parallel_loop3A_537 : vector<16xf32> to vector<1x16xf32>
      tpu.vector_store %arg11[%parallel_loop3A_538, %parallel_loop3A_539], %parallel_loop3A_542 {strides = array<i32>} : memref<125x144xf32, #tpu.memory_space<vmem>>, vector<1x16xf32>,
      %parallel_loop3A_543 = arith.constant 6 : i32
      %parallel_loop3A_544 = vector.broadcast %parallel_loop3A_543 : i32 to vector<16x1xi32>
      %parallel_loop3A_545 = vector.shape_cast %parallel_loop3A_544 : vector<16x1xi32> to vector<16xi32>
      %parallel_loop3A_546 = tpu.dynamic_gather %parallel_loop3A_453[%parallel_loop3A_545] in [0] : vector<16xf32>, vector<16xi32> -> vector<16xf32>
      %parallel_loop3A_547 = arith.index_cast %parallel_loop3A_439 : i32 to index
      %parallel_loop3A_548 = arith.constant 96 : index
      %parallel_loop3A_549 = tpu.vector_load %arg11[%parallel_loop3A_547, %parallel_loop3A_548] {strides = array<i32>} : memref<125x144xf32, #tpu.memory_space<vmem>>, vector<1x16xf32>,
      %parallel_loop3A_550 = vector.shape_cast %parallel_loop3A_549 : vector<1x16xf32> to vector<16xf32>
      %parallel_loop3A_551 = arith.mulf %parallel_loop3A_550, %parallel_loop3A_546 : vector<16xf32>
      %parallel_loop3A_552 = arith.index_cast %parallel_loop3A_439 : i32 to index
      %parallel_loop3A_553 = arith.constant 96 : index
      %parallel_loop3A_554 = tpu.vector_load %arg11[%parallel_loop3A_552, %parallel_loop3A_553] {strides = array<i32>} : memref<125x144xf32, #tpu.memory_space<vmem>>, vector<1x16xf32>,
      %parallel_loop3A_555 = vector.shape_cast %parallel_loop3A_554 : vector<1x16xf32> to vector<16xf32>
      %parallel_loop3A_556 = vector.shape_cast %parallel_loop3A_551 : vector<16xf32> to vector<1x16xf32>
      tpu.vector_store %arg11[%parallel_loop3A_552, %parallel_loop3A_553], %parallel_loop3A_556 {strides = array<i32>} : memref<125x144xf32, #tpu.memory_space<vmem>>, vector<1x16xf32>,
      %parallel_loop3A_557 = arith.constant 7 : i32
      %parallel_loop3A_558 = vector.broadcast %parallel_loop3A_557 : i32 to vector<16x1xi32>
      %parallel_loop3A_559 = vector.shape_cast %parallel_loop3A_558 : vector<16x1xi32> to vector<16xi32>
      %parallel_loop3A_560 = tpu.dynamic_gather %parallel_loop3A_453[%parallel_loop3A_559] in [0] : vector<16xf32>, vector<16xi32> -> vector<16xf32>
      %parallel_loop3A_561 = arith.index_cast %parallel_loop3A_439 : i32 to index
      %parallel_loop3A_562 = arith.constant 112 : index
      %parallel_loop3A_563 = tpu.vector_load %arg11[%parallel_loop3A_561, %parallel_loop3A_562] {strides = array<i32>} : memref<125x144xf32, #tpu.memory_space<vmem>>, vector<1x16xf32>,
      %parallel_loop3A_564 = vector.shape_cast %parallel_loop3A_563 : vector<1x16xf32> to vector<16xf32>
      %parallel_loop3A_565 = arith.mulf %parallel_loop3A_564, %parallel_loop3A_560 : vector<16xf32>
      %parallel_loop3A_566 = arith.index_cast %parallel_loop3A_439 : i32 to index
      %parallel_loop3A_567 = arith.constant 112 : index
      %parallel_loop3A_568 = tpu.vector_load %arg11[%parallel_loop3A_566, %parallel_loop3A_567] {strides = array<i32>} : memref<125x144xf32, #tpu.memory_space<vmem>>, vector<1x16xf32>,
      %parallel_loop3A_569 = vector.shape_cast %parallel_loop3A_568 : vector<1x16xf32> to vector<16xf32>
      %parallel_loop3A_570 = vector.shape_cast %parallel_loop3A_565 : vector<16xf32> to vector<1x16xf32>
      tpu.vector_store %arg11[%parallel_loop3A_566, %parallel_loop3A_567], %parallel_loop3A_570 {strides = array<i32>} : memref<125x144xf32, #tpu.memory_space<vmem>>, vector<1x16xf32>,
    } {sc.loop_unroll_factor = 2 : i64, sc.parallel_access}
    %dma_start3A_404 = arith.constant 0 : i32
    %dma_start3A_405 = arith.constant 0 : i32
    %dma_start3A_406 = tpu.memref_slice %arg10[%dma_start3A_404, %dma_start3A_405] : memref<2x125xi32, #tpu.memory_space<vmem>> -> memref<1x125xi32, #tpu.memory_space<vmem>>
    %dma_start3A_407 = tpu.memref_squeeze %dma_start3A_406 : memref<1x125xi32, #tpu.memory_space<vmem>> -> memref<125xi32, #tpu.memory_space<vmem>>
    %dma_start3A_408 = arith.constant 0 : i32
    %dma_start3A_409 = arith.constant 0 : i32
    %dma_start3A_410 = tpu.memref_slice %arg15[%dma_start3A_408, %dma_start3A_409] : memref<10000x144xf32, #tpu.memory_space<vmem_shared>> -> memref<10000x144xf32, #tpu.memory_space<vmem_shared>>
    tpu.enqueue_indirect_dma source(%arg11 : memref<125x144xf32, #tpu.memory_space<vmem>>) target(%dma_start3A_410 : memref<10000x144xf32, #tpu.memory_space<vmem_shared>>) offsets(%dma_start3A_407 : memref<125xi32, #tpu.memory_space<vmem>>) semaphore(%arg22 : memref<!tpu.dma_semaphore, #tpu.memory_space<semaphore_mem>>) {add = true}
    %dma_wait3A_411 = arith.constant 0 : i32
    %dma_wait3A_412 = arith.constant 0 : i32
    %dma_wait3A_413 = tpu.memref_slice %arg2[%dma_wait3A_411, %dma_wait3A_412] : memref<10000x144xf32, #tpu.memory_space<hbm>> -> memref<125x144xf32, #tpu.memory_space<hbm>>
    %dma_wait3A_414 = arith.constant 0 : i32
    %dma_wait3A_415 = arith.constant 0 : i32
    %dma_wait3A_416 = tpu.memref_slice %arg2[%dma_wait3A_414, %dma_wait3A_415] : memref<10000x144xf32, #tpu.memory_space<hbm>> -> memref<125x144xf32, #tpu.memory_space<hbm>>
    tpu.wait_dma2 semaphore(%arg18 : memref<!tpu.dma_semaphore, #tpu.memory_space<semaphore_mem>>) src(%dma_wait3A_416 : memref<125x144xf32, #tpu.memory_space<hbm>>) dst(%arg12 : memref<125x144xf32, #tpu.memory_space<vmem>>)
    %dma_wait3A_417 = arith.constant 0 : i32
    %dma_wait3A_418 = arith.constant 0 : i32
    %dma_wait3A_419 = tpu.memref_slice %arg3[%dma_wait3A_417, %dma_wait3A_418] : memref<10000x16xf32, #tpu.memory_space<hbm>> -> memref<125x16xf32, #tpu.memory_space<hbm>>
    %dma_wait3A_420 = arith.constant 0 : i32
    %dma_wait3A_421 = arith.constant 0 : i32
    %dma_wait3A_422 = tpu.memref_slice %arg3[%dma_wait3A_420, %dma_wait3A_421] : memref<10000x16xf32, #tpu.memory_space<hbm>> -> memref<125x16xf32, #tpu.memory_space<hbm>>
    tpu.wait_dma2 semaphore(%arg19 : memref<!tpu.dma_semaphore, #tpu.memory_space<semaphore_mem>>) src(%dma_wait3A_422 : memref<125x16xf32, #tpu.memory_space<hbm>>) dst(%arg14 : memref<125x16xf32, #tpu.memory_space<vmem>>)
    %dma_wait3A_423 = arith.constant 0 : i32
    %dma_wait3A_424 = arith.constant 0 : i32
    %dma_wait3A_425 = tpu.memref_slice %arg10[%dma_wait3A_423, %dma_wait3A_424] : memref<2x125xi32, #tpu.memory_space<vmem>> -> memref<1x125xi32, #tpu.memory_space<vmem>>
    %dma_wait3A_426 = tpu.memref_squeeze %dma_wait3A_425 : memref<1x125xi32, #tpu.memory_space<vmem>> -> memref<125xi32, #tpu.memory_space<vmem>>
    %dma_wait3A_427 = arith.constant 0 : i32
    %dma_wait3A_428 = arith.constant 0 : i32
    %dma_wait3A_429 = tpu.memref_slice %arg15[%dma_wait3A_427, %dma_wait3A_428] : memref<10000x144xf32, #tpu.memory_space<vmem_shared>> -> memref<10000x144xf32, #tpu.memory_space<vmem_shared>>
    tpu.wait_indirect_dma semaphore(%arg22 : memref<!tpu.dma_semaphore, #tpu.memory_space<semaphore_mem>>) src(%arg11 : memref<125x144xf32, #tpu.memory_space<vmem>>) dst(%dma_wait3A_429 : memref<10000x144xf32, #tpu.memory_space<vmem_shared>>)
    %parallel_loop3A_430 = arith.constant 0 : i32
    %parallel_loop3A_431 = arith.constant 125 : i32
    %parallel_loop3A_432 = arith.constant 1 : i32
    scf.for %parallel_loop3A_439 = %parallel_loop3A_430 to %parallel_loop3A_431 step %parallel_loop3A_432  : i32 {
      %parallel_loop3A_440 = arith.index_cast %parallel_loop3A_439 : i32 to index
      %parallel_loop3A_441 = arith.constant 128 : index
      %parallel_loop3A_442 = tpu.vector_load %arg12[%parallel_loop3A_440, %parallel_loop3A_441] {strides = array<i32>} : memref<125x144xf32, #tpu.memory_space<vmem>>, vector<1x16xf32>,
      %parallel_loop3A_443 = vector.shape_cast %parallel_loop3A_442 : vector<1x16xf32> to vector<16xf32>
      %parallel_loop3A_444 = arith.index_cast %parallel_loop3A_439 : i32 to index
      %parallel_loop3A_445 = arith.constant 0 : index
      %parallel_loop3A_446 = tpu.vector_load %arg14[%parallel_loop3A_444, %parallel_loop3A_445] {strides = array<i32>} : memref<125x16xf32, #tpu.memory_space<vmem>>, vector<1x16xf32>,
      %parallel_loop3A_447 = vector.shape_cast %parallel_loop3A_446 : vector<1x16xf32> to vector<16xf32>
      %parallel_loop3A_448 = arith.addf %parallel_loop3A_443, %parallel_loop3A_447 : vector<16xf32>
      %parallel_loop3A_449 = arith.constant 2.000000e-01 : f32
      %parallel_loop3A_450 = vector.broadcast %parallel_loop3A_449 : f32 to vector<16xf32>
      %parallel_loop3A_451 = arith.mulf %parallel_loop3A_448, %parallel_loop3A_450 : vector<16xf32>
      %parallel_loop3A_452 = arith.maximumf %parallel_loop3A_448, %parallel_loop3A_451 : vector<16xf32>
      %parallel_loop3A_453 = math.exp %parallel_loop3A_452 : vector<16xf32>
      %parallel_loop3A_454 = arith.index_cast %parallel_loop3A_439 : i32 to index
      %parallel_loop3A_455 = arith.constant 128 : index
      %parallel_loop3A_456 = tpu.vector_load %arg12[%parallel_loop3A_454, %parallel_loop3A_455] {strides = array<i32>} : memref<125x144xf32, #tpu.memory_space<vmem>>, vector<1x16xf32>,
      %parallel_loop3A_457 = vector.shape_cast %parallel_loop3A_456 : vector<1x16xf32> to vector<16xf32>
      %parallel_loop3A_458 = vector.shape_cast %parallel_loop3A_453 : vector<16xf32> to vector<1x16xf32>
      tpu.vector_store %arg12[%parallel_loop3A_454, %parallel_loop3A_455], %parallel_loop3A_458 {strides = array<i32>} : memref<125x144xf32, #tpu.memory_space<vmem>>, vector<1x16xf32>,
      %parallel_loop3A_459 = arith.constant 0 : i32
      %parallel_loop3A_460 = vector.broadcast %parallel_loop3A_459 : i32 to vector<16x1xi32>
      %parallel_loop3A_461 = vector.shape_cast %parallel_loop3A_460 : vector<16x1xi32> to vector<16xi32>
      %parallel_loop3A_462 = tpu.dynamic_gather %parallel_loop3A_453[%parallel_loop3A_461] in [0] : vector<16xf32>, vector<16xi32> -> vector<16xf32>
      %parallel_loop3A_463 = arith.index_cast %parallel_loop3A_439 : i32 to index
      %parallel_loop3A_464 = arith.constant 0 : index
      %parallel_loop3A_465 = tpu.vector_load %arg12[%parallel_loop3A_463, %parallel_loop3A_464] {strides = array<i32>} : memref<125x144xf32, #tpu.memory_space<vmem>>, vector<1x16xf32>,
      %parallel_loop3A_466 = vector.shape_cast %parallel_loop3A_465 : vector<1x16xf32> to vector<16xf32>
      %parallel_loop3A_467 = arith.mulf %parallel_loop3A_466, %parallel_loop3A_462 : vector<16xf32>
      %parallel_loop3A_468 = arith.index_cast %parallel_loop3A_439 : i32 to index
      %parallel_loop3A_469 = arith.constant 0 : index
      %parallel_loop3A_470 = tpu.vector_load %arg12[%parallel_loop3A_468, %parallel_loop3A_469] {strides = array<i32>} : memref<125x144xf32, #tpu.memory_space<vmem>>, vector<1x16xf32>,
      %parallel_loop3A_471 = vector.shape_cast %parallel_loop3A_470 : vector<1x16xf32> to vector<16xf32>
      %parallel_loop3A_472 = vector.shape_cast %parallel_loop3A_467 : vector<16xf32> to vector<1x16xf32>
      tpu.vector_store %arg12[%parallel_loop3A_468, %parallel_loop3A_469], %parallel_loop3A_472 {strides = array<i32>} : memref<125x144xf32, #tpu.memory_space<vmem>>, vector<1x16xf32>,
      %parallel_loop3A_473 = arith.constant 1 : i32
      %parallel_loop3A_474 = vector.broadcast %parallel_loop3A_473 : i32 to vector<16x1xi32>
      %parallel_loop3A_475 = vector.shape_cast %parallel_loop3A_474 : vector<16x1xi32> to vector<16xi32>
      %parallel_loop3A_476 = tpu.dynamic_gather %parallel_loop3A_453[%parallel_loop3A_475] in [0] : vector<16xf32>, vector<16xi32> -> vector<16xf32>
      %parallel_loop3A_477 = arith.index_cast %parallel_loop3A_439 : i32 to index
      %parallel_loop3A_478 = arith.constant 16 : index
      %parallel_loop3A_479 = tpu.vector_load %arg12[%parallel_loop3A_477, %parallel_loop3A_478] {strides = array<i32>} : memref<125x144xf32, #tpu.memory_space<vmem>>, vector<1x16xf32>,
      %parallel_loop3A_480 = vector.shape_cast %parallel_loop3A_479 : vector<1x16xf32> to vector<16xf32>
      %parallel_loop3A_481 = arith.mulf %parallel_loop3A_480, %parallel_loop3A_476 : vector<16xf32>
      %parallel_loop3A_482 = arith.index_cast %parallel_loop3A_439 : i32 to index
      %parallel_loop3A_483 = arith.constant 16 : index
      %parallel_loop3A_484 = tpu.vector_load %arg12[%parallel_loop3A_482, %parallel_loop3A_483] {strides = array<i32>} : memref<125x144xf32, #tpu.memory_space<vmem>>, vector<1x16xf32>,
      %parallel_loop3A_485 = vector.shape_cast %parallel_loop3A_484 : vector<1x16xf32> to vector<16xf32>
      %parallel_loop3A_486 = vector.shape_cast %parallel_loop3A_481 : vector<16xf32> to vector<1x16xf32>
      tpu.vector_store %arg12[%parallel_loop3A_482, %parallel_loop3A_483], %parallel_loop3A_486 {strides = array<i32>} : memref<125x144xf32, #tpu.memory_space<vmem>>, vector<1x16xf32>,
      %parallel_loop3A_487 = arith.constant 2 : i32
      %parallel_loop3A_488 = vector.broadcast %parallel_loop3A_487 : i32 to vector<16x1xi32>
      %parallel_loop3A_489 = vector.shape_cast %parallel_loop3A_488 : vector<16x1xi32> to vector<16xi32>
      %parallel_loop3A_490 = tpu.dynamic_gather %parallel_loop3A_453[%parallel_loop3A_489] in [0] : vector<16xf32>, vector<16xi32> -> vector<16xf32>
      %parallel_loop3A_491 = arith.index_cast %parallel_loop3A_439 : i32 to index
      %parallel_loop3A_492 = arith.constant 32 : index
      %parallel_loop3A_493 = tpu.vector_load %arg12[%parallel_loop3A_491, %parallel_loop3A_492] {strides = array<i32>} : memref<125x144xf32, #tpu.memory_space<vmem>>, vector<1x16xf32>,
      %parallel_loop3A_494 = vector.shape_cast %parallel_loop3A_493 : vector<1x16xf32> to vector<16xf32>
      %parallel_loop3A_495 = arith.mulf %parallel_loop3A_494, %parallel_loop3A_490 : vector<16xf32>
      %parallel_loop3A_496 = arith.index_cast %parallel_loop3A_439 : i32 to index
      %parallel_loop3A_497 = arith.constant 32 : index
      %parallel_loop3A_498 = tpu.vector_load %arg12[%parallel_loop3A_496, %parallel_loop3A_497] {strides = array<i32>} : memref<125x144xf32, #tpu.memory_space<vmem>>, vector<1x16xf32>,
      %parallel_loop3A_499 = vector.shape_cast %parallel_loop3A_498 : vector<1x16xf32> to vector<16xf32>
      %parallel_loop3A_500 = vector.shape_cast %parallel_loop3A_495 : vector<16xf32> to vector<1x16xf32>
      tpu.vector_store %arg12[%parallel_loop3A_496, %parallel_loop3A_497], %parallel_loop3A_500 {strides = array<i32>} : memref<125x144xf32, #tpu.memory_space<vmem>>, vector<1x16xf32>,
      %parallel_loop3A_501 = arith.constant 3 : i32
      %parallel_loop3A_502 = vector.broadcast %parallel_loop3A_501 : i32 to vector<16x1xi32>
      %parallel_loop3A_503 = vector.shape_cast %parallel_loop3A_502 : vector<16x1xi32> to vector<16xi32>
      %parallel_loop3A_504 = tpu.dynamic_gather %parallel_loop3A_453[%parallel_loop3A_503] in [0] : vector<16xf32>, vector<16xi32> -> vector<16xf32>
      %parallel_loop3A_505 = arith.index_cast %parallel_loop3A_439 : i32 to index
      %parallel_loop3A_506 = arith.constant 48 : index
      %parallel_loop3A_507 = tpu.vector_load %arg12[%parallel_loop3A_505, %parallel_loop3A_506] {strides = array<i32>} : memref<125x144xf32, #tpu.memory_space<vmem>>, vector<1x16xf32>,
      %parallel_loop3A_508 = vector.shape_cast %parallel_loop3A_507 : vector<1x16xf32> to vector<16xf32>
      %parallel_loop3A_509 = arith.mulf %parallel_loop3A_508, %parallel_loop3A_504 : vector<16xf32>
      %parallel_loop3A_510 = arith.index_cast %parallel_loop3A_439 : i32 to index
      %parallel_loop3A_511 = arith.constant 48 : index
      %parallel_loop3A_512 = tpu.vector_load %arg12[%parallel_loop3A_510, %parallel_loop3A_511] {strides = array<i32>} : memref<125x144xf32, #tpu.memory_space<vmem>>, vector<1x16xf32>,
      %parallel_loop3A_513 = vector.shape_cast %parallel_loop3A_512 : vector<1x16xf32> to vector<16xf32>
      %parallel_loop3A_514 = vector.shape_cast %parallel_loop3A_509 : vector<16xf32> to vector<1x16xf32>
      tpu.vector_store %arg12[%parallel_loop3A_510, %parallel_loop3A_511], %parallel_loop3A_514 {strides = array<i32>} : memref<125x144xf32, #tpu.memory_space<vmem>>, vector<1x16xf32>,
      %parallel_loop3A_515 = arith.constant 4 : i32
      %parallel_loop3A_516 = vector.broadcast %parallel_loop3A_515 : i32 to vector<16x1xi32>
      %parallel_loop3A_517 = vector.shape_cast %parallel_loop3A_516 : vector<16x1xi32> to vector<16xi32>
      %parallel_loop3A_518 = tpu.dynamic_gather %parallel_loop3A_453[%parallel_loop3A_517] in [0] : vector<16xf32>, vector<16xi32> -> vector<16xf32>
      %parallel_loop3A_519 = arith.index_cast %parallel_loop3A_439 : i32 to index
      %parallel_loop3A_520 = arith.constant 64 : index
      %parallel_loop3A_521 = tpu.vector_load %arg12[%parallel_loop3A_519, %parallel_loop3A_520] {strides = array<i32>} : memref<125x144xf32, #tpu.memory_space<vmem>>, vector<1x16xf32>,
      %parallel_loop3A_522 = vector.shape_cast %parallel_loop3A_521 : vector<1x16xf32> to vector<16xf32>
      %parallel_loop3A_523 = arith.mulf %parallel_loop3A_522, %parallel_loop3A_518 : vector<16xf32>
      %parallel_loop3A_524 = arith.index_cast %parallel_loop3A_439 : i32 to index
      %parallel_loop3A_525 = arith.constant 64 : index
      %parallel_loop3A_526 = tpu.vector_load %arg12[%parallel_loop3A_524, %parallel_loop3A_525] {strides = array<i32>} : memref<125x144xf32, #tpu.memory_space<vmem>>, vector<1x16xf32>,
      %parallel_loop3A_527 = vector.shape_cast %parallel_loop3A_526 : vector<1x16xf32> to vector<16xf32>
      %parallel_loop3A_528 = vector.shape_cast %parallel_loop3A_523 : vector<16xf32> to vector<1x16xf32>
      tpu.vector_store %arg12[%parallel_loop3A_524, %parallel_loop3A_525], %parallel_loop3A_528 {strides = array<i32>} : memref<125x144xf32, #tpu.memory_space<vmem>>, vector<1x16xf32>,
      %parallel_loop3A_529 = arith.constant 5 : i32
      %parallel_loop3A_530 = vector.broadcast %parallel_loop3A_529 : i32 to vector<16x1xi32>
      %parallel_loop3A_531 = vector.shape_cast %parallel_loop3A_530 : vector<16x1xi32> to vector<16xi32>
      %parallel_loop3A_532 = tpu.dynamic_gather %parallel_loop3A_453[%parallel_loop3A_531] in [0] : vector<16xf32>, vector<16xi32> -> vector<16xf32>
      %parallel_loop3A_533 = arith.index_cast %parallel_loop3A_439 : i32 to index
      %parallel_loop3A_534 = arith.constant 80 : index
      %parallel_loop3A_535 = tpu.vector_load %arg12[%parallel_loop3A_533, %parallel_loop3A_534] {strides = array<i32>} : memref<125x144xf32, #tpu.memory_space<vmem>>, vector<1x16xf32>,
      %parallel_loop3A_536 = vector.shape_cast %parallel_loop3A_535 : vector<1x16xf32> to vector<16xf32>
      %parallel_loop3A_537 = arith.mulf %parallel_loop3A_536, %parallel_loop3A_532 : vector<16xf32>
      %parallel_loop3A_538 = arith.index_cast %parallel_loop3A_439 : i32 to index
      %parallel_loop3A_539 = arith.constant 80 : index
      %parallel_loop3A_540 = tpu.vector_load %arg12[%parallel_loop3A_538, %parallel_loop3A_539] {strides = array<i32>} : memref<125x144xf32, #tpu.memory_space<vmem>>, vector<1x16xf32>,
      %parallel_loop3A_541 = vector.shape_cast %parallel_loop3A_540 : vector<1x16xf32> to vector<16xf32>
      %parallel_loop3A_542 = vector.shape_cast %parallel_loop3A_537 : vector<16xf32> to vector<1x16xf32>
      tpu.vector_store %arg12[%parallel_loop3A_538, %parallel_loop3A_539], %parallel_loop3A_542 {strides = array<i32>} : memref<125x144xf32, #tpu.memory_space<vmem>>, vector<1x16xf32>,
      %parallel_loop3A_543 = arith.constant 6 : i32
      %parallel_loop3A_544 = vector.broadcast %parallel_loop3A_543 : i32 to vector<16x1xi32>
      %parallel_loop3A_545 = vector.shape_cast %parallel_loop3A_544 : vector<16x1xi32> to vector<16xi32>
      %parallel_loop3A_546 = tpu.dynamic_gather %parallel_loop3A_453[%parallel_loop3A_545] in [0] : vector<16xf32>, vector<16xi32> -> vector<16xf32>
      %parallel_loop3A_547 = arith.index_cast %parallel_loop3A_439 : i32 to index
      %parallel_loop3A_548 = arith.constant 96 : index
      %parallel_loop3A_549 = tpu.vector_load %arg12[%parallel_loop3A_547, %parallel_loop3A_548] {strides = array<i32>} : memref<125x144xf32, #tpu.memory_space<vmem>>, vector<1x16xf32>,
      %parallel_loop3A_550 = vector.shape_cast %parallel_loop3A_549 : vector<1x16xf32> to vector<16xf32>
      %parallel_loop3A_551 = arith.mulf %parallel_loop3A_550, %parallel_loop3A_546 : vector<16xf32>
      %parallel_loop3A_552 = arith.index_cast %parallel_loop3A_439 : i32 to index
      %parallel_loop3A_553 = arith.constant 96 : index
      %parallel_loop3A_554 = tpu.vector_load %arg12[%parallel_loop3A_552, %parallel_loop3A_553] {strides = array<i32>} : memref<125x144xf32, #tpu.memory_space<vmem>>, vector<1x16xf32>,
      %parallel_loop3A_555 = vector.shape_cast %parallel_loop3A_554 : vector<1x16xf32> to vector<16xf32>
      %parallel_loop3A_556 = vector.shape_cast %parallel_loop3A_551 : vector<16xf32> to vector<1x16xf32>
      tpu.vector_store %arg12[%parallel_loop3A_552, %parallel_loop3A_553], %parallel_loop3A_556 {strides = array<i32>} : memref<125x144xf32, #tpu.memory_space<vmem>>, vector<1x16xf32>,
      %parallel_loop3A_557 = arith.constant 7 : i32
      %parallel_loop3A_558 = vector.broadcast %parallel_loop3A_557 : i32 to vector<16x1xi32>
      %parallel_loop3A_559 = vector.shape_cast %parallel_loop3A_558 : vector<16x1xi32> to vector<16xi32>
      %parallel_loop3A_560 = tpu.dynamic_gather %parallel_loop3A_453[%parallel_loop3A_559] in [0] : vector<16xf32>, vector<16xi32> -> vector<16xf32>
      %parallel_loop3A_561 = arith.index_cast %parallel_loop3A_439 : i32 to index
      %parallel_loop3A_562 = arith.constant 112 : index
      %parallel_loop3A_563 = tpu.vector_load %arg12[%parallel_loop3A_561, %parallel_loop3A_562] {strides = array<i32>} : memref<125x144xf32, #tpu.memory_space<vmem>>, vector<1x16xf32>,
      %parallel_loop3A_564 = vector.shape_cast %parallel_loop3A_563 : vector<1x16xf32> to vector<16xf32>
      %parallel_loop3A_565 = arith.mulf %parallel_loop3A_564, %parallel_loop3A_560 : vector<16xf32>
      %parallel_loop3A_566 = arith.index_cast %parallel_loop3A_439 : i32 to index
      %parallel_loop3A_567 = arith.constant 112 : index
      %parallel_loop3A_568 = tpu.vector_load %arg12[%parallel_loop3A_566, %parallel_loop3A_567] {strides = array<i32>} : memref<125x144xf32, #tpu.memory_space<vmem>>, vector<1x16xf32>,
      %parallel_loop3A_569 = vector.shape_cast %parallel_loop3A_568 : vector<1x16xf32> to vector<16xf32>
      %parallel_loop3A_570 = vector.shape_cast %parallel_loop3A_565 : vector<16xf32> to vector<1x16xf32>
      tpu.vector_store %arg12[%parallel_loop3A_566, %parallel_loop3A_567], %parallel_loop3A_570 {strides = array<i32>} : memref<125x144xf32, #tpu.memory_space<vmem>>, vector<1x16xf32>,
    } {sc.loop_unroll_factor = 2 : i64, sc.parallel_access}
    %run_scoped3A_433 = arith.constant 1 : i32
    "tpu.region"() ({
      %run_scoped3A_439 = tpu.sem_alloc : memref<!tpu.dma_semaphore, #tpu.memory_space<semaphore_mem>>
      %dma_start3A_440 = arith.constant 0 : i32
      %dma_start3A_441 = tpu.memref_slice %arg10[%run_scoped3A_433, %dma_start3A_440] : memref<2x125xi32, #tpu.memory_space<vmem>> -> memref<1x125xi32, #tpu.memory_space<vmem>>
      %dma_start3A_442 = tpu.memref_squeeze %dma_start3A_441 : memref<1x125xi32, #tpu.memory_space<vmem>> -> memref<125xi32, #tpu.memory_space<vmem>>
      %dma_start3A_443 = arith.constant 0 : i32
      %dma_start3A_444 = arith.constant 0 : i32
      %dma_start3A_445 = tpu.memref_slice %arg15[%dma_start3A_443, %dma_start3A_444] : memref<10000x144xf32, #tpu.memory_space<vmem_shared>> -> memref<10000x144xf32, #tpu.memory_space<vmem_shared>>
      tpu.enqueue_indirect_dma source(%arg12 : memref<125x144xf32, #tpu.memory_space<vmem>>) target(%dma_start3A_445 : memref<10000x144xf32, #tpu.memory_space<vmem_shared>>) offsets(%dma_start3A_442 : memref<125xi32, #tpu.memory_space<vmem>>) semaphore(%run_scoped3A_439 : memref<!tpu.dma_semaphore, #tpu.memory_space<semaphore_mem>>) {add = true}
      %dma_wait3A_446 = arith.constant 0 : i32
      %dma_wait3A_447 = tpu.memref_slice %arg10[%run_scoped3A_433, %dma_wait3A_446] : memref<2x125xi32, #tpu.memory_space<vmem>> -> memref<1x125xi32, #tpu.memory_space<vmem>>
      %dma_wait3A_448 = tpu.memref_squeeze %dma_wait3A_447 : memref<1x125xi32, #tpu.memory_space<vmem>> -> memref<125xi32, #tpu.memory_space<vmem>>
      %dma_wait3A_449 = arith.constant 0 : i32
      %dma_wait3A_450 = arith.constant 0 : i32
      %dma_wait3A_451 = tpu.memref_slice %arg15[%dma_wait3A_449, %dma_wait3A_450] : memref<10000x144xf32, #tpu.memory_space<vmem_shared>> -> memref<10000x144xf32, #tpu.memory_space<vmem_shared>>
      tpu.wait_indirect_dma semaphore(%run_scoped3A_439 : memref<!tpu.dma_semaphore, #tpu.memory_space<semaphore_mem>>) src(%arg12 : memref<125x144xf32, #tpu.memory_space<vmem>>) dst(%dma_wait3A_451 : memref<10000x144xf32, #tpu.memory_space<vmem_shared>>)
      tpu.yield
    }) : () -> ()
    %barrier3A_434 = arith.constant 0 : index
    tpu.barrier barrier_id(%barrier3A_434)
    %mul3A_435 = arith.constant 625 : i32
    %mul3A_436 = arith.muli %arg1, %mul3A_435 : i32
    %mul3A_437 = arith.constant 625 : i32
    %mul3A_438 = arith.muli %arg1, %mul3A_437 : i32
    "tpu.region"() ({
      %run_scoped3A_439 = tpu.sem_alloc : memref<!tpu.dma_semaphore, #tpu.memory_space<semaphore_mem>>
      %dma_start3A_440 = arith.constant 0 : i32
      %dma_start3A_441 = tpu.memref_slice %arg6[%arg0, %mul3A_438, %dma_start3A_440] : memref<2x10000x144xf32, #tpu.memory_space<hbm>> -> memref<1x625x144xf32, #tpu.memory_space<hbm>>
      %dma_start3A_442 = tpu.memref_squeeze %dma_start3A_441 : memref<1x625x144xf32, #tpu.memory_space<hbm>> -> memref<625x144xf32, #tpu.memory_space<hbm>>
      %dma_start3A_443 = arith.constant 0 : i32
      %dma_start3A_444 = tpu.memref_slice %arg15[%mul3A_436, %dma_start3A_443] : memref<10000x144xf32, #tpu.memory_space<vmem_shared>> -> memref<625x144xf32, #tpu.memory_space<vmem_shared>>
      tpu.enqueue_dma source(%dma_start3A_444 : memref<625x144xf32, #tpu.memory_space<vmem_shared>>) target(%dma_start3A_442 : memref<625x144xf32, #tpu.memory_space<hbm>>) target_semaphore(%run_scoped3A_439 : memref<!tpu.dma_semaphore, #tpu.memory_space<semaphore_mem>>)
      %dma_wait3A_445 = arith.constant 0 : i32
      %dma_wait3A_446 = tpu.memref_slice %arg6[%arg0, %mul3A_438, %dma_wait3A_445] : memref<2x10000x144xf32, #tpu.memory_space<hbm>> -> memref<1x625x144xf32, #tpu.memory_space<hbm>>
      %dma_wait3A_447 = tpu.memref_squeeze %dma_wait3A_446 : memref<1x625x144xf32, #tpu.memory_space<hbm>> -> memref<625x144xf32, #tpu.memory_space<hbm>>
      %dma_wait3A_448 = arith.constant 0 : i32
      %dma_wait3A_449 = tpu.memref_slice %arg15[%mul3A_436, %dma_wait3A_448] : memref<10000x144xf32, #tpu.memory_space<vmem_shared>> -> memref<625x144xf32, #tpu.memory_space<vmem_shared>>
      tpu.wait_dma2 semaphore(%run_scoped3A_439 : memref<!tpu.dma_semaphore, #tpu.memory_space<semaphore_mem>>) src(%dma_wait3A_449 : memref<625x144xf32, #tpu.memory_space<vmem_shared>>) dst(%dma_wait3A_447 : memref<625x144xf32, #tpu.memory_space<hbm>>)
      tpu.yield
    }) : () -> ()
    return
  }
}

module attributes {stable_mosaic.version = 14 : i64} {
  func.func @_tc1_body(%arg0: i32, %arg1: memref<1000x128xf32, #tpu.memory_space<vmem>>, %arg2: memref<128x128xf32, #tpu.memory_space<vmem>>, %arg3: memref<128x16xf32, #tpu.memory_space<vmem>>, %arg4: memref<128x16xf32, #tpu.memory_space<vmem>>, %arg5: memref<1000x144xf32, #tpu.memory_space<vmem>>, %arg6: memref<1000x16xf32, #tpu.memory_space<vmem>>) attributes {dimension_semantics = [#tpu.dimension_semantics<arbitrary>], iteration_bounds = array<i64: 10>, scalar_prefetch = 0 : i64, scratch_operands = 0 : i64, tpu.core_type = #tpu.core_type<tc>, window_params = [{transform_indices = @transform_0, window_bounds = array<i64: 1000, 128>}, {pipeline_mode = #tpu.pipeline_mode<synchronous>, transform_indices = @transform_1, window_bounds = array<i64: 128, 128>}, {pipeline_mode = #tpu.pipeline_mode<synchronous>, transform_indices = @transform_2, window_bounds = array<i64: 128, 16>}, {pipeline_mode = #tpu.pipeline_mode<synchronous>, transform_indices = @transform_3, window_bounds = array<i64: 128, 16>}, {transform_indices = @transform_4, window_bounds = array<i64: 1000, 144>}, {transform_indices = @transform_5, window_bounds = array<i64: 1000, 16>}]} {
    %get3A = arith.constant 0 : index
    %get3A_0 = arith.constant 0 : index
    %get3A_1 = vector.load %arg1[%get3A, %get3A_0] : memref<1000x128xf32, #tpu.memory_space<vmem>>, vector<1000x128xf32>
    %get3A_2 = arith.constant 0 : index
    %get3A_3 = arith.constant 0 : index
    %get3A_4 = vector.load %arg2[%get3A_2, %get3A_3] : memref<128x128xf32, #tpu.memory_space<vmem>>, vector<128x128xf32>
    %dot_general3A = arith.constant dense<0.000000e+00> : vector<1000x128xf32>
    %dot_general3A_5 = tpu.matmul %get3A_1, %get3A_4, %dot_general3A {dimension_numbers = #tpu.dot_dimension_numbers<[1], [0], [0], [1], [0, 0, 1, 1], [], []>, transpose_lhs_hint = false} : vector<1000x128xf32>, vector<128x128xf32>, vector<1000x128xf32> -> vector<1000x128xf32>
    %swap3A = arith.constant 0 : index
    %swap3A_6 = arith.constant 0 : index
    %swap3A_7 = vector.load %arg5[%swap3A, %swap3A_6] : memref<1000x144xf32, #tpu.memory_space<vmem>>, vector<1000x128xf32>
    tpu.vector_store %arg5[%swap3A, %swap3A_6], %dot_general3A_5 {strides = array<i32>} : memref<1000x144xf32, #tpu.memory_space<vmem>>, vector<1000x128xf32>,
    %get3A_8 = arith.constant 0 : index
    %get3A_9 = arith.constant 0 : index
    %get3A_10 = vector.load %arg3[%get3A_8, %get3A_9] : memref<128x16xf32, #tpu.memory_space<vmem>>, vector<128x16xf32>
    %dot_general3A_11 = arith.constant dense<0.000000e+00> : vector<1000x16xf32>
    %dot_general3A_12 = tpu.matmul %dot_general3A_5, %get3A_10, %dot_general3A_11 {dimension_numbers = #tpu.dot_dimension_numbers<[1], [0], [0], [1], [0, 0, 1, 1], [], []>, transpose_lhs_hint = false} : vector<1000x128xf32>, vector<128x16xf32>, vector<1000x16xf32> -> vector<1000x16xf32>
    %swap3A_13 = arith.constant 0 : index
    %swap3A_14 = arith.constant 128 : index
    %swap3A_15 = vector.load %arg5[%swap3A_13, %swap3A_14] : memref<1000x144xf32, #tpu.memory_space<vmem>>, vector<1000x16xf32>
    tpu.vector_store %arg5[%swap3A_13, %swap3A_14], %dot_general3A_12 {strides = array<i32>} : memref<1000x144xf32, #tpu.memory_space<vmem>>, vector<1000x16xf32>,
    %get3A_16 = arith.constant 0 : index
    %get3A_17 = arith.constant 0 : index
    %get3A_18 = vector.load %arg4[%get3A_16, %get3A_17] : memref<128x16xf32, #tpu.memory_space<vmem>>, vector<128x16xf32>
    %dot_general3A_19 = arith.constant dense<0.000000e+00> : vector<1000x16xf32>
    %dot_general3A_20 = tpu.matmul %dot_general3A_5, %get3A_18, %dot_general3A_19 {dimension_numbers = #tpu.dot_dimension_numbers<[1], [0], [0], [1], [0, 0, 1, 1], [], []>, transpose_lhs_hint = false} : vector<1000x128xf32>, vector<128x16xf32>, vector<1000x16xf32> -> vector<1000x16xf32>
    %swap3A_21 = arith.constant 0 : index
    %swap3A_22 = arith.constant 0 : index
    %swap3A_23 = vector.load %arg6[%swap3A_21, %swap3A_22] : memref<1000x16xf32, #tpu.memory_space<vmem>>, vector<1000x16xf32>
    tpu.vector_store %arg6[%swap3A_21, %swap3A_22], %dot_general3A_20 {strides = array<i32>} : memref<1000x16xf32, #tpu.memory_space<vmem>>, vector<1000x16xf32>,
    return
  }
  func.func @transform_0(%arg0: i32) -> (i32, i32) {
    %c0_i32 = arith.constant 0 : i32
    %c0_i32_0 = arith.constant 0 : i32
    return %arg0, %c0_i32 : i32, i32
  }
  func.func @transform_1(%arg0: i32) -> (i32, i32) {
    %c0_i32 = arith.constant 0 : i32
    %c0_i32_0 = arith.constant 0 : i32
    %c0_i32_1 = arith.constant 0 : i32
    return %c0_i32, %c0_i32_0 : i32, i32
  }
  func.func @transform_2(%arg0: i32) -> (i32, i32) {
    %c0_i32 = arith.constant 0 : i32
    %c0_i32_0 = arith.constant 0 : i32
    %c0_i32_1 = arith.constant 0 : i32
    return %c0_i32, %c0_i32_0 : i32, i32
  }
  func.func @transform_3(%arg0: i32) -> (i32, i32) {
    %c0_i32 = arith.constant 0 : i32
    %c0_i32_0 = arith.constant 0 : i32
    %c0_i32_1 = arith.constant 0 : i32
    return %c0_i32, %c0_i32_0 : i32, i32
  }
  func.func @transform_4(%arg0: i32) -> (i32, i32) {
    %c0_i32 = arith.constant 0 : i32
    %c0_i32_0 = arith.constant 0 : i32
    return %arg0, %c0_i32 : i32, i32
  }
  func.func @transform_5(%arg0: i32) -> (i32, i32) {
    %c0_i32 = arith.constant 0 : i32
    %c0_i32_0 = arith.constant 0 : i32
    return %arg0, %c0_i32 : i32, i32
  }
}

module attributes {stable_mosaic.version = 14 : i64} {
  func.func @_tc2_body(%arg0: i32, %arg1: memref<2x1000x144xf32, #tpu.memory_space<vmem>>, %arg2: memref<8x128xf32, #tpu.memory_space<vmem>>, %arg3: memref<1000x128xf32, #tpu.memory_space<vmem>>) attributes {dimension_semantics = [#tpu.dimension_semantics<arbitrary>], iteration_bounds = array<i64: 10>, scalar_prefetch = 0 : i64, scratch_operands = 0 : i64, tpu.core_type = #tpu.core_type<tc>, window_params = [{transform_indices = @transform_0, window_bounds = array<i64: 2, 1000, 144>}, {pipeline_mode = #tpu.pipeline_mode<synchronous>, transform_indices = @transform_1, window_bounds = array<i64: 8, 128>}, {transform_indices = @transform_2, window_bounds = array<i64: 1000, 128>}]} {
    %get3A = arith.constant 0 : index
    %get3A_0 = arith.constant 0 : index
    %get3A_1 = arith.constant 0 : index
    %get3A_2 = vector.load %arg1[%get3A, %get3A_0, %get3A_1] : memref<2x1000x144xf32, #tpu.memory_space<vmem>>, vector<1x1000x144xf32>
    %get3A_3 = vector.shape_cast %get3A_2 : vector<1x1000x144xf32> to vector<1000x144xf32>
    %get3A_4 = arith.constant 1 : index
    %get3A_5 = arith.constant 0 : index
    %get3A_6 = arith.constant 0 : index
    %get3A_7 = vector.load %arg1[%get3A_4, %get3A_5, %get3A_6] : memref<2x1000x144xf32, #tpu.memory_space<vmem>>, vector<1x1000x144xf32>
    %get3A_8 = vector.shape_cast %get3A_7 : vector<1x1000x144xf32> to vector<1000x144xf32>
    %add3A = arith.addf %get3A_3, %get3A_8 : vector<1000x144xf32>
    %slice3A = vector.extract_strided_slice %add3A {offsets = [0, 0], sizes = [1000, 128], strides = [1, 1]} : vector<1000x144xf32> to vector<1000x128xf32>
    %slice3A_9 = vector.extract_strided_slice %add3A {offsets = [0, 128], sizes = [1000, 8], strides = [1, 1]} : vector<1000x144xf32> to vector<1000x8xf32>
    %max3A = arith.constant 9.99999996E-13 : f32
    %max3A_10 = vector.broadcast %max3A : f32 to vector<1000x8xf32>
    %max3A_11 = arith.maximumf %slice3A_9, %max3A_10 : vector<1000x8xf32>
    %get3A_12 = arith.constant 0 : index
    %get3A_13 = arith.constant 0 : index
    %get3A_14 = vector.load %arg2[%get3A_12, %get3A_13] : memref<8x128xf32, #tpu.memory_space<vmem>>, vector<8x128xf32>
    %dot_general3A = arith.constant dense<0.000000e+00> : vector<1000x128xf32>
    %dot_general3A_15 = tpu.matmul %max3A_11, %get3A_14, %dot_general3A {dimension_numbers = #tpu.dot_dimension_numbers<[1], [0], [0], [1], [0, 0, 1, 1], [], []>, transpose_lhs_hint = false} : vector<1000x8xf32>, vector<8x128xf32>, vector<1000x128xf32> -> vector<1000x128xf32>
    %div3A = arith.divf %slice3A, %dot_general3A_15 : vector<1000x128xf32>
    %gt3A = arith.constant 0.000000e+00 : f32
    %gt3A_16 = vector.broadcast %gt3A : f32 to vector<1000x128xf32>
    %gt3A_17 = arith.cmpf ogt, %div3A, %gt3A_16 : vector<1000x128xf32>
    %exp3A = math.exp %div3A : vector<1000x128xf32>
    %sub3A = arith.constant 1.000000e+00 : f32
    %sub3A_18 = vector.broadcast %sub3A : f32 to vector<1000x128xf32>
    %sub3A_19 = arith.subf %exp3A, %sub3A_18 : vector<1000x128xf32>
    %select_n3A = arith.select %gt3A_17, %div3A, %sub3A_19 : vector<1000x128xi1>, vector<1000x128xf32>
    %swap3A = arith.constant 0 : index
    %swap3A_20 = arith.constant 0 : index
    %swap3A_21 = vector.load %arg3[%swap3A, %swap3A_20] : memref<1000x128xf32, #tpu.memory_space<vmem>>, vector<1000x128xf32>
    tpu.vector_store %arg3[%swap3A, %swap3A_20], %select_n3A {strides = array<i32>} : memref<1000x128xf32, #tpu.memory_space<vmem>>, vector<1000x128xf32>,
    return
  }
  func.func @transform_0(%arg0: i32) -> (i32, i32, i32) {
    %c0_i32 = arith.constant 0 : i32
    %c0_i32_0 = arith.constant 0 : i32
    %c0_i32_1 = arith.constant 0 : i32
    return %c0_i32, %arg0, %c0_i32_0 : i32, i32, i32
  }
  func.func @transform_1(%arg0: i32) -> (i32, i32) {
    %c0_i32 = arith.constant 0 : i32
    %c0_i32_0 = arith.constant 0 : i32
    %c0_i32_1 = arith.constant 0 : i32
    return %c0_i32, %c0_i32_0 : i32, i32
  }
  func.func @transform_2(%arg0: i32) -> (i32, i32) {
    %c0_i32 = arith.constant 0 : i32
    %c0_i32_0 = arith.constant 0 : i32
    return %arg0, %c0_i32 : i32, i32
  }
}

</mosaic_0001>

<sc_bundles>
// kernel: kernel.5.cloned.1.call-start
scs
__scs_entry_jumppad:
0x0: {  	(pc) =	sbr.rel $0x88, $3  }
0x1: {  	(tag) =	ssettag $0x0;
	lr =	simm.s32 $0x1  }
0x2: {  	[smem:$0x3F9C] =	sst lr;
	_ =	strace $0xD0000000  }
0x3: {  	_ = 	snop  }
0x4: {  	_ = 	snop  }
0x5: {  	_ = 	snop  }
0x6: {  	_ = 	snop  }
0x7: {  	_ = 	snop  }
__scs_overlays_trampoline_lowered:
0x8: {  	[smem:$0x3FAB] =	sst s0  }
0x9: {  	[smem:$0x3FAC] =	sst s1  }
0xa: {  	[smem:$0x3FAD] =	sst s2  }
0xb: {  	[smem:$0x3FAE] =	sst s3  }
0xc: {  	[smem:$0x3FAF] =	sst s4  }
0xd: {  	[smem:$0x3FB0] =	sst s5  }
0xe: {  	[smem:$0x3FB1] =	sst s6  }
0xf: {  	[smem:$0x3FB2] =	sst s7  }
0x10: {  	[smem:$0x3FB3] =	sst s8  }
0x11: {  	[smem:$0x3FB4] =	sst s9;
	s0 =	simm.s32 @!p0 $0x0  }
0x12: {  	s1 =	sld [smem:$0x3F9A];
	s0 =	simm.s32 @p0 $0x1  }
0x13: {  	[smem:$0x3FB5] =	sst s0;
	s0 =	simm.s32 @!p1 $0x0  }
0x14: {  	s2 =	sld [smem:$0x3F99];
	s0 =	simm.s32 @p1 $0x1  }
0x15: {  	[smem:$0x3FB6] =	sst s0;
	s0 =	simm.s32 @!p2 $0x0  }
0x16: {  	s3 =	sld [smem:$0x3FDB];
	s0 =	simm.s32 @p2 $0x1  }
0x17: {  	s4 =	simm.s32 $0x1BF5;
	[smem:$0x3FB8] =	sst s0  }
0x18: {  	s0 =	sld [smem:$0x3F9B];
	_ =	swait.ge [sflag:s4], $0x0  }
0x19: {  	s7 =	sld [smem:$0x3F9C]  }
0x1a: {  	s8 =	sadd.s32 $0xFFFFE003, lr  }
0x1b: {  	s9 =	sadd.s32 $0xFFFFFEF7, lr;
	s5 =	simm.s32 $0xFFFFFFFF;
	p2 =	slt.u32 s8, $0xFFFFF086  }
0x1c: {  	p1 =	slt.u32 s9, $0xF7A;
	s5 =	simm.s32 @!p2 $0x0  }
0x1d: {  	s5 =	simm.s32 @p1 $0x1;
	p0 =	seq.s32 s7, s2  }
0x1e: {  	s7 =	smul.u32 @!p0 $0xF7A, s2;
	p2 =	seq.s32 @!p0 s5, $0x0  }
0x1f: {  	s9 =	smul.u32 $0xF7A, s1;
	s8 =	simm.s32 @!p0 $0x1BF5;
	p2 =	por !p2, p0  }
0x20: {  	[sflag:s8] =	ssyncset.s32 @!p0 $0xFFFFF086;
	s6 =	sadd.s32 @!p0 s3, s7;
	s7 =	simm.s32 @!p0 $0x108  }
0x21: {  	s3 =	sadd.s32 s3, s9;
	s6 =	sadd.s32 @!p0 $0x88, s6;
	s7 =	simm.s32 @p2 $0x1082  }
0x22: {  	[simem:s7], [sflag:s8] =	dma.local @!p0 [hbm:s6], $0xF7A  }
0x23: {  	s9 =	sor.u32 $0xD0000000, s2;
	s6 =	simm.s32 $0x108;
	_ =	swait.ge @!p0 [sflag:s8], $0x0  }
0x24: {  	s3 =	sadd.s32 $0x88, s3;
	s6 =	simm.s32 @!p1 $0x1082;
	[sflag:s4] =	ssyncset.s32 $0xFFFFF086  }
0x25: {  	[simem:s6], [sflag:s4] =	dma.local [hbm:s3], $0xF7A  }
0x26: {  	[smem:$0x3F9C] =	sst s1;
	(tag) =	ssettag s2;
	_ =	strace s9  }
0x27: {  	s1 =	sld [smem:$0x3FAC]  }
0x28: {  	s2 =	sld [smem:$0x3FAD]  }
0x29: {  	s4 =	sld [smem:$0x3FAF]  }
0x2a: {  	p0 =	seq.s32 s5, $0x0;
	s5 =	sld [smem:$0x3FB0]  }
0x2b: {  	s6 =	sld [smem:$0x3FB1]  }
0x2c: {  	s7 =	sld [smem:$0x3FB2]  }
0x2d: {  	s3 =	simm.s32 $0x108;
	s8 =	sld [smem:$0x3FB3]  }
0x2e: {  	s3 =	simm.s32 @!p0 $0x1082;
	s9 =	sld [smem:$0x3FB4]  }
0x2f: {  	lr =	sadd.s32 s0, s3;
	s0 =	sld [smem:$0x3FAB]  }
0x30: {  	s3 =	sld [smem:$0x3FAE]  }
0x31: {  	[smem:$0x3FB7] =	sst s10  }
0x32: {  	s10 =	sld [smem:$0x3FB5];
	_ =	sdelay $0x3  }
0x33: {  	p0 =	seq.s32 s10, $0x1;
	s10 =	sld [smem:$0x3FB7];
	_ =	sdelay $0x3  }
0x34: {  	[smem:$0x3FB7] =	sst s10  }
0x35: {  	s10 =	sld [smem:$0x3FB6];
	_ =	sdelay $0x3  }
0x36: {  	p1 =	seq.s32 s10, $0x1;
	s10 =	sld [smem:$0x3FB7];
	_ =	sdelay $0x3  }
0x37: {  	[smem:$0x3FB7] =	sst s10  }
0x38: {  	s10 =	sld [smem:$0x3FB8]  }
0x39: {  	_ = 	snop;
	(pc) =	sbr.ind lr, $3  }
0x3a: {  	_ = 	snop  }
0x3b: {  	_ = 	snop  }
0x3c: {  	p2 =	seq.s32 s10, $0x1;
	s10 =	sld [smem:$0x3FB7]  }
0x3d: {  	_ =	shalt  }
0x3e: {  	_ =	shalt  }
0x3f: {  	_ =	shalt  }
0x40: {  	_ =	shalt  }
0x41: {  	_ =	shalt  }
0x42: {  	_ =	shalt  }
0x43: {  	_ =	shalt  }
0x44: {  	_ =	shalt  }
0x45: {  	_ =	shalt  }
0x46: {  	_ =	shalt  }
0x47: {  	_ =	shalt  }
0x48: {  	_ =	shalt  }
0x49: {  	_ =	shalt  }
0x4a: {  	_ =	shalt  }
0x4b: {  	_ =	shalt  }
0x4c: {  	_ =	shalt  }
0x4d: {  	_ =	shalt  }
0x4e: {  	_ =	shalt  }
0x4f: {  	_ =	shalt  }
0x50: {  	_ =	shalt  }
0x51: {  	_ =	shalt  }
0x52: {  	_ =	shalt  }
0x53: {  	_ =	shalt  }
0x54: {  	_ =	shalt  }
0x55: {  	_ =	shalt  }
0x56: {  	_ =	shalt  }
0x57: {  	_ =	shalt  }
0x58: {  	_ =	shalt  }
0x59: {  	_ =	shalt  }
0x5a: {  	_ =	shalt  }
0x5b: {  	_ =	shalt  }
0x5c: {  	_ =	shalt  }
0x5d: {  	_ =	shalt  }
0x5e: {  	_ =	shalt  }
0x5f: {  	_ =	shalt  }
0x60: {  	_ =	shalt  }
0x61: {  	_ =	shalt  }
0x62: {  	_ =	shalt  }
0x63: {  	_ =	shalt  }
0x64: {  	_ =	shalt  }
0x65: {  	_ =	shalt  }
0x66: {  	_ =	shalt  }
0x67: {  	_ =	shalt  }
0x68: {  	_ =	shalt  }
0x69: {  	_ =	shalt  }
0x6a: {  	_ =	shalt  }
0x6b: {  	_ =	shalt  }
0x6c: {  	_ =	shalt  }
0x6d: {  	_ =	shalt  }
0x6e: {  	_ =	shalt  }
0x6f: {  	_ =	shalt  }
0x70: {  	_ =	shalt  }
0x71: {  	_ =	shalt  }
0x72: {  	_ =	shalt  }
0x73: {  	_ =	shalt  }
0x74: {  	_ =	shalt  }
0x75: {  	_ =	shalt  }
0x76: {  	_ =	shalt  }
0x77: {  	_ =	shalt  }
0x78: {  	_ =	shalt  }
0x79: {  	_ =	shalt  }
0x7a: {  	_ =	shalt  }
0x7b: {  	_ =	shalt  }
0x7c: {  	_ =	shalt  }
0x7d: {  	_ =	shalt  }
0x7e: {  	_ =	shalt  }
0x7f: {  	_ =	shalt  }
0x80: {  	_ =	shalt  }
0x81: {  	_ =	shalt  }
0x82: {  	_ =	shalt  }
0x83: {  	_ =	shalt  }
0x84: {  	_ =	shalt  }
0x85: {  	_ =	shalt  }
0x86: {  	_ =	shalt  }
0x87: {  	_ =	shalt  }
.Lfunc_end0:
.L_simem_size_0:
called_computation_lowered:
.L_overlay_start_0:
0x88: {  	s2 =	sld [smem:$0x3FD9]  }
0x89: {  	s3 =	sld [smem:$0x3FFE];
	_ =	sdelay $0x1  }
0x8a: {  	s1 =	srdreg.scid  }
0x8b: {  	s0 =	sand.u32 $0x1, s1  }
0x8c: {  	s17 =	sshll.u32 s0, $0xA;
	s2 =	sadd.s32 s3, s2  }
0x8d: {  	s2 =	sadd.s32 s2, s17  }
0x8e: {  	[smem:$0x3FC3] =	sst s2  }
0x8f: {  	_ = 	snop  }
0x90: {  	s2 =	sld [smem:$0x3FD0];
	(tm) =	ssettm $0x1  }
0x91: {  	s18 =	sld [smem:$0x3FFB];
	_ =	sdelay $0x3  }
0x92: {  	_ =	strace s18  }
0x93: {  	s3 =	sld [smem:$0x3FFC];
	_ =	sdelay $0x3  }
0x94: {  	_ =	strace s3  }
0x95: {  	s3 =	sld [smem:$0x3FFD];
	_ =	sdelay $0x3  }
0x96: {  	_ =	strace s3  }
0x97: {  	_ =	strace $0x8FFFFFFF  }
0x98: {  	s19 =	sld [smem:$0x3FDB];
	_ =	sdelay $0x1  }
0x99: {  	s4 =	simm.s32 $_scs_section_size  }
0x9a: {  	s5 =	simm.s32 $_size__tile_overlayer_lowered;
	s6 =	simm.s32 $_tile_overlayer_lowered  }
0x9b: {  	s22 =	simm.s32 $0x1BFF;
	s21 =	sshll.u32 s6, $0x1;
	s3 =	sadd.s32 s4, s19  }
0x9c: {  	s7 =	simm.s32 $0x0;
	s20 =	sshll.u32 s5, $0x1;
	s5 =	sadd.s32 s21, s3  }
0x9d: {  	[timem:s7], [sflag:s22] =	dma.local [hbm:s5], s20  }
0x9e: {  	_ =	swait.ge [sflag:s22], s20  }
0x9f: {  	s4 =	ssub.s32 $0x0, s20;
	[sflag:s22] =	ssyncset.done $0x0  }
0xa0: {  	[sflag:s22] =	ssyncadd.s32 s4;
	_ =	sdelay $0x1  }
0xa1: {  	s23 =	simm.s32 $0x1B8B  }
0xa2: {  	_ =	swait.ge [sflag:s23], $0x1  }
0xa3: {  	[sflag:s23] =	ssyncset.done $0x0  }
0xa4: {  	s25 =	simm.s32 $0x1B8E;
	s24 =	sld [smem:$0x3FFE];
	[sflag:s23] =	ssyncadd.s32 $0xFFFFFFFF  }
0xa5: {  	s26 =	simm.s32 $execute0_lowered;
	[smem:$0x3FD2] =	sst s25  }
0xa6: {  	s5 =	sshll.u32 s26, $0x1;
	_ =	strace $0x80000046;
	[dreg:$0x1] =	wrdreg $0xFFFFFFFF  }
0xa7: {  	s28 =	simm.s32 $_size_execute0_lowered;
	s3 =	sadd.s32 s3, s5;
	[dreg:$0x0] =	wrdreg $0x0  }
0xa8: {  	s5 =	sshll.u32 s28, $0x1;
	[dreg:$0x2] =	wrdreg s3  }
0xa9: {  	[dreg:$0x3] =	wrdreg s5  }
0xaa: {  	[dreg:$0x4] =	wrdreg $0xC0  }
0xab: {  	_ =	task [dreg:s7], $0x5FFFF  }
0xac: {  	[dreg:$0x1] =	wrdreg $0xFFFFFFFF  }
0xad: {  	[dreg:$0x0] =	wrdreg $0x60  }
0xae: {  	[dreg:$0x2] =	wrdreg s24  }
0xaf: {  	[dreg:$0x3] =	wrdreg s2  }
0xb0: {  	[dreg:$0x4] =	wrdreg $0xA0400  }
0xb1: {  	[dreg:$0x5] =	wrdreg $0x9  }
0xb2: {  	_ =	task.clear_ibuf [dreg:s7], $0x6FFFF;
	_ =	strace $0x90000046  }
0xb3: {  	s29 =	simm.s32 $0x9;
	_ =	strace $0x80000048  }
0xb4: {  	_ =	swait.ge [sflag:s29], $0x1  }
0xb5: {  	[sflag:s29] =	ssyncadd.s32 $0xFFFFFFFF  }
0xb6: {  	_ =	strace $0x90000048  }
0xb7: {  	_ =	sfence  }
0xb8: {  	s30 =	sld [smem:$0x0];
	_ =	sdelay $0x2  }
0xb9: {  	s31 =	sshll.u32 s1, $0xD;
	s1 =	sshrl.u32 s1, $0x2  }
0xba: {  	s3 =	sand.u32 $0x4000, s31;
	s1 =	sadd.s32 s1, s30  }
0xbb: {  	s0 =	sor.u32 s3, s0;
	s1 =	sshll.u32 s1, $0x11  }
0xbc: {  	s0 =	sor.u32 s1, s0  }
0xbd: {  	s0 =	sadd.s32 $0x8F2B, s0  }
0xbe: {  	[sflag:s0] =	ssyncadd.remote.s32 $0x1  }
0xbf: {  	_ =	sfence.sel $0xFFFF  }
0xc0: {  	[dreg:$0x0] =	wrdreg $0xFFFFFFFF;
	(pc) =	sbr.abs _section_cstart, $3  }
0xc1: {  	[dreg:$0x1] =	wrdreg $0xFFFFFFFF  }
0xc2: {  	_ =	task.clear_ibuf [dreg:s7], $0x2FFFF;
	_ =	strace $0x9FFFFFFF  }
0xc3: {  	(tm) =	ssettm $0x7FFFFFFF  }
tec
execute0_lowered:
.L_overlay_start_1:
0x0: {  	(tag) =	ssettag $0x1  }
0x1: {  	s0 =	rddreg [dreg:$0x0]  }
0x2: {  	s12 =	rddreg [dreg:$0x1]  }
0x3: {  	s2 =	rddreg [dreg:$0x2];
	s4 =	simm.s32 $0x0  }
0x4: {  	s1 =	srdreg.scid;
	s13 =	stileid.u32;
	s28 =	simm.s32 $0x9  }
0x5: {  	s29 =	simm.s32 $0x100;
	s30 =	simm.s32 $0x5;
	s31 =	simm.s32 $0x7D  }
0x6: {  	[smem:$0x7FF] =	sst s4;
	s1 =	sand.u32 $0x1, s1;
	s8 =	smul.u32 $0x15F90, s13  }
0x7: {  	s5 =	sadd.s32 $0x600, s0;
	s6 =	sadd.s32 $0x2C600, s0;
	s17 =	smul.u32 $0x57E40, s13  }
0x8: {  	s7 =	sadd.s32 $0x31600, s0;
	s3 =	smul.u32 $0x15F900, s1;
	s9 =	sshll.u32 s1, $0x4  }
0x9: {  	_ =	strace $0x80000047;
	s1 =	ssub.s32 $0x2, s1;
	s9 =	sor.u32 s13, s9  }
0xa: {  	s10 =	sshrl.u32 s1, $0x1;
	s21 =	sshrl.u32 s17, $0x2;
	s22 =	sadd.s32 s8, s2  }
0xb: {  	s13 =	simm.s32 $0x180;
	s17 =	simm.s32 $0x3;
	s11 =	smul.u32 $0x500, s9  }
0xc: {  	s3 =	sadd.s32 s8, s3;
	s1 =	ssub.s32 s1, s10;
	s23 =	smul.u32 $0x50, s9  }
0xd: {  	s9 =	smul.u32 $0x2800, s9;
	s8 =	simm.s32 $0x300;
	s1 =	smax.u32 s1, $0x1  }
0xe: {  	s3 =	sshrl.u32 s3, $0x3;
	s24 =	sadd.s32 s12, s11;
	[dreg:$0xf] =	wrdreg s1  }
0xf: {  	s0 =	sadd.s32 s3, s0;
	s14 =	sadd.s32 s7, s11;
	[dreg:$0x4] =	wrdreg s24  }
0x10: {  	s25 =	sor.u32 $0x20, s11;
	s18 =	sor.u32 $0x2, s23;
	[dreg:$0x5] =	wrdreg s14  }
0x11: {  	s11 =	sor.u32 $0x40, s11;
	s3 =	sor.u32 $0x4, s23;
	[dreg:$0xa] =	wrdreg s18  }
0x12: {  	s9 =	sshrl.u32 s9, $0x3;
	s26 =	sadd.s32 s12, s25;
	[dreg:$0xb] =	wrdreg s3  }
0x13: {  	s10 =	sadd.s32 s7, s25;
	s15 =	sadd.s32 s12, s11;
	[dreg:$0x6] =	wrdreg s26  }
0x14: {  	s16 =	sadd.s32 s7, s11;
	s9 =	sadd.s32 $0x4E0, s9;
	[dreg:$0x7] =	wrdreg s10  }
0x15: {  	s0 =	sadd.s32 $0x3B600, s0;
	s3 =	simm.s32 $0x200;
	[dreg:$0x8] =	wrdreg s15  }
0x16: {  	s18 =	simm.s32 $0x4;
	s11 =	simm.s32 $0x0;
	[dreg:$0x9] =	wrdreg s16  }
0x17: {  	s19 =	sadd.s32 s12, s9;
	s20 =	sadd.s32 s7, s9;
	[dreg:$0xe] =	wrdreg s0  }
0x18: {  	s0 =	sadd.s32 s21, s2;
	s26 =	sshrl.u32 s22, $0x3;
	[dreg:$0xc] =	wrdreg s19  }
0x19: {  	s9 =	simm.s32 $0x1;
	s10 =	simm.s32 $0x2;
	[dreg:$0xd] =	wrdreg s20  }
0x1a: {  	s12 =	simm.s32 $0x4A50;
	s16 =	simm.s32 $0x9870;
	[dreg:$0x10] =	wrdreg s0  }
0x1b: {  	s21 =	simm.s32 $0x7;
	s23 =	sadd.s32 $0x4650, s0;
	[dreg:$0x15] =	wrdreg s26  }
0x1c: {  	s22 =	simm.s32 $0x8;
	s24 =	sadd.s32 $0x8CA0, s0;
	[dreg:$0x11] =	wrdreg s23  }
0x1d: {  	v0 =	vimm.f32 $0.0e+00;
	v1 =	vimm.s32 $0x0;
	v2 =	vimm.s32 $0x1;
	s25 =	sadd.s32 $0xD2F0, s0;
	s0 =	sadd.s32 $0x11940, s0;
	[dreg:$0x12] =	wrdreg s24  }
0x1e: {  	v3 =	vimm.s32 $0x2;
	v4 =	vimm.s32 $0x3;
	v5 =	vimm.s32 $0x4;
	s26 =	simm.s32 $0x400;
	s19 =	simm.s32 $0x6;
	[dreg:$0x13] =	wrdreg s25  }
0x1f: {  	v6 =	vimm.s32 $0x5;
	v7 =	vimm.s32 $0x6;
	v8 =	vimm.s32 $0x7;
	[dreg:$0x14] =	wrdreg s0;
	s0 =	simm.s32 $0x90A0;
	s24 =	simm.s32 $0x380  }
.LBB2_1:
0x20: {  	s1 =	smul.u32 $0xE38F, s4;
	_ =	sdelay $0x1  }
0x21: {  	[dreg:$0x16] =	wrdreg s11;
	s11 =	sshrl.u32 s1, $0x13  }
0x22: {  	s14 =	simm.s32 $0x0;
	s1 =	simm.s32 $0x1;
	s15 =	smul.u32 $0x9, s11  }
.LBB2_2:
0x23: {  	s20 =	smul.u32 $0xE38F, s1  }
0x24: {  	s23 =	smov.u32 s1;
	s11 =	smul.u32 $0x240, s11;
	p0 =	sne.s32 s1, $0x464  }
.Ltmp0:
0x25: {  	s14 =	ssub.s32 s14, s15;
	(pc) =	sbr.rel @p0 .LBB2_2-.Ltmp0, $4  }
0x26: {  	s1 =	sadd.s32 $0x1, s1;
	s14 =	sand.u32 $0xFFFF, s14  }
0x27: {  	s15 =	sshrl.u32 s11, $0x2;
	s25 =	sshll.u32 s14, $0x4;
	s14 =	smov.u32 s23  }
0x28: {  	s11 =	sshrl.u32 s20, $0x13;
	s20 =	sadd.s32 s25, s15  }
0x29: {  	s15 =	smul.u32 $0x9, s11;
	[tilespmem:s20+$0x400] =	vst v0  }
0x2a: {  	_ = 	snop  }
0x2b: {  	s11 =	smul.u32 $0x240, s11;
	s1 =	ssub.s32 s14, s15  }
0x2c: {  	s1 =	sand.u32 $0xFFFF, s1  }
0x2d: {  	s11 =	sshrl.u32 s11, $0x2;
	s1 =	sshll.u32 s1, $0x4  }
0x2e: {  	s1 =	sadd.s32 s1, s11  }
0x2f: {  	s14 =	rddreg [dreg:$0x10];
	[tilespmem:s1+$0x400] =	vst v0  }
0x30: {  	[spmem:s14] =	stream.linear.scatter [tilespmem:s26], [sflag:$0x9], $0x4650, $0x38;
	v63 =	vld [tilespmem:$0x0]  }
0x31: {  	_ =	swait.ge [sflag:s28], $0x4650  }
0x32: {  	[sflag:s28] =	ssyncset.done $0x0  }
0x33: {  	s15 =	rddreg [dreg:$0x11];
	[sflag:s28] =	ssyncadd.s32 $0xFFFFB9B0  }
0x34: {  	[spmem:s15] =	stream.linear.scatter [tilespmem:s26], [sflag:$0x9], $0x4650, $0x38;
	v63 =	vld [tilespmem:$0x0]  }
0x35: {  	_ =	swait.ge [sflag:s28], $0x4650  }
0x36: {  	[sflag:s28] =	ssyncset.done $0x0  }
0x37: {  	s20 =	rddreg [dreg:$0x12];
	[sflag:s28] =	ssyncadd.s32 $0xFFFFB9B0  }
0x38: {  	[spmem:s20] =	stream.linear.scatter [tilespmem:s26], [sflag:$0x9], $0x4650, $0x38;
	v63 =	vld [tilespmem:$0x0]  }
0x39: {  	_ =	swait.ge [sflag:s28], $0x4650  }
0x3a: {  	[sflag:s28] =	ssyncset.done $0x0  }
0x3b: {  	s23 =	rddreg [dreg:$0x13];
	[sflag:s28] =	ssyncadd.s32 $0xFFFFB9B0  }
0x3c: {  	[spmem:s23] =	stream.linear.scatter [tilespmem:s26], [sflag:$0x9], $0x4650, $0x38;
	v63 =	vld [tilespmem:$0x0]  }
0x3d: {  	_ =	swait.ge [sflag:s28], $0x4650  }
0x3e: {  	[sflag:s28] =	ssyncset.done $0x0  }
0x3f: {  	s25 =	rddreg [dreg:$0x14];
	[sflag:s28] =	ssyncadd.s32 $0xFFFFB9B0  }
0x40: {  	[spmem:s25] =	stream.linear.scatter [tilespmem:s26], [sflag:$0x9], $0x4650, $0x38;
	v63 =	vld [tilespmem:$0x0]  }
0x41: {  	_ =	swait.ge [sflag:s28], $0x4650  }
0x42: {  	[sflag:s28] =	ssyncset.done $0x0  }
0x43: {  	[sflag:s28] =	ssyncadd.s32 $0xFFFFB9B0  }
0x44: {  	[bflag:$0x0] =	sbarrier.arrive $0xFFFF  }
0x45: {  	s11 =	rddreg [dreg:$0x4]  }
0x46: {  	[tilespmem:s4], [sflag:$0x5] =	stream.linear.gather [hbm4b:s11+s4], $0x100, $0x38;
	v63 =	vld [tilespmem:$0x0]  }
0x47: {  	s14 =	rddreg [dreg:$0x5]  }
0x48: {  	[tilespmem:s29], [sflag:$0x5] =	stream.linear.gather [hbm4b:s14+s4], $0x100, $0x38;
	v63 =	vld [tilespmem:$0x0]  }
0x49: {  	_ =	swait.ge [sflag:s30], $0x100  }
0x4a: {  	[sflag:s30] =	ssyncset.done $0x0  }
0x4b: {  	[sflag:s30] =	ssyncadd.s32 $0xFFFFFF00  }
0x4c: {  	_ =	swait.ge [sflag:s30], $0x100  }
0x4d: {  	[sflag:s30] =	ssyncset.done $0x0  }
0x4e: {  	[sflag:s30] =	ssyncadd.s32 $0xFFFFFF00  }
0x4f: {  	[tilespmem:s26], [sflag:$0x1] =	stream.indirect.gather [hbm4b:s5+s31], $0x90, s4, s31, $0xb8;
	v63 =	vld [tilespmem:$0x0]  }
0x50: {  	_ = 	snop  }
0x51: {  	[tilespmem:s0], [sflag:$0x2] =	stream.indirect.gather [hbm4b:s6+s31], $0x10, s29, s31, $0xb8;
	v63 =	vld [tilespmem:$0x0]  }
0x52: {  	s15 =	rddreg [dreg:$0x6]  }
0x53: {  	[tilespmem:s3], [sflag:$0x6] =	stream.linear.gather [hbm4b:s15+s4], $0x100, $0x38;
	v63 =	vld [tilespmem:$0x0]  }
0x54: {  	s20 =	rddreg [dreg:$0x7]  }
0x55: {  	[tilespmem:s8], [sflag:$0x6] =	stream.linear.gather [hbm4b:s20+s4], $0x100, $0x38;
	v63 =	vld [tilespmem:$0x0]  }
0x56: {  	_ =	swait.ge [sflag:s9], $0x4650  }
0x57: {  	[sflag:s9] =	ssyncset.done $0x0  }
0x58: {  	[sflag:s9] =	ssyncadd.s32 $0xFFFFB9B0  }
0x59: {  	_ =	swait.ge [sflag:s10], $0x7D0  }
0x5a: {  	[sflag:s10] =	ssyncset.done $0x0  }
0x5b: {  	s23 =	simm.s32 $0x80;
	[sflag:s10] =	ssyncadd.s32 $0xFFFFF830  }
0x5c: {  	[tilespmem:s12], [sflag:$0x3] =	stream.indirect.gather [hbm4b:s5+s31], $0x90, s23, s31, $0xb8;
	v63 =	vld [tilespmem:$0x0]  }
0x5d: {  	s11 =	simm.s32 $0x490  }
0x5e: {  	[tilespmem:s16], [sflag:$0x4] =	stream.indirect.gather [hbm4b:s6+s31], $0x10, s13, s31, $0xb8;
	v63 =	vld [tilespmem:$0x0]  }
0x5f: {  	s25 =	simm.s32 $0x90B0;
	v9 =	vld [tilespmem:s11+$0x80]  }
0x60: {  	v10 =	vld [tilespmem:s25+$0x0]  }
0x61: {  	v11 =	vld [tilespmem:s25+$0xFFFFFFF0]  }
0x62: {  	v12 =	vld [tilespmem:s11+$0xFFFFFFF0]  }
0x63: {  	v24 =	vld [tilespmem:s11+$0xFFFFFF70]  }
0x64: {  	v25 =	vld [tilespmem:s11+$0xFFFFFF80]  }
0x65: {  	v26 =	vld [tilespmem:s11+$0xFFFFFF90]  }
0x66: {  	v27 =	vld [tilespmem:s11+$0xFFFFFFA0];
	v9 =	vadd.f32 v10, v9  }
0x67: {  	v32 =	vld [tilespmem:s11+$0xFFFFFFB0];
	v10 =	vadd.f32 v11, v12  }
0x68: {  	v33 =	vld [tilespmem:s11+$0xFFFFFFC0];
	v11 =	vmul.f32 $2.000000030e-01, v9  }
0x69: {  	v34 =	vld [tilespmem:s11+$0xFFFFFFD0];
	v12 =	vmul.f32 $2.000000030e-01, v10  }
0x6a: {  	s23 =	simm.s32 $0x90D0;
	v36 =	vld [tilespmem:s11+$0xFFFFFFE0];
	v9 =	vmax.f32 v9, v11  }
0x6b: {  	s20 =	simm.s32 $0x5B0;
	v15 =	vld [tilespmem:s23+$0xFFFFFFF0];
	v10 =	vmax.f32 v10, v12;
	v9 =	vmul.f32 $1.442695020e+00, v9  }
0x6c: {  	v17 =	vld [tilespmem:s20+$0xFFFFFFF0];
	v10 =	vmul.f32 $1.442695020e+00, v10  }
0x6d: {  	v40 =	vld [tilespmem:s11+$0x0];
	(erf) = vpow2.f32 v9  }
0x6e: {  	v41 =	vld [tilespmem:s11+$0x10];
	(erf) = vpow2.f32 v10  }
0x6f: {  	v42 =	vld [tilespmem:s11+$0x20]  }
0x70: {  	v19 =	vld [tilespmem:s11+$0x40]  }
0x71: {  	v16 =	vld [tilespmem:s11+$0x50];
	v20 =	vadd.f32 v15, v17  }
0x72: {  	v13 =	vld [tilespmem:s20+$0x80]  }
0x73: {  	v14 =	vld [tilespmem:s23+$0x0];
	v30 =	vmul.f32 $2.000000030e-01, v20  }
0x74: {  	v12 =	vld [tilespmem:s11+$0x70]  }
0x75: {  	v22 =	vld [tilespmem:s11+$0x60];
	v52 =	vmax.f32 v20, v30  }
0x76: {  	v15 =	vld [tilespmem:s20+$0xFFFFFFC0];
	v52 =	vmul.f32 $1.442695020e+00, v52;
	v35 =	vpop (erf)  }
0x77: {  	v17 =	vld [tilespmem:s20+$0xFFFFFFD0];
	v43 =	vperm.xlane v35, v1;
	v18 =	vperm.xlane v35, v8;
	v21 =	vpop (erf)  }
0x78: {  	v11 =	vld [tilespmem:s20+$0xFFFFFF80];
	v37 =	vperm.xlane v21, v1;
	v38 =	vperm.xlane v21, v2  }
0x79: {  	v20 =	vld [tilespmem:s20+$0x0];
	v39 =	vperm.xlane v21, v3;
	v23 =	vmul.f32 v12, v18;
	v18 =	vadd.f32 v14, v13  }
0x7a: {  	v9 =	vld [tilespmem:s11+$0x30];
	v46 =	vperm.xlane v21, v4;
	v47 =	vperm.xlane v21, v5  }
0x7b: {  	v10 =	vld [tilespmem:s20+$0xFFFFFF70];
	v48 =	vperm.xlane v21, v6;
	v28 =	vmul.f32 $2.000000030e-01, v18  }
0x7c: {  	v49 =	vperm.xlane v21, v7;
	v50 =	vperm.xlane v21, v8;
	[tilespmem:s11+$0xFFFFFFF0] =	vst v21;
	v21 =	vld [tilespmem:s20+$0x20]  }
0x7d: {  	v44 =	vperm.xlane v35, v2;
	v45 =	vperm.xlane v35, v3;
	v12 =	vld [tilespmem:s20+$0xFFFFFF90];
	v29 =	vmax.f32 v18, v28  }
0x7e: {  	v31 =	vperm.xlane v35, v6;
	v13 =	vld [tilespmem:s20+$0xFFFFFFA0];
	v51 =	vmul.f32 $1.442695020e+00, v29  }
0x7f: {  	v30 =	vperm.xlane v35, v7;
	v14 =	vld [tilespmem:s20+$0xFFFFFFB0];
	v37 =	vmul.f32 v24, v37  }
0x80: {  	v61 =	vmul.f32 v25, v38;
	v25 =	vld [tilespmem:s20+$0x30];
	(erf) = vpow2.f32 v51  }
0x81: {  	[tilespmem:s11+$0x80] =	vst v35;
	v62 =	vmul.f32 v26, v39;
	v24 =	vld [tilespmem:s20+$0x40];
	v46 =	vmul.f32 v27, v46  }
0x82: {  	v38 =	vmul.f32 v32, v47;
	v26 =	vld [tilespmem:s20+$0x50];
	[tilespmem:s11+$0x70] =	vst v23;
	(erf) = vpow2.f32 v52  }
0x83: {  	v39 =	vmul.f32 v33, v48;
	v27 =	vld [tilespmem:s20+$0x60];
	v33 =	vmul.f32 v40, v43;
	[tilespmem:s11+$0xFFFFFF70] =	vst v37  }
0x84: {  	v32 =	vmul.f32 v42, v45;
	v23 =	vld [tilespmem:s20+$0x10];
	[tilespmem:s11+$0xFFFFFF80] =	vst v61;
	v37 =	vmul.f32 v36, v50  }
0x85: {  	[tilespmem:s11+$0xFFFFFF90] =	vst v62;
	v28 =	vperm.xlane v35, v4;
	v18 =	vld [tilespmem:s20+$0xFFFFFFE0];
	v29 =	vperm.xlane v35, v5  }
0x86: {  	s1 =	simm.s32 $0x2;
	s14 =	simm.s32 $0x6D0;
	[tilespmem:s11+$0xFFFFFFA0] =	vst v46;
	v36 =	vmul.f32 v41, v44;
	v35 =	vmul.f32 v34, v49;
	v34 =	vld [tilespmem:s20+$0x70]  }
.LBB2_4:
0x87: {  	v40 =	vld [tilespmem:s14+$0x80];
	s23 =	sadd.s32 $0x20, s23;
	[tilespmem:s11+$0xFFFFFFB0] =	vst v38;
	v28 =	vmul.f32 v9, v28;
	v29 =	vmul.f32 v19, v29;
	v9 =	vmov v25  }
0x88: {  	s1 =	sadd.s32 $0x2, s1;
	v31 =	vmul.f32 v16, v31;
	v30 =	vmul.f32 v22, v30;
	v25 =	vld [tilespmem:s23+$0x0];
	[tilespmem:s11+$0xFFFFFFC0] =	vst v39;
	v19 =	vmov v24  }
0x89: {  	p0 =	slt.u32 s1, $0x7A;
	v24 =	vld [tilespmem:s23+$0xFFFFFFF0];
	v38 =	vpop (erf);
	[tilespmem:s11+$0xFFFFFFD0] =	vst v35;
	v16 =	vmov v26  }
0x8a: {  	v26 =	vld [tilespmem:s14+$0xFFFFFFF0];
	v41 =	vperm.xlane v38, v1;
	v35 =	vperm.xlane v38, v8;
	[tilespmem:s11+$0xFFFFFFE0] =	vst v37;
	v22 =	vmov v27  }
0x8b: {  	v42 =	vperm.xlane v38, v2;
	v43 =	vperm.xlane v38, v3;
	v27 =	vld [tilespmem:s14+$0xFFFFFF70];
	v37 =	vpop (erf);
	[tilespmem:s11+$0x0] =	vst v33  }
0x8c: {  	v33 =	vld [tilespmem:s14+$0xFFFFFF80];
	v39 =	vperm.xlane v37, v1;
	v34 =	vmul.f32 v34, v35;
	[tilespmem:s11+$0x10] =	vst v36  }
0x8d: {  	v36 =	vperm.xlane v37, v2;
	v35 =	vld [tilespmem:s14+$0xFFFFFF90];
	v25 =	vadd.f32 v25, v40;
	v40 =	vperm.xlane v37, v3;
	[tilespmem:s11+$0x20] =	vst v32  }
0x8e: {  	v44 =	vperm.xlane v37, v4;
	v45 =	vperm.xlane v37, v5;
	v32 =	vld [tilespmem:s14+$0xFFFFFFA0];
	[tilespmem:s20+$0x70] =	vst v34  }
0x8f: {  	v46 =	vperm.xlane v37, v6;
	v24 =	vadd.f32 v24, v26;
	v26 =	vld [tilespmem:s14+$0xFFFFFFB0];
	v34 =	vmul.f32 $2.000000030e-01, v25;
	[tilespmem:s11+$0x30] =	vst v28  }
0x90: {  	v48 =	vperm.xlane v37, v7;
	v49 =	vperm.xlane v37, v8;
	v47 =	vld [tilespmem:s14+$0xFFFFFFC0];
	[tilespmem:s11+$0x40] =	vst v29  }
0x91: {  	v28 =	vperm.xlane v38, v4;
	v50 =	vmul.f32 $2.000000030e-01, v24;
	v51 =	vld [tilespmem:s14+$0xFFFFFFD0];
	v25 =	vmax.f32 v25, v34;
	[tilespmem:s11+$0x50] =	vst v31  }
0x92: {  	v29 =	vperm.xlane v38, v5;
	v34 =	vld [tilespmem:s14+$0xFFFFFFE0];
	v25 =	vmul.f32 $1.442695020e+00, v25;
	[tilespmem:s11+$0x60] =	vst v30;
	s11 =	smov.u32 s20;
	s20 =	smov.u32 s14  }
0x93: {  	v31 =	vperm.xlane v38, v6;
	v30 =	vperm.xlane v38, v7;
	v24 =	vmax.f32 v24, v50;
	v50 =	vld [tilespmem:s14+$0x0];
	[tilespmem:s11+$0xFFFFFFF0] =	vst v37  }
0x94: {  	v24 =	vmul.f32 $1.442695020e+00, v24;
	v52 =	vld [tilespmem:s14+$0x10];
	(erf) = vpow2.f32 v25;
	[tilespmem:s11+$0x80] =	vst v38  }
0x95: {  	v36 =	vmul.f32 v11, v36;
	v11 =	vmovc v33;
	v37 =	vmul.f32 v10, v39;
	v10 =	vmov v27;
	v53 =	vld [tilespmem:s14+$0x20]  }
.Ltmp1:
0x96: {  	v33 =	vmul.f32 v12, v40;
	v12 =	vmov v35;
	v25 =	vld [tilespmem:s14+$0x30];
	(erf) = vpow2.f32 v24;
	(pc) =	sbr.rel @p0 .LBB2_4-.Ltmp1, $4  }
0x97: {  	v40 =	vmul.f32 v13, v44;
	v13 =	vmovc v32;
	v38 =	vmul.f32 v14, v45;
	v14 =	vmov v26;
	v24 =	vld [tilespmem:s14+$0x40];
	[tilespmem:s11+$0xFFFFFF70] =	vst v37  }
0x98: {  	v35 =	vmul.f32 v17, v48;
	v39 =	vmul.f32 v15, v46;
	v15 =	vmovc v47;
	v17 =	vmov v51;
	v26 =	vld [tilespmem:s14+$0x50];
	[tilespmem:s11+$0xFFFFFF80] =	vst v36  }
0x99: {  	v37 =	vmul.f32 v18, v49;
	v18 =	vmovc v34;
	v27 =	vld [tilespmem:s14+$0x60];
	[tilespmem:s11+$0xFFFFFF90] =	vst v33;
	v33 =	vmul.f32 v20, v41;
	v20 =	vmov v50  }
0x9a: {  	v32 =	vmul.f32 v21, v43;
	v36 =	vmul.f32 v23, v42;
	s14 =	sadd.s32 $0x120, s14;
	v23 =	vmovc v52;
	v34 =	vld [tilespmem:s20+$0x70];
	[tilespmem:s11+$0xFFFFFFA0] =	vst v40;
	v21 =	vmov v53  }
0x9b: {  	[tilespmem:s11+$0xFFFFFFB0] =	vst v38  }
0x9c: {  	[tilespmem:s11+$0xFFFFFFC0] =	vst v39  }
0x9d: {  	[tilespmem:s11+$0xFFFFFFD0] =	vst v35  }
0x9e: {  	[tilespmem:s11+$0xFFFFFFE0] =	vst v37  }
0x9f: {  	[tilespmem:s11+$0x0] =	vst v33  }
0xa0: {  	v9 =	vmul.f32 v9, v28;
	[tilespmem:s11+$0x10] =	vst v36  }
0xa1: {  	v19 =	vmul.f32 v19, v29;
	[tilespmem:s11+$0x20] =	vst v32  }
0xa2: {  	v16 =	vmul.f32 v16, v31;
	[tilespmem:s11+$0x30] =	vst v9  }
0xa3: {  	v53 =	vpop (erf);
	[tilespmem:s11+$0x40] =	vst v19  }
0xa4: {  	v9 =	vmul.f32 v22, v30;
	[tilespmem:s11+$0x50] =	vst v16;
	v54 =	vperm.xlane v53, v8;
	v22 =	vpop (erf)  }
0xa5: {  	[tilespmem:s20+$0x80] =	vst v53;
	v19 =	vperm.xlane v22, v1  }
0xa6: {  	[tilespmem:s11+$0x60] =	vst v9;
	v55 =	vmul.f32 v34, v54;
	v16 =	vperm.xlane v22, v2  }
0xa7: {  	v9 =	vperm.xlane v22, v3;
	[tilespmem:s20+$0xFFFFFFF0] =	vst v22;
	v10 =	vmul.f32 v10, v19  }
0xa8: {  	[tilespmem:s20+$0x70] =	vst v55;
	v19 =	vperm.xlane v22, v4;
	v11 =	vmul.f32 v11, v16  }
0xa9: {  	v16 =	vperm.xlane v22, v5;
	v9 =	vmul.f32 v12, v9;
	[tilespmem:s20+$0xFFFFFF70] =	vst v10  }
0xaa: {  	v10 =	vperm.xlane v22, v6;
	v12 =	vmul.f32 v13, v19;
	[tilespmem:s20+$0xFFFFFF80] =	vst v11  }
0xab: {  	v11 =	vperm.xlane v22, v7;
	v13 =	vmul.f32 v14, v16;
	[tilespmem:s20+$0xFFFFFF90] =	vst v9  }
0xac: {  	v9 =	vperm.xlane v22, v8;
	v10 =	vmul.f32 v15, v10;
	[tilespmem:s20+$0xFFFFFFA0] =	vst v12  }
0xad: {  	v12 =	vperm.xlane v53, v1;
	v11 =	vmul.f32 v17, v11;
	[tilespmem:s20+$0xFFFFFFB0] =	vst v13  }
0xae: {  	v13 =	vperm.xlane v53, v2;
	v9 =	vmul.f32 v18, v9;
	[tilespmem:s20+$0xFFFFFFC0] =	vst v10  }
0xaf: {  	v10 =	vperm.xlane v53, v3;
	v12 =	vmul.f32 v20, v12;
	[tilespmem:s20+$0xFFFFFFD0] =	vst v11  }
0xb0: {  	v11 =	vperm.xlane v53, v4;
	v13 =	vmul.f32 v23, v13;
	[tilespmem:s20+$0xFFFFFFE0] =	vst v9  }
0xb1: {  	v9 =	vperm.xlane v53, v5;
	v10 =	vmul.f32 v21, v10;
	[tilespmem:s20+$0x0] =	vst v12  }
0xb2: {  	v12 =	vperm.xlane v53, v6;
	v11 =	vmul.f32 v25, v11;
	[tilespmem:s20+$0x10] =	vst v13  }
0xb3: {  	v13 =	vperm.xlane v53, v7;
	v9 =	vmul.f32 v24, v9;
	[tilespmem:s20+$0x20] =	vst v10  }
0xb4: {  	v10 =	vmul.f32 v26, v12;
	[tilespmem:s20+$0x30] =	vst v11  }
0xb5: {  	v11 =	vmul.f32 v27, v13;
	[tilespmem:s20+$0x40] =	vst v9  }
0xb6: {  	[tilespmem:s20+$0x50] =	vst v10  }
0xb7: {  	[tilespmem:s20+$0x60] =	vst v11  }
0xb8: {  	v9 =	vld [tilespmem:$0x4A40]  }
0xb9: {  	v10 =	vld [tilespmem:$0x9860];
	_ =	sdelay $0x4  }
0xba: {  	v9 =	vadd.f32 v10, v9;
	_ =	sdelay $0x1  }
0xbb: {  	v10 =	vmul.f32 $2.000000030e-01, v9;
	_ =	sdelay $0x1  }
0xbc: {  	v9 =	vmax.f32 v9, v10  }
0xbd: {  	v9 =	vmul.f32 $1.442695020e+00, v9;
	_ =	sdelay $0x1  }
0xbe: {  	(erf) = vpow2.f32 v9;
	_ =	sdelay $0x6  }
0xbf: {  	v9 =	vld [tilespmem:$0x49C0]  }
0xc0: {  	v10 =	vld [tilespmem:$0x49D0]  }
0xc1: {  	v12 =	vld [tilespmem:$0x49E0];
	v11 =	vpop (erf)  }
0xc2: {  	v14 =	vld [tilespmem:$0x49F0];
	v13 =	vperm.xlane v11, v1  }
0xc3: {  	v16 =	vld [tilespmem:$0x4A00];
	v15 =	vperm.xlane v11, v2  }
0xc4: {  	v17 =	vld [tilespmem:$0x4A10];
	v9 =	vmul.f32 v9, v13;
	v13 =	vperm.xlane v11, v3  }
0xc5: {  	v18 =	vld [tilespmem:$0x4A20];
	[tilespmem:$0x4A40] =	vst v11;
	v10 =	vmul.f32 v10, v15;
	v15 =	vperm.xlane v11, v4  }
0xc6: {  	[tilespmem:$0x49C0] =	vst v9;
	v9 =	vmul.f32 v12, v13;
	v12 =	vperm.xlane v11, v5;
	v13 =	vld [tilespmem:$0x4A30]  }
0xc7: {  	[tilespmem:$0x49D0] =	vst v10;
	v10 =	vmul.f32 v14, v15;
	v14 =	vperm.xlane v11, v6  }
0xc8: {  	[tilespmem:$0x49E0] =	vst v9;
	v9 =	vmul.f32 v16, v12;
	v12 =	vperm.xlane v11, v7  }
0xc9: {  	[tilespmem:$0x49F0] =	vst v10;
	v10 =	vmul.f32 v17, v14;
	v11 =	vperm.xlane v11, v8  }
0xca: {  	[tilespmem:$0x4A00] =	vst v9;
	v9 =	vmul.f32 v18, v12  }
0xcb: {  	[tilespmem:$0x4A10] =	vst v10;
	v10 =	vmul.f32 v13, v11  }
0xcc: {  	[tilespmem:$0x4A20] =	vst v9  }
0xcd: {  	[tilespmem:$0x4A30] =	vst v10  }
0xce: {  	[spmem:s2] =	stream.indirect.scatter.add.f32 [tilespmem:s26], [sflag:$0x7], $0x90, s29, s31, $0xb8;
	v63 =	vld [tilespmem:$0x0]  }
0xcf: {  	_ =	swait.ge [sflag:s17], $0x4650  }
0xd0: {  	[sflag:s17] =	ssyncset.done $0x0  }
0xd1: {  	[sflag:s17] =	ssyncadd.s32 $0xFFFFB9B0  }
0xd2: {  	_ =	swait.ge [sflag:s18], $0x7D0  }
0xd3: {  	[sflag:s18] =	ssyncset.done $0x0  }
0xd4: {  	[sflag:s18] =	ssyncadd.s32 $0xFFFFF830  }
0xd5: {  	_ =	swait.ge [sflag:s19], $0x100  }
0xd6: {  	[sflag:s19] =	ssyncset.done $0x0  }
0xd7: {  	[sflag:s19] =	ssyncadd.s32 $0xFFFFFF00  }
0xd8: {  	_ =	swait.ge [sflag:s19], $0x100  }
0xd9: {  	[sflag:s19] =	ssyncset.done $0x0  }
0xda: {  	[sflag:s19] =	ssyncadd.s32 $0xFFFFFF00  }
0xdb: {  	_ =	swait.ge [sflag:s21], $0x4650  }
0xdc: {  	[sflag:s21] =	ssyncset.done $0x0  }
0xdd: {  	[sflag:s21] =	ssyncadd.s32 $0xFFFFB9B0  }
0xde: {  	[tilespmem:s26], [sflag:$0x1] =	stream.indirect.gather [hbm4b:s5+s31], $0x90, s3, s31, $0xb8;
	v63 =	vld [tilespmem:$0x0]  }
0xdf: {  	s11 =	simm.s32 $0x4AE0  }
0xe0: {  	[tilespmem:s0], [sflag:$0x2] =	stream.indirect.gather [hbm4b:s6+s31], $0x10, s8, s31, $0xb8;
	v63 =	vld [tilespmem:$0x0]  }
0xe1: {  	s1 =	simm.s32 $0x9880;
	v9 =	vld [tilespmem:s11+$0x80]  }
0xe2: {  	v10 =	vld [tilespmem:s1+$0x0]  }
0xe3: {  	v11 =	vld [tilespmem:s1+$0xFFFFFFF0]  }
0xe4: {  	v12 =	vld [tilespmem:s11+$0xFFFFFFF0]  }
0xe5: {  	v24 =	vld [tilespmem:s11+$0xFFFFFF70]  }
0xe6: {  	v25 =	vld [tilespmem:s11+$0xFFFFFF80]  }
0xe7: {  	v26 =	vld [tilespmem:s11+$0xFFFFFF90]  }
0xe8: {  	v27 =	vld [tilespmem:s11+$0xFFFFFFA0];
	v9 =	vadd.f32 v10, v9  }
0xe9: {  	v32 =	vld [tilespmem:s11+$0xFFFFFFB0];
	v10 =	vadd.f32 v11, v12  }
0xea: {  	v33 =	vld [tilespmem:s11+$0xFFFFFFC0];
	v11 =	vmul.f32 $2.000000030e-01, v9  }
0xeb: {  	v34 =	vld [tilespmem:s11+$0xFFFFFFD0];
	v12 =	vmul.f32 $2.000000030e-01, v10  }
0xec: {  	s23 =	simm.s32 $0x98A0;
	v56 =	vld [tilespmem:s11+$0xFFFFFFE0];
	v9 =	vmax.f32 v9, v11  }
0xed: {  	s20 =	simm.s32 $0x4C00;
	v15 =	vld [tilespmem:s23+$0xFFFFFFF0];
	v10 =	vmax.f32 v10, v12;
	v9 =	vmul.f32 $1.442695020e+00, v9  }
0xee: {  	v17 =	vld [tilespmem:s20+$0xFFFFFFF0];
	v10 =	vmul.f32 $1.442695020e+00, v10  }
0xef: {  	v40 =	vld [tilespmem:s11+$0x0];
	(erf) = vpow2.f32 v9  }
0xf0: {  	v41 =	vld [tilespmem:s11+$0x10];
	(erf) = vpow2.f32 v10  }
0xf1: {  	v42 =	vld [tilespmem:s11+$0x20]  }
0xf2: {  	v19 =	vld [tilespmem:s11+$0x40]  }
0xf3: {  	v16 =	vld [tilespmem:s11+$0x50];
	v20 =	vadd.f32 v15, v17  }
0xf4: {  	v13 =	vld [tilespmem:s20+$0x80]  }
0xf5: {  	v14 =	vld [tilespmem:s23+$0x0];
	v30 =	vmul.f32 $2.000000030e-01, v20  }
0xf6: {  	v12 =	vld [tilespmem:s11+$0x70]  }
0xf7: {  	v22 =	vld [tilespmem:s11+$0x60];
	v52 =	vmax.f32 v20, v30  }
0xf8: {  	v15 =	vld [tilespmem:s20+$0xFFFFFFC0];
	v52 =	vmul.f32 $1.442695020e+00, v52;
	v57 =	vpop (erf)  }
0xf9: {  	v17 =	vld [tilespmem:s20+$0xFFFFFFD0];
	v43 =	vperm.xlane v57, v1;
	v18 =	vperm.xlane v57, v8;
	v21 =	vpop (erf)  }
0xfa: {  	v11 =	vld [tilespmem:s20+$0xFFFFFF80];
	v58 =	vperm.xlane v21, v1;
	v59 =	vperm.xlane v21, v2  }
0xfb: {  	v20 =	vld [tilespmem:s20+$0x0];
	v60 =	vperm.xlane v21, v3;
	v23 =	vmul.f32 v12, v18;
	v18 =	vadd.f32 v14, v13  }
0xfc: {  	v9 =	vld [tilespmem:s11+$0x30];
	v46 =	vperm.xlane v21, v4;
	v47 =	vperm.xlane v21, v5  }
0xfd: {  	v10 =	vld [tilespmem:s20+$0xFFFFFF70];
	v48 =	vperm.xlane v21, v6;
	v28 =	vmul.f32 $2.000000030e-01, v18  }
0xfe: {  	v49 =	vperm.xlane v21, v7;
	v50 =	vperm.xlane v21, v8;
	[tilespmem:s11+$0xFFFFFFF0] =	vst v21;
	v21 =	vld [tilespmem:s20+$0x20]  }
0xff: {  	v44 =	vperm.xlane v57, v2;
	v45 =	vperm.xlane v57, v3;
	v12 =	vld [tilespmem:s20+$0xFFFFFF90];
	v29 =	vmax.f32 v18, v28  }
0x100: {  	v31 =	vperm.xlane v57, v6;
	v13 =	vld [tilespmem:s20+$0xFFFFFFA0];
	v51 =	vmul.f32 $1.442695020e+00, v29  }
0x101: {  	v30 =	vperm.xlane v57, v7;
	v14 =	vld [tilespmem:s20+$0xFFFFFFB0];
	v36 =	vmul.f32 v41, v44  }
0x102: {  	v61 =	vmul.f32 v25, v59;
	v25 =	vld [tilespmem:s20+$0x30];
	(erf) = vpow2.f32 v51  }
0x103: {  	[tilespmem:s11+$0x80] =	vst v57;
	v37 =	vmul.f32 v24, v58;
	v62 =	vmul.f32 v26, v60;
	v24 =	vld [tilespmem:s20+$0x40]  }
0x104: {  	v46 =	vmul.f32 v27, v46;
	v26 =	vld [tilespmem:s20+$0x50];
	[tilespmem:s11+$0x70] =	vst v23;
	(erf) = vpow2.f32 v52  }
0x105: {  	v38 =	vmul.f32 v32, v47;
	v39 =	vmul.f32 v33, v48;
	v27 =	vld [tilespmem:s20+$0x60];
	[tilespmem:s11+$0xFFFFFF70] =	vst v37  }
0x106: {  	v35 =	vmul.f32 v34, v49;
	v33 =	vmul.f32 v40, v43;
	v34 =	vld [tilespmem:s20+$0x70];
	[tilespmem:s11+$0xFFFFFF80] =	vst v61  }
0x107: {  	v23 =	vld [tilespmem:s20+$0x10];
	[tilespmem:s11+$0xFFFFFF90] =	vst v62;
	v28 =	vperm.xlane v57, v4;
	v29 =	vperm.xlane v57, v5  }
0x108: {  	s14 =	simm.s32 $0x4D20;
	s1 =	simm.s32 $0x2;
	v32 =	vmul.f32 v42, v45;
	v37 =	vmul.f32 v56, v50;
	[tilespmem:s11+$0xFFFFFFA0] =	vst v46;
	v18 =	vld [tilespmem:s20+$0xFFFFFFE0]  }
.LBB2_6:
0x109: {  	v40 =	vld [tilespmem:s14+$0x80];
	s23 =	sadd.s32 $0x20, s23;
	[tilespmem:s11+$0xFFFFFFB0] =	vst v38;
	v28 =	vmul.f32 v9, v28;
	v29 =	vmul.f32 v19, v29;
	v9 =	vmov v25  }
0x10a: {  	s1 =	sadd.s32 $0x2, s1;
	v31 =	vmul.f32 v16, v31;
	v30 =	vmul.f32 v22, v30;
	v25 =	vld [tilespmem:s23+$0x0];
	[tilespmem:s11+$0xFFFFFFC0] =	vst v39;
	v19 =	vmov v24  }
0x10b: {  	p0 =	slt.u32 s1, $0x7A;
	v24 =	vld [tilespmem:s23+$0xFFFFFFF0];
	v38 =	vpop (erf);
	[tilespmem:s11+$0xFFFFFFD0] =	vst v35;
	v16 =	vmov v26  }
0x10c: {  	v26 =	vld [tilespmem:s14+$0xFFFFFFF0];
	v41 =	vperm.xlane v38, v1;
	v35 =	vperm.xlane v38, v8;
	[tilespmem:s11+$0xFFFFFFE0] =	vst v37;
	v22 =	vmov v27  }
0x10d: {  	v42 =	vperm.xlane v38, v2;
	v43 =	vperm.xlane v38, v3;
	v27 =	vld [tilespmem:s14+$0xFFFFFF70];
	v37 =	vpop (erf);
	[tilespmem:s11+$0x0] =	vst v33  }
0x10e: {  	v33 =	vld [tilespmem:s14+$0xFFFFFF80];
	v39 =	vperm.xlane v37, v1;
	v34 =	vmul.f32 v34, v35;
	[tilespmem:s11+$0x10] =	vst v36  }
0x10f: {  	v36 =	vperm.xlane v37, v2;
	v35 =	vld [tilespmem:s14+$0xFFFFFF90];
	v25 =	vadd.f32 v25, v40;
	v40 =	vperm.xlane v37, v3;
	[tilespmem:s11+$0x20] =	vst v32  }
0x110: {  	v44 =	vperm.xlane v37, v4;
	v45 =	vperm.xlane v37, v5;
	v32 =	vld [tilespmem:s14+$0xFFFFFFA0];
	[tilespmem:s20+$0x70] =	vst v34  }
0x111: {  	v46 =	vperm.xlane v37, v6;
	v24 =	vadd.f32 v24, v26;
	v26 =	vld [tilespmem:s14+$0xFFFFFFB0];
	v34 =	vmul.f32 $2.000000030e-01, v25;
	[tilespmem:s11+$0x30] =	vst v28  }
0x112: {  	v48 =	vperm.xlane v37, v7;
	v49 =	vperm.xlane v37, v8;
	v47 =	vld [tilespmem:s14+$0xFFFFFFC0];
	[tilespmem:s11+$0x40] =	vst v29  }
0x113: {  	v28 =	vperm.xlane v38, v4;
	v50 =	vmul.f32 $2.000000030e-01, v24;
	v51 =	vld [tilespmem:s14+$0xFFFFFFD0];
	v25 =	vmax.f32 v25, v34;
	[tilespmem:s11+$0x50] =	vst v31  }
0x114: {  	v29 =	vperm.xlane v38, v5;
	v34 =	vld [tilespmem:s14+$0xFFFFFFE0];
	v25 =	vmul.f32 $1.442695020e+00, v25;
	[tilespmem:s11+$0x60] =	vst v30;
	s11 =	smov.u32 s20;
	s20 =	smov.u32 s14  }
0x115: {  	v31 =	vperm.xlane v38, v6;
	v30 =	vperm.xlane v38, v7;
	v24 =	vmax.f32 v24, v50;
	v50 =	vld [tilespmem:s14+$0x0];
	[tilespmem:s11+$0xFFFFFFF0] =	vst v37  }
0x116: {  	v24 =	vmul.f32 $1.442695020e+00, v24;
	v52 =	vld [tilespmem:s14+$0x10];
	(erf) = vpow2.f32 v25;
	[tilespmem:s11+$0x80] =	vst v38  }
0x117: {  	v36 =	vmul.f32 v11, v36;
	v11 =	vmovc v33;
	v37 =	vmul.f32 v10, v39;
	v10 =	vmov v27;
	v53 =	vld [tilespmem:s14+$0x20]  }
.Ltmp2:
0x118: {  	v33 =	vmul.f32 v12, v40;
	v12 =	vmov v35;
	v25 =	vld [tilespmem:s14+$0x30];
	(erf) = vpow2.f32 v24;
	(pc) =	sbr.rel @p0 .LBB2_6-.Ltmp2, $4  }
0x119: {  	v40 =	vmul.f32 v13, v44;
	v13 =	vmovc v32;
	v38 =	vmul.f32 v14, v45;
	v14 =	vmov v26;
	v24 =	vld [tilespmem:s14+$0x40];
	[tilespmem:s11+$0xFFFFFF70] =	vst v37  }
0x11a: {  	v35 =	vmul.f32 v17, v48;
	v39 =	vmul.f32 v15, v46;
	v15 =	vmovc v47;
	v17 =	vmov v51;
	v26 =	vld [tilespmem:s14+$0x50];
	[tilespmem:s11+$0xFFFFFF80] =	vst v36  }
0x11b: {  	v37 =	vmul.f32 v18, v49;
	v18 =	vmovc v34;
	v27 =	vld [tilespmem:s14+$0x60];
	[tilespmem:s11+$0xFFFFFF90] =	vst v33;
	v33 =	vmul.f32 v20, v41;
	v20 =	vmov v50  }
0x11c: {  	v32 =	vmul.f32 v21, v43;
	v36 =	vmul.f32 v23, v42;
	s14 =	sadd.s32 $0x120, s14;
	v23 =	vmovc v52;
	v34 =	vld [tilespmem:s20+$0x70];
	[tilespmem:s11+$0xFFFFFFA0] =	vst v40;
	v21 =	vmov v53  }
0x11d: {  	[tilespmem:s11+$0xFFFFFFB0] =	vst v38  }
0x11e: {  	[tilespmem:s11+$0xFFFFFFC0] =	vst v39  }
0x11f: {  	[tilespmem:s11+$0xFFFFFFD0] =	vst v35  }
0x120: {  	[tilespmem:s11+$0xFFFFFFE0] =	vst v37  }
0x121: {  	[tilespmem:s11+$0x0] =	vst v33  }
0x122: {  	v9 =	vmul.f32 v9, v28;
	[tilespmem:s11+$0x10] =	vst v36  }
0x123: {  	v19 =	vmul.f32 v19, v29;
	[tilespmem:s11+$0x20] =	vst v32  }
0x124: {  	v16 =	vmul.f32 v16, v31;
	[tilespmem:s11+$0x30] =	vst v9  }
0x125: {  	v53 =	vpop (erf);
	[tilespmem:s11+$0x40] =	vst v19  }
0x126: {  	v9 =	vmul.f32 v22, v30;
	[tilespmem:s11+$0x50] =	vst v16;
	v54 =	vperm.xlane v53, v8;
	v22 =	vpop (erf)  }
0x127: {  	[tilespmem:s20+$0x80] =	vst v53;
	v19 =	vperm.xlane v22, v1  }
0x128: {  	[tilespmem:s11+$0x60] =	vst v9;
	v55 =	vmul.f32 v34, v54;
	v16 =	vperm.xlane v22, v2  }
0x129: {  	v9 =	vperm.xlane v22, v3;
	[tilespmem:s20+$0xFFFFFFF0] =	vst v22;
	v10 =	vmul.f32 v10, v19  }
0x12a: {  	[tilespmem:s20+$0x70] =	vst v55;
	v19 =	vperm.xlane v22, v4;
	v11 =	vmul.f32 v11, v16  }
0x12b: {  	v16 =	vperm.xlane v22, v5;
	v9 =	vmul.f32 v12, v9;
	[tilespmem:s20+$0xFFFFFF70] =	vst v10  }
0x12c: {  	v10 =	vperm.xlane v22, v6;
	v12 =	vmul.f32 v13, v19;
	[tilespmem:s20+$0xFFFFFF80] =	vst v11  }
0x12d: {  	v11 =	vperm.xlane v22, v7;
	v13 =	vmul.f32 v14, v16;
	[tilespmem:s20+$0xFFFFFF90] =	vst v9  }
0x12e: {  	v9 =	vperm.xlane v22, v8;
	v10 =	vmul.f32 v15, v10;
	[tilespmem:s20+$0xFFFFFFA0] =	vst v12  }
0x12f: {  	v12 =	vperm.xlane v53, v1;
	v11 =	vmul.f32 v17, v11;
	[tilespmem:s20+$0xFFFFFFB0] =	vst v13  }
0x130: {  	v13 =	vperm.xlane v53, v2;
	v9 =	vmul.f32 v18, v9;
	[tilespmem:s20+$0xFFFFFFC0] =	vst v10  }
0x131: {  	v10 =	vperm.xlane v53, v3;
	v12 =	vmul.f32 v20, v12;
	[tilespmem:s20+$0xFFFFFFD0] =	vst v11  }
0x132: {  	v11 =	vperm.xlane v53, v4;
	v13 =	vmul.f32 v23, v13;
	[tilespmem:s20+$0xFFFFFFE0] =	vst v9  }
0x133: {  	v9 =	vperm.xlane v53, v5;
	v10 =	vmul.f32 v21, v10;
	[tilespmem:s20+$0x0] =	vst v12  }
0x134: {  	v12 =	vperm.xlane v53, v6;
	v11 =	vmul.f32 v25, v11;
	[tilespmem:s20+$0x10] =	vst v13  }
0x135: {  	v13 =	vperm.xlane v53, v7;
	v9 =	vmul.f32 v24, v9;
	[tilespmem:s20+$0x20] =	vst v10  }
0x136: {  	v10 =	vmul.f32 v26, v12;
	[tilespmem:s20+$0x30] =	vst v11  }
0x137: {  	v11 =	vmul.f32 v27, v13;
	[tilespmem:s20+$0x40] =	vst v9  }
0x138: {  	[tilespmem:s20+$0x50] =	vst v10  }
0x139: {  	[tilespmem:s20+$0x60] =	vst v11  }
0x13a: {  	v9 =	vld [tilespmem:$0x9090]  }
0x13b: {  	v10 =	vld [tilespmem:$0xA030];
	_ =	sdelay $0x4  }
0x13c: {  	v9 =	vadd.f32 v10, v9;
	_ =	sdelay $0x1  }
0x13d: {  	v10 =	vmul.f32 $2.000000030e-01, v9;
	_ =	sdelay $0x1  }
0x13e: {  	v9 =	vmax.f32 v9, v10  }
0x13f: {  	v9 =	vmul.f32 $1.442695020e+00, v9;
	_ =	sdelay $0x1  }
0x140: {  	(erf) = vpow2.f32 v9;
	_ =	sdelay $0x6  }
0x141: {  	v9 =	vld [tilespmem:$0x9010]  }
0x142: {  	v10 =	vld [tilespmem:$0x9020]  }
0x143: {  	v12 =	vld [tilespmem:$0x9030];
	v11 =	vpop (erf)  }
0x144: {  	v14 =	vld [tilespmem:$0x9040];
	v13 =	vperm.xlane v11, v1  }
0x145: {  	v16 =	vld [tilespmem:$0x9050];
	v15 =	vperm.xlane v11, v2  }
0x146: {  	v17 =	vld [tilespmem:$0x9060];
	v9 =	vmul.f32 v9, v13;
	v13 =	vperm.xlane v11, v3  }
0x147: {  	v18 =	vld [tilespmem:$0x9070];
	[tilespmem:$0x9090] =	vst v11;
	v10 =	vmul.f32 v10, v15;
	v15 =	vperm.xlane v11, v4  }
0x148: {  	[tilespmem:$0x9010] =	vst v9;
	v9 =	vmul.f32 v12, v13;
	v12 =	vperm.xlane v11, v5;
	v13 =	vld [tilespmem:$0x9080]  }
0x149: {  	[tilespmem:$0x9020] =	vst v10;
	v10 =	vmul.f32 v14, v15;
	v14 =	vperm.xlane v11, v6  }
0x14a: {  	[tilespmem:$0x9030] =	vst v9;
	v9 =	vmul.f32 v16, v12;
	v12 =	vperm.xlane v11, v7  }
0x14b: {  	[tilespmem:$0x9040] =	vst v10;
	v10 =	vmul.f32 v17, v14;
	v11 =	vperm.xlane v11, v8  }
0x14c: {  	[tilespmem:$0x9050] =	vst v9;
	v9 =	vmul.f32 v18, v12  }
0x14d: {  	[tilespmem:$0x9060] =	vst v10;
	v10 =	vmul.f32 v13, v11  }
0x14e: {  	[tilespmem:$0x9070] =	vst v9  }
0x14f: {  	[tilespmem:$0x9080] =	vst v10  }
0x150: {  	[spmem:s2] =	stream.indirect.scatter.add.f32 [tilespmem:s12], [sflag:$0x8], $0x90, s13, s31, $0xb8;
	v63 =	vld [tilespmem:$0x0]  }
0x151: {  	_ =	swait.ge [sflag:s9], $0x4650  }
0x152: {  	[sflag:s9] =	ssyncset.done $0x0  }
0x153: {  	[sflag:s9] =	ssyncadd.s32 $0xFFFFB9B0  }
0x154: {  	_ =	swait.ge [sflag:s10], $0x7D0  }
0x155: {  	[sflag:s10] =	ssyncset.done $0x0  }
0x156: {  	s1 =	rddreg [dreg:$0x8];
	[sflag:s10] =	ssyncadd.s32 $0xFFFFF830  }
0x157: {  	[tilespmem:s4], [sflag:$0x5] =	stream.linear.gather [hbm4b:s1+s4], $0x100, $0x38;
	v63 =	vld [tilespmem:$0x0]  }
0x158: {  	s20 =	rddreg [dreg:$0x9]  }
0x159: {  	[tilespmem:s29], [sflag:$0x5] =	stream.linear.gather [hbm4b:s20+s4], $0x100, $0x38;
	v63 =	vld [tilespmem:$0x0]  }
0x15a: {  	_ =	swait.ge [sflag:s22], $0x4650  }
0x15b: {  	[sflag:s22] =	ssyncset.done $0x0  }
0x15c: {  	s23 =	simm.s32 $0x280;
	[sflag:s22] =	ssyncadd.s32 $0xFFFFB9B0  }
0x15d: {  	[tilespmem:s12], [sflag:$0x3] =	stream.indirect.gather [hbm4b:s5+s31], $0x90, s23, s31, $0xb8;
	v63 =	vld [tilespmem:$0x0]  }
0x15e: {  	s11 =	simm.s32 $0x490  }
0x15f: {  	[tilespmem:s16], [sflag:$0x4] =	stream.indirect.gather [hbm4b:s6+s31], $0x10, s24, s31, $0xb8;
	v63 =	vld [tilespmem:$0x0]  }
0x160: {  	s25 =	simm.s32 $0x90B0;
	v9 =	vld [tilespmem:s11+$0x80]  }
0x161: {  	v10 =	vld [tilespmem:s25+$0x0]  }
0x162: {  	v11 =	vld [tilespmem:s25+$0xFFFFFFF0]  }
0x163: {  	v12 =	vld [tilespmem:s11+$0xFFFFFFF0]  }
0x164: {  	v24 =	vld [tilespmem:s11+$0xFFFFFF70]  }
0x165: {  	v25 =	vld [tilespmem:s11+$0xFFFFFF80]  }
0x166: {  	v26 =	vld [tilespmem:s11+$0xFFFFFF90]  }
0x167: {  	v27 =	vld [tilespmem:s11+$0xFFFFFFA0];
	v9 =	vadd.f32 v10, v9  }
0x168: {  	v32 =	vld [tilespmem:s11+$0xFFFFFFB0];
	v10 =	vadd.f32 v11, v12  }
0x169: {  	v33 =	vld [tilespmem:s11+$0xFFFFFFC0];
	v11 =	vmul.f32 $2.000000030e-01, v9  }
0x16a: {  	v34 =	vld [tilespmem:s11+$0xFFFFFFD0];
	v12 =	vmul.f32 $2.000000030e-01, v10  }
0x16b: {  	s23 =	simm.s32 $0x90D0;
	v56 =	vld [tilespmem:s11+$0xFFFFFFE0];
	v9 =	vmax.f32 v9, v11  }
0x16c: {  	s20 =	simm.s32 $0x5B0;
	v15 =	vld [tilespmem:s23+$0xFFFFFFF0];
	v10 =	vmax.f32 v10, v12;
	v9 =	vmul.f32 $1.442695020e+00, v9  }
0x16d: {  	v17 =	vld [tilespmem:s20+$0xFFFFFFF0];
	v10 =	vmul.f32 $1.442695020e+00, v10  }
0x16e: {  	v40 =	vld [tilespmem:s11+$0x0];
	(erf) = vpow2.f32 v9  }
0x16f: {  	v41 =	vld [tilespmem:s11+$0x10];
	(erf) = vpow2.f32 v10  }
0x170: {  	v42 =	vld [tilespmem:s11+$0x20]  }
0x171: {  	v19 =	vld [tilespmem:s11+$0x40]  }
0x172: {  	v16 =	vld [tilespmem:s11+$0x50];
	v20 =	vadd.f32 v15, v17  }
0x173: {  	v13 =	vld [tilespmem:s20+$0x80]  }
0x174: {  	v14 =	vld [tilespmem:s23+$0x0];
	v30 =	vmul.f32 $2.000000030e-01, v20  }
0x175: {  	v12 =	vld [tilespmem:s11+$0x70]  }
0x176: {  	v22 =	vld [tilespmem:s11+$0x60];
	v52 =	vmax.f32 v20, v30  }
0x177: {  	v15 =	vld [tilespmem:s20+$0xFFFFFFC0];
	v52 =	vmul.f32 $1.442695020e+00, v52;
	v57 =	vpop (erf)  }
0x178: {  	v17 =	vld [tilespmem:s20+$0xFFFFFFD0];
	v43 =	vperm.xlane v57, v1;
	v18 =	vperm.xlane v57, v8;
	v21 =	vpop (erf)  }
0x179: {  	v11 =	vld [tilespmem:s20+$0xFFFFFF80];
	v58 =	vperm.xlane v21, v1;
	v59 =	vperm.xlane v21, v2  }
0x17a: {  	v20 =	vld [tilespmem:s20+$0x0];
	v60 =	vperm.xlane v21, v3;
	v23 =	vmul.f32 v12, v18;
	v18 =	vadd.f32 v14, v13  }
0x17b: {  	v9 =	vld [tilespmem:s11+$0x30];
	v46 =	vperm.xlane v21, v4;
	v47 =	vperm.xlane v21, v5  }
0x17c: {  	v10 =	vld [tilespmem:s20+$0xFFFFFF70];
	v48 =	vperm.xlane v21, v6;
	v28 =	vmul.f32 $2.000000030e-01, v18  }
0x17d: {  	v49 =	vperm.xlane v21, v7;
	v50 =	vperm.xlane v21, v8;
	[tilespmem:s11+$0xFFFFFFF0] =	vst v21;
	v21 =	vld [tilespmem:s20+$0x20]  }
0x17e: {  	v44 =	vperm.xlane v57, v2;
	v45 =	vperm.xlane v57, v3;
	v12 =	vld [tilespmem:s20+$0xFFFFFF90];
	v29 =	vmax.f32 v18, v28  }
0x17f: {  	v31 =	vperm.xlane v57, v6;
	v13 =	vld [tilespmem:s20+$0xFFFFFFA0];
	v51 =	vmul.f32 $1.442695020e+00, v29  }
0x180: {  	v30 =	vperm.xlane v57, v7;
	v14 =	vld [tilespmem:s20+$0xFFFFFFB0];
	v36 =	vmul.f32 v41, v44  }
0x181: {  	v61 =	vmul.f32 v25, v59;
	v25 =	vld [tilespmem:s20+$0x30];
	(erf) = vpow2.f32 v51  }
0x182: {  	[tilespmem:s11+$0x80] =	vst v57;
	v37 =	vmul.f32 v24, v58;
	v62 =	vmul.f32 v26, v60;
	v24 =	vld [tilespmem:s20+$0x40]  }
0x183: {  	v46 =	vmul.f32 v27, v46;
	v26 =	vld [tilespmem:s20+$0x50];
	[tilespmem:s11+$0x70] =	vst v23;
	(erf) = vpow2.f32 v52  }
0x184: {  	v38 =	vmul.f32 v32, v47;
	v39 =	vmul.f32 v33, v48;
	v27 =	vld [tilespmem:s20+$0x60];
	[tilespmem:s11+$0xFFFFFF70] =	vst v37  }
0x185: {  	v35 =	vmul.f32 v34, v49;
	v33 =	vmul.f32 v40, v43;
	v34 =	vld [tilespmem:s20+$0x70];
	[tilespmem:s11+$0xFFFFFF80] =	vst v61  }
0x186: {  	v23 =	vld [tilespmem:s20+$0x10];
	[tilespmem:s11+$0xFFFFFF90] =	vst v62;
	v28 =	vperm.xlane v57, v4;
	v29 =	vperm.xlane v57, v5  }
0x187: {  	s14 =	simm.s32 $0x6D0;
	s1 =	simm.s32 $0x2;
	v32 =	vmul.f32 v42, v45;
	v37 =	vmul.f32 v56, v50;
	[tilespmem:s11+$0xFFFFFFA0] =	vst v46;
	v18 =	vld [tilespmem:s20+$0xFFFFFFE0]  }
.LBB2_8:
0x188: {  	v40 =	vld [tilespmem:s14+$0x80];
	s23 =	sadd.s32 $0x20, s23;
	[tilespmem:s11+$0xFFFFFFB0] =	vst v38;
	v28 =	vmul.f32 v9, v28;
	v29 =	vmul.f32 v19, v29;
	v9 =	vmov v25  }
0x189: {  	s1 =	sadd.s32 $0x2, s1;
	v31 =	vmul.f32 v16, v31;
	v30 =	vmul.f32 v22, v30;
	v25 =	vld [tilespmem:s23+$0x0];
	[tilespmem:s11+$0xFFFFFFC0] =	vst v39;
	v19 =	vmov v24  }
0x18a: {  	p0 =	slt.u32 s1, $0x7A;
	v24 =	vld [tilespmem:s23+$0xFFFFFFF0];
	v38 =	vpop (erf);
	[tilespmem:s11+$0xFFFFFFD0] =	vst v35;
	v16 =	vmov v26  }
0x18b: {  	v26 =	vld [tilespmem:s14+$0xFFFFFFF0];
	v41 =	vperm.xlane v38, v1;
	v35 =	vperm.xlane v38, v8;
	[tilespmem:s11+$0xFFFFFFE0] =	vst v37;
	v22 =	vmov v27  }
0x18c: {  	v42 =	vperm.xlane v38, v2;
	v43 =	vperm.xlane v38, v3;
	v27 =	vld [tilespmem:s14+$0xFFFFFF70];
	v37 =	vpop (erf);
	[tilespmem:s11+$0x0] =	vst v33  }
0x18d: {  	v33 =	vld [tilespmem:s14+$0xFFFFFF80];
	v39 =	vperm.xlane v37, v1;
	v34 =	vmul.f32 v34, v35;
	[tilespmem:s11+$0x10] =	vst v36  }
0x18e: {  	v36 =	vperm.xlane v37, v2;
	v35 =	vld [tilespmem:s14+$0xFFFFFF90];
	v25 =	vadd.f32 v25, v40;
	v40 =	vperm.xlane v37, v3;
	[tilespmem:s11+$0x20] =	vst v32  }
0x18f: {  	v44 =	vperm.xlane v37, v4;
	v45 =	vperm.xlane v37, v5;
	v32 =	vld [tilespmem:s14+$0xFFFFFFA0];
	[tilespmem:s20+$0x70] =	vst v34  }
0x190: {  	v46 =	vperm.xlane v37, v6;
	v24 =	vadd.f32 v24, v26;
	v26 =	vld [tilespmem:s14+$0xFFFFFFB0];
	v34 =	vmul.f32 $2.000000030e-01, v25;
	[tilespmem:s11+$0x30] =	vst v28  }
0x191: {  	v48 =	vperm.xlane v37, v7;
	v49 =	vperm.xlane v37, v8;
	v47 =	vld [tilespmem:s14+$0xFFFFFFC0];
	[tilespmem:s11+$0x40] =	vst v29  }
0x192: {  	v28 =	vperm.xlane v38, v4;
	v50 =	vmul.f32 $2.000000030e-01, v24;
	v51 =	vld [tilespmem:s14+$0xFFFFFFD0];
	v25 =	vmax.f32 v25, v34;
	[tilespmem:s11+$0x50] =	vst v31  }
0x193: {  	v29 =	vperm.xlane v38, v5;
	v34 =	vld [tilespmem:s14+$0xFFFFFFE0];
	v25 =	vmul.f32 $1.442695020e+00, v25;
	[tilespmem:s11+$0x60] =	vst v30;
	s11 =	smov.u32 s20;
	s20 =	smov.u32 s14  }
0x194: {  	v31 =	vperm.xlane v38, v6;
	v30 =	vperm.xlane v38, v7;
	v24 =	vmax.f32 v24, v50;
	v50 =	vld [tilespmem:s14+$0x0];
	[tilespmem:s11+$0xFFFFFFF0] =	vst v37  }
0x195: {  	v24 =	vmul.f32 $1.442695020e+00, v24;
	v52 =	vld [tilespmem:s14+$0x10];
	(erf) = vpow2.f32 v25;
	[tilespmem:s11+$0x80] =	vst v38  }
0x196: {  	v36 =	vmul.f32 v11, v36;
	v11 =	vmovc v33;
	v37 =	vmul.f32 v10, v39;
	v10 =	vmov v27;
	v53 =	vld [tilespmem:s14+$0x20]  }
.Ltmp3:
0x197: {  	v33 =	vmul.f32 v12, v40;
	v12 =	vmov v35;
	v25 =	vld [tilespmem:s14+$0x30];
	(erf) = vpow2.f32 v24;
	(pc) =	sbr.rel @p0 .LBB2_8-.Ltmp3, $4  }
0x198: {  	v40 =	vmul.f32 v13, v44;
	v13 =	vmovc v32;
	v38 =	vmul.f32 v14, v45;
	v14 =	vmov v26;
	v24 =	vld [tilespmem:s14+$0x40];
	[tilespmem:s11+$0xFFFFFF70] =	vst v37  }
0x199: {  	v35 =	vmul.f32 v17, v48;
	v39 =	vmul.f32 v15, v46;
	v15 =	vmovc v47;
	v17 =	vmov v51;
	v26 =	vld [tilespmem:s14+$0x50];
	[tilespmem:s11+$0xFFFFFF80] =	vst v36  }
0x19a: {  	v37 =	vmul.f32 v18, v49;
	v18 =	vmovc v34;
	v27 =	vld [tilespmem:s14+$0x60];
	[tilespmem:s11+$0xFFFFFF90] =	vst v33;
	v33 =	vmul.f32 v20, v41;
	v20 =	vmov v50  }
0x19b: {  	v32 =	vmul.f32 v21, v43;
	v36 =	vmul.f32 v23, v42;
	s14 =	sadd.s32 $0x120, s14;
	v23 =	vmovc v52;
	v34 =	vld [tilespmem:s20+$0x70];
	[tilespmem:s11+$0xFFFFFFA0] =	vst v40;
	v21 =	vmov v53  }
0x19c: {  	[tilespmem:s11+$0xFFFFFFB0] =	vst v38  }
0x19d: {  	[tilespmem:s11+$0xFFFFFFC0] =	vst v39  }
0x19e: {  	[tilespmem:s11+$0xFFFFFFD0] =	vst v35  }
0x19f: {  	[tilespmem:s11+$0xFFFFFFE0] =	vst v37  }
0x1a0: {  	[tilespmem:s11+$0x0] =	vst v33  }
0x1a1: {  	v9 =	vmul.f32 v9, v28;
	[tilespmem:s11+$0x10] =	vst v36  }
0x1a2: {  	v19 =	vmul.f32 v19, v29;
	[tilespmem:s11+$0x20] =	vst v32  }
0x1a3: {  	v16 =	vmul.f32 v16, v31;
	[tilespmem:s11+$0x30] =	vst v9  }
0x1a4: {  	v53 =	vpop (erf);
	[tilespmem:s11+$0x40] =	vst v19  }
0x1a5: {  	v9 =	vmul.f32 v22, v30;
	[tilespmem:s11+$0x50] =	vst v16;
	v54 =	vperm.xlane v53, v8;
	v22 =	vpop (erf)  }
0x1a6: {  	[tilespmem:s20+$0x80] =	vst v53;
	v19 =	vperm.xlane v22, v1  }
0x1a7: {  	[tilespmem:s11+$0x60] =	vst v9;
	v55 =	vmul.f32 v34, v54;
	v16 =	vperm.xlane v22, v2  }
0x1a8: {  	v9 =	vperm.xlane v22, v3;
	[tilespmem:s20+$0xFFFFFFF0] =	vst v22;
	v10 =	vmul.f32 v10, v19  }
0x1a9: {  	[tilespmem:s20+$0x70] =	vst v55;
	v19 =	vperm.xlane v22, v4;
	v11 =	vmul.f32 v11, v16  }
0x1aa: {  	v16 =	vperm.xlane v22, v5;
	v9 =	vmul.f32 v12, v9;
	[tilespmem:s20+$0xFFFFFF70] =	vst v10  }
0x1ab: {  	v10 =	vperm.xlane v22, v6;
	v12 =	vmul.f32 v13, v19;
	[tilespmem:s20+$0xFFFFFF80] =	vst v11  }
0x1ac: {  	v11 =	vperm.xlane v22, v7;
	v13 =	vmul.f32 v14, v16;
	[tilespmem:s20+$0xFFFFFF90] =	vst v9  }
0x1ad: {  	v9 =	vperm.xlane v22, v8;
	v10 =	vmul.f32 v15, v10;
	[tilespmem:s20+$0xFFFFFFA0] =	vst v12  }
0x1ae: {  	v12 =	vperm.xlane v53, v1;
	v11 =	vmul.f32 v17, v11;
	[tilespmem:s20+$0xFFFFFFB0] =	vst v13  }
0x1af: {  	v13 =	vperm.xlane v53, v2;
	v9 =	vmul.f32 v18, v9;
	[tilespmem:s20+$0xFFFFFFC0] =	vst v10  }
0x1b0: {  	v10 =	vperm.xlane v53, v3;
	v12 =	vmul.f32 v20, v12;
	[tilespmem:s20+$0xFFFFFFD0] =	vst v11  }
0x1b1: {  	v11 =	vperm.xlane v53, v4;
	v13 =	vmul.f32 v23, v13;
	[tilespmem:s20+$0xFFFFFFE0] =	vst v9  }
0x1b2: {  	v9 =	vperm.xlane v53, v5;
	v10 =	vmul.f32 v21, v10;
	[tilespmem:s20+$0x0] =	vst v12  }
0x1b3: {  	v12 =	vperm.xlane v53, v6;
	v11 =	vmul.f32 v25, v11;
	[tilespmem:s20+$0x10] =	vst v13  }
0x1b4: {  	v13 =	vperm.xlane v53, v7;
	v9 =	vmul.f32 v24, v9;
	[tilespmem:s20+$0x20] =	vst v10  }
0x1b5: {  	v10 =	vmul.f32 v26, v12;
	[tilespmem:s20+$0x30] =	vst v11  }
0x1b6: {  	v11 =	vmul.f32 v27, v13;
	[tilespmem:s20+$0x40] =	vst v9  }
0x1b7: {  	[tilespmem:s20+$0x50] =	vst v10  }
0x1b8: {  	[tilespmem:s20+$0x60] =	vst v11  }
0x1b9: {  	v9 =	vld [tilespmem:$0x4A40]  }
0x1ba: {  	v10 =	vld [tilespmem:$0x9860];
	_ =	sdelay $0x4  }
0x1bb: {  	v9 =	vadd.f32 v10, v9;
	_ =	sdelay $0x1  }
0x1bc: {  	v10 =	vmul.f32 $2.000000030e-01, v9;
	_ =	sdelay $0x1  }
0x1bd: {  	v9 =	vmax.f32 v9, v10  }
0x1be: {  	v9 =	vmul.f32 $1.442695020e+00, v9;
	_ =	sdelay $0x1  }
0x1bf: {  	(erf) = vpow2.f32 v9;
	_ =	sdelay $0x6  }
0x1c0: {  	v9 =	vld [tilespmem:$0x49C0]  }
0x1c1: {  	v10 =	vld [tilespmem:$0x49D0]  }
0x1c2: {  	v12 =	vld [tilespmem:$0x49E0];
	v11 =	vpop (erf)  }
0x1c3: {  	v14 =	vld [tilespmem:$0x49F0];
	v13 =	vperm.xlane v11, v1  }
0x1c4: {  	v16 =	vld [tilespmem:$0x4A00];
	v15 =	vperm.xlane v11, v2  }
0x1c5: {  	v17 =	vld [tilespmem:$0x4A10];
	v9 =	vmul.f32 v9, v13;
	v13 =	vperm.xlane v11, v3  }
0x1c6: {  	v18 =	vld [tilespmem:$0x4A20];
	[tilespmem:$0x4A40] =	vst v11;
	v10 =	vmul.f32 v10, v15;
	v15 =	vperm.xlane v11, v4  }
0x1c7: {  	[tilespmem:$0x49C0] =	vst v9;
	v9 =	vmul.f32 v12, v13;
	v12 =	vperm.xlane v11, v5;
	v13 =	vld [tilespmem:$0x4A30]  }
0x1c8: {  	[tilespmem:$0x49D0] =	vst v10;
	v10 =	vmul.f32 v14, v15;
	v14 =	vperm.xlane v11, v6  }
0x1c9: {  	[tilespmem:$0x49E0] =	vst v9;
	v9 =	vmul.f32 v16, v12;
	v12 =	vperm.xlane v11, v7  }
0x1ca: {  	[tilespmem:$0x49F0] =	vst v10;
	v10 =	vmul.f32 v17, v14;
	v11 =	vperm.xlane v11, v8  }
0x1cb: {  	[tilespmem:$0x4A00] =	vst v9;
	v9 =	vmul.f32 v18, v12  }
0x1cc: {  	[tilespmem:$0x4A10] =	vst v10;
	v10 =	vmul.f32 v13, v11  }
0x1cd: {  	[tilespmem:$0x4A20] =	vst v9  }
0x1ce: {  	[tilespmem:$0x4A30] =	vst v10  }
0x1cf: {  	[spmem:s2] =	stream.indirect.scatter.add.f32 [tilespmem:s26], [sflag:$0x7], $0x90, s8, s31, $0xb8;
	v63 =	vld [tilespmem:$0x0]  }
0x1d0: {  	_ =	swait.ge [sflag:s17], $0x4650  }
0x1d1: {  	[sflag:s17] =	ssyncset.done $0x0  }
0x1d2: {  	[sflag:s17] =	ssyncadd.s32 $0xFFFFB9B0  }
0x1d3: {  	_ =	swait.ge [sflag:s18], $0x7D0  }
0x1d4: {  	[sflag:s18] =	ssyncset.done $0x0  }
0x1d5: {  	[sflag:s18] =	ssyncadd.s32 $0xFFFFF830  }
0x1d6: {  	_ =	swait.ge [sflag:s30], $0x100  }
0x1d7: {  	[sflag:s30] =	ssyncset.done $0x0  }
0x1d8: {  	[sflag:s30] =	ssyncadd.s32 $0xFFFFFF00  }
0x1d9: {  	_ =	swait.ge [sflag:s30], $0x100  }
0x1da: {  	[sflag:s30] =	ssyncset.done $0x0  }
0x1db: {  	[sflag:s30] =	ssyncadd.s32 $0xFFFFFF00  }
0x1dc: {  	_ =	swait.ge [sflag:s21], $0x4650  }
0x1dd: {  	[sflag:s21] =	ssyncset.done $0x0  }
0x1de: {  	[sflag:s21] =	ssyncadd.s32 $0xFFFFB9B0  }
0x1df: {  	[tilespmem:s26], [sflag:$0x1] =	stream.indirect.gather [hbm4b:s5+s31], $0x90, s4, s31, $0xb8;
	v63 =	vld [tilespmem:$0x0]  }
0x1e0: {  	s11 =	simm.s32 $0x4AE0  }
0x1e1: {  	[tilespmem:s0], [sflag:$0x2] =	stream.indirect.gather [hbm4b:s6+s31], $0x10, s29, s31, $0xb8;
	v63 =	vld [tilespmem:$0x0]  }
0x1e2: {  	s1 =	simm.s32 $0x9880;
	v9 =	vld [tilespmem:s11+$0x80]  }
0x1e3: {  	v10 =	vld [tilespmem:s1+$0x0]  }
0x1e4: {  	v11 =	vld [tilespmem:s1+$0xFFFFFFF0]  }
0x1e5: {  	v12 =	vld [tilespmem:s11+$0xFFFFFFF0]  }
0x1e6: {  	v24 =	vld [tilespmem:s11+$0xFFFFFF70]  }
0x1e7: {  	v25 =	vld [tilespmem:s11+$0xFFFFFF80]  }
0x1e8: {  	v26 =	vld [tilespmem:s11+$0xFFFFFF90]  }
0x1e9: {  	v27 =	vld [tilespmem:s11+$0xFFFFFFA0];
	v9 =	vadd.f32 v10, v9  }
0x1ea: {  	v32 =	vld [tilespmem:s11+$0xFFFFFFB0];
	v10 =	vadd.f32 v11, v12  }
0x1eb: {  	v33 =	vld [tilespmem:s11+$0xFFFFFFC0];
	v11 =	vmul.f32 $2.000000030e-01, v9  }
0x1ec: {  	v34 =	vld [tilespmem:s11+$0xFFFFFFD0];
	v12 =	vmul.f32 $2.000000030e-01, v10  }
0x1ed: {  	s23 =	simm.s32 $0x98A0;
	v56 =	vld [tilespmem:s11+$0xFFFFFFE0];
	v9 =	vmax.f32 v9, v11  }
0x1ee: {  	s20 =	simm.s32 $0x4C00;
	v15 =	vld [tilespmem:s23+$0xFFFFFFF0];
	v10 =	vmax.f32 v10, v12;
	v9 =	vmul.f32 $1.442695020e+00, v9  }
0x1ef: {  	v17 =	vld [tilespmem:s20+$0xFFFFFFF0];
	v10 =	vmul.f32 $1.442695020e+00, v10  }
0x1f0: {  	v40 =	vld [tilespmem:s11+$0x0];
	(erf) = vpow2.f32 v9  }
0x1f1: {  	v41 =	vld [tilespmem:s11+$0x10];
	(erf) = vpow2.f32 v10  }
0x1f2: {  	v42 =	vld [tilespmem:s11+$0x20]  }
0x1f3: {  	v19 =	vld [tilespmem:s11+$0x40]  }
0x1f4: {  	v16 =	vld [tilespmem:s11+$0x50];
	v20 =	vadd.f32 v15, v17  }
0x1f5: {  	v13 =	vld [tilespmem:s20+$0x80]  }
0x1f6: {  	v14 =	vld [tilespmem:s23+$0x0];
	v30 =	vmul.f32 $2.000000030e-01, v20  }
0x1f7: {  	v12 =	vld [tilespmem:s11+$0x70]  }
0x1f8: {  	v22 =	vld [tilespmem:s11+$0x60];
	v52 =	vmax.f32 v20, v30  }
0x1f9: {  	v15 =	vld [tilespmem:s20+$0xFFFFFFC0];
	v52 =	vmul.f32 $1.442695020e+00, v52;
	v57 =	vpop (erf)  }
0x1fa: {  	v17 =	vld [tilespmem:s20+$0xFFFFFFD0];
	v43 =	vperm.xlane v57, v1;
	v18 =	vperm.xlane v57, v8;
	v21 =	vpop (erf)  }
0x1fb: {  	v11 =	vld [tilespmem:s20+$0xFFFFFF80];
	v58 =	vperm.xlane v21, v1;
	v59 =	vperm.xlane v21, v2  }
0x1fc: {  	v20 =	vld [tilespmem:s20+$0x0];
	v60 =	vperm.xlane v21, v3;
	v23 =	vmul.f32 v12, v18;
	v18 =	vadd.f32 v14, v13  }
0x1fd: {  	v9 =	vld [tilespmem:s11+$0x30];
	v46 =	vperm.xlane v21, v4;
	v47 =	vperm.xlane v21, v5  }
0x1fe: {  	v10 =	vld [tilespmem:s20+$0xFFFFFF70];
	v48 =	vperm.xlane v21, v6;
	v28 =	vmul.f32 $2.000000030e-01, v18  }
0x1ff: {  	v49 =	vperm.xlane v21, v7;
	v50 =	vperm.xlane v21, v8;
	[tilespmem:s11+$0xFFFFFFF0] =	vst v21;
	v21 =	vld [tilespmem:s20+$0x20]  }
0x200: {  	v44 =	vperm.xlane v57, v2;
	v45 =	vperm.xlane v57, v3;
	v12 =	vld [tilespmem:s20+$0xFFFFFF90];
	v29 =	vmax.f32 v18, v28  }
0x201: {  	v31 =	vperm.xlane v57, v6;
	v13 =	vld [tilespmem:s20+$0xFFFFFFA0];
	v51 =	vmul.f32 $1.442695020e+00, v29  }
0x202: {  	v30 =	vperm.xlane v57, v7;
	v14 =	vld [tilespmem:s20+$0xFFFFFFB0];
	v36 =	vmul.f32 v41, v44  }
0x203: {  	v61 =	vmul.f32 v25, v59;
	v25 =	vld [tilespmem:s20+$0x30];
	(erf) = vpow2.f32 v51  }
0x204: {  	[tilespmem:s11+$0x80] =	vst v57;
	v37 =	vmul.f32 v24, v58;
	v62 =	vmul.f32 v26, v60;
	v24 =	vld [tilespmem:s20+$0x40]  }
0x205: {  	v46 =	vmul.f32 v27, v46;
	v26 =	vld [tilespmem:s20+$0x50];
	[tilespmem:s11+$0x70] =	vst v23;
	(erf) = vpow2.f32 v52  }
0x206: {  	v38 =	vmul.f32 v32, v47;
	v39 =	vmul.f32 v33, v48;
	v27 =	vld [tilespmem:s20+$0x60];
	[tilespmem:s11+$0xFFFFFF70] =	vst v37  }
0x207: {  	v35 =	vmul.f32 v34, v49;
	v33 =	vmul.f32 v40, v43;
	v34 =	vld [tilespmem:s20+$0x70];
	[tilespmem:s11+$0xFFFFFF80] =	vst v61  }
0x208: {  	v23 =	vld [tilespmem:s20+$0x10];
	[tilespmem:s11+$0xFFFFFF90] =	vst v62;
	v28 =	vperm.xlane v57, v4;
	v29 =	vperm.xlane v57, v5  }
0x209: {  	s14 =	simm.s32 $0x4D20;
	s1 =	simm.s32 $0x2;
	v32 =	vmul.f32 v42, v45;
	v37 =	vmul.f32 v56, v50;
	[tilespmem:s11+$0xFFFFFFA0] =	vst v46;
	v18 =	vld [tilespmem:s20+$0xFFFFFFE0]  }
.LBB2_10:
0x20a: {  	v40 =	vld [tilespmem:s14+$0x80];
	s23 =	sadd.s32 $0x20, s23;
	[tilespmem:s11+$0xFFFFFFB0] =	vst v38;
	v28 =	vmul.f32 v9, v28;
	v29 =	vmul.f32 v19, v29;
	v9 =	vmov v25  }
0x20b: {  	s1 =	sadd.s32 $0x2, s1;
	v31 =	vmul.f32 v16, v31;
	v30 =	vmul.f32 v22, v30;
	v25 =	vld [tilespmem:s23+$0x0];
	[tilespmem:s11+$0xFFFFFFC0] =	vst v39;
	v19 =	vmov v24  }
0x20c: {  	p0 =	slt.u32 s1, $0x7A;
	v24 =	vld [tilespmem:s23+$0xFFFFFFF0];
	v38 =	vpop (erf);
	[tilespmem:s11+$0xFFFFFFD0] =	vst v35;
	v16 =	vmov v26  }
0x20d: {  	v26 =	vld [tilespmem:s14+$0xFFFFFFF0];
	v41 =	vperm.xlane v38, v1;
	v35 =	vperm.xlane v38, v8;
	[tilespmem:s11+$0xFFFFFFE0] =	vst v37;
	v22 =	vmov v27  }
0x20e: {  	v42 =	vperm.xlane v38, v2;
	v43 =	vperm.xlane v38, v3;
	v27 =	vld [tilespmem:s14+$0xFFFFFF70];
	v37 =	vpop (erf);
	[tilespmem:s11+$0x0] =	vst v33  }
0x20f: {  	v33 =	vld [tilespmem:s14+$0xFFFFFF80];
	v39 =	vperm.xlane v37, v1;
	v34 =	vmul.f32 v34, v35;
	[tilespmem:s11+$0x10] =	vst v36  }
0x210: {  	v36 =	vperm.xlane v37, v2;
	v35 =	vld [tilespmem:s14+$0xFFFFFF90];
	v25 =	vadd.f32 v25, v40;
	v40 =	vperm.xlane v37, v3;
	[tilespmem:s11+$0x20] =	vst v32  }
0x211: {  	v44 =	vperm.xlane v37, v4;
	v45 =	vperm.xlane v37, v5;
	v32 =	vld [tilespmem:s14+$0xFFFFFFA0];
	[tilespmem:s20+$0x70] =	vst v34  }
0x212: {  	v46 =	vperm.xlane v37, v6;
	v24 =	vadd.f32 v24, v26;
	v26 =	vld [tilespmem:s14+$0xFFFFFFB0];
	v34 =	vmul.f32 $2.000000030e-01, v25;
	[tilespmem:s11+$0x30] =	vst v28  }
0x213: {  	v48 =	vperm.xlane v37, v7;
	v49 =	vperm.xlane v37, v8;
	v47 =	vld [tilespmem:s14+$0xFFFFFFC0];
	[tilespmem:s11+$0x40] =	vst v29  }
0x214: {  	v28 =	vperm.xlane v38, v4;
	v50 =	vmul.f32 $2.000000030e-01, v24;
	v51 =	vld [tilespmem:s14+$0xFFFFFFD0];
	v25 =	vmax.f32 v25, v34;
	[tilespmem:s11+$0x50] =	vst v31  }
0x215: {  	v29 =	vperm.xlane v38, v5;
	v34 =	vld [tilespmem:s14+$0xFFFFFFE0];
	v25 =	vmul.f32 $1.442695020e+00, v25;
	[tilespmem:s11+$0x60] =	vst v30;
	s11 =	smov.u32 s20;
	s20 =	smov.u32 s14  }
0x216: {  	v31 =	vperm.xlane v38, v6;
	v30 =	vperm.xlane v38, v7;
	v24 =	vmax.f32 v24, v50;
	v50 =	vld [tilespmem:s14+$0x0];
	[tilespmem:s11+$0xFFFFFFF0] =	vst v37  }
0x217: {  	v24 =	vmul.f32 $1.442695020e+00, v24;
	v52 =	vld [tilespmem:s14+$0x10];
	(erf) = vpow2.f32 v25;
	[tilespmem:s11+$0x80] =	vst v38  }
0x218: {  	v36 =	vmul.f32 v11, v36;
	v11 =	vmovc v33;
	v37 =	vmul.f32 v10, v39;
	v10 =	vmov v27;
	v53 =	vld [tilespmem:s14+$0x20]  }
.Ltmp4:
0x219: {  	v33 =	vmul.f32 v12, v40;
	v12 =	vmov v35;
	v25 =	vld [tilespmem:s14+$0x30];
	(erf) = vpow2.f32 v24;
	(pc) =	sbr.rel @p0 .LBB2_10-.Ltmp4, $4  }
0x21a: {  	v40 =	vmul.f32 v13, v44;
	v13 =	vmovc v32;
	v38 =	vmul.f32 v14, v45;
	v14 =	vmov v26;
	v24 =	vld [tilespmem:s14+$0x40];
	[tilespmem:s11+$0xFFFFFF70] =	vst v37  }
0x21b: {  	v35 =	vmul.f32 v17, v48;
	v39 =	vmul.f32 v15, v46;
	v15 =	vmovc v47;
	v17 =	vmov v51;
	v26 =	vld [tilespmem:s14+$0x50];
	[tilespmem:s11+$0xFFFFFF80] =	vst v36  }
0x21c: {  	v37 =	vmul.f32 v18, v49;
	v18 =	vmovc v34;
	v27 =	vld [tilespmem:s14+$0x60];
	[tilespmem:s11+$0xFFFFFF90] =	vst v33;
	v33 =	vmul.f32 v20, v41;
	v20 =	vmov v50  }
0x21d: {  	v32 =	vmul.f32 v21, v43;
	v36 =	vmul.f32 v23, v42;
	s14 =	sadd.s32 $0x120, s14;
	v23 =	vmovc v52;
	v34 =	vld [tilespmem:s20+$0x70];
	[tilespmem:s11+$0xFFFFFFA0] =	vst v40;
	v21 =	vmov v53  }
0x21e: {  	[tilespmem:s11+$0xFFFFFFB0] =	vst v38  }
0x21f: {  	[tilespmem:s11+$0xFFFFFFC0] =	vst v39  }
0x220: {  	[tilespmem:s11+$0xFFFFFFD0] =	vst v35  }
0x221: {  	[tilespmem:s11+$0xFFFFFFE0] =	vst v37  }
0x222: {  	[tilespmem:s11+$0x0] =	vst v33  }
0x223: {  	v9 =	vmul.f32 v9, v28;
	[tilespmem:s11+$0x10] =	vst v36  }
0x224: {  	v19 =	vmul.f32 v19, v29;
	[tilespmem:s11+$0x20] =	vst v32  }
0x225: {  	v16 =	vmul.f32 v16, v31;
	[tilespmem:s11+$0x30] =	vst v9  }
0x226: {  	v61 =	vpop (erf);
	[tilespmem:s11+$0x40] =	vst v19  }
0x227: {  	v9 =	vmul.f32 v22, v30;
	[tilespmem:s11+$0x50] =	vst v16;
	v62 =	vperm.xlane v61, v8;
	v39 =	vpop (erf)  }
0x228: {  	[tilespmem:s20+$0x80] =	vst v61;
	v40 =	vperm.xlane v39, v1  }
0x229: {  	[tilespmem:s11+$0x60] =	vst v9;
	v37 =	vmul.f32 v34, v62;
	v41 =	vperm.xlane v39, v2  }
0x22a: {  	v9 =	vperm.xlane v39, v3;
	[tilespmem:s20+$0xFFFFFFF0] =	vst v39;
	v10 =	vmul.f32 v10, v40  }
0x22b: {  	v42 =	vperm.xlane v39, v4;
	[tilespmem:s20+$0x70] =	vst v37;
	v11 =	vmul.f32 v11, v41  }
0x22c: {  	v43 =	vperm.xlane v39, v5;
	v9 =	vmul.f32 v12, v9;
	[tilespmem:s20+$0xFFFFFF70] =	vst v10  }
0x22d: {  	v46 =	vperm.xlane v61, v1;
	v44 =	vmul.f32 v13, v42;
	[tilespmem:s20+$0xFFFFFF80] =	vst v11  }
0x22e: {  	v45 =	vmul.f32 v14, v43;
	v10 =	vperm.xlane v39, v6;
	[tilespmem:s20+$0xFFFFFF90] =	vst v9  }
0x22f: {  	v12 =	vmul.f32 v20, v46;
	v11 =	vperm.xlane v39, v7;
	[tilespmem:s20+$0xFFFFFFA0] =	vst v44  }
0x230: {  	v9 =	vperm.xlane v39, v8;
	[tilespmem:s20+$0xFFFFFFB0] =	vst v45;
	v10 =	vmul.f32 v15, v10  }
0x231: {  	v47 =	vperm.xlane v61, v2;
	[tilespmem:s20+$0x0] =	vst v12;
	v11 =	vmul.f32 v17, v11  }
0x232: {  	v9 =	vmul.f32 v18, v9;
	[tilespmem:s20+$0xFFFFFFC0] =	vst v10;
	v10 =	vperm.xlane v61, v3  }
0x233: {  	v13 =	vmul.f32 v23, v47;
	[tilespmem:s20+$0xFFFFFFD0] =	vst v11;
	v11 =	vperm.xlane v61, v4  }
0x234: {  	[tilespmem:s20+$0xFFFFFFE0] =	vst v9;
	v9 =	vperm.xlane v61, v5;
	v10 =	vmul.f32 v21, v10  }
0x235: {  	v48 =	vperm.xlane v61, v6;
	[tilespmem:s20+$0x10] =	vst v13;
	v11 =	vmul.f32 v25, v11  }
0x236: {  	v49 =	vperm.xlane v61, v7;
	v9 =	vmul.f32 v24, v9;
	[tilespmem:s20+$0x20] =	vst v10  }
0x237: {  	v10 =	vmul.f32 v26, v48;
	[tilespmem:s20+$0x30] =	vst v11  }
0x238: {  	v11 =	vmul.f32 v27, v49;
	[tilespmem:s20+$0x40] =	vst v9  }
0x239: {  	[tilespmem:s20+$0x50] =	vst v10  }
0x23a: {  	[tilespmem:s20+$0x60] =	vst v11  }
0x23b: {  	v9 =	vld [tilespmem:$0x9090]  }
0x23c: {  	v10 =	vld [tilespmem:$0xA030];
	_ =	sdelay $0x4  }
0x23d: {  	v9 =	vadd.f32 v10, v9;
	_ =	sdelay $0x1  }
0x23e: {  	v10 =	vmul.f32 $2.000000030e-01, v9;
	_ =	sdelay $0x1  }
0x23f: {  	v9 =	vmax.f32 v9, v10  }
0x240: {  	v9 =	vmul.f32 $1.442695020e+00, v9;
	_ =	sdelay $0x1  }
0x241: {  	(erf) = vpow2.f32 v9;
	_ =	sdelay $0x6  }
0x242: {  	v9 =	vld [tilespmem:$0x9010]  }
0x243: {  	v10 =	vld [tilespmem:$0x9020]  }
0x244: {  	v50 =	vld [tilespmem:$0x9030];
	v11 =	vpop (erf)  }
0x245: {  	v52 =	vld [tilespmem:$0x9040];
	v51 =	vperm.xlane v11, v1  }
0x246: {  	v54 =	vld [tilespmem:$0x9050];
	v53 =	vperm.xlane v11, v2  }
0x247: {  	v56 =	vld [tilespmem:$0x9060];
	v55 =	vperm.xlane v11, v3;
	v9 =	vmul.f32 v9, v51  }
0x248: {  	v58 =	vld [tilespmem:$0x9070];
	[tilespmem:$0x9090] =	vst v11;
	v57 =	vperm.xlane v11, v4;
	v10 =	vmul.f32 v10, v53  }
0x249: {  	v60 =	vld [tilespmem:$0x9080];
	v59 =	vperm.xlane v11, v5;
	[tilespmem:$0x9010] =	vst v9;
	v9 =	vmul.f32 v50, v55  }
0x24a: {  	v61 =	vperm.xlane v11, v6;
	[tilespmem:$0x9020] =	vst v10;
	v10 =	vmul.f32 v52, v57  }
0x24b: {  	v62 =	vperm.xlane v11, v7;
	[tilespmem:$0x9030] =	vst v9;
	v9 =	vmul.f32 v54, v59  }
0x24c: {  	v11 =	vperm.xlane v11, v8;
	[tilespmem:$0x9040] =	vst v10;
	v10 =	vmul.f32 v56, v61  }
0x24d: {  	[tilespmem:$0x9050] =	vst v9;
	v9 =	vmul.f32 v58, v62  }
0x24e: {  	[tilespmem:$0x9060] =	vst v10;
	v10 =	vmul.f32 v60, v11  }
0x24f: {  	[tilespmem:$0x9070] =	vst v9  }
0x250: {  	[tilespmem:$0x9080] =	vst v10  }
0x251: {  	[spmem:s2] =	stream.indirect.scatter.add.f32 [tilespmem:s12], [sflag:$0x9], $0x90, s24, s31, $0xb8;
	v63 =	vld [tilespmem:$0x0]  }
0x252: {  	_ =	swait.ge [sflag:s28], $0x4650  }
0x253: {  	[sflag:s28] =	ssyncset.done $0x0  }
0x254: {  	s20 =	simm.s32 $0x1;
	[sflag:s28] =	ssyncadd.s32 $0xFFFFB9B0  }
.LBB2_12:
0x255: {  	_ =	swait.ge [sflag:s9], $0x4650  }
0x256: {  	[sflag:s9] =	ssyncset.done $0x0  }
0x257: {  	[sflag:s9] =	ssyncadd.s32 $0xFFFFB9B0  }
0x258: {  	s25 =	sshll.u32 s20, $0x2;
	s1 =	rddreg [dreg:$0xa];
	_ =	swait.ge [sflag:s10], $0x7D0  }
0x259: {  	s1 =	sadd.s32 s25, s1;
	[sflag:s10] =	ssyncset.done $0x0  }
0x25a: {  	s1 =	sshll.u32 s1, $0x4;
	[sflag:s10] =	ssyncadd.s32 $0xFFFFF830  }
0x25b: {  	s1 =	sand.u32 $0x1FFFFFE0, s1;
	s11 =	rddreg [dreg:$0x1]  }
0x25c: {  	s11 =	sadd.s32 s11, s1  }
0x25d: {  	[tilespmem:s3], [sflag:$0x6] =	stream.linear.gather [hbm4b:s11+s4], $0x100, $0x38;
	v63 =	vld [tilespmem:$0x0]  }
0x25e: {  	s1 =	sadd.s32 s7, s1  }
0x25f: {  	[tilespmem:s8], [sflag:$0x6] =	stream.linear.gather [hbm4b:s1+s4], $0x100, $0x38;
	v63 =	vld [tilespmem:$0x0]  }
0x260: {  	s14 =	simm.s32 $0x80  }
0x261: {  	[tilespmem:s12], [sflag:$0x3] =	stream.indirect.gather [hbm4b:s5+s31], $0x90, s14, s31, $0xb8;
	v63 =	vld [tilespmem:$0x0]  }
0x262: {  	s23 =	simm.s32 $0x490  }
0x263: {  	[tilespmem:s16], [sflag:$0x4] =	stream.indirect.gather [hbm4b:s6+s31], $0x10, s13, s31, $0xb8;
	v63 =	vld [tilespmem:$0x0]  }
0x264: {  	s15 =	simm.s32 $0x90B0;
	v9 =	vld [tilespmem:s23+$0x80]  }
0x265: {  	v10 =	vld [tilespmem:s15+$0x0]  }
0x266: {  	v11 =	vld [tilespmem:s15+$0xFFFFFFF0]  }
0x267: {  	v12 =	vld [tilespmem:s23+$0xFFFFFFF0]  }
0x268: {  	v24 =	vld [tilespmem:s23+$0xFFFFFF70]  }
0x269: {  	v25 =	vld [tilespmem:s23+$0xFFFFFF80]  }
0x26a: {  	v26 =	vld [tilespmem:s23+$0xFFFFFF90]  }
0x26b: {  	v27 =	vld [tilespmem:s23+$0xFFFFFFA0];
	v9 =	vadd.f32 v10, v9  }
0x26c: {  	v32 =	vld [tilespmem:s23+$0xFFFFFFB0];
	v10 =	vadd.f32 v11, v12  }
0x26d: {  	v33 =	vld [tilespmem:s23+$0xFFFFFFC0];
	v11 =	vmul.f32 $2.000000030e-01, v9  }
0x26e: {  	v34 =	vld [tilespmem:s23+$0xFFFFFFD0];
	v12 =	vmul.f32 $2.000000030e-01, v10  }
0x26f: {  	s1 =	simm.s32 $0x90D0;
	v36 =	vld [tilespmem:s23+$0xFFFFFFE0];
	v9 =	vmax.f32 v9, v11  }
0x270: {  	s11 =	simm.s32 $0x5B0;
	v15 =	vld [tilespmem:s1+$0xFFFFFFF0];
	v10 =	vmax.f32 v10, v12;
	v9 =	vmul.f32 $1.442695020e+00, v9  }
0x271: {  	v17 =	vld [tilespmem:s11+$0xFFFFFFF0];
	v10 =	vmul.f32 $1.442695020e+00, v10  }
0x272: {  	v40 =	vld [tilespmem:s23+$0x0];
	(erf) = vpow2.f32 v9  }
0x273: {  	v41 =	vld [tilespmem:s23+$0x10];
	(erf) = vpow2.f32 v10  }
0x274: {  	v42 =	vld [tilespmem:s23+$0x20]  }
0x275: {  	v19 =	vld [tilespmem:s23+$0x40]  }
0x276: {  	v16 =	vld [tilespmem:s23+$0x50];
	v20 =	vadd.f32 v15, v17  }
0x277: {  	v13 =	vld [tilespmem:s11+$0x80]  }
0x278: {  	v14 =	vld [tilespmem:s1+$0x0];
	v30 =	vmul.f32 $2.000000030e-01, v20  }
0x279: {  	v12 =	vld [tilespmem:s23+$0x70]  }
0x27a: {  	v22 =	vld [tilespmem:s23+$0x60];
	v52 =	vmax.f32 v20, v30  }
0x27b: {  	v15 =	vld [tilespmem:s11+$0xFFFFFFC0];
	v52 =	vmul.f32 $1.442695020e+00, v52;
	v35 =	vpop (erf)  }
0x27c: {  	v17 =	vld [tilespmem:s11+$0xFFFFFFD0];
	v43 =	vperm.xlane v35, v1;
	v18 =	vperm.xlane v35, v8;
	v21 =	vpop (erf)  }
0x27d: {  	v11 =	vld [tilespmem:s11+$0xFFFFFF80];
	v37 =	vperm.xlane v21, v1;
	v38 =	vperm.xlane v21, v2  }
0x27e: {  	v20 =	vld [tilespmem:s11+$0x0];
	v39 =	vperm.xlane v21, v3;
	v23 =	vmul.f32 v12, v18;
	v18 =	vadd.f32 v14, v13  }
0x27f: {  	v9 =	vld [tilespmem:s23+$0x30];
	v46 =	vperm.xlane v21, v4;
	v47 =	vperm.xlane v21, v5  }
0x280: {  	v10 =	vld [tilespmem:s11+$0xFFFFFF70];
	v48 =	vperm.xlane v21, v6;
	v28 =	vmul.f32 $2.000000030e-01, v18  }
0x281: {  	v49 =	vperm.xlane v21, v7;
	v50 =	vperm.xlane v21, v8;
	[tilespmem:s23+$0xFFFFFFF0] =	vst v21;
	v21 =	vld [tilespmem:s11+$0x20]  }
0x282: {  	v44 =	vperm.xlane v35, v2;
	v45 =	vperm.xlane v35, v3;
	v12 =	vld [tilespmem:s11+$0xFFFFFF90];
	v29 =	vmax.f32 v18, v28  }
0x283: {  	v31 =	vperm.xlane v35, v6;
	v13 =	vld [tilespmem:s11+$0xFFFFFFA0];
	v51 =	vmul.f32 $1.442695020e+00, v29  }
0x284: {  	v30 =	vperm.xlane v35, v7;
	v14 =	vld [tilespmem:s11+$0xFFFFFFB0];
	v37 =	vmul.f32 v24, v37  }
0x285: {  	v61 =	vmul.f32 v25, v38;
	v25 =	vld [tilespmem:s11+$0x30];
	(erf) = vpow2.f32 v51  }
0x286: {  	[tilespmem:s23+$0x80] =	vst v35;
	v62 =	vmul.f32 v26, v39;
	v24 =	vld [tilespmem:s11+$0x40];
	v46 =	vmul.f32 v27, v46  }
0x287: {  	v38 =	vmul.f32 v32, v47;
	v26 =	vld [tilespmem:s11+$0x50];
	[tilespmem:s23+$0x70] =	vst v23;
	(erf) = vpow2.f32 v52  }
0x288: {  	v39 =	vmul.f32 v33, v48;
	v27 =	vld [tilespmem:s11+$0x60];
	v33 =	vmul.f32 v40, v43;
	[tilespmem:s23+$0xFFFFFF70] =	vst v37  }
0x289: {  	v32 =	vmul.f32 v42, v45;
	v23 =	vld [tilespmem:s11+$0x10];
	[tilespmem:s23+$0xFFFFFF80] =	vst v61;
	v37 =	vmul.f32 v36, v50  }
0x28a: {  	[tilespmem:s23+$0xFFFFFF90] =	vst v62;
	v28 =	vperm.xlane v35, v4;
	v18 =	vld [tilespmem:s11+$0xFFFFFFE0];
	v29 =	vperm.xlane v35, v5  }
0x28b: {  	s14 =	simm.s32 $0x2;
	s15 =	simm.s32 $0x6D0;
	[tilespmem:s23+$0xFFFFFFA0] =	vst v46;
	v36 =	vmul.f32 v41, v44;
	v35 =	vmul.f32 v34, v49;
	v34 =	vld [tilespmem:s11+$0x70]  }
.LBB2_13:
0x28c: {  	v40 =	vld [tilespmem:s15+$0x80];
	s1 =	sadd.s32 $0x20, s1;
	[tilespmem:s23+$0xFFFFFFB0] =	vst v38;
	v28 =	vmul.f32 v9, v28;
	v29 =	vmul.f32 v19, v29;
	v9 =	vmov v25  }
0x28d: {  	s14 =	sadd.s32 $0x2, s14;
	v31 =	vmul.f32 v16, v31;
	v30 =	vmul.f32 v22, v30;
	v25 =	vld [tilespmem:s1+$0x0];
	[tilespmem:s23+$0xFFFFFFC0] =	vst v39;
	v19 =	vmov v24  }
0x28e: {  	p0 =	slt.u32 s14, $0x7A;
	v24 =	vld [tilespmem:s1+$0xFFFFFFF0];
	v38 =	vpop (erf);
	[tilespmem:s23+$0xFFFFFFD0] =	vst v35;
	v16 =	vmov v26  }
0x28f: {  	v26 =	vld [tilespmem:s15+$0xFFFFFFF0];
	v41 =	vperm.xlane v38, v1;
	v35 =	vperm.xlane v38, v8;
	[tilespmem:s23+$0xFFFFFFE0] =	vst v37;
	v22 =	vmov v27  }
0x290: {  	v42 =	vperm.xlane v38, v2;
	v43 =	vperm.xlane v38, v3;
	v27 =	vld [tilespmem:s15+$0xFFFFFF70];
	v37 =	vpop (erf);
	[tilespmem:s23+$0x0] =	vst v33  }
0x291: {  	v33 =	vld [tilespmem:s15+$0xFFFFFF80];
	v39 =	vperm.xlane v37, v1;
	v34 =	vmul.f32 v34, v35;
	[tilespmem:s23+$0x10] =	vst v36  }
0x292: {  	v36 =	vperm.xlane v37, v2;
	v35 =	vld [tilespmem:s15+$0xFFFFFF90];
	v25 =	vadd.f32 v25, v40;
	v40 =	vperm.xlane v37, v3;
	[tilespmem:s23+$0x20] =	vst v32  }
0x293: {  	v44 =	vperm.xlane v37, v4;
	v45 =	vperm.xlane v37, v5;
	v32 =	vld [tilespmem:s15+$0xFFFFFFA0];
	[tilespmem:s11+$0x70] =	vst v34  }
0x294: {  	v46 =	vperm.xlane v37, v6;
	v24 =	vadd.f32 v24, v26;
	v26 =	vld [tilespmem:s15+$0xFFFFFFB0];
	v34 =	vmul.f32 $2.000000030e-01, v25;
	[tilespmem:s23+$0x30] =	vst v28  }
0x295: {  	v48 =	vperm.xlane v37, v7;
	v49 =	vperm.xlane v37, v8;
	v47 =	vld [tilespmem:s15+$0xFFFFFFC0];
	[tilespmem:s23+$0x40] =	vst v29  }
0x296: {  	v28 =	vperm.xlane v38, v4;
	v50 =	vmul.f32 $2.000000030e-01, v24;
	v51 =	vld [tilespmem:s15+$0xFFFFFFD0];
	v25 =	vmax.f32 v25, v34;
	[tilespmem:s23+$0x50] =	vst v31  }
0x297: {  	v29 =	vperm.xlane v38, v5;
	v34 =	vld [tilespmem:s15+$0xFFFFFFE0];
	v25 =	vmul.f32 $1.442695020e+00, v25;
	[tilespmem:s23+$0x60] =	vst v30;
	s23 =	smov.u32 s11;
	s11 =	smov.u32 s15  }
0x298: {  	v31 =	vperm.xlane v38, v6;
	v30 =	vperm.xlane v38, v7;
	v24 =	vmax.f32 v24, v50;
	v50 =	vld [tilespmem:s15+$0x0];
	[tilespmem:s23+$0xFFFFFFF0] =	vst v37  }
0x299: {  	v24 =	vmul.f32 $1.442695020e+00, v24;
	v52 =	vld [tilespmem:s15+$0x10];
	(erf) = vpow2.f32 v25;
	[tilespmem:s23+$0x80] =	vst v38  }
0x29a: {  	v36 =	vmul.f32 v11, v36;
	v11 =	vmovc v33;
	v37 =	vmul.f32 v10, v39;
	v10 =	vmov v27;
	v53 =	vld [tilespmem:s15+$0x20]  }
.Ltmp5:
0x29b: {  	v33 =	vmul.f32 v12, v40;
	v12 =	vmov v35;
	v25 =	vld [tilespmem:s15+$0x30];
	(erf) = vpow2.f32 v24;
	(pc) =	sbr.rel @p0 .LBB2_13-.Ltmp5, $4  }
0x29c: {  	v40 =	vmul.f32 v13, v44;
	v13 =	vmovc v32;
	v38 =	vmul.f32 v14, v45;
	v14 =	vmov v26;
	v24 =	vld [tilespmem:s15+$0x40];
	[tilespmem:s23+$0xFFFFFF70] =	vst v37  }
0x29d: {  	v35 =	vmul.f32 v17, v48;
	v39 =	vmul.f32 v15, v46;
	v15 =	vmovc v47;
	v17 =	vmov v51;
	v26 =	vld [tilespmem:s15+$0x50];
	[tilespmem:s23+$0xFFFFFF80] =	vst v36  }
0x29e: {  	v37 =	vmul.f32 v18, v49;
	v18 =	vmovc v34;
	v27 =	vld [tilespmem:s15+$0x60];
	[tilespmem:s23+$0xFFFFFF90] =	vst v33;
	v33 =	vmul.f32 v20, v41;
	v20 =	vmov v50  }
0x29f: {  	v32 =	vmul.f32 v21, v43;
	v36 =	vmul.f32 v23, v42;
	s15 =	sadd.s32 $0x120, s15;
	v23 =	vmovc v52;
	v34 =	vld [tilespmem:s11+$0x70];
	[tilespmem:s23+$0xFFFFFFA0] =	vst v40;
	v21 =	vmov v53  }
0x2a0: {  	[tilespmem:s23+$0xFFFFFFB0] =	vst v38  }
0x2a1: {  	[tilespmem:s23+$0xFFFFFFC0] =	vst v39  }
0x2a2: {  	[tilespmem:s23+$0xFFFFFFD0] =	vst v35  }
0x2a3: {  	[tilespmem:s23+$0xFFFFFFE0] =	vst v37  }
0x2a4: {  	[tilespmem:s23+$0x0] =	vst v33  }
0x2a5: {  	v9 =	vmul.f32 v9, v28;
	[tilespmem:s23+$0x10] =	vst v36  }
0x2a6: {  	v19 =	vmul.f32 v19, v29;
	[tilespmem:s23+$0x20] =	vst v32  }
0x2a7: {  	v16 =	vmul.f32 v16, v31;
	[tilespmem:s23+$0x30] =	vst v9  }
0x2a8: {  	v53 =	vpop (erf);
	[tilespmem:s23+$0x40] =	vst v19  }
0x2a9: {  	v9 =	vmul.f32 v22, v30;
	[tilespmem:s23+$0x50] =	vst v16;
	v54 =	vperm.xlane v53, v8;
	v22 =	vpop (erf)  }
0x2aa: {  	[tilespmem:s11+$0x80] =	vst v53;
	v19 =	vperm.xlane v22, v1  }
0x2ab: {  	[tilespmem:s23+$0x60] =	vst v9;
	v55 =	vmul.f32 v34, v54;
	v16 =	vperm.xlane v22, v2  }
0x2ac: {  	v9 =	vperm.xlane v22, v3;
	[tilespmem:s11+$0xFFFFFFF0] =	vst v22;
	v10 =	vmul.f32 v10, v19  }
0x2ad: {  	[tilespmem:s11+$0x70] =	vst v55;
	v19 =	vperm.xlane v22, v4;
	v11 =	vmul.f32 v11, v16  }
0x2ae: {  	v16 =	vperm.xlane v22, v5;
	v9 =	vmul.f32 v12, v9;
	[tilespmem:s11+$0xFFFFFF70] =	vst v10  }
0x2af: {  	v10 =	vperm.xlane v22, v6;
	v12 =	vmul.f32 v13, v19;
	[tilespmem:s11+$0xFFFFFF80] =	vst v11  }
0x2b0: {  	v11 =	vperm.xlane v22, v7;
	v13 =	vmul.f32 v14, v16;
	[tilespmem:s11+$0xFFFFFF90] =	vst v9  }
0x2b1: {  	v9 =	vperm.xlane v22, v8;
	v10 =	vmul.f32 v15, v10;
	[tilespmem:s11+$0xFFFFFFA0] =	vst v12  }
0x2b2: {  	v12 =	vperm.xlane v53, v1;
	v11 =	vmul.f32 v17, v11;
	[tilespmem:s11+$0xFFFFFFB0] =	vst v13  }
0x2b3: {  	v13 =	vperm.xlane v53, v2;
	v9 =	vmul.f32 v18, v9;
	[tilespmem:s11+$0xFFFFFFC0] =	vst v10  }
0x2b4: {  	v10 =	vperm.xlane v53, v3;
	v12 =	vmul.f32 v20, v12;
	[tilespmem:s11+$0xFFFFFFD0] =	vst v11  }
0x2b5: {  	v11 =	vperm.xlane v53, v4;
	v13 =	vmul.f32 v23, v13;
	[tilespmem:s11+$0xFFFFFFE0] =	vst v9  }
0x2b6: {  	v9 =	vperm.xlane v53, v5;
	v10 =	vmul.f32 v21, v10;
	[tilespmem:s11+$0x0] =	vst v12  }
0x2b7: {  	v12 =	vperm.xlane v53, v6;
	v11 =	vmul.f32 v25, v11;
	[tilespmem:s11+$0x10] =	vst v13  }
0x2b8: {  	v13 =	vperm.xlane v53, v7;
	v9 =	vmul.f32 v24, v9;
	[tilespmem:s11+$0x20] =	vst v10  }
0x2b9: {  	v10 =	vmul.f32 v26, v12;
	[tilespmem:s11+$0x30] =	vst v11  }
0x2ba: {  	v11 =	vmul.f32 v27, v13;
	[tilespmem:s11+$0x40] =	vst v9  }
0x2bb: {  	[tilespmem:s11+$0x50] =	vst v10  }
0x2bc: {  	[tilespmem:s11+$0x60] =	vst v11  }
0x2bd: {  	v9 =	vld [tilespmem:$0x4A40]  }
0x2be: {  	v10 =	vld [tilespmem:$0x9860];
	_ =	sdelay $0x4  }
0x2bf: {  	v9 =	vadd.f32 v10, v9;
	_ =	sdelay $0x1  }
0x2c0: {  	v10 =	vmul.f32 $2.000000030e-01, v9;
	_ =	sdelay $0x1  }
0x2c1: {  	v9 =	vmax.f32 v9, v10  }
0x2c2: {  	v9 =	vmul.f32 $1.442695020e+00, v9;
	_ =	sdelay $0x1  }
0x2c3: {  	(erf) = vpow2.f32 v9;
	_ =	sdelay $0x6  }
0x2c4: {  	v9 =	vld [tilespmem:$0x49C0]  }
0x2c5: {  	v10 =	vld [tilespmem:$0x49D0]  }
0x2c6: {  	v12 =	vld [tilespmem:$0x49E0];
	v11 =	vpop (erf)  }
0x2c7: {  	v14 =	vld [tilespmem:$0x49F0];
	v13 =	vperm.xlane v11, v1  }
0x2c8: {  	v16 =	vld [tilespmem:$0x4A00];
	v15 =	vperm.xlane v11, v2  }
0x2c9: {  	v17 =	vld [tilespmem:$0x4A10];
	v9 =	vmul.f32 v9, v13;
	v13 =	vperm.xlane v11, v3  }
0x2ca: {  	v18 =	vld [tilespmem:$0x4A20];
	[tilespmem:$0x4A40] =	vst v11;
	v10 =	vmul.f32 v10, v15;
	v15 =	vperm.xlane v11, v4  }
0x2cb: {  	[tilespmem:$0x49C0] =	vst v9;
	v9 =	vmul.f32 v12, v13;
	v12 =	vperm.xlane v11, v5;
	v13 =	vld [tilespmem:$0x4A30]  }
0x2cc: {  	[tilespmem:$0x49D0] =	vst v10;
	v10 =	vmul.f32 v14, v15;
	v14 =	vperm.xlane v11, v6  }
0x2cd: {  	[tilespmem:$0x49E0] =	vst v9;
	v9 =	vmul.f32 v16, v12;
	v12 =	vperm.xlane v11, v7  }
0x2ce: {  	[tilespmem:$0x49F0] =	vst v10;
	v10 =	vmul.f32 v17, v14;
	v11 =	vperm.xlane v11, v8  }
0x2cf: {  	[tilespmem:$0x4A00] =	vst v9;
	v9 =	vmul.f32 v18, v12  }
0x2d0: {  	[tilespmem:$0x4A10] =	vst v10;
	v10 =	vmul.f32 v13, v11  }
0x2d1: {  	[tilespmem:$0x4A20] =	vst v9  }
0x2d2: {  	[tilespmem:$0x4A30] =	vst v10  }
0x2d3: {  	[spmem:s2] =	stream.indirect.scatter.add.f32 [tilespmem:s26], [sflag:$0x7], $0x90, s29, s31, $0xb8;
	v63 =	vld [tilespmem:$0x0]  }
0x2d4: {  	_ =	swait.ge [sflag:s17], $0x4650  }
0x2d5: {  	[sflag:s17] =	ssyncset.done $0x0  }
0x2d6: {  	[sflag:s17] =	ssyncadd.s32 $0xFFFFB9B0  }
0x2d7: {  	_ =	swait.ge [sflag:s18], $0x7D0  }
0x2d8: {  	[sflag:s18] =	ssyncset.done $0x0  }
0x2d9: {  	[sflag:s18] =	ssyncadd.s32 $0xFFFFF830  }
0x2da: {  	_ =	swait.ge [sflag:s19], $0x100  }
0x2db: {  	[sflag:s19] =	ssyncset.done $0x0  }
0x2dc: {  	[sflag:s19] =	ssyncadd.s32 $0xFFFFFF00  }
0x2dd: {  	_ =	swait.ge [sflag:s19], $0x100  }
0x2de: {  	[sflag:s19] =	ssyncset.done $0x0  }
0x2df: {  	[sflag:s19] =	ssyncadd.s32 $0xFFFFFF00  }
0x2e0: {  	_ =	swait.ge [sflag:s21], $0x4650  }
0x2e1: {  	[sflag:s21] =	ssyncset.done $0x0  }
0x2e2: {  	[sflag:s21] =	ssyncadd.s32 $0xFFFFB9B0  }
0x2e3: {  	[tilespmem:s26], [sflag:$0x1] =	stream.indirect.gather [hbm4b:s5+s31], $0x90, s3, s31, $0xb8;
	v63 =	vld [tilespmem:$0x0]  }
0x2e4: {  	s23 =	simm.s32 $0x4AE0  }
0x2e5: {  	[tilespmem:s0], [sflag:$0x2] =	stream.indirect.gather [hbm4b:s6+s31], $0x10, s8, s31, $0xb8;
	v63 =	vld [tilespmem:$0x0]  }
0x2e6: {  	s1 =	simm.s32 $0x9880;
	v9 =	vld [tilespmem:s23+$0x80]  }
0x2e7: {  	v10 =	vld [tilespmem:s1+$0x0]  }
0x2e8: {  	v11 =	vld [tilespmem:s1+$0xFFFFFFF0]  }
0x2e9: {  	v12 =	vld [tilespmem:s23+$0xFFFFFFF0]  }
0x2ea: {  	v24 =	vld [tilespmem:s23+$0xFFFFFF70]  }
0x2eb: {  	v25 =	vld [tilespmem:s23+$0xFFFFFF80]  }
0x2ec: {  	v26 =	vld [tilespmem:s23+$0xFFFFFF90]  }
0x2ed: {  	v27 =	vld [tilespmem:s23+$0xFFFFFFA0];
	v9 =	vadd.f32 v10, v9  }
0x2ee: {  	v32 =	vld [tilespmem:s23+$0xFFFFFFB0];
	v10 =	vadd.f32 v11, v12  }
0x2ef: {  	v33 =	vld [tilespmem:s23+$0xFFFFFFC0];
	v11 =	vmul.f32 $2.000000030e-01, v9  }
0x2f0: {  	v34 =	vld [tilespmem:s23+$0xFFFFFFD0];
	v12 =	vmul.f32 $2.000000030e-01, v10  }
0x2f1: {  	s11 =	simm.s32 $0x4C00;
	v56 =	vld [tilespmem:s23+$0xFFFFFFE0];
	v9 =	vmax.f32 v9, v11  }
0x2f2: {  	s1 =	simm.s32 $0x98A0;
	v17 =	vld [tilespmem:s11+$0xFFFFFFF0];
	v10 =	vmax.f32 v10, v12;
	v9 =	vmul.f32 $1.442695020e+00, v9  }
0x2f3: {  	v15 =	vld [tilespmem:s1+$0xFFFFFFF0];
	v10 =	vmul.f32 $1.442695020e+00, v10  }
0x2f4: {  	v40 =	vld [tilespmem:s23+$0x0];
	(erf) = vpow2.f32 v9  }
0x2f5: {  	v41 =	vld [tilespmem:s23+$0x10];
	(erf) = vpow2.f32 v10  }
0x2f6: {  	v42 =	vld [tilespmem:s23+$0x20]  }
0x2f7: {  	v19 =	vld [tilespmem:s23+$0x40]  }
0x2f8: {  	v16 =	vld [tilespmem:s23+$0x50];
	v20 =	vadd.f32 v15, v17  }
0x2f9: {  	v13 =	vld [tilespmem:s11+$0x80]  }
0x2fa: {  	v14 =	vld [tilespmem:s1+$0x0];
	v30 =	vmul.f32 $2.000000030e-01, v20  }
0x2fb: {  	v12 =	vld [tilespmem:s23+$0x70]  }
0x2fc: {  	v22 =	vld [tilespmem:s23+$0x60];
	v52 =	vmax.f32 v20, v30  }
0x2fd: {  	v15 =	vld [tilespmem:s11+$0xFFFFFFC0];
	v52 =	vmul.f32 $1.442695020e+00, v52;
	v57 =	vpop (erf)  }
0x2fe: {  	v17 =	vld [tilespmem:s11+$0xFFFFFFD0];
	v43 =	vperm.xlane v57, v1;
	v18 =	vperm.xlane v57, v8;
	v21 =	vpop (erf)  }
0x2ff: {  	v11 =	vld [tilespmem:s11+$0xFFFFFF80];
	v58 =	vperm.xlane v21, v1;
	v59 =	vperm.xlane v21, v2  }
0x300: {  	v20 =	vld [tilespmem:s11+$0x0];
	v60 =	vperm.xlane v21, v3;
	v23 =	vmul.f32 v12, v18;
	v18 =	vadd.f32 v14, v13  }
0x301: {  	v9 =	vld [tilespmem:s23+$0x30];
	v46 =	vperm.xlane v21, v4;
	v47 =	vperm.xlane v21, v5  }
0x302: {  	v10 =	vld [tilespmem:s11+$0xFFFFFF70];
	v48 =	vperm.xlane v21, v6;
	v28 =	vmul.f32 $2.000000030e-01, v18  }
0x303: {  	v49 =	vperm.xlane v21, v7;
	v50 =	vperm.xlane v21, v8;
	[tilespmem:s23+$0xFFFFFFF0] =	vst v21;
	v21 =	vld [tilespmem:s11+$0x20]  }
0x304: {  	v44 =	vperm.xlane v57, v2;
	v45 =	vperm.xlane v57, v3;
	v12 =	vld [tilespmem:s11+$0xFFFFFF90];
	v29 =	vmax.f32 v18, v28  }
0x305: {  	v31 =	vperm.xlane v57, v6;
	v13 =	vld [tilespmem:s11+$0xFFFFFFA0];
	v51 =	vmul.f32 $1.442695020e+00, v29  }
0x306: {  	v30 =	vperm.xlane v57, v7;
	v14 =	vld [tilespmem:s11+$0xFFFFFFB0];
	v36 =	vmul.f32 v41, v44  }
0x307: {  	v61 =	vmul.f32 v25, v59;
	v25 =	vld [tilespmem:s11+$0x30];
	(erf) = vpow2.f32 v51  }
0x308: {  	[tilespmem:s23+$0x80] =	vst v57;
	v37 =	vmul.f32 v24, v58;
	v62 =	vmul.f32 v26, v60;
	v24 =	vld [tilespmem:s11+$0x40]  }
0x309: {  	v46 =	vmul.f32 v27, v46;
	v26 =	vld [tilespmem:s11+$0x50];
	[tilespmem:s23+$0x70] =	vst v23;
	(erf) = vpow2.f32 v52  }
0x30a: {  	v38 =	vmul.f32 v32, v47;
	v39 =	vmul.f32 v33, v48;
	v27 =	vld [tilespmem:s11+$0x60];
	[tilespmem:s23+$0xFFFFFF70] =	vst v37  }
0x30b: {  	v35 =	vmul.f32 v34, v49;
	v33 =	vmul.f32 v40, v43;
	v34 =	vld [tilespmem:s11+$0x70];
	[tilespmem:s23+$0xFFFFFF80] =	vst v61  }
0x30c: {  	v23 =	vld [tilespmem:s11+$0x10];
	[tilespmem:s23+$0xFFFFFF90] =	vst v62;
	v28 =	vperm.xlane v57, v4;
	v29 =	vperm.xlane v57, v5  }
0x30d: {  	s14 =	simm.s32 $0x2;
	s15 =	simm.s32 $0x4D20;
	v32 =	vmul.f32 v42, v45;
	v37 =	vmul.f32 v56, v50;
	[tilespmem:s23+$0xFFFFFFA0] =	vst v46;
	v18 =	vld [tilespmem:s11+$0xFFFFFFE0]  }
.LBB2_15:
0x30e: {  	v40 =	vld [tilespmem:s15+$0x80];
	s1 =	sadd.s32 $0x20, s1;
	[tilespmem:s23+$0xFFFFFFB0] =	vst v38;
	v28 =	vmul.f32 v9, v28;
	v29 =	vmul.f32 v19, v29;
	v9 =	vmov v25  }
0x30f: {  	s14 =	sadd.s32 $0x2, s14;
	v31 =	vmul.f32 v16, v31;
	v30 =	vmul.f32 v22, v30;
	v25 =	vld [tilespmem:s1+$0x0];
	[tilespmem:s23+$0xFFFFFFC0] =	vst v39;
	v19 =	vmov v24  }
0x310: {  	p0 =	slt.u32 s14, $0x7A;
	v24 =	vld [tilespmem:s1+$0xFFFFFFF0];
	v38 =	vpop (erf);
	[tilespmem:s23+$0xFFFFFFD0] =	vst v35;
	v16 =	vmov v26  }
0x311: {  	v26 =	vld [tilespmem:s15+$0xFFFFFFF0];
	v41 =	vperm.xlane v38, v1;
	v35 =	vperm.xlane v38, v8;
	[tilespmem:s23+$0xFFFFFFE0] =	vst v37;
	v22 =	vmov v27  }
0x312: {  	v42 =	vperm.xlane v38, v2;
	v43 =	vperm.xlane v38, v3;
	v27 =	vld [tilespmem:s15+$0xFFFFFF70];
	v37 =	vpop (erf);
	[tilespmem:s23+$0x0] =	vst v33  }
0x313: {  	v33 =	vld [tilespmem:s15+$0xFFFFFF80];
	v39 =	vperm.xlane v37, v1;
	v34 =	vmul.f32 v34, v35;
	[tilespmem:s23+$0x10] =	vst v36  }
0x314: {  	v36 =	vperm.xlane v37, v2;
	v35 =	vld [tilespmem:s15+$0xFFFFFF90];
	v25 =	vadd.f32 v25, v40;
	v40 =	vperm.xlane v37, v3;
	[tilespmem:s23+$0x20] =	vst v32  }
0x315: {  	v44 =	vperm.xlane v37, v4;
	v45 =	vperm.xlane v37, v5;
	v32 =	vld [tilespmem:s15+$0xFFFFFFA0];
	[tilespmem:s11+$0x70] =	vst v34  }
0x316: {  	v46 =	vperm.xlane v37, v6;
	v24 =	vadd.f32 v24, v26;
	v26 =	vld [tilespmem:s15+$0xFFFFFFB0];
	v34 =	vmul.f32 $2.000000030e-01, v25;
	[tilespmem:s23+$0x30] =	vst v28  }
0x317: {  	v48 =	vperm.xlane v37, v7;
	v49 =	vperm.xlane v37, v8;
	v47 =	vld [tilespmem:s15+$0xFFFFFFC0];
	[tilespmem:s23+$0x40] =	vst v29  }
0x318: {  	v28 =	vperm.xlane v38, v4;
	v50 =	vmul.f32 $2.000000030e-01, v24;
	v51 =	vld [tilespmem:s15+$0xFFFFFFD0];
	v25 =	vmax.f32 v25, v34;
	[tilespmem:s23+$0x50] =	vst v31  }
0x319: {  	v29 =	vperm.xlane v38, v5;
	v34 =	vld [tilespmem:s15+$0xFFFFFFE0];
	v25 =	vmul.f32 $1.442695020e+00, v25;
	[tilespmem:s23+$0x60] =	vst v30;
	s23 =	smov.u32 s11;
	s11 =	smov.u32 s15  }
0x31a: {  	v31 =	vperm.xlane v38, v6;
	v30 =	vperm.xlane v38, v7;
	v24 =	vmax.f32 v24, v50;
	v50 =	vld [tilespmem:s15+$0x0];
	[tilespmem:s23+$0xFFFFFFF0] =	vst v37  }
0x31b: {  	v24 =	vmul.f32 $1.442695020e+00, v24;
	v52 =	vld [tilespmem:s15+$0x10];
	(erf) = vpow2.f32 v25;
	[tilespmem:s23+$0x80] =	vst v38  }
0x31c: {  	v36 =	vmul.f32 v11, v36;
	v11 =	vmovc v33;
	v37 =	vmul.f32 v10, v39;
	v10 =	vmov v27;
	v53 =	vld [tilespmem:s15+$0x20]  }
.Ltmp6:
0x31d: {  	v33 =	vmul.f32 v12, v40;
	v12 =	vmov v35;
	v25 =	vld [tilespmem:s15+$0x30];
	(erf) = vpow2.f32 v24;
	(pc) =	sbr.rel @p0 .LBB2_15-.Ltmp6, $4  }
0x31e: {  	v40 =	vmul.f32 v13, v44;
	v13 =	vmovc v32;
	v38 =	vmul.f32 v14, v45;
	v14 =	vmov v26;
	v24 =	vld [tilespmem:s15+$0x40];
	[tilespmem:s23+$0xFFFFFF70] =	vst v37  }
0x31f: {  	v35 =	vmul.f32 v17, v48;
	v39 =	vmul.f32 v15, v46;
	v15 =	vmovc v47;
	v17 =	vmov v51;
	v26 =	vld [tilespmem:s15+$0x50];
	[tilespmem:s23+$0xFFFFFF80] =	vst v36  }
0x320: {  	v37 =	vmul.f32 v18, v49;
	v18 =	vmovc v34;
	v27 =	vld [tilespmem:s15+$0x60];
	[tilespmem:s23+$0xFFFFFF90] =	vst v33;
	v33 =	vmul.f32 v20, v41;
	v20 =	vmov v50  }
0x321: {  	v32 =	vmul.f32 v21, v43;
	v36 =	vmul.f32 v23, v42;
	s15 =	sadd.s32 $0x120, s15;
	v23 =	vmovc v52;
	v34 =	vld [tilespmem:s11+$0x70];
	[tilespmem:s23+$0xFFFFFFA0] =	vst v40;
	v21 =	vmov v53  }
0x322: {  	[tilespmem:s23+$0xFFFFFFB0] =	vst v38  }
0x323: {  	[tilespmem:s23+$0xFFFFFFC0] =	vst v39  }
0x324: {  	[tilespmem:s23+$0xFFFFFFD0] =	vst v35  }
0x325: {  	[tilespmem:s23+$0xFFFFFFE0] =	vst v37  }
0x326: {  	[tilespmem:s23+$0x0] =	vst v33  }
0x327: {  	v9 =	vmul.f32 v9, v28;
	[tilespmem:s23+$0x10] =	vst v36  }
0x328: {  	v19 =	vmul.f32 v19, v29;
	[tilespmem:s23+$0x20] =	vst v32  }
0x329: {  	v16 =	vmul.f32 v16, v31;
	[tilespmem:s23+$0x30] =	vst v9  }
0x32a: {  	v53 =	vpop (erf);
	[tilespmem:s23+$0x40] =	vst v19  }
0x32b: {  	v9 =	vmul.f32 v22, v30;
	[tilespmem:s23+$0x50] =	vst v16;
	v54 =	vperm.xlane v53, v8;
	v22 =	vpop (erf)  }
0x32c: {  	[tilespmem:s11+$0x80] =	vst v53;
	v19 =	vperm.xlane v22, v1  }
0x32d: {  	[tilespmem:s23+$0x60] =	vst v9;
	v55 =	vmul.f32 v34, v54;
	v16 =	vperm.xlane v22, v2  }
0x32e: {  	v9 =	vperm.xlane v22, v3;
	[tilespmem:s11+$0xFFFFFFF0] =	vst v22;
	v10 =	vmul.f32 v10, v19  }
0x32f: {  	[tilespmem:s11+$0x70] =	vst v55;
	v19 =	vperm.xlane v22, v4;
	v11 =	vmul.f32 v11, v16  }
0x330: {  	v16 =	vperm.xlane v22, v5;
	v9 =	vmul.f32 v12, v9;
	[tilespmem:s11+$0xFFFFFF70] =	vst v10  }
0x331: {  	v10 =	vperm.xlane v22, v6;
	v12 =	vmul.f32 v13, v19;
	[tilespmem:s11+$0xFFFFFF80] =	vst v11  }
0x332: {  	v11 =	vperm.xlane v22, v7;
	v13 =	vmul.f32 v14, v16;
	[tilespmem:s11+$0xFFFFFF90] =	vst v9  }
0x333: {  	v9 =	vperm.xlane v22, v8;
	v10 =	vmul.f32 v15, v10;
	[tilespmem:s11+$0xFFFFFFA0] =	vst v12  }
0x334: {  	v12 =	vperm.xlane v53, v1;
	v11 =	vmul.f32 v17, v11;
	[tilespmem:s11+$0xFFFFFFB0] =	vst v13  }
0x335: {  	v13 =	vperm.xlane v53, v2;
	v9 =	vmul.f32 v18, v9;
	[tilespmem:s11+$0xFFFFFFC0] =	vst v10  }
0x336: {  	v10 =	vperm.xlane v53, v3;
	v12 =	vmul.f32 v20, v12;
	[tilespmem:s11+$0xFFFFFFD0] =	vst v11  }
0x337: {  	v11 =	vperm.xlane v53, v4;
	v13 =	vmul.f32 v23, v13;
	[tilespmem:s11+$0xFFFFFFE0] =	vst v9  }
0x338: {  	v9 =	vperm.xlane v53, v5;
	v10 =	vmul.f32 v21, v10;
	[tilespmem:s11+$0x0] =	vst v12  }
0x339: {  	v12 =	vperm.xlane v53, v6;
	v11 =	vmul.f32 v25, v11;
	[tilespmem:s11+$0x10] =	vst v13  }
0x33a: {  	v13 =	vperm.xlane v53, v7;
	v9 =	vmul.f32 v24, v9;
	[tilespmem:s11+$0x20] =	vst v10  }
0x33b: {  	v10 =	vmul.f32 v26, v12;
	[tilespmem:s11+$0x30] =	vst v11  }
0x33c: {  	v11 =	vmul.f32 v27, v13;
	[tilespmem:s11+$0x40] =	vst v9  }
0x33d: {  	[tilespmem:s11+$0x50] =	vst v10  }
0x33e: {  	[tilespmem:s11+$0x60] =	vst v11  }
0x33f: {  	v9 =	vld [tilespmem:$0x9090]  }
0x340: {  	v10 =	vld [tilespmem:$0xA030];
	_ =	sdelay $0x4  }
0x341: {  	v9 =	vadd.f32 v10, v9;
	_ =	sdelay $0x1  }
0x342: {  	v10 =	vmul.f32 $2.000000030e-01, v9;
	_ =	sdelay $0x1  }
0x343: {  	v9 =	vmax.f32 v9, v10  }
0x344: {  	v9 =	vmul.f32 $1.442695020e+00, v9;
	_ =	sdelay $0x1  }
0x345: {  	(erf) = vpow2.f32 v9;
	_ =	sdelay $0x6  }
0x346: {  	v9 =	vld [tilespmem:$0x9010]  }
0x347: {  	v10 =	vld [tilespmem:$0x9020]  }
0x348: {  	v12 =	vld [tilespmem:$0x9030];
	v11 =	vpop (erf)  }
0x349: {  	v14 =	vld [tilespmem:$0x9040];
	v13 =	vperm.xlane v11, v1  }
0x34a: {  	v16 =	vld [tilespmem:$0x9050];
	v15 =	vperm.xlane v11, v2  }
0x34b: {  	v17 =	vld [tilespmem:$0x9060];
	v9 =	vmul.f32 v9, v13;
	v13 =	vperm.xlane v11, v3  }
0x34c: {  	v18 =	vld [tilespmem:$0x9070];
	[tilespmem:$0x9090] =	vst v11;
	v10 =	vmul.f32 v10, v15;
	v15 =	vperm.xlane v11, v4  }
0x34d: {  	[tilespmem:$0x9010] =	vst v9;
	v9 =	vmul.f32 v12, v13;
	v12 =	vperm.xlane v11, v5;
	v13 =	vld [tilespmem:$0x9080]  }
0x34e: {  	[tilespmem:$0x9020] =	vst v10;
	v10 =	vmul.f32 v14, v15;
	v14 =	vperm.xlane v11, v6  }
0x34f: {  	[tilespmem:$0x9030] =	vst v9;
	v9 =	vmul.f32 v16, v12;
	v12 =	vperm.xlane v11, v7  }
0x350: {  	[tilespmem:$0x9040] =	vst v10;
	v10 =	vmul.f32 v17, v14;
	v11 =	vperm.xlane v11, v8  }
0x351: {  	[tilespmem:$0x9050] =	vst v9;
	v9 =	vmul.f32 v18, v12  }
0x352: {  	[tilespmem:$0x9060] =	vst v10;
	v10 =	vmul.f32 v13, v11  }
0x353: {  	[tilespmem:$0x9070] =	vst v9  }
0x354: {  	[tilespmem:$0x9080] =	vst v10  }
0x355: {  	[spmem:s2] =	stream.indirect.scatter.add.f32 [tilespmem:s12], [sflag:$0x8], $0x90, s13, s31, $0xb8;
	v63 =	vld [tilespmem:$0x0]  }
0x356: {  	_ =	swait.ge [sflag:s9], $0x4650  }
0x357: {  	[sflag:s9] =	ssyncset.done $0x0  }
0x358: {  	[sflag:s9] =	ssyncadd.s32 $0xFFFFB9B0  }
0x359: {  	s1 =	rddreg [dreg:$0xb];
	_ =	swait.ge [sflag:s10], $0x7D0  }
0x35a: {  	s1 =	sadd.s32 s25, s1;
	[sflag:s10] =	ssyncset.done $0x0  }
0x35b: {  	s1 =	sshll.u32 s1, $0x4;
	[sflag:s10] =	ssyncadd.s32 $0xFFFFF830  }
0x35c: {  	s1 =	sand.u32 $0x1FFFFFC0, s1;
	s15 =	rddreg [dreg:$0x1]  }
0x35d: {  	s11 =	sadd.s32 s15, s1  }
0x35e: {  	[tilespmem:s4], [sflag:$0x5] =	stream.linear.gather [hbm4b:s11+s4], $0x100, $0x38;
	v63 =	vld [tilespmem:$0x0]  }
0x35f: {  	s1 =	sadd.s32 s7, s1  }
0x360: {  	[tilespmem:s29], [sflag:$0x5] =	stream.linear.gather [hbm4b:s1+s4], $0x100, $0x38;
	v63 =	vld [tilespmem:$0x0]  }
0x361: {  	_ =	swait.ge [sflag:s22], $0x4650  }
0x362: {  	[sflag:s22] =	ssyncset.done $0x0  }
0x363: {  	s23 =	simm.s32 $0x280;
	[sflag:s22] =	ssyncadd.s32 $0xFFFFB9B0  }
0x364: {  	[tilespmem:s12], [sflag:$0x3] =	stream.indirect.gather [hbm4b:s5+s31], $0x90, s23, s31, $0xb8;
	v63 =	vld [tilespmem:$0x0]  }
0x365: {  	s23 =	simm.s32 $0x490  }
0x366: {  	[tilespmem:s16], [sflag:$0x4] =	stream.indirect.gather [hbm4b:s6+s31], $0x10, s24, s31, $0xb8;
	v63 =	vld [tilespmem:$0x0]  }
0x367: {  	s25 =	simm.s32 $0x90B0;
	v9 =	vld [tilespmem:s23+$0x80]  }
0x368: {  	v10 =	vld [tilespmem:s25+$0x0]  }
0x369: {  	v11 =	vld [tilespmem:s25+$0xFFFFFFF0]  }
0x36a: {  	v12 =	vld [tilespmem:s23+$0xFFFFFFF0]  }
0x36b: {  	v24 =	vld [tilespmem:s23+$0xFFFFFF70]  }
0x36c: {  	v25 =	vld [tilespmem:s23+$0xFFFFFF80]  }
0x36d: {  	v26 =	vld [tilespmem:s23+$0xFFFFFF90]  }
0x36e: {  	v27 =	vld [tilespmem:s23+$0xFFFFFFA0];
	v9 =	vadd.f32 v10, v9  }
0x36f: {  	v32 =	vld [tilespmem:s23+$0xFFFFFFB0];
	v10 =	vadd.f32 v11, v12  }
0x370: {  	v33 =	vld [tilespmem:s23+$0xFFFFFFC0];
	v11 =	vmul.f32 $2.000000030e-01, v9  }
0x371: {  	v34 =	vld [tilespmem:s23+$0xFFFFFFD0];
	v12 =	vmul.f32 $2.000000030e-01, v10  }
0x372: {  	s1 =	simm.s32 $0x90D0;
	v56 =	vld [tilespmem:s23+$0xFFFFFFE0];
	v9 =	vmax.f32 v9, v11  }
0x373: {  	s11 =	simm.s32 $0x5B0;
	v15 =	vld [tilespmem:s1+$0xFFFFFFF0];
	v10 =	vmax.f32 v10, v12;
	v9 =	vmul.f32 $1.442695020e+00, v9  }
0x374: {  	v17 =	vld [tilespmem:s11+$0xFFFFFFF0];
	v10 =	vmul.f32 $1.442695020e+00, v10  }
0x375: {  	v40 =	vld [tilespmem:s23+$0x0];
	(erf) = vpow2.f32 v9  }
0x376: {  	v41 =	vld [tilespmem:s23+$0x10];
	(erf) = vpow2.f32 v10  }
0x377: {  	v42 =	vld [tilespmem:s23+$0x20]  }
0x378: {  	v19 =	vld [tilespmem:s23+$0x40]  }
0x379: {  	v16 =	vld [tilespmem:s23+$0x50];
	v20 =	vadd.f32 v15, v17  }
0x37a: {  	v13 =	vld [tilespmem:s11+$0x80]  }
0x37b: {  	v14 =	vld [tilespmem:s1+$0x0];
	v30 =	vmul.f32 $2.000000030e-01, v20  }
0x37c: {  	v12 =	vld [tilespmem:s23+$0x70]  }
0x37d: {  	v22 =	vld [tilespmem:s23+$0x60];
	v52 =	vmax.f32 v20, v30  }
0x37e: {  	v15 =	vld [tilespmem:s11+$0xFFFFFFC0];
	v52 =	vmul.f32 $1.442695020e+00, v52;
	v57 =	vpop (erf)  }
0x37f: {  	v17 =	vld [tilespmem:s11+$0xFFFFFFD0];
	v43 =	vperm.xlane v57, v1;
	v18 =	vperm.xlane v57, v8;
	v21 =	vpop (erf)  }
0x380: {  	v11 =	vld [tilespmem:s11+$0xFFFFFF80];
	v58 =	vperm.xlane v21, v1;
	v59 =	vperm.xlane v21, v2  }
0x381: {  	v20 =	vld [tilespmem:s11+$0x0];
	v60 =	vperm.xlane v21, v3;
	v23 =	vmul.f32 v12, v18;
	v18 =	vadd.f32 v14, v13  }
0x382: {  	v9 =	vld [tilespmem:s23+$0x30];
	v46 =	vperm.xlane v21, v4;
	v47 =	vperm.xlane v21, v5  }
0x383: {  	v10 =	vld [tilespmem:s11+$0xFFFFFF70];
	v48 =	vperm.xlane v21, v6;
	v28 =	vmul.f32 $2.000000030e-01, v18  }
0x384: {  	v49 =	vperm.xlane v21, v7;
	v50 =	vperm.xlane v21, v8;
	[tilespmem:s23+$0xFFFFFFF0] =	vst v21;
	v21 =	vld [tilespmem:s11+$0x20]  }
0x385: {  	v44 =	vperm.xlane v57, v2;
	v45 =	vperm.xlane v57, v3;
	v12 =	vld [tilespmem:s11+$0xFFFFFF90];
	v29 =	vmax.f32 v18, v28  }
0x386: {  	v31 =	vperm.xlane v57, v6;
	v13 =	vld [tilespmem:s11+$0xFFFFFFA0];
	v51 =	vmul.f32 $1.442695020e+00, v29  }
0x387: {  	v30 =	vperm.xlane v57, v7;
	v14 =	vld [tilespmem:s11+$0xFFFFFFB0];
	v36 =	vmul.f32 v41, v44  }
0x388: {  	v61 =	vmul.f32 v25, v59;
	v25 =	vld [tilespmem:s11+$0x30];
	(erf) = vpow2.f32 v51  }
0x389: {  	[tilespmem:s23+$0x80] =	vst v57;
	v37 =	vmul.f32 v24, v58;
	v62 =	vmul.f32 v26, v60;
	v24 =	vld [tilespmem:s11+$0x40]  }
0x38a: {  	v46 =	vmul.f32 v27, v46;
	v26 =	vld [tilespmem:s11+$0x50];
	[tilespmem:s23+$0x70] =	vst v23;
	(erf) = vpow2.f32 v52  }
0x38b: {  	v38 =	vmul.f32 v32, v47;
	v39 =	vmul.f32 v33, v48;
	v27 =	vld [tilespmem:s11+$0x60];
	[tilespmem:s23+$0xFFFFFF70] =	vst v37  }
0x38c: {  	v35 =	vmul.f32 v34, v49;
	v33 =	vmul.f32 v40, v43;
	v34 =	vld [tilespmem:s11+$0x70];
	[tilespmem:s23+$0xFFFFFF80] =	vst v61  }
0x38d: {  	v23 =	vld [tilespmem:s11+$0x10];
	[tilespmem:s23+$0xFFFFFF90] =	vst v62;
	v28 =	vperm.xlane v57, v4;
	v29 =	vperm.xlane v57, v5  }
0x38e: {  	s14 =	simm.s32 $0x2;
	s15 =	simm.s32 $0x6D0;
	v32 =	vmul.f32 v42, v45;
	v37 =	vmul.f32 v56, v50;
	[tilespmem:s23+$0xFFFFFFA0] =	vst v46;
	v18 =	vld [tilespmem:s11+$0xFFFFFFE0]  }
.LBB2_17:
0x38f: {  	v40 =	vld [tilespmem:s15+$0x80];
	s1 =	sadd.s32 $0x20, s1;
	[tilespmem:s23+$0xFFFFFFB0] =	vst v38;
	v28 =	vmul.f32 v9, v28;
	v29 =	vmul.f32 v19, v29;
	v9 =	vmov v25  }
0x390: {  	s14 =	sadd.s32 $0x2, s14;
	v31 =	vmul.f32 v16, v31;
	v30 =	vmul.f32 v22, v30;
	v25 =	vld [tilespmem:s1+$0x0];
	[tilespmem:s23+$0xFFFFFFC0] =	vst v39;
	v19 =	vmov v24  }
0x391: {  	p0 =	slt.u32 s14, $0x7A;
	v24 =	vld [tilespmem:s1+$0xFFFFFFF0];
	v38 =	vpop (erf);
	[tilespmem:s23+$0xFFFFFFD0] =	vst v35;
	v16 =	vmov v26  }
0x392: {  	v26 =	vld [tilespmem:s15+$0xFFFFFFF0];
	v41 =	vperm.xlane v38, v1;
	v35 =	vperm.xlane v38, v8;
	[tilespmem:s23+$0xFFFFFFE0] =	vst v37;
	v22 =	vmov v27  }
0x393: {  	v42 =	vperm.xlane v38, v2;
	v43 =	vperm.xlane v38, v3;
	v27 =	vld [tilespmem:s15+$0xFFFFFF70];
	v37 =	vpop (erf);
	[tilespmem:s23+$0x0] =	vst v33  }
0x394: {  	v33 =	vld [tilespmem:s15+$0xFFFFFF80];
	v39 =	vperm.xlane v37, v1;
	v34 =	vmul.f32 v34, v35;
	[tilespmem:s23+$0x10] =	vst v36  }
0x395: {  	v36 =	vperm.xlane v37, v2;
	v35 =	vld [tilespmem:s15+$0xFFFFFF90];
	v25 =	vadd.f32 v25, v40;
	v40 =	vperm.xlane v37, v3;
	[tilespmem:s23+$0x20] =	vst v32  }
0x396: {  	v44 =	vperm.xlane v37, v4;
	v45 =	vperm.xlane v37, v5;
	v32 =	vld [tilespmem:s15+$0xFFFFFFA0];
	[tilespmem:s11+$0x70] =	vst v34  }
0x397: {  	v46 =	vperm.xlane v37, v6;
	v24 =	vadd.f32 v24, v26;
	v26 =	vld [tilespmem:s15+$0xFFFFFFB0];
	v34 =	vmul.f32 $2.000000030e-01, v25;
	[tilespmem:s23+$0x30] =	vst v28  }
0x398: {  	v48 =	vperm.xlane v37, v7;
	v49 =	vperm.xlane v37, v8;
	v47 =	vld [tilespmem:s15+$0xFFFFFFC0];
	[tilespmem:s23+$0x40] =	vst v29  }
0x399: {  	v28 =	vperm.xlane v38, v4;
	v50 =	vmul.f32 $2.000000030e-01, v24;
	v51 =	vld [tilespmem:s15+$0xFFFFFFD0];
	v25 =	vmax.f32 v25, v34;
	[tilespmem:s23+$0x50] =	vst v31  }
0x39a: {  	v29 =	vperm.xlane v38, v5;
	v34 =	vld [tilespmem:s15+$0xFFFFFFE0];
	v25 =	vmul.f32 $1.442695020e+00, v25;
	[tilespmem:s23+$0x60] =	vst v30;
	s23 =	smov.u32 s11;
	s11 =	smov.u32 s15  }
0x39b: {  	v31 =	vperm.xlane v38, v6;
	v30 =	vperm.xlane v38, v7;
	v24 =	vmax.f32 v24, v50;
	v50 =	vld [tilespmem:s15+$0x0];
	[tilespmem:s23+$0xFFFFFFF0] =	vst v37  }
0x39c: {  	v24 =	vmul.f32 $1.442695020e+00, v24;
	v52 =	vld [tilespmem:s15+$0x10];
	(erf) = vpow2.f32 v25;
	[tilespmem:s23+$0x80] =	vst v38  }
0x39d: {  	v36 =	vmul.f32 v11, v36;
	v11 =	vmovc v33;
	v37 =	vmul.f32 v10, v39;
	v10 =	vmov v27;
	v53 =	vld [tilespmem:s15+$0x20]  }
.Ltmp7:
0x39e: {  	v33 =	vmul.f32 v12, v40;
	v12 =	vmov v35;
	v25 =	vld [tilespmem:s15+$0x30];
	(erf) = vpow2.f32 v24;
	(pc) =	sbr.rel @p0 .LBB2_17-.Ltmp7, $4  }
0x39f: {  	v40 =	vmul.f32 v13, v44;
	v13 =	vmovc v32;
	v38 =	vmul.f32 v14, v45;
	v14 =	vmov v26;
	v24 =	vld [tilespmem:s15+$0x40];
	[tilespmem:s23+$0xFFFFFF70] =	vst v37  }
0x3a0: {  	v35 =	vmul.f32 v17, v48;
	v39 =	vmul.f32 v15, v46;
	v15 =	vmovc v47;
	v17 =	vmov v51;
	v26 =	vld [tilespmem:s15+$0x50];
	[tilespmem:s23+$0xFFFFFF80] =	vst v36  }
0x3a1: {  	v37 =	vmul.f32 v18, v49;
	v18 =	vmovc v34;
	v27 =	vld [tilespmem:s15+$0x60];
	[tilespmem:s23+$0xFFFFFF90] =	vst v33;
	v33 =	vmul.f32 v20, v41;
	v20 =	vmov v50  }
0x3a2: {  	v32 =	vmul.f32 v21, v43;
	v36 =	vmul.f32 v23, v42;
	s15 =	sadd.s32 $0x120, s15;
	v23 =	vmovc v52;
	v34 =	vld [tilespmem:s11+$0x70];
	[tilespmem:s23+$0xFFFFFFA0] =	vst v40;
	v21 =	vmov v53  }
0x3a3: {  	[tilespmem:s23+$0xFFFFFFB0] =	vst v38  }
0x3a4: {  	[tilespmem:s23+$0xFFFFFFC0] =	vst v39  }
0x3a5: {  	[tilespmem:s23+$0xFFFFFFD0] =	vst v35  }
0x3a6: {  	[tilespmem:s23+$0xFFFFFFE0] =	vst v37  }
0x3a7: {  	[tilespmem:s23+$0x0] =	vst v33  }
0x3a8: {  	v9 =	vmul.f32 v9, v28;
	[tilespmem:s23+$0x10] =	vst v36  }
0x3a9: {  	v19 =	vmul.f32 v19, v29;
	[tilespmem:s23+$0x20] =	vst v32  }
0x3aa: {  	v16 =	vmul.f32 v16, v31;
	[tilespmem:s23+$0x30] =	vst v9  }
0x3ab: {  	v53 =	vpop (erf);
	[tilespmem:s23+$0x40] =	vst v19  }
0x3ac: {  	v9 =	vmul.f32 v22, v30;
	[tilespmem:s23+$0x50] =	vst v16;
	v54 =	vperm.xlane v53, v8;
	v22 =	vpop (erf)  }
0x3ad: {  	[tilespmem:s11+$0x80] =	vst v53;
	v19 =	vperm.xlane v22, v1  }
0x3ae: {  	[tilespmem:s23+$0x60] =	vst v9;
	v55 =	vmul.f32 v34, v54;
	v16 =	vperm.xlane v22, v2  }
0x3af: {  	v9 =	vperm.xlane v22, v3;
	[tilespmem:s11+$0xFFFFFFF0] =	vst v22;
	v10 =	vmul.f32 v10, v19  }
0x3b0: {  	[tilespmem:s11+$0x70] =	vst v55;
	v19 =	vperm.xlane v22, v4;
	v11 =	vmul.f32 v11, v16  }
0x3b1: {  	v16 =	vperm.xlane v22, v5;
	v9 =	vmul.f32 v12, v9;
	[tilespmem:s11+$0xFFFFFF70] =	vst v10  }
0x3b2: {  	v10 =	vperm.xlane v22, v6;
	v12 =	vmul.f32 v13, v19;
	[tilespmem:s11+$0xFFFFFF80] =	vst v11  }
0x3b3: {  	v11 =	vperm.xlane v22, v7;
	v13 =	vmul.f32 v14, v16;
	[tilespmem:s11+$0xFFFFFF90] =	vst v9  }
0x3b4: {  	v9 =	vperm.xlane v22, v8;
	v10 =	vmul.f32 v15, v10;
	[tilespmem:s11+$0xFFFFFFA0] =	vst v12  }
0x3b5: {  	v12 =	vperm.xlane v53, v1;
	v11 =	vmul.f32 v17, v11;
	[tilespmem:s11+$0xFFFFFFB0] =	vst v13  }
0x3b6: {  	v13 =	vperm.xlane v53, v2;
	v9 =	vmul.f32 v18, v9;
	[tilespmem:s11+$0xFFFFFFC0] =	vst v10  }
0x3b7: {  	v10 =	vperm.xlane v53, v3;
	v12 =	vmul.f32 v20, v12;
	[tilespmem:s11+$0xFFFFFFD0] =	vst v11  }
0x3b8: {  	v11 =	vperm.xlane v53, v4;
	v13 =	vmul.f32 v23, v13;
	[tilespmem:s11+$0xFFFFFFE0] =	vst v9  }
0x3b9: {  	v9 =	vperm.xlane v53, v5;
	v10 =	vmul.f32 v21, v10;
	[tilespmem:s11+$0x0] =	vst v12  }
0x3ba: {  	v12 =	vperm.xlane v53, v6;
	v11 =	vmul.f32 v25, v11;
	[tilespmem:s11+$0x10] =	vst v13  }
0x3bb: {  	v13 =	vperm.xlane v53, v7;
	v9 =	vmul.f32 v24, v9;
	[tilespmem:s11+$0x20] =	vst v10  }
0x3bc: {  	v10 =	vmul.f32 v26, v12;
	[tilespmem:s11+$0x30] =	vst v11  }
0x3bd: {  	v11 =	vmul.f32 v27, v13;
	[tilespmem:s11+$0x40] =	vst v9  }
0x3be: {  	[tilespmem:s11+$0x50] =	vst v10  }
0x3bf: {  	[tilespmem:s11+$0x60] =	vst v11  }
0x3c0: {  	v9 =	vld [tilespmem:$0x4A40]  }
0x3c1: {  	v10 =	vld [tilespmem:$0x9860];
	_ =	sdelay $0x4  }
0x3c2: {  	v9 =	vadd.f32 v10, v9;
	_ =	sdelay $0x1  }
0x3c3: {  	v10 =	vmul.f32 $2.000000030e-01, v9;
	_ =	sdelay $0x1  }
0x3c4: {  	v9 =	vmax.f32 v9, v10  }
0x3c5: {  	v9 =	vmul.f32 $1.442695020e+00, v9;
	_ =	sdelay $0x1  }
0x3c6: {  	(erf) = vpow2.f32 v9;
	_ =	sdelay $0x6  }
0x3c7: {  	v9 =	vld [tilespmem:$0x49C0]  }
0x3c8: {  	v10 =	vld [tilespmem:$0x49D0]  }
0x3c9: {  	v12 =	vld [tilespmem:$0x49E0];
	v11 =	vpop (erf)  }
0x3ca: {  	v14 =	vld [tilespmem:$0x49F0];
	v13 =	vperm.xlane v11, v1  }
0x3cb: {  	v16 =	vld [tilespmem:$0x4A00];
	v15 =	vperm.xlane v11, v2  }
0x3cc: {  	v17 =	vld [tilespmem:$0x4A10];
	v9 =	vmul.f32 v9, v13;
	v13 =	vperm.xlane v11, v3  }
0x3cd: {  	v18 =	vld [tilespmem:$0x4A20];
	[tilespmem:$0x4A40] =	vst v11;
	v10 =	vmul.f32 v10, v15;
	v15 =	vperm.xlane v11, v4  }
0x3ce: {  	[tilespmem:$0x49C0] =	vst v9;
	v9 =	vmul.f32 v12, v13;
	v12 =	vperm.xlane v11, v5;
	v13 =	vld [tilespmem:$0x4A30]  }
0x3cf: {  	[tilespmem:$0x49D0] =	vst v10;
	v10 =	vmul.f32 v14, v15;
	v14 =	vperm.xlane v11, v6  }
0x3d0: {  	[tilespmem:$0x49E0] =	vst v9;
	v9 =	vmul.f32 v16, v12;
	v12 =	vperm.xlane v11, v7  }
0x3d1: {  	[tilespmem:$0x49F0] =	vst v10;
	v10 =	vmul.f32 v17, v14;
	v11 =	vperm.xlane v11, v8  }
0x3d2: {  	[tilespmem:$0x4A00] =	vst v9;
	v9 =	vmul.f32 v18, v12  }
0x3d3: {  	[tilespmem:$0x4A10] =	vst v10;
	v10 =	vmul.f32 v13, v11  }
0x3d4: {  	[tilespmem:$0x4A20] =	vst v9  }
0x3d5: {  	[tilespmem:$0x4A30] =	vst v10  }
0x3d6: {  	[spmem:s2] =	stream.indirect.scatter.add.f32 [tilespmem:s26], [sflag:$0x7], $0x90, s8, s31, $0xb8;
	v63 =	vld [tilespmem:$0x0]  }
0x3d7: {  	_ =	swait.ge [sflag:s17], $0x4650  }
0x3d8: {  	[sflag:s17] =	ssyncset.done $0x0  }
0x3d9: {  	[sflag:s17] =	ssyncadd.s32 $0xFFFFB9B0  }
0x3da: {  	_ =	swait.ge [sflag:s18], $0x7D0  }
0x3db: {  	[sflag:s18] =	ssyncset.done $0x0  }
0x3dc: {  	[sflag:s18] =	ssyncadd.s32 $0xFFFFF830  }
0x3dd: {  	_ =	swait.ge [sflag:s30], $0x100  }
0x3de: {  	[sflag:s30] =	ssyncset.done $0x0  }
0x3df: {  	[sflag:s30] =	ssyncadd.s32 $0xFFFFFF00  }
0x3e0: {  	_ =	swait.ge [sflag:s30], $0x100  }
0x3e1: {  	[sflag:s30] =	ssyncset.done $0x0  }
0x3e2: {  	[sflag:s30] =	ssyncadd.s32 $0xFFFFFF00  }
0x3e3: {  	_ =	swait.ge [sflag:s21], $0x4650  }
0x3e4: {  	[sflag:s21] =	ssyncset.done $0x0  }
0x3e5: {  	[sflag:s21] =	ssyncadd.s32 $0xFFFFB9B0  }
0x3e6: {  	[tilespmem:s26], [sflag:$0x1] =	stream.indirect.gather [hbm4b:s5+s31], $0x90, s4, s31, $0xb8;
	v63 =	vld [tilespmem:$0x0]  }
0x3e7: {  	s23 =	simm.s32 $0x4AE0  }
0x3e8: {  	[tilespmem:s0], [sflag:$0x2] =	stream.indirect.gather [hbm4b:s6+s31], $0x10, s29, s31, $0xb8;
	v63 =	vld [tilespmem:$0x0]  }
0x3e9: {  	s1 =	simm.s32 $0x9880;
	v9 =	vld [tilespmem:s23+$0x80]  }
0x3ea: {  	v10 =	vld [tilespmem:s1+$0x0]  }
0x3eb: {  	v11 =	vld [tilespmem:s1+$0xFFFFFFF0]  }
0x3ec: {  	v12 =	vld [tilespmem:s23+$0xFFFFFFF0]  }
0x3ed: {  	v24 =	vld [tilespmem:s23+$0xFFFFFF70]  }
0x3ee: {  	v25 =	vld [tilespmem:s23+$0xFFFFFF80]  }
0x3ef: {  	v26 =	vld [tilespmem:s23+$0xFFFFFF90]  }
0x3f0: {  	v27 =	vld [tilespmem:s23+$0xFFFFFFA0];
	v9 =	vadd.f32 v10, v9  }
0x3f1: {  	v32 =	vld [tilespmem:s23+$0xFFFFFFB0];
	v10 =	vadd.f32 v11, v12  }
0x3f2: {  	v33 =	vld [tilespmem:s23+$0xFFFFFFC0];
	v11 =	vmul.f32 $2.000000030e-01, v9  }
0x3f3: {  	v34 =	vld [tilespmem:s23+$0xFFFFFFD0];
	v12 =	vmul.f32 $2.000000030e-01, v10  }
0x3f4: {  	s11 =	simm.s32 $0x4C00;
	v56 =	vld [tilespmem:s23+$0xFFFFFFE0];
	v9 =	vmax.f32 v9, v11  }
0x3f5: {  	s1 =	simm.s32 $0x98A0;
	v17 =	vld [tilespmem:s11+$0xFFFFFFF0];
	v10 =	vmax.f32 v10, v12;
	v9 =	vmul.f32 $1.442695020e+00, v9  }
0x3f6: {  	v15 =	vld [tilespmem:s1+$0xFFFFFFF0];
	v10 =	vmul.f32 $1.442695020e+00, v10  }
0x3f7: {  	v40 =	vld [tilespmem:s23+$0x0];
	(erf) = vpow2.f32 v9  }
0x3f8: {  	v41 =	vld [tilespmem:s23+$0x10];
	(erf) = vpow2.f32 v10  }
0x3f9: {  	v42 =	vld [tilespmem:s23+$0x20]  }
0x3fa: {  	v19 =	vld [tilespmem:s23+$0x40]  }
0x3fb: {  	v16 =	vld [tilespmem:s23+$0x50];
	v20 =	vadd.f32 v15, v17  }
0x3fc: {  	v13 =	vld [tilespmem:s11+$0x80]  }
0x3fd: {  	v14 =	vld [tilespmem:s1+$0x0];
	v30 =	vmul.f32 $2.000000030e-01, v20  }
0x3fe: {  	v12 =	vld [tilespmem:s23+$0x70]  }
0x3ff: {  	v22 =	vld [tilespmem:s23+$0x60];
	v52 =	vmax.f32 v20, v30  }
0x400: {  	v15 =	vld [tilespmem:s11+$0xFFFFFFC0];
	v52 =	vmul.f32 $1.442695020e+00, v52;
	v57 =	vpop (erf)  }
0x401: {  	v17 =	vld [tilespmem:s11+$0xFFFFFFD0];
	v43 =	vperm.xlane v57, v1;
	v18 =	vperm.xlane v57, v8;
	v21 =	vpop (erf)  }
0x402: {  	v11 =	vld [tilespmem:s11+$0xFFFFFF80];
	v58 =	vperm.xlane v21, v1;
	v59 =	vperm.xlane v21, v2  }
0x403: {  	v20 =	vld [tilespmem:s11+$0x0];
	v60 =	vperm.xlane v21, v3;
	v23 =	vmul.f32 v12, v18;
	v18 =	vadd.f32 v14, v13  }
0x404: {  	v9 =	vld [tilespmem:s23+$0x30];
	v46 =	vperm.xlane v21, v4;
	v47 =	vperm.xlane v21, v5  }
0x405: {  	v10 =	vld [tilespmem:s11+$0xFFFFFF70];
	v48 =	vperm.xlane v21, v6;
	v28 =	vmul.f32 $2.000000030e-01, v18  }
0x406: {  	v49 =	vperm.xlane v21, v7;
	v50 =	vperm.xlane v21, v8;
	[tilespmem:s23+$0xFFFFFFF0] =	vst v21;
	v21 =	vld [tilespmem:s11+$0x20]  }
0x407: {  	v44 =	vperm.xlane v57, v2;
	v45 =	vperm.xlane v57, v3;
	v12 =	vld [tilespmem:s11+$0xFFFFFF90];
	v29 =	vmax.f32 v18, v28  }
0x408: {  	v31 =	vperm.xlane v57, v6;
	v13 =	vld [tilespmem:s11+$0xFFFFFFA0];
	v51 =	vmul.f32 $1.442695020e+00, v29  }
0x409: {  	v30 =	vperm.xlane v57, v7;
	v14 =	vld [tilespmem:s11+$0xFFFFFFB0];
	v36 =	vmul.f32 v41, v44  }
0x40a: {  	v61 =	vmul.f32 v25, v59;
	v25 =	vld [tilespmem:s11+$0x30];
	(erf) = vpow2.f32 v51  }
0x40b: {  	[tilespmem:s23+$0x80] =	vst v57;
	v37 =	vmul.f32 v24, v58;
	v62 =	vmul.f32 v26, v60;
	v24 =	vld [tilespmem:s11+$0x40]  }
0x40c: {  	v46 =	vmul.f32 v27, v46;
	v26 =	vld [tilespmem:s11+$0x50];
	[tilespmem:s23+$0x70] =	vst v23;
	(erf) = vpow2.f32 v52  }
0x40d: {  	v38 =	vmul.f32 v32, v47;
	v39 =	vmul.f32 v33, v48;
	v27 =	vld [tilespmem:s11+$0x60];
	[tilespmem:s23+$0xFFFFFF70] =	vst v37  }
0x40e: {  	v35 =	vmul.f32 v34, v49;
	v33 =	vmul.f32 v40, v43;
	v34 =	vld [tilespmem:s11+$0x70];
	[tilespmem:s23+$0xFFFFFF80] =	vst v61  }
0x40f: {  	v23 =	vld [tilespmem:s11+$0x10];
	[tilespmem:s23+$0xFFFFFF90] =	vst v62;
	v28 =	vperm.xlane v57, v4;
	v29 =	vperm.xlane v57, v5  }
0x410: {  	s14 =	simm.s32 $0x2;
	s15 =	simm.s32 $0x4D20;
	v32 =	vmul.f32 v42, v45;
	v37 =	vmul.f32 v56, v50;
	[tilespmem:s23+$0xFFFFFFA0] =	vst v46;
	v18 =	vld [tilespmem:s11+$0xFFFFFFE0]  }
.LBB2_19:
0x411: {  	v40 =	vld [tilespmem:s15+$0x80];
	s1 =	sadd.s32 $0x20, s1;
	[tilespmem:s23+$0xFFFFFFB0] =	vst v38;
	v28 =	vmul.f32 v9, v28;
	v29 =	vmul.f32 v19, v29;
	v9 =	vmov v25  }
0x412: {  	s14 =	sadd.s32 $0x2, s14;
	v31 =	vmul.f32 v16, v31;
	v30 =	vmul.f32 v22, v30;
	v25 =	vld [tilespmem:s1+$0x0];
	[tilespmem:s23+$0xFFFFFFC0] =	vst v39;
	v19 =	vmov v24  }
0x413: {  	p0 =	slt.u32 s14, $0x7A;
	v24 =	vld [tilespmem:s1+$0xFFFFFFF0];
	v38 =	vpop (erf);
	[tilespmem:s23+$0xFFFFFFD0] =	vst v35;
	v16 =	vmov v26  }
0x414: {  	v26 =	vld [tilespmem:s15+$0xFFFFFFF0];
	v41 =	vperm.xlane v38, v1;
	v35 =	vperm.xlane v38, v8;
	[tilespmem:s23+$0xFFFFFFE0] =	vst v37;
	v22 =	vmov v27  }
0x415: {  	v42 =	vperm.xlane v38, v2;
	v43 =	vperm.xlane v38, v3;
	v27 =	vld [tilespmem:s15+$0xFFFFFF70];
	v37 =	vpop (erf);
	[tilespmem:s23+$0x0] =	vst v33  }
0x416: {  	v33 =	vld [tilespmem:s15+$0xFFFFFF80];
	v39 =	vperm.xlane v37, v1;
	v34 =	vmul.f32 v34, v35;
	[tilespmem:s23+$0x10] =	vst v36  }
0x417: {  	v36 =	vperm.xlane v37, v2;
	v35 =	vld [tilespmem:s15+$0xFFFFFF90];
	v25 =	vadd.f32 v25, v40;
	v40 =	vperm.xlane v37, v3;
	[tilespmem:s23+$0x20] =	vst v32  }
0x418: {  	v44 =	vperm.xlane v37, v4;
	v45 =	vperm.xlane v37, v5;
	v32 =	vld [tilespmem:s15+$0xFFFFFFA0];
	[tilespmem:s11+$0x70] =	vst v34  }
0x419: {  	v46 =	vperm.xlane v37, v6;
	v24 =	vadd.f32 v24, v26;
	v26 =	vld [tilespmem:s15+$0xFFFFFFB0];
	v34 =	vmul.f32 $2.000000030e-01, v25;
	[tilespmem:s23+$0x30] =	vst v28  }
0x41a: {  	v48 =	vperm.xlane v37, v7;
	v49 =	vperm.xlane v37, v8;
	v47 =	vld [tilespmem:s15+$0xFFFFFFC0];
	[tilespmem:s23+$0x40] =	vst v29  }
0x41b: {  	v28 =	vperm.xlane v38, v4;
	v50 =	vmul.f32 $2.000000030e-01, v24;
	v51 =	vld [tilespmem:s15+$0xFFFFFFD0];
	v25 =	vmax.f32 v25, v34;
	[tilespmem:s23+$0x50] =	vst v31  }
0x41c: {  	v29 =	vperm.xlane v38, v5;
	v34 =	vld [tilespmem:s15+$0xFFFFFFE0];
	v25 =	vmul.f32 $1.442695020e+00, v25;
	[tilespmem:s23+$0x60] =	vst v30;
	s23 =	smov.u32 s11;
	s11 =	smov.u32 s15  }
0x41d: {  	v31 =	vperm.xlane v38, v6;
	v30 =	vperm.xlane v38, v7;
	v24 =	vmax.f32 v24, v50;
	v50 =	vld [tilespmem:s15+$0x0];
	[tilespmem:s23+$0xFFFFFFF0] =	vst v37  }
0x41e: {  	v24 =	vmul.f32 $1.442695020e+00, v24;
	v52 =	vld [tilespmem:s15+$0x10];
	(erf) = vpow2.f32 v25;
	[tilespmem:s23+$0x80] =	vst v38  }
0x41f: {  	v36 =	vmul.f32 v11, v36;
	v11 =	vmovc v33;
	v37 =	vmul.f32 v10, v39;
	v10 =	vmov v27;
	v53 =	vld [tilespmem:s15+$0x20]  }
.Ltmp8:
0x420: {  	v33 =	vmul.f32 v12, v40;
	v12 =	vmov v35;
	v25 =	vld [tilespmem:s15+$0x30];
	(erf) = vpow2.f32 v24;
	(pc) =	sbr.rel @p0 .LBB2_19-.Ltmp8, $4  }
0x421: {  	v40 =	vmul.f32 v13, v44;
	v13 =	vmovc v32;
	v38 =	vmul.f32 v14, v45;
	v14 =	vmov v26;
	v24 =	vld [tilespmem:s15+$0x40];
	[tilespmem:s23+$0xFFFFFF70] =	vst v37  }
0x422: {  	v35 =	vmul.f32 v17, v48;
	v39 =	vmul.f32 v15, v46;
	v15 =	vmovc v47;
	v17 =	vmov v51;
	v26 =	vld [tilespmem:s15+$0x50];
	[tilespmem:s23+$0xFFFFFF80] =	vst v36  }
0x423: {  	v37 =	vmul.f32 v18, v49;
	v18 =	vmovc v34;
	v27 =	vld [tilespmem:s15+$0x60];
	[tilespmem:s23+$0xFFFFFF90] =	vst v33;
	v33 =	vmul.f32 v20, v41;
	v20 =	vmov v50  }
0x424: {  	v32 =	vmul.f32 v21, v43;
	v36 =	vmul.f32 v23, v42;
	s15 =	sadd.s32 $0x120, s15;
	v23 =	vmovc v52;
	v34 =	vld [tilespmem:s11+$0x70];
	[tilespmem:s23+$0xFFFFFFA0] =	vst v40;
	v21 =	vmov v53  }
0x425: {  	[tilespmem:s23+$0xFFFFFFB0] =	vst v38  }
0x426: {  	[tilespmem:s23+$0xFFFFFFC0] =	vst v39  }
0x427: {  	[tilespmem:s23+$0xFFFFFFD0] =	vst v35  }
0x428: {  	[tilespmem:s23+$0xFFFFFFE0] =	vst v37  }
0x429: {  	[tilespmem:s23+$0x0] =	vst v33  }
0x42a: {  	v9 =	vmul.f32 v9, v28;
	[tilespmem:s23+$0x10] =	vst v36  }
0x42b: {  	v19 =	vmul.f32 v19, v29;
	[tilespmem:s23+$0x20] =	vst v32  }
0x42c: {  	v16 =	vmul.f32 v16, v31;
	[tilespmem:s23+$0x30] =	vst v9  }
0x42d: {  	v61 =	vpop (erf);
	[tilespmem:s23+$0x40] =	vst v19  }
0x42e: {  	v9 =	vmul.f32 v22, v30;
	[tilespmem:s23+$0x50] =	vst v16;
	v62 =	vperm.xlane v61, v8;
	v39 =	vpop (erf)  }
0x42f: {  	[tilespmem:s11+$0x80] =	vst v61;
	v40 =	vperm.xlane v39, v1  }
0x430: {  	[tilespmem:s23+$0x60] =	vst v9;
	v37 =	vmul.f32 v34, v62;
	v41 =	vperm.xlane v39, v2  }
0x431: {  	v9 =	vperm.xlane v39, v3;
	[tilespmem:s11+$0xFFFFFFF0] =	vst v39;
	v10 =	vmul.f32 v10, v40  }
0x432: {  	v42 =	vperm.xlane v39, v4;
	[tilespmem:s11+$0x70] =	vst v37;
	v11 =	vmul.f32 v11, v41  }
0x433: {  	v43 =	vperm.xlane v39, v5;
	v9 =	vmul.f32 v12, v9;
	[tilespmem:s11+$0xFFFFFF70] =	vst v10  }
0x434: {  	v46 =	vperm.xlane v61, v1;
	v44 =	vmul.f32 v13, v42;
	[tilespmem:s11+$0xFFFFFF80] =	vst v11  }
0x435: {  	v45 =	vmul.f32 v14, v43;
	v10 =	vperm.xlane v39, v6;
	[tilespmem:s11+$0xFFFFFF90] =	vst v9  }
0x436: {  	v12 =	vmul.f32 v20, v46;
	v11 =	vperm.xlane v39, v7;
	[tilespmem:s11+$0xFFFFFFA0] =	vst v44  }
0x437: {  	v9 =	vperm.xlane v39, v8;
	[tilespmem:s11+$0xFFFFFFB0] =	vst v45;
	v10 =	vmul.f32 v15, v10  }
0x438: {  	v47 =	vperm.xlane v61, v2;
	[tilespmem:s11+$0x0] =	vst v12;
	v11 =	vmul.f32 v17, v11  }
0x439: {  	v9 =	vmul.f32 v18, v9;
	[tilespmem:s11+$0xFFFFFFC0] =	vst v10;
	v10 =	vperm.xlane v61, v3  }
0x43a: {  	v13 =	vmul.f32 v23, v47;
	[tilespmem:s11+$0xFFFFFFD0] =	vst v11;
	v11 =	vperm.xlane v61, v4  }
0x43b: {  	[tilespmem:s11+$0xFFFFFFE0] =	vst v9;
	v9 =	vperm.xlane v61, v5;
	v10 =	vmul.f32 v21, v10  }
0x43c: {  	v48 =	vperm.xlane v61, v6;
	[tilespmem:s11+$0x10] =	vst v13;
	v11 =	vmul.f32 v25, v11  }
0x43d: {  	v49 =	vperm.xlane v61, v7;
	v9 =	vmul.f32 v24, v9;
	[tilespmem:s11+$0x20] =	vst v10  }
0x43e: {  	v10 =	vmul.f32 v26, v48;
	[tilespmem:s11+$0x30] =	vst v11  }
0x43f: {  	v11 =	vmul.f32 v27, v49;
	[tilespmem:s11+$0x40] =	vst v9  }
0x440: {  	[tilespmem:s11+$0x50] =	vst v10  }
0x441: {  	[tilespmem:s11+$0x60] =	vst v11  }
0x442: {  	v9 =	vld [tilespmem:$0x9090]  }
0x443: {  	v10 =	vld [tilespmem:$0xA030];
	_ =	sdelay $0x4  }
0x444: {  	v9 =	vadd.f32 v10, v9;
	_ =	sdelay $0x1  }
0x445: {  	v10 =	vmul.f32 $2.000000030e-01, v9;
	_ =	sdelay $0x1  }
0x446: {  	v9 =	vmax.f32 v9, v10  }
0x447: {  	v9 =	vmul.f32 $1.442695020e+00, v9;
	_ =	sdelay $0x1  }
0x448: {  	(erf) = vpow2.f32 v9;
	_ =	sdelay $0x6  }
0x449: {  	v9 =	vld [tilespmem:$0x9010]  }
0x44a: {  	v10 =	vld [tilespmem:$0x9020]  }
0x44b: {  	v50 =	vld [tilespmem:$0x9030];
	v11 =	vpop (erf)  }
0x44c: {  	v52 =	vld [tilespmem:$0x9040];
	v51 =	vperm.xlane v11, v1  }
0x44d: {  	v54 =	vld [tilespmem:$0x9050];
	v53 =	vperm.xlane v11, v2  }
0x44e: {  	v56 =	vld [tilespmem:$0x9060];
	v55 =	vperm.xlane v11, v3;
	v9 =	vmul.f32 v9, v51  }
0x44f: {  	v58 =	vld [tilespmem:$0x9070];
	[tilespmem:$0x9090] =	vst v11;
	v57 =	vperm.xlane v11, v4;
	v10 =	vmul.f32 v10, v53  }
0x450: {  	v60 =	vld [tilespmem:$0x9080];
	v59 =	vperm.xlane v11, v5;
	[tilespmem:$0x9010] =	vst v9;
	v9 =	vmul.f32 v50, v55  }
0x451: {  	v61 =	vperm.xlane v11, v6;
	[tilespmem:$0x9020] =	vst v10;
	v10 =	vmul.f32 v52, v57  }
0x452: {  	v62 =	vperm.xlane v11, v7;
	[tilespmem:$0x9030] =	vst v9;
	v9 =	vmul.f32 v54, v59  }
0x453: {  	v11 =	vperm.xlane v11, v8;
	[tilespmem:$0x9040] =	vst v10;
	v10 =	vmul.f32 v56, v61  }
0x454: {  	[tilespmem:$0x9050] =	vst v9;
	v9 =	vmul.f32 v58, v62  }
0x455: {  	s20 =	sadd.s32 $0x1, s20;
	[tilespmem:$0x9060] =	vst v10;
	v10 =	vmul.f32 v60, v11  }
0x456: {  	p0 =	sne.s32 s20, $0x13;
	[tilespmem:$0x9070] =	vst v9  }
.Ltmp9:
0x457: {  	[tilespmem:$0x9080] =	vst v10;
	(pc) =	sbr.rel @p0 .LBB2_12-.Ltmp9, $4  }
0x458: {  	[spmem:s2] =	stream.indirect.scatter.add.f32 [tilespmem:s12], [sflag:$0x9], $0x90, s24, s31, $0xb8;
	v63 =	vld [tilespmem:$0x0]  }
0x459: {  	_ =	swait.ge [sflag:s28], $0x4650  }
0x45a: {  	[sflag:s28] =	ssyncset.done $0x0  }
0x45b: {  	[sflag:s28] =	ssyncadd.s32 $0xFFFFB9B0  }
0x45c: {  	_ =	swait.ge [sflag:s9], $0x4650  }
0x45d: {  	[sflag:s9] =	ssyncset.done $0x0  }
0x45e: {  	[sflag:s9] =	ssyncadd.s32 $0xFFFFB9B0  }
0x45f: {  	_ =	swait.ge [sflag:s10], $0x7D0  }
0x460: {  	[sflag:s10] =	ssyncset.done $0x0  }
0x461: {  	s1 =	rddreg [dreg:$0xc];
	[sflag:s10] =	ssyncadd.s32 $0xFFFFF830  }
0x462: {  	[tilespmem:s3], [sflag:$0x6] =	stream.linear.gather [hbm4b:s1+s4], $0x100, $0x38;
	v63 =	vld [tilespmem:$0x0]  }
0x463: {  	s20 =	rddreg [dreg:$0xd]  }
0x464: {  	[tilespmem:s8], [sflag:$0x6] =	stream.linear.gather [hbm4b:s20+s4], $0x100, $0x38;
	v63 =	vld [tilespmem:$0x0]  }
0x465: {  	s23 =	simm.s32 $0x80  }
0x466: {  	[tilespmem:s12], [sflag:$0x3] =	stream.indirect.gather [hbm4b:s5+s31], $0x90, s23, s31, $0xb8;
	v63 =	vld [tilespmem:$0x0]  }
0x467: {  	s20 =	simm.s32 $0x490  }
0x468: {  	[tilespmem:s16], [sflag:$0x4] =	stream.indirect.gather [hbm4b:s6+s31], $0x10, s13, s31, $0xb8;
	v63 =	vld [tilespmem:$0x0]  }
0x469: {  	s25 =	simm.s32 $0x90B0;
	v9 =	vld [tilespmem:s20+$0x80]  }
0x46a: {  	v10 =	vld [tilespmem:s25+$0x0]  }
0x46b: {  	v11 =	vld [tilespmem:s25+$0xFFFFFFF0]  }
0x46c: {  	v12 =	vld [tilespmem:s20+$0xFFFFFFF0]  }
0x46d: {  	v24 =	vld [tilespmem:s20+$0xFFFFFF70]  }
0x46e: {  	v25 =	vld [tilespmem:s20+$0xFFFFFF80]  }
0x46f: {  	v26 =	vld [tilespmem:s20+$0xFFFFFF90]  }
0x470: {  	v27 =	vld [tilespmem:s20+$0xFFFFFFA0];
	v9 =	vadd.f32 v10, v9  }
0x471: {  	v32 =	vld [tilespmem:s20+$0xFFFFFFB0];
	v10 =	vadd.f32 v11, v12  }
0x472: {  	v33 =	vld [tilespmem:s20+$0xFFFFFFC0];
	v11 =	vmul.f32 $2.000000030e-01, v9  }
0x473: {  	v34 =	vld [tilespmem:s20+$0xFFFFFFD0];
	v12 =	vmul.f32 $2.000000030e-01, v10  }
0x474: {  	s1 =	simm.s32 $0x90D0;
	v36 =	vld [tilespmem:s20+$0xFFFFFFE0];
	v9 =	vmax.f32 v9, v11  }
0x475: {  	s11 =	simm.s32 $0x5B0;
	v15 =	vld [tilespmem:s1+$0xFFFFFFF0];
	v10 =	vmax.f32 v10, v12;
	v9 =	vmul.f32 $1.442695020e+00, v9  }
0x476: {  	v17 =	vld [tilespmem:s11+$0xFFFFFFF0];
	v10 =	vmul.f32 $1.442695020e+00, v10  }
0x477: {  	v40 =	vld [tilespmem:s20+$0x0];
	(erf) = vpow2.f32 v9  }
0x478: {  	v41 =	vld [tilespmem:s20+$0x10];
	(erf) = vpow2.f32 v10  }
0x479: {  	v42 =	vld [tilespmem:s20+$0x20]  }
0x47a: {  	v19 =	vld [tilespmem:s20+$0x40]  }
0x47b: {  	v16 =	vld [tilespmem:s20+$0x50];
	v20 =	vadd.f32 v15, v17  }
0x47c: {  	v13 =	vld [tilespmem:s11+$0x80]  }
0x47d: {  	v14 =	vld [tilespmem:s1+$0x0];
	v30 =	vmul.f32 $2.000000030e-01, v20  }
0x47e: {  	v12 =	vld [tilespmem:s20+$0x70]  }
0x47f: {  	v22 =	vld [tilespmem:s20+$0x60];
	v52 =	vmax.f32 v20, v30  }
0x480: {  	v15 =	vld [tilespmem:s11+$0xFFFFFFC0];
	v52 =	vmul.f32 $1.442695020e+00, v52;
	v35 =	vpop (erf)  }
0x481: {  	v17 =	vld [tilespmem:s11+$0xFFFFFFD0];
	v43 =	vperm.xlane v35, v1;
	v18 =	vperm.xlane v35, v8;
	v21 =	vpop (erf)  }
0x482: {  	v11 =	vld [tilespmem:s11+$0xFFFFFF80];
	v37 =	vperm.xlane v21, v1;
	v38 =	vperm.xlane v21, v2  }
0x483: {  	v20 =	vld [tilespmem:s11+$0x0];
	v39 =	vperm.xlane v21, v3;
	v23 =	vmul.f32 v12, v18;
	v18 =	vadd.f32 v14, v13  }
0x484: {  	v9 =	vld [tilespmem:s20+$0x30];
	v46 =	vperm.xlane v21, v4;
	v47 =	vperm.xlane v21, v5  }
0x485: {  	v10 =	vld [tilespmem:s11+$0xFFFFFF70];
	v48 =	vperm.xlane v21, v6;
	v28 =	vmul.f32 $2.000000030e-01, v18  }
0x486: {  	v49 =	vperm.xlane v21, v7;
	v50 =	vperm.xlane v21, v8;
	[tilespmem:s20+$0xFFFFFFF0] =	vst v21;
	v21 =	vld [tilespmem:s11+$0x20]  }
0x487: {  	v44 =	vperm.xlane v35, v2;
	v45 =	vperm.xlane v35, v3;
	v12 =	vld [tilespmem:s11+$0xFFFFFF90];
	v29 =	vmax.f32 v18, v28  }
0x488: {  	v31 =	vperm.xlane v35, v6;
	v13 =	vld [tilespmem:s11+$0xFFFFFFA0];
	v51 =	vmul.f32 $1.442695020e+00, v29  }
0x489: {  	v30 =	vperm.xlane v35, v7;
	v14 =	vld [tilespmem:s11+$0xFFFFFFB0];
	v37 =	vmul.f32 v24, v37  }
0x48a: {  	v61 =	vmul.f32 v25, v38;
	v25 =	vld [tilespmem:s11+$0x30];
	(erf) = vpow2.f32 v51  }
0x48b: {  	[tilespmem:s20+$0x80] =	vst v35;
	v62 =	vmul.f32 v26, v39;
	v24 =	vld [tilespmem:s11+$0x40];
	v46 =	vmul.f32 v27, v46  }
0x48c: {  	v38 =	vmul.f32 v32, v47;
	v26 =	vld [tilespmem:s11+$0x50];
	[tilespmem:s20+$0x70] =	vst v23;
	(erf) = vpow2.f32 v52  }
0x48d: {  	v39 =	vmul.f32 v33, v48;
	v27 =	vld [tilespmem:s11+$0x60];
	v33 =	vmul.f32 v40, v43;
	[tilespmem:s20+$0xFFFFFF70] =	vst v37  }
0x48e: {  	v32 =	vmul.f32 v42, v45;
	v23 =	vld [tilespmem:s11+$0x10];
	[tilespmem:s20+$0xFFFFFF80] =	vst v61;
	v37 =	vmul.f32 v36, v50  }
0x48f: {  	[tilespmem:s20+$0xFFFFFF90] =	vst v62;
	v28 =	vperm.xlane v35, v4;
	v18 =	vld [tilespmem:s11+$0xFFFFFFE0];
	v29 =	vperm.xlane v35, v5  }
0x490: {  	s14 =	simm.s32 $0x2;
	s15 =	simm.s32 $0x6D0;
	[tilespmem:s20+$0xFFFFFFA0] =	vst v46;
	v36 =	vmul.f32 v41, v44;
	v35 =	vmul.f32 v34, v49;
	v34 =	vld [tilespmem:s11+$0x70]  }
.LBB2_22:
0x491: {  	v40 =	vld [tilespmem:s15+$0x80];
	s1 =	sadd.s32 $0x20, s1;
	[tilespmem:s20+$0xFFFFFFB0] =	vst v38;
	v28 =	vmul.f32 v9, v28;
	v29 =	vmul.f32 v19, v29;
	v9 =	vmov v25  }
0x492: {  	s14 =	sadd.s32 $0x2, s14;
	v31 =	vmul.f32 v16, v31;
	v30 =	vmul.f32 v22, v30;
	v25 =	vld [tilespmem:s1+$0x0];
	[tilespmem:s20+$0xFFFFFFC0] =	vst v39;
	v19 =	vmov v24  }
0x493: {  	p0 =	slt.u32 s14, $0x7A;
	v24 =	vld [tilespmem:s1+$0xFFFFFFF0];
	v38 =	vpop (erf);
	[tilespmem:s20+$0xFFFFFFD0] =	vst v35;
	v16 =	vmov v26  }
0x494: {  	v26 =	vld [tilespmem:s15+$0xFFFFFFF0];
	v41 =	vperm.xlane v38, v1;
	v35 =	vperm.xlane v38, v8;
	[tilespmem:s20+$0xFFFFFFE0] =	vst v37;
	v22 =	vmov v27  }
0x495: {  	v42 =	vperm.xlane v38, v2;
	v43 =	vperm.xlane v38, v3;
	v27 =	vld [tilespmem:s15+$0xFFFFFF70];
	v37 =	vpop (erf);
	[tilespmem:s20+$0x0] =	vst v33  }
0x496: {  	v33 =	vld [tilespmem:s15+$0xFFFFFF80];
	v39 =	vperm.xlane v37, v1;
	v34 =	vmul.f32 v34, v35;
	[tilespmem:s20+$0x10] =	vst v36  }
0x497: {  	v36 =	vperm.xlane v37, v2;
	v35 =	vld [tilespmem:s15+$0xFFFFFF90];
	v25 =	vadd.f32 v25, v40;
	v40 =	vperm.xlane v37, v3;
	[tilespmem:s20+$0x20] =	vst v32  }
0x498: {  	v44 =	vperm.xlane v37, v4;
	v45 =	vperm.xlane v37, v5;
	v32 =	vld [tilespmem:s15+$0xFFFFFFA0];
	[tilespmem:s11+$0x70] =	vst v34  }
0x499: {  	v46 =	vperm.xlane v37, v6;
	v24 =	vadd.f32 v24, v26;
	v26 =	vld [tilespmem:s15+$0xFFFFFFB0];
	v34 =	vmul.f32 $2.000000030e-01, v25;
	[tilespmem:s20+$0x30] =	vst v28  }
0x49a: {  	v48 =	vperm.xlane v37, v7;
	v49 =	vperm.xlane v37, v8;
	v47 =	vld [tilespmem:s15+$0xFFFFFFC0];
	[tilespmem:s20+$0x40] =	vst v29  }
0x49b: {  	v28 =	vperm.xlane v38, v4;
	v50 =	vmul.f32 $2.000000030e-01, v24;
	v51 =	vld [tilespmem:s15+$0xFFFFFFD0];
	v25 =	vmax.f32 v25, v34;
	[tilespmem:s20+$0x50] =	vst v31  }
0x49c: {  	v29 =	vperm.xlane v38, v5;
	v34 =	vld [tilespmem:s15+$0xFFFFFFE0];
	v25 =	vmul.f32 $1.442695020e+00, v25;
	[tilespmem:s20+$0x60] =	vst v30;
	s20 =	smov.u32 s11;
	s11 =	smov.u32 s15  }
0x49d: {  	v31 =	vperm.xlane v38, v6;
	v30 =	vperm.xlane v38, v7;
	v24 =	vmax.f32 v24, v50;
	v50 =	vld [tilespmem:s15+$0x0];
	[tilespmem:s20+$0xFFFFFFF0] =	vst v37  }
0x49e: {  	v24 =	vmul.f32 $1.442695020e+00, v24;
	v52 =	vld [tilespmem:s15+$0x10];
	(erf) = vpow2.f32 v25;
	[tilespmem:s20+$0x80] =	vst v38  }
0x49f: {  	v36 =	vmul.f32 v11, v36;
	v11 =	vmovc v33;
	v37 =	vmul.f32 v10, v39;
	v10 =	vmov v27;
	v53 =	vld [tilespmem:s15+$0x20]  }
.Ltmp10:
0x4a0: {  	v33 =	vmul.f32 v12, v40;
	v12 =	vmov v35;
	v25 =	vld [tilespmem:s15+$0x30];
	(erf) = vpow2.f32 v24;
	(pc) =	sbr.rel @p0 .LBB2_22-.Ltmp10, $4  }
0x4a1: {  	v40 =	vmul.f32 v13, v44;
	v13 =	vmovc v32;
	v38 =	vmul.f32 v14, v45;
	v14 =	vmov v26;
	v24 =	vld [tilespmem:s15+$0x40];
	[tilespmem:s20+$0xFFFFFF70] =	vst v37  }
0x4a2: {  	v35 =	vmul.f32 v17, v48;
	v39 =	vmul.f32 v15, v46;
	v15 =	vmovc v47;
	v17 =	vmov v51;
	v26 =	vld [tilespmem:s15+$0x50];
	[tilespmem:s20+$0xFFFFFF80] =	vst v36  }
0x4a3: {  	v37 =	vmul.f32 v18, v49;
	v18 =	vmovc v34;
	v27 =	vld [tilespmem:s15+$0x60];
	[tilespmem:s20+$0xFFFFFF90] =	vst v33;
	v33 =	vmul.f32 v20, v41;
	v20 =	vmov v50  }
0x4a4: {  	v32 =	vmul.f32 v21, v43;
	v36 =	vmul.f32 v23, v42;
	s15 =	sadd.s32 $0x120, s15;
	v23 =	vmovc v52;
	v34 =	vld [tilespmem:s11+$0x70];
	[tilespmem:s20+$0xFFFFFFA0] =	vst v40;
	v21 =	vmov v53  }
0x4a5: {  	[tilespmem:s20+$0xFFFFFFB0] =	vst v38  }
0x4a6: {  	[tilespmem:s20+$0xFFFFFFC0] =	vst v39  }
0x4a7: {  	[tilespmem:s20+$0xFFFFFFD0] =	vst v35  }
0x4a8: {  	[tilespmem:s20+$0xFFFFFFE0] =	vst v37  }
0x4a9: {  	[tilespmem:s20+$0x0] =	vst v33  }
0x4aa: {  	v9 =	vmul.f32 v9, v28;
	[tilespmem:s20+$0x10] =	vst v36  }
0x4ab: {  	v19 =	vmul.f32 v19, v29;
	[tilespmem:s20+$0x20] =	vst v32  }
0x4ac: {  	v16 =	vmul.f32 v16, v31;
	[tilespmem:s20+$0x30] =	vst v9  }
0x4ad: {  	v53 =	vpop (erf);
	[tilespmem:s20+$0x40] =	vst v19  }
0x4ae: {  	v9 =	vmul.f32 v22, v30;
	[tilespmem:s20+$0x50] =	vst v16;
	v54 =	vperm.xlane v53, v8;
	v22 =	vpop (erf)  }
0x4af: {  	[tilespmem:s11+$0x80] =	vst v53;
	v19 =	vperm.xlane v22, v1  }
0x4b0: {  	[tilespmem:s20+$0x60] =	vst v9;
	v55 =	vmul.f32 v34, v54;
	v16 =	vperm.xlane v22, v2  }
0x4b1: {  	v9 =	vperm.xlane v22, v3;
	[tilespmem:s11+$0xFFFFFFF0] =	vst v22;
	v10 =	vmul.f32 v10, v19  }
0x4b2: {  	[tilespmem:s11+$0x70] =	vst v55;
	v19 =	vperm.xlane v22, v4;
	v11 =	vmul.f32 v11, v16  }
0x4b3: {  	v16 =	vperm.xlane v22, v5;
	v9 =	vmul.f32 v12, v9;
	[tilespmem:s11+$0xFFFFFF70] =	vst v10  }
0x4b4: {  	v10 =	vperm.xlane v22, v6;
	v12 =	vmul.f32 v13, v19;
	[tilespmem:s11+$0xFFFFFF80] =	vst v11  }
0x4b5: {  	v11 =	vperm.xlane v22, v7;
	v13 =	vmul.f32 v14, v16;
	[tilespmem:s11+$0xFFFFFF90] =	vst v9  }
0x4b6: {  	v9 =	vperm.xlane v22, v8;
	v10 =	vmul.f32 v15, v10;
	[tilespmem:s11+$0xFFFFFFA0] =	vst v12  }
0x4b7: {  	v12 =	vperm.xlane v53, v1;
	v11 =	vmul.f32 v17, v11;
	[tilespmem:s11+$0xFFFFFFB0] =	vst v13  }
0x4b8: {  	v13 =	vperm.xlane v53, v2;
	v9 =	vmul.f32 v18, v9;
	[tilespmem:s11+$0xFFFFFFC0] =	vst v10  }
0x4b9: {  	v10 =	vperm.xlane v53, v3;
	v12 =	vmul.f32 v20, v12;
	[tilespmem:s11+$0xFFFFFFD0] =	vst v11  }
0x4ba: {  	v11 =	vperm.xlane v53, v4;
	v13 =	vmul.f32 v23, v13;
	[tilespmem:s11+$0xFFFFFFE0] =	vst v9  }
0x4bb: {  	v9 =	vperm.xlane v53, v5;
	v10 =	vmul.f32 v21, v10;
	[tilespmem:s11+$0x0] =	vst v12  }
0x4bc: {  	v12 =	vperm.xlane v53, v6;
	v11 =	vmul.f32 v25, v11;
	[tilespmem:s11+$0x10] =	vst v13  }
0x4bd: {  	v13 =	vperm.xlane v53, v7;
	v9 =	vmul.f32 v24, v9;
	[tilespmem:s11+$0x20] =	vst v10  }
0x4be: {  	v10 =	vmul.f32 v26, v12;
	[tilespmem:s11+$0x30] =	vst v11  }
0x4bf: {  	v11 =	vmul.f32 v27, v13;
	[tilespmem:s11+$0x40] =	vst v9  }
0x4c0: {  	[tilespmem:s11+$0x50] =	vst v10  }
0x4c1: {  	[tilespmem:s11+$0x60] =	vst v11  }
0x4c2: {  	v9 =	vld [tilespmem:$0x4A40]  }
0x4c3: {  	v10 =	vld [tilespmem:$0x9860];
	_ =	sdelay $0x4  }
0x4c4: {  	v9 =	vadd.f32 v10, v9;
	_ =	sdelay $0x1  }
0x4c5: {  	v10 =	vmul.f32 $2.000000030e-01, v9;
	_ =	sdelay $0x1  }
0x4c6: {  	v9 =	vmax.f32 v9, v10  }
0x4c7: {  	v9 =	vmul.f32 $1.442695020e+00, v9;
	_ =	sdelay $0x1  }
0x4c8: {  	(erf) = vpow2.f32 v9;
	_ =	sdelay $0x6  }
0x4c9: {  	v9 =	vld [tilespmem:$0x49C0]  }
0x4ca: {  	v10 =	vld [tilespmem:$0x49D0]  }
0x4cb: {  	v12 =	vld [tilespmem:$0x49E0];
	v11 =	vpop (erf)  }
0x4cc: {  	v14 =	vld [tilespmem:$0x49F0];
	v13 =	vperm.xlane v11, v1  }
0x4cd: {  	v16 =	vld [tilespmem:$0x4A00];
	v15 =	vperm.xlane v11, v2  }
0x4ce: {  	v17 =	vld [tilespmem:$0x4A10];
	v9 =	vmul.f32 v9, v13;
	v13 =	vperm.xlane v11, v3  }
0x4cf: {  	v18 =	vld [tilespmem:$0x4A20];
	[tilespmem:$0x4A40] =	vst v11;
	v10 =	vmul.f32 v10, v15;
	v15 =	vperm.xlane v11, v4  }
0x4d0: {  	[tilespmem:$0x49C0] =	vst v9;
	v9 =	vmul.f32 v12, v13;
	v12 =	vperm.xlane v11, v5;
	v13 =	vld [tilespmem:$0x4A30]  }
0x4d1: {  	[tilespmem:$0x49D0] =	vst v10;
	v10 =	vmul.f32 v14, v15;
	v14 =	vperm.xlane v11, v6  }
0x4d2: {  	[tilespmem:$0x49E0] =	vst v9;
	v9 =	vmul.f32 v16, v12;
	v12 =	vperm.xlane v11, v7  }
0x4d3: {  	[tilespmem:$0x49F0] =	vst v10;
	v10 =	vmul.f32 v17, v14;
	v11 =	vperm.xlane v11, v8  }
0x4d4: {  	[tilespmem:$0x4A00] =	vst v9;
	v9 =	vmul.f32 v18, v12  }
0x4d5: {  	[tilespmem:$0x4A10] =	vst v10;
	v10 =	vmul.f32 v13, v11  }
0x4d6: {  	[tilespmem:$0x4A20] =	vst v9  }
0x4d7: {  	[tilespmem:$0x4A30] =	vst v10  }
0x4d8: {  	[spmem:s2] =	stream.indirect.scatter.add.f32 [tilespmem:s26], [sflag:$0x7], $0x90, s29, s31, $0xb8;
	v63 =	vld [tilespmem:$0x0]  }
0x4d9: {  	_ =	swait.ge [sflag:s17], $0x4650  }
0x4da: {  	[sflag:s17] =	ssyncset.done $0x0  }
0x4db: {  	[sflag:s17] =	ssyncadd.s32 $0xFFFFB9B0  }
0x4dc: {  	_ =	swait.ge [sflag:s18], $0x7D0  }
0x4dd: {  	[sflag:s18] =	ssyncset.done $0x0  }
0x4de: {  	[sflag:s18] =	ssyncadd.s32 $0xFFFFF830  }
0x4df: {  	_ =	swait.ge [sflag:s19], $0x100  }
0x4e0: {  	[sflag:s19] =	ssyncset.done $0x0  }
0x4e1: {  	[sflag:s19] =	ssyncadd.s32 $0xFFFFFF00  }
0x4e2: {  	_ =	swait.ge [sflag:s19], $0x100  }
0x4e3: {  	[sflag:s19] =	ssyncset.done $0x0  }
0x4e4: {  	[sflag:s19] =	ssyncadd.s32 $0xFFFFFF00  }
0x4e5: {  	_ =	swait.ge [sflag:s21], $0x4650  }
0x4e6: {  	[sflag:s21] =	ssyncset.done $0x0  }
0x4e7: {  	[sflag:s21] =	ssyncadd.s32 $0xFFFFB9B0  }
0x4e8: {  	[tilespmem:s26], [sflag:$0x1] =	stream.indirect.gather [hbm4b:s5+s31], $0x90, s3, s31, $0xb8;
	v63 =	vld [tilespmem:$0x0]  }
0x4e9: {  	s20 =	simm.s32 $0x4AE0  }
0x4ea: {  	[tilespmem:s0], [sflag:$0x2] =	stream.indirect.gather [hbm4b:s6+s31], $0x10, s8, s31, $0xb8;
	v63 =	vld [tilespmem:$0x0]  }
0x4eb: {  	s1 =	simm.s32 $0x9880;
	v9 =	vld [tilespmem:s20+$0x80]  }
0x4ec: {  	v10 =	vld [tilespmem:s1+$0x0]  }
0x4ed: {  	v11 =	vld [tilespmem:s1+$0xFFFFFFF0]  }
0x4ee: {  	v12 =	vld [tilespmem:s20+$0xFFFFFFF0]  }
0x4ef: {  	v24 =	vld [tilespmem:s20+$0xFFFFFF70]  }
0x4f0: {  	v25 =	vld [tilespmem:s20+$0xFFFFFF80]  }
0x4f1: {  	v26 =	vld [tilespmem:s20+$0xFFFFFF90]  }
0x4f2: {  	v27 =	vld [tilespmem:s20+$0xFFFFFFA0];
	v9 =	vadd.f32 v10, v9  }
0x4f3: {  	v32 =	vld [tilespmem:s20+$0xFFFFFFB0];
	v10 =	vadd.f32 v11, v12  }
0x4f4: {  	v33 =	vld [tilespmem:s20+$0xFFFFFFC0];
	v11 =	vmul.f32 $2.000000030e-01, v9  }
0x4f5: {  	v34 =	vld [tilespmem:s20+$0xFFFFFFD0];
	v12 =	vmul.f32 $2.000000030e-01, v10  }
0x4f6: {  	s11 =	simm.s32 $0x4C00;
	v56 =	vld [tilespmem:s20+$0xFFFFFFE0];
	v9 =	vmax.f32 v9, v11  }
0x4f7: {  	s1 =	simm.s32 $0x98A0;
	v17 =	vld [tilespmem:s11+$0xFFFFFFF0];
	v10 =	vmax.f32 v10, v12;
	v9 =	vmul.f32 $1.442695020e+00, v9  }
0x4f8: {  	v15 =	vld [tilespmem:s1+$0xFFFFFFF0];
	v10 =	vmul.f32 $1.442695020e+00, v10  }
0x4f9: {  	v40 =	vld [tilespmem:s20+$0x0];
	(erf) = vpow2.f32 v9  }
0x4fa: {  	v41 =	vld [tilespmem:s20+$0x10];
	(erf) = vpow2.f32 v10  }
0x4fb: {  	v42 =	vld [tilespmem:s20+$0x20]  }
0x4fc: {  	v19 =	vld [tilespmem:s20+$0x40]  }
0x4fd: {  	v16 =	vld [tilespmem:s20+$0x50];
	v20 =	vadd.f32 v15, v17  }
0x4fe: {  	v13 =	vld [tilespmem:s11+$0x80]  }
0x4ff: {  	v14 =	vld [tilespmem:s1+$0x0];
	v30 =	vmul.f32 $2.000000030e-01, v20  }
0x500: {  	v12 =	vld [tilespmem:s20+$0x70]  }
0x501: {  	v22 =	vld [tilespmem:s20+$0x60];
	v52 =	vmax.f32 v20, v30  }
0x502: {  	v15 =	vld [tilespmem:s11+$0xFFFFFFC0];
	v52 =	vmul.f32 $1.442695020e+00, v52;
	v57 =	vpop (erf)  }
0x503: {  	v17 =	vld [tilespmem:s11+$0xFFFFFFD0];
	v43 =	vperm.xlane v57, v1;
	v18 =	vperm.xlane v57, v8;
	v21 =	vpop (erf)  }
0x504: {  	v11 =	vld [tilespmem:s11+$0xFFFFFF80];
	v58 =	vperm.xlane v21, v1;
	v59 =	vperm.xlane v21, v2  }
0x505: {  	v20 =	vld [tilespmem:s11+$0x0];
	v60 =	vperm.xlane v21, v3;
	v23 =	vmul.f32 v12, v18;
	v18 =	vadd.f32 v14, v13  }
0x506: {  	v9 =	vld [tilespmem:s20+$0x30];
	v46 =	vperm.xlane v21, v4;
	v47 =	vperm.xlane v21, v5  }
0x507: {  	v10 =	vld [tilespmem:s11+$0xFFFFFF70];
	v48 =	vperm.xlane v21, v6;
	v28 =	vmul.f32 $2.000000030e-01, v18  }
0x508: {  	v49 =	vperm.xlane v21, v7;
	v50 =	vperm.xlane v21, v8;
	[tilespmem:s20+$0xFFFFFFF0] =	vst v21;
	v21 =	vld [tilespmem:s11+$0x20]  }
0x509: {  	v44 =	vperm.xlane v57, v2;
	v45 =	vperm.xlane v57, v3;
	v12 =	vld [tilespmem:s11+$0xFFFFFF90];
	v29 =	vmax.f32 v18, v28  }
0x50a: {  	v31 =	vperm.xlane v57, v6;
	v13 =	vld [tilespmem:s11+$0xFFFFFFA0];
	v51 =	vmul.f32 $1.442695020e+00, v29  }
0x50b: {  	v30 =	vperm.xlane v57, v7;
	v14 =	vld [tilespmem:s11+$0xFFFFFFB0];
	v36 =	vmul.f32 v41, v44  }
0x50c: {  	v61 =	vmul.f32 v25, v59;
	v25 =	vld [tilespmem:s11+$0x30];
	(erf) = vpow2.f32 v51  }
0x50d: {  	[tilespmem:s20+$0x80] =	vst v57;
	v37 =	vmul.f32 v24, v58;
	v62 =	vmul.f32 v26, v60;
	v24 =	vld [tilespmem:s11+$0x40]  }
0x50e: {  	v46 =	vmul.f32 v27, v46;
	v26 =	vld [tilespmem:s11+$0x50];
	[tilespmem:s20+$0x70] =	vst v23;
	(erf) = vpow2.f32 v52  }
0x50f: {  	v38 =	vmul.f32 v32, v47;
	v39 =	vmul.f32 v33, v48;
	v27 =	vld [tilespmem:s11+$0x60];
	[tilespmem:s20+$0xFFFFFF70] =	vst v37  }
0x510: {  	v35 =	vmul.f32 v34, v49;
	v33 =	vmul.f32 v40, v43;
	v34 =	vld [tilespmem:s11+$0x70];
	[tilespmem:s20+$0xFFFFFF80] =	vst v61  }
0x511: {  	v23 =	vld [tilespmem:s11+$0x10];
	[tilespmem:s20+$0xFFFFFF90] =	vst v62;
	v28 =	vperm.xlane v57, v4;
	v29 =	vperm.xlane v57, v5  }
0x512: {  	s14 =	simm.s32 $0x2;
	s15 =	simm.s32 $0x4D20;
	v32 =	vmul.f32 v42, v45;
	v37 =	vmul.f32 v56, v50;
	[tilespmem:s20+$0xFFFFFFA0] =	vst v46;
	v18 =	vld [tilespmem:s11+$0xFFFFFFE0]  }
.LBB2_24:
0x513: {  	v40 =	vld [tilespmem:s15+$0x80];
	s1 =	sadd.s32 $0x20, s1;
	[tilespmem:s20+$0xFFFFFFB0] =	vst v38;
	v28 =	vmul.f32 v9, v28;
	v29 =	vmul.f32 v19, v29;
	v9 =	vmov v25  }
0x514: {  	s14 =	sadd.s32 $0x2, s14;
	v31 =	vmul.f32 v16, v31;
	v30 =	vmul.f32 v22, v30;
	v25 =	vld [tilespmem:s1+$0x0];
	[tilespmem:s20+$0xFFFFFFC0] =	vst v39;
	v19 =	vmov v24  }
0x515: {  	p0 =	slt.u32 s14, $0x7A;
	v24 =	vld [tilespmem:s1+$0xFFFFFFF0];
	v38 =	vpop (erf);
	[tilespmem:s20+$0xFFFFFFD0] =	vst v35;
	v16 =	vmov v26  }
0x516: {  	v26 =	vld [tilespmem:s15+$0xFFFFFFF0];
	v41 =	vperm.xlane v38, v1;
	v35 =	vperm.xlane v38, v8;
	[tilespmem:s20+$0xFFFFFFE0] =	vst v37;
	v22 =	vmov v27  }
0x517: {  	v42 =	vperm.xlane v38, v2;
	v43 =	vperm.xlane v38, v3;
	v27 =	vld [tilespmem:s15+$0xFFFFFF70];
	v37 =	vpop (erf);
	[tilespmem:s20+$0x0] =	vst v33  }
0x518: {  	v33 =	vld [tilespmem:s15+$0xFFFFFF80];
	v39 =	vperm.xlane v37, v1;
	v34 =	vmul.f32 v34, v35;
	[tilespmem:s20+$0x10] =	vst v36  }
0x519: {  	v36 =	vperm.xlane v37, v2;
	v35 =	vld [tilespmem:s15+$0xFFFFFF90];
	v25 =	vadd.f32 v25, v40;
	v40 =	vperm.xlane v37, v3;
	[tilespmem:s20+$0x20] =	vst v32  }
0x51a: {  	v44 =	vperm.xlane v37, v4;
	v45 =	vperm.xlane v37, v5;
	v32 =	vld [tilespmem:s15+$0xFFFFFFA0];
	[tilespmem:s11+$0x70] =	vst v34  }
0x51b: {  	v46 =	vperm.xlane v37, v6;
	v24 =	vadd.f32 v24, v26;
	v26 =	vld [tilespmem:s15+$0xFFFFFFB0];
	v34 =	vmul.f32 $2.000000030e-01, v25;
	[tilespmem:s20+$0x30] =	vst v28  }
0x51c: {  	v48 =	vperm.xlane v37, v7;
	v49 =	vperm.xlane v37, v8;
	v47 =	vld [tilespmem:s15+$0xFFFFFFC0];
	[tilespmem:s20+$0x40] =	vst v29  }
0x51d: {  	v28 =	vperm.xlane v38, v4;
	v50 =	vmul.f32 $2.000000030e-01, v24;
	v51 =	vld [tilespmem:s15+$0xFFFFFFD0];
	v25 =	vmax.f32 v25, v34;
	[tilespmem:s20+$0x50] =	vst v31  }
0x51e: {  	v29 =	vperm.xlane v38, v5;
	v34 =	vld [tilespmem:s15+$0xFFFFFFE0];
	v25 =	vmul.f32 $1.442695020e+00, v25;
	[tilespmem:s20+$0x60] =	vst v30;
	s20 =	smov.u32 s11;
	s11 =	smov.u32 s15  }
0x51f: {  	v31 =	vperm.xlane v38, v6;
	v30 =	vperm.xlane v38, v7;
	v24 =	vmax.f32 v24, v50;
	v50 =	vld [tilespmem:s15+$0x0];
	[tilespmem:s20+$0xFFFFFFF0] =	vst v37  }
0x520: {  	v24 =	vmul.f32 $1.442695020e+00, v24;
	v52 =	vld [tilespmem:s15+$0x10];
	(erf) = vpow2.f32 v25;
	[tilespmem:s20+$0x80] =	vst v38  }
0x521: {  	v36 =	vmul.f32 v11, v36;
	v11 =	vmovc v33;
	v37 =	vmul.f32 v10, v39;
	v10 =	vmov v27;
	v53 =	vld [tilespmem:s15+$0x20]  }
.Ltmp11:
0x522: {  	v33 =	vmul.f32 v12, v40;
	v12 =	vmov v35;
	v25 =	vld [tilespmem:s15+$0x30];
	(erf) = vpow2.f32 v24;
	(pc) =	sbr.rel @p0 .LBB2_24-.Ltmp11, $4  }
0x523: {  	v40 =	vmul.f32 v13, v44;
	v13 =	vmovc v32;
	v38 =	vmul.f32 v14, v45;
	v14 =	vmov v26;
	v24 =	vld [tilespmem:s15+$0x40];
	[tilespmem:s20+$0xFFFFFF70] =	vst v37  }
0x524: {  	v35 =	vmul.f32 v17, v48;
	v39 =	vmul.f32 v15, v46;
	v15 =	vmovc v47;
	v17 =	vmov v51;
	v26 =	vld [tilespmem:s15+$0x50];
	[tilespmem:s20+$0xFFFFFF80] =	vst v36  }
0x525: {  	v37 =	vmul.f32 v18, v49;
	v18 =	vmovc v34;
	v27 =	vld [tilespmem:s15+$0x60];
	[tilespmem:s20+$0xFFFFFF90] =	vst v33;
	v33 =	vmul.f32 v20, v41;
	v20 =	vmov v50  }
0x526: {  	v32 =	vmul.f32 v21, v43;
	v36 =	vmul.f32 v23, v42;
	s15 =	sadd.s32 $0x120, s15;
	v23 =	vmovc v52;
	v34 =	vld [tilespmem:s11+$0x70];
	[tilespmem:s20+$0xFFFFFFA0] =	vst v40;
	v21 =	vmov v53  }
0x527: {  	[tilespmem:s20+$0xFFFFFFB0] =	vst v38  }
0x528: {  	[tilespmem:s20+$0xFFFFFFC0] =	vst v39  }
0x529: {  	[tilespmem:s20+$0xFFFFFFD0] =	vst v35  }
0x52a: {  	[tilespmem:s20+$0xFFFFFFE0] =	vst v37  }
0x52b: {  	[tilespmem:s20+$0x0] =	vst v33  }
0x52c: {  	v9 =	vmul.f32 v9, v28;
	[tilespmem:s20+$0x10] =	vst v36  }
0x52d: {  	v19 =	vmul.f32 v19, v29;
	[tilespmem:s20+$0x20] =	vst v32  }
0x52e: {  	v16 =	vmul.f32 v16, v31;
	[tilespmem:s20+$0x30] =	vst v9  }
0x52f: {  	v53 =	vpop (erf);
	[tilespmem:s20+$0x40] =	vst v19  }
0x530: {  	v9 =	vmul.f32 v22, v30;
	[tilespmem:s20+$0x50] =	vst v16;
	v54 =	vperm.xlane v53, v8;
	v22 =	vpop (erf)  }
0x531: {  	[tilespmem:s11+$0x80] =	vst v53;
	v19 =	vperm.xlane v22, v1  }
0x532: {  	[tilespmem:s20+$0x60] =	vst v9;
	v55 =	vmul.f32 v34, v54;
	v16 =	vperm.xlane v22, v2  }
0x533: {  	v9 =	vperm.xlane v22, v3;
	[tilespmem:s11+$0xFFFFFFF0] =	vst v22;
	v10 =	vmul.f32 v10, v19  }
0x534: {  	[tilespmem:s11+$0x70] =	vst v55;
	v19 =	vperm.xlane v22, v4;
	v11 =	vmul.f32 v11, v16  }
0x535: {  	v16 =	vperm.xlane v22, v5;
	v9 =	vmul.f32 v12, v9;
	[tilespmem:s11+$0xFFFFFF70] =	vst v10  }
0x536: {  	v10 =	vperm.xlane v22, v6;
	v12 =	vmul.f32 v13, v19;
	[tilespmem:s11+$0xFFFFFF80] =	vst v11  }
0x537: {  	v11 =	vperm.xlane v22, v7;
	v13 =	vmul.f32 v14, v16;
	[tilespmem:s11+$0xFFFFFF90] =	vst v9  }
0x538: {  	v9 =	vperm.xlane v22, v8;
	v10 =	vmul.f32 v15, v10;
	[tilespmem:s11+$0xFFFFFFA0] =	vst v12  }
0x539: {  	v12 =	vperm.xlane v53, v1;
	v11 =	vmul.f32 v17, v11;
	[tilespmem:s11+$0xFFFFFFB0] =	vst v13  }
0x53a: {  	v13 =	vperm.xlane v53, v2;
	v9 =	vmul.f32 v18, v9;
	[tilespmem:s11+$0xFFFFFFC0] =	vst v10  }
0x53b: {  	v10 =	vperm.xlane v53, v3;
	v12 =	vmul.f32 v20, v12;
	[tilespmem:s11+$0xFFFFFFD0] =	vst v11  }
0x53c: {  	v11 =	vperm.xlane v53, v4;
	v13 =	vmul.f32 v23, v13;
	[tilespmem:s11+$0xFFFFFFE0] =	vst v9  }
0x53d: {  	v9 =	vperm.xlane v53, v5;
	v10 =	vmul.f32 v21, v10;
	[tilespmem:s11+$0x0] =	vst v12  }
0x53e: {  	v12 =	vperm.xlane v53, v6;
	v11 =	vmul.f32 v25, v11;
	[tilespmem:s11+$0x10] =	vst v13  }
0x53f: {  	v13 =	vperm.xlane v53, v7;
	v9 =	vmul.f32 v24, v9;
	[tilespmem:s11+$0x20] =	vst v10  }
0x540: {  	v10 =	vmul.f32 v26, v12;
	[tilespmem:s11+$0x30] =	vst v11  }
0x541: {  	v11 =	vmul.f32 v27, v13;
	[tilespmem:s11+$0x40] =	vst v9  }
0x542: {  	[tilespmem:s11+$0x50] =	vst v10  }
0x543: {  	[tilespmem:s11+$0x60] =	vst v11  }
0x544: {  	v9 =	vld [tilespmem:$0x9090]  }
0x545: {  	v10 =	vld [tilespmem:$0xA030];
	_ =	sdelay $0x4  }
0x546: {  	v9 =	vadd.f32 v10, v9;
	_ =	sdelay $0x1  }
0x547: {  	v10 =	vmul.f32 $2.000000030e-01, v9;
	_ =	sdelay $0x1  }
0x548: {  	v9 =	vmax.f32 v9, v10  }
0x549: {  	v9 =	vmul.f32 $1.442695020e+00, v9;
	_ =	sdelay $0x1  }
0x54a: {  	(erf) = vpow2.f32 v9;
	_ =	sdelay $0x6  }
0x54b: {  	v9 =	vld [tilespmem:$0x9010]  }
0x54c: {  	v10 =	vld [tilespmem:$0x9020]  }
0x54d: {  	v12 =	vld [tilespmem:$0x9030];
	v11 =	vpop (erf)  }
0x54e: {  	v14 =	vld [tilespmem:$0x9040];
	v13 =	vperm.xlane v11, v1  }
0x54f: {  	v16 =	vld [tilespmem:$0x9050];
	v15 =	vperm.xlane v11, v2  }
0x550: {  	v17 =	vld [tilespmem:$0x9060];
	v9 =	vmul.f32 v9, v13;
	v13 =	vperm.xlane v11, v3  }
0x551: {  	v18 =	vld [tilespmem:$0x9070];
	[tilespmem:$0x9090] =	vst v11;
	v10 =	vmul.f32 v10, v15;
	v15 =	vperm.xlane v11, v4  }
0x552: {  	[tilespmem:$0x9010] =	vst v9;
	v9 =	vmul.f32 v12, v13;
	v12 =	vperm.xlane v11, v5;
	v13 =	vld [tilespmem:$0x9080]  }
0x553: {  	[tilespmem:$0x9020] =	vst v10;
	v10 =	vmul.f32 v14, v15;
	v14 =	vperm.xlane v11, v6  }
0x554: {  	[tilespmem:$0x9030] =	vst v9;
	v9 =	vmul.f32 v16, v12;
	v12 =	vperm.xlane v11, v7  }
0x555: {  	[tilespmem:$0x9040] =	vst v10;
	v10 =	vmul.f32 v17, v14;
	v11 =	vperm.xlane v11, v8  }
0x556: {  	[tilespmem:$0x9050] =	vst v9;
	v9 =	vmul.f32 v18, v12  }
0x557: {  	[tilespmem:$0x9060] =	vst v10;
	v10 =	vmul.f32 v13, v11  }
0x558: {  	[tilespmem:$0x9070] =	vst v9  }
0x559: {  	[tilespmem:$0x9080] =	vst v10  }
0x55a: {  	[spmem:s2] =	stream.indirect.scatter.add.f32 [tilespmem:s12], [sflag:$0x8], $0x90, s13, s31, $0xb8;
	v63 =	vld [tilespmem:$0x0]  }
0x55b: {  	_ =	swait.ge [sflag:s9], $0x4650  }
0x55c: {  	[sflag:s9] =	ssyncset.done $0x0  }
0x55d: {  	[sflag:s9] =	ssyncadd.s32 $0xFFFFB9B0  }
0x55e: {  	_ =	swait.ge [sflag:s10], $0x7D0  }
0x55f: {  	[sflag:s10] =	ssyncset.done $0x0  }
0x560: {  	[sflag:s10] =	ssyncadd.s32 $0xFFFFF830  }
0x561: {  	_ =	swait.ge [sflag:s22], $0x4650  }
0x562: {  	[sflag:s22] =	ssyncset.done $0x0  }
0x563: {  	s1 =	simm.s32 $0x280;
	[sflag:s22] =	ssyncadd.s32 $0xFFFFB9B0  }
0x564: {  	[tilespmem:s12], [sflag:$0x3] =	stream.indirect.gather [hbm4b:s5+s31], $0x90, s1, s31, $0xb8;
	v63 =	vld [tilespmem:$0x0]  }
0x565: {  	s20 =	simm.s32 $0x490  }
0x566: {  	[tilespmem:s16], [sflag:$0x4] =	stream.indirect.gather [hbm4b:s6+s31], $0x10, s24, s31, $0xb8;
	v63 =	vld [tilespmem:$0x0]  }
0x567: {  	s25 =	simm.s32 $0x90B0;
	v9 =	vld [tilespmem:s20+$0x80]  }
0x568: {  	v10 =	vld [tilespmem:s25+$0x0]  }
0x569: {  	v11 =	vld [tilespmem:s25+$0xFFFFFFF0]  }
0x56a: {  	v12 =	vld [tilespmem:s20+$0xFFFFFFF0]  }
0x56b: {  	v24 =	vld [tilespmem:s20+$0xFFFFFF70]  }
0x56c: {  	v25 =	vld [tilespmem:s20+$0xFFFFFF80]  }
0x56d: {  	v26 =	vld [tilespmem:s20+$0xFFFFFF90]  }
0x56e: {  	v27 =	vld [tilespmem:s20+$0xFFFFFFA0];
	v9 =	vadd.f32 v10, v9  }
0x56f: {  	v32 =	vld [tilespmem:s20+$0xFFFFFFB0];
	v10 =	vadd.f32 v11, v12  }
0x570: {  	v33 =	vld [tilespmem:s20+$0xFFFFFFC0];
	v11 =	vmul.f32 $2.000000030e-01, v9  }
0x571: {  	v34 =	vld [tilespmem:s20+$0xFFFFFFD0];
	v12 =	vmul.f32 $2.000000030e-01, v10  }
0x572: {  	s1 =	simm.s32 $0x90D0;
	v56 =	vld [tilespmem:s20+$0xFFFFFFE0];
	v9 =	vmax.f32 v9, v11  }
0x573: {  	s11 =	simm.s32 $0x5B0;
	v15 =	vld [tilespmem:s1+$0xFFFFFFF0];
	v10 =	vmax.f32 v10, v12;
	v9 =	vmul.f32 $1.442695020e+00, v9  }
0x574: {  	v17 =	vld [tilespmem:s11+$0xFFFFFFF0];
	v10 =	vmul.f32 $1.442695020e+00, v10  }
0x575: {  	v40 =	vld [tilespmem:s20+$0x0];
	(erf) = vpow2.f32 v9  }
0x576: {  	v41 =	vld [tilespmem:s20+$0x10];
	(erf) = vpow2.f32 v10  }
0x577: {  	v42 =	vld [tilespmem:s20+$0x20]  }
0x578: {  	v19 =	vld [tilespmem:s20+$0x40]  }
0x579: {  	v16 =	vld [tilespmem:s20+$0x50];
	v20 =	vadd.f32 v15, v17  }
0x57a: {  	v13 =	vld [tilespmem:s11+$0x80]  }
0x57b: {  	v14 =	vld [tilespmem:s1+$0x0];
	v30 =	vmul.f32 $2.000000030e-01, v20  }
0x57c: {  	v12 =	vld [tilespmem:s20+$0x70]  }
0x57d: {  	v22 =	vld [tilespmem:s20+$0x60];
	v52 =	vmax.f32 v20, v30  }
0x57e: {  	v15 =	vld [tilespmem:s11+$0xFFFFFFC0];
	v52 =	vmul.f32 $1.442695020e+00, v52;
	v57 =	vpop (erf)  }
0x57f: {  	v17 =	vld [tilespmem:s11+$0xFFFFFFD0];
	v43 =	vperm.xlane v57, v1;
	v18 =	vperm.xlane v57, v8;
	v21 =	vpop (erf)  }
0x580: {  	v11 =	vld [tilespmem:s11+$0xFFFFFF80];
	v58 =	vperm.xlane v21, v1;
	v59 =	vperm.xlane v21, v2  }
0x581: {  	v20 =	vld [tilespmem:s11+$0x0];
	v60 =	vperm.xlane v21, v3;
	v23 =	vmul.f32 v12, v18;
	v18 =	vadd.f32 v14, v13  }
0x582: {  	v9 =	vld [tilespmem:s20+$0x30];
	v46 =	vperm.xlane v21, v4;
	v47 =	vperm.xlane v21, v5  }
0x583: {  	v10 =	vld [tilespmem:s11+$0xFFFFFF70];
	v48 =	vperm.xlane v21, v6;
	v28 =	vmul.f32 $2.000000030e-01, v18  }
0x584: {  	v49 =	vperm.xlane v21, v7;
	v50 =	vperm.xlane v21, v8;
	[tilespmem:s20+$0xFFFFFFF0] =	vst v21;
	v21 =	vld [tilespmem:s11+$0x20]  }
0x585: {  	v44 =	vperm.xlane v57, v2;
	v45 =	vperm.xlane v57, v3;
	v12 =	vld [tilespmem:s11+$0xFFFFFF90];
	v29 =	vmax.f32 v18, v28  }
0x586: {  	v31 =	vperm.xlane v57, v6;
	v13 =	vld [tilespmem:s11+$0xFFFFFFA0];
	v51 =	vmul.f32 $1.442695020e+00, v29  }
0x587: {  	v30 =	vperm.xlane v57, v7;
	v14 =	vld [tilespmem:s11+$0xFFFFFFB0];
	v36 =	vmul.f32 v41, v44  }
0x588: {  	v61 =	vmul.f32 v25, v59;
	v25 =	vld [tilespmem:s11+$0x30];
	(erf) = vpow2.f32 v51  }
0x589: {  	[tilespmem:s20+$0x80] =	vst v57;
	v37 =	vmul.f32 v24, v58;
	v62 =	vmul.f32 v26, v60;
	v24 =	vld [tilespmem:s11+$0x40]  }
0x58a: {  	v46 =	vmul.f32 v27, v46;
	v26 =	vld [tilespmem:s11+$0x50];
	[tilespmem:s20+$0x70] =	vst v23;
	(erf) = vpow2.f32 v52  }
0x58b: {  	v38 =	vmul.f32 v32, v47;
	v39 =	vmul.f32 v33, v48;
	v27 =	vld [tilespmem:s11+$0x60];
	[tilespmem:s20+$0xFFFFFF70] =	vst v37  }
0x58c: {  	v35 =	vmul.f32 v34, v49;
	v33 =	vmul.f32 v40, v43;
	v34 =	vld [tilespmem:s11+$0x70];
	[tilespmem:s20+$0xFFFFFF80] =	vst v61  }
0x58d: {  	v23 =	vld [tilespmem:s11+$0x10];
	[tilespmem:s20+$0xFFFFFF90] =	vst v62;
	v28 =	vperm.xlane v57, v4;
	v29 =	vperm.xlane v57, v5  }
0x58e: {  	s14 =	simm.s32 $0x2;
	s15 =	simm.s32 $0x6D0;
	v32 =	vmul.f32 v42, v45;
	v37 =	vmul.f32 v56, v50;
	[tilespmem:s20+$0xFFFFFFA0] =	vst v46;
	v18 =	vld [tilespmem:s11+$0xFFFFFFE0]  }
.LBB2_26:
0x58f: {  	v40 =	vld [tilespmem:s15+$0x80];
	s1 =	sadd.s32 $0x20, s1;
	[tilespmem:s20+$0xFFFFFFB0] =	vst v38;
	v28 =	vmul.f32 v9, v28;
	v29 =	vmul.f32 v19, v29;
	v9 =	vmov v25  }
0x590: {  	s14 =	sadd.s32 $0x2, s14;
	v31 =	vmul.f32 v16, v31;
	v30 =	vmul.f32 v22, v30;
	v25 =	vld [tilespmem:s1+$0x0];
	[tilespmem:s20+$0xFFFFFFC0] =	vst v39;
	v19 =	vmov v24  }
0x591: {  	p0 =	slt.u32 s14, $0x7A;
	v24 =	vld [tilespmem:s1+$0xFFFFFFF0];
	v38 =	vpop (erf);
	[tilespmem:s20+$0xFFFFFFD0] =	vst v35;
	v16 =	vmov v26  }
0x592: {  	v26 =	vld [tilespmem:s15+$0xFFFFFFF0];
	v41 =	vperm.xlane v38, v1;
	v35 =	vperm.xlane v38, v8;
	[tilespmem:s20+$0xFFFFFFE0] =	vst v37;
	v22 =	vmov v27  }
0x593: {  	v42 =	vperm.xlane v38, v2;
	v43 =	vperm.xlane v38, v3;
	v27 =	vld [tilespmem:s15+$0xFFFFFF70];
	v37 =	vpop (erf);
	[tilespmem:s20+$0x0] =	vst v33  }
0x594: {  	v33 =	vld [tilespmem:s15+$0xFFFFFF80];
	v39 =	vperm.xlane v37, v1;
	v34 =	vmul.f32 v34, v35;
	[tilespmem:s20+$0x10] =	vst v36  }
0x595: {  	v36 =	vperm.xlane v37, v2;
	v35 =	vld [tilespmem:s15+$0xFFFFFF90];
	v25 =	vadd.f32 v25, v40;
	v40 =	vperm.xlane v37, v3;
	[tilespmem:s20+$0x20] =	vst v32  }
0x596: {  	v44 =	vperm.xlane v37, v4;
	v45 =	vperm.xlane v37, v5;
	v32 =	vld [tilespmem:s15+$0xFFFFFFA0];
	[tilespmem:s11+$0x70] =	vst v34  }
0x597: {  	v46 =	vperm.xlane v37, v6;
	v24 =	vadd.f32 v24, v26;
	v26 =	vld [tilespmem:s15+$0xFFFFFFB0];
	v34 =	vmul.f32 $2.000000030e-01, v25;
	[tilespmem:s20+$0x30] =	vst v28  }
0x598: {  	v48 =	vperm.xlane v37, v7;
	v49 =	vperm.xlane v37, v8;
	v47 =	vld [tilespmem:s15+$0xFFFFFFC0];
	[tilespmem:s20+$0x40] =	vst v29  }
0x599: {  	v28 =	vperm.xlane v38, v4;
	v50 =	vmul.f32 $2.000000030e-01, v24;
	v51 =	vld [tilespmem:s15+$0xFFFFFFD0];
	v25 =	vmax.f32 v25, v34;
	[tilespmem:s20+$0x50] =	vst v31  }
0x59a: {  	v29 =	vperm.xlane v38, v5;
	v34 =	vld [tilespmem:s15+$0xFFFFFFE0];
	v25 =	vmul.f32 $1.442695020e+00, v25;
	[tilespmem:s20+$0x60] =	vst v30;
	s20 =	smov.u32 s11;
	s11 =	smov.u32 s15  }
0x59b: {  	v31 =	vperm.xlane v38, v6;
	v30 =	vperm.xlane v38, v7;
	v24 =	vmax.f32 v24, v50;
	v50 =	vld [tilespmem:s15+$0x0];
	[tilespmem:s20+$0xFFFFFFF0] =	vst v37  }
0x59c: {  	v24 =	vmul.f32 $1.442695020e+00, v24;
	v52 =	vld [tilespmem:s15+$0x10];
	(erf) = vpow2.f32 v25;
	[tilespmem:s20+$0x80] =	vst v38  }
0x59d: {  	v36 =	vmul.f32 v11, v36;
	v11 =	vmovc v33;
	v37 =	vmul.f32 v10, v39;
	v10 =	vmov v27;
	v53 =	vld [tilespmem:s15+$0x20]  }
.Ltmp12:
0x59e: {  	v33 =	vmul.f32 v12, v40;
	v12 =	vmov v35;
	v25 =	vld [tilespmem:s15+$0x30];
	(erf) = vpow2.f32 v24;
	(pc) =	sbr.rel @p0 .LBB2_26-.Ltmp12, $4  }
0x59f: {  	v40 =	vmul.f32 v13, v44;
	v13 =	vmovc v32;
	v38 =	vmul.f32 v14, v45;
	v14 =	vmov v26;
	v24 =	vld [tilespmem:s15+$0x40];
	[tilespmem:s20+$0xFFFFFF70] =	vst v37  }
0x5a0: {  	v35 =	vmul.f32 v17, v48;
	v39 =	vmul.f32 v15, v46;
	v15 =	vmovc v47;
	v17 =	vmov v51;
	v26 =	vld [tilespmem:s15+$0x50];
	[tilespmem:s20+$0xFFFFFF80] =	vst v36  }
0x5a1: {  	v37 =	vmul.f32 v18, v49;
	v18 =	vmovc v34;
	v27 =	vld [tilespmem:s15+$0x60];
	[tilespmem:s20+$0xFFFFFF90] =	vst v33;
	v33 =	vmul.f32 v20, v41;
	v20 =	vmov v50  }
0x5a2: {  	v32 =	vmul.f32 v21, v43;
	v36 =	vmul.f32 v23, v42;
	s15 =	sadd.s32 $0x120, s15;
	v23 =	vmovc v52;
	v34 =	vld [tilespmem:s11+$0x70];
	[tilespmem:s20+$0xFFFFFFA0] =	vst v40;
	v21 =	vmov v53  }
0x5a3: {  	[tilespmem:s20+$0xFFFFFFB0] =	vst v38  }
0x5a4: {  	[tilespmem:s20+$0xFFFFFFC0] =	vst v39  }
0x5a5: {  	[tilespmem:s20+$0xFFFFFFD0] =	vst v35  }
0x5a6: {  	[tilespmem:s20+$0xFFFFFFE0] =	vst v37  }
0x5a7: {  	[tilespmem:s20+$0x0] =	vst v33  }
0x5a8: {  	v9 =	vmul.f32 v9, v28;
	[tilespmem:s20+$0x10] =	vst v36  }
0x5a9: {  	v19 =	vmul.f32 v19, v29;
	[tilespmem:s20+$0x20] =	vst v32  }
0x5aa: {  	v16 =	vmul.f32 v16, v31;
	[tilespmem:s20+$0x30] =	vst v9  }
0x5ab: {  	v53 =	vpop (erf);
	[tilespmem:s20+$0x40] =	vst v19  }
0x5ac: {  	v9 =	vmul.f32 v22, v30;
	[tilespmem:s20+$0x50] =	vst v16;
	v54 =	vperm.xlane v53, v8;
	v22 =	vpop (erf)  }
0x5ad: {  	[tilespmem:s11+$0x80] =	vst v53;
	v19 =	vperm.xlane v22, v1  }
0x5ae: {  	[tilespmem:s20+$0x60] =	vst v9;
	v55 =	vmul.f32 v34, v54;
	v16 =	vperm.xlane v22, v2  }
0x5af: {  	v9 =	vperm.xlane v22, v3;
	[tilespmem:s11+$0xFFFFFFF0] =	vst v22;
	v10 =	vmul.f32 v10, v19  }
0x5b0: {  	[tilespmem:s11+$0x70] =	vst v55;
	v19 =	vperm.xlane v22, v4;
	v11 =	vmul.f32 v11, v16  }
0x5b1: {  	v16 =	vperm.xlane v22, v5;
	v9 =	vmul.f32 v12, v9;
	[tilespmem:s11+$0xFFFFFF70] =	vst v10  }
0x5b2: {  	v10 =	vperm.xlane v22, v6;
	v12 =	vmul.f32 v13, v19;
	[tilespmem:s11+$0xFFFFFF80] =	vst v11  }
0x5b3: {  	v11 =	vperm.xlane v22, v7;
	v13 =	vmul.f32 v14, v16;
	[tilespmem:s11+$0xFFFFFF90] =	vst v9  }
0x5b4: {  	v9 =	vperm.xlane v22, v8;
	v10 =	vmul.f32 v15, v10;
	[tilespmem:s11+$0xFFFFFFA0] =	vst v12  }
0x5b5: {  	v12 =	vperm.xlane v53, v1;
	v11 =	vmul.f32 v17, v11;
	[tilespmem:s11+$0xFFFFFFB0] =	vst v13  }
0x5b6: {  	v13 =	vperm.xlane v53, v2;
	v9 =	vmul.f32 v18, v9;
	[tilespmem:s11+$0xFFFFFFC0] =	vst v10  }
0x5b7: {  	v10 =	vperm.xlane v53, v3;
	v12 =	vmul.f32 v20, v12;
	[tilespmem:s11+$0xFFFFFFD0] =	vst v11  }
0x5b8: {  	v11 =	vperm.xlane v53, v4;
	v13 =	vmul.f32 v23, v13;
	[tilespmem:s11+$0xFFFFFFE0] =	vst v9  }
0x5b9: {  	v9 =	vperm.xlane v53, v5;
	v10 =	vmul.f32 v21, v10;
	[tilespmem:s11+$0x0] =	vst v12  }
0x5ba: {  	v12 =	vperm.xlane v53, v6;
	v11 =	vmul.f32 v25, v11;
	[tilespmem:s11+$0x10] =	vst v13  }
0x5bb: {  	v13 =	vperm.xlane v53, v7;
	v9 =	vmul.f32 v24, v9;
	[tilespmem:s11+$0x20] =	vst v10  }
0x5bc: {  	v10 =	vmul.f32 v26, v12;
	[tilespmem:s11+$0x30] =	vst v11  }
0x5bd: {  	v11 =	vmul.f32 v27, v13;
	[tilespmem:s11+$0x40] =	vst v9  }
0x5be: {  	[tilespmem:s11+$0x50] =	vst v10  }
0x5bf: {  	[tilespmem:s11+$0x60] =	vst v11  }
0x5c0: {  	v9 =	vld [tilespmem:$0x4A40]  }
0x5c1: {  	v10 =	vld [tilespmem:$0x9860];
	_ =	sdelay $0x4  }
0x5c2: {  	v9 =	vadd.f32 v10, v9;
	_ =	sdelay $0x1  }
0x5c3: {  	v10 =	vmul.f32 $2.000000030e-01, v9;
	_ =	sdelay $0x1  }
0x5c4: {  	v9 =	vmax.f32 v9, v10  }
0x5c5: {  	v9 =	vmul.f32 $1.442695020e+00, v9;
	_ =	sdelay $0x1  }
0x5c6: {  	(erf) = vpow2.f32 v9;
	_ =	sdelay $0x6  }
0x5c7: {  	v9 =	vld [tilespmem:$0x49C0]  }
0x5c8: {  	v10 =	vld [tilespmem:$0x49D0]  }
0x5c9: {  	v12 =	vld [tilespmem:$0x49E0];
	v11 =	vpop (erf)  }
0x5ca: {  	v14 =	vld [tilespmem:$0x49F0];
	v13 =	vperm.xlane v11, v1  }
0x5cb: {  	v16 =	vld [tilespmem:$0x4A00];
	v15 =	vperm.xlane v11, v2  }
0x5cc: {  	v17 =	vld [tilespmem:$0x4A10];
	v9 =	vmul.f32 v9, v13;
	v13 =	vperm.xlane v11, v3  }
0x5cd: {  	v18 =	vld [tilespmem:$0x4A20];
	[tilespmem:$0x4A40] =	vst v11;
	v10 =	vmul.f32 v10, v15;
	v15 =	vperm.xlane v11, v4  }
0x5ce: {  	[tilespmem:$0x49C0] =	vst v9;
	v9 =	vmul.f32 v12, v13;
	v12 =	vperm.xlane v11, v5;
	v13 =	vld [tilespmem:$0x4A30]  }
0x5cf: {  	[tilespmem:$0x49D0] =	vst v10;
	v10 =	vmul.f32 v14, v15;
	v14 =	vperm.xlane v11, v6  }
0x5d0: {  	[tilespmem:$0x49E0] =	vst v9;
	v9 =	vmul.f32 v16, v12;
	v12 =	vperm.xlane v11, v7  }
0x5d1: {  	[tilespmem:$0x49F0] =	vst v10;
	v10 =	vmul.f32 v17, v14;
	v11 =	vperm.xlane v11, v8  }
0x5d2: {  	[tilespmem:$0x4A00] =	vst v9;
	v9 =	vmul.f32 v18, v12  }
0x5d3: {  	[tilespmem:$0x4A10] =	vst v10;
	v10 =	vmul.f32 v13, v11  }
0x5d4: {  	[tilespmem:$0x4A20] =	vst v9  }
0x5d5: {  	[tilespmem:$0x4A30] =	vst v10  }
0x5d6: {  	[spmem:s2] =	stream.indirect.scatter.add.f32 [tilespmem:s26], [sflag:$0x7], $0x90, s8, s31, $0xb8;
	v63 =	vld [tilespmem:$0x0]  }
0x5d7: {  	_ =	swait.ge [sflag:s17], $0x4650  }
0x5d8: {  	[sflag:s17] =	ssyncset.done $0x0  }
0x5d9: {  	[sflag:s17] =	ssyncadd.s32 $0xFFFFB9B0  }
0x5da: {  	_ =	swait.ge [sflag:s18], $0x7D0  }
0x5db: {  	[sflag:s18] =	ssyncset.done $0x0  }
0x5dc: {  	[sflag:s18] =	ssyncadd.s32 $0xFFFFF830  }
0x5dd: {  	_ =	swait.ge [sflag:s21], $0x4650  }
0x5de: {  	[sflag:s21] =	ssyncset.done $0x0  }
0x5df: {  	s20 =	simm.s32 $0x4AE0;
	[sflag:s21] =	ssyncadd.s32 $0xFFFFB9B0  }
0x5e0: {  	s1 =	simm.s32 $0x9880;
	v9 =	vld [tilespmem:s20+$0x80]  }
0x5e1: {  	v10 =	vld [tilespmem:s1+$0x0]  }
0x5e2: {  	v11 =	vld [tilespmem:s1+$0xFFFFFFF0]  }
0x5e3: {  	v12 =	vld [tilespmem:s20+$0xFFFFFFF0]  }
0x5e4: {  	v24 =	vld [tilespmem:s20+$0xFFFFFF70]  }
0x5e5: {  	v25 =	vld [tilespmem:s20+$0xFFFFFF80]  }
0x5e6: {  	v26 =	vld [tilespmem:s20+$0xFFFFFF90]  }
0x5e7: {  	v27 =	vld [tilespmem:s20+$0xFFFFFFA0];
	v9 =	vadd.f32 v10, v9  }
0x5e8: {  	v32 =	vld [tilespmem:s20+$0xFFFFFFB0];
	v10 =	vadd.f32 v11, v12  }
0x5e9: {  	v33 =	vld [tilespmem:s20+$0xFFFFFFC0];
	v11 =	vmul.f32 $2.000000030e-01, v9  }
0x5ea: {  	v34 =	vld [tilespmem:s20+$0xFFFFFFD0];
	v12 =	vmul.f32 $2.000000030e-01, v10  }
0x5eb: {  	s11 =	simm.s32 $0x4C00;
	v56 =	vld [tilespmem:s20+$0xFFFFFFE0];
	v9 =	vmax.f32 v9, v11  }
0x5ec: {  	s1 =	simm.s32 $0x98A0;
	v17 =	vld [tilespmem:s11+$0xFFFFFFF0];
	v10 =	vmax.f32 v10, v12;
	v9 =	vmul.f32 $1.442695020e+00, v9  }
0x5ed: {  	v15 =	vld [tilespmem:s1+$0xFFFFFFF0];
	v10 =	vmul.f32 $1.442695020e+00, v10  }
0x5ee: {  	v40 =	vld [tilespmem:s20+$0x0];
	(erf) = vpow2.f32 v9  }
0x5ef: {  	v41 =	vld [tilespmem:s20+$0x10];
	(erf) = vpow2.f32 v10  }
0x5f0: {  	v42 =	vld [tilespmem:s20+$0x20]  }
0x5f1: {  	v19 =	vld [tilespmem:s20+$0x40]  }
0x5f2: {  	v16 =	vld [tilespmem:s20+$0x50];
	v20 =	vadd.f32 v15, v17  }
0x5f3: {  	v13 =	vld [tilespmem:s11+$0x80]  }
0x5f4: {  	v14 =	vld [tilespmem:s1+$0x0];
	v30 =	vmul.f32 $2.000000030e-01, v20  }
0x5f5: {  	v12 =	vld [tilespmem:s20+$0x70]  }
0x5f6: {  	v22 =	vld [tilespmem:s20+$0x60];
	v52 =	vmax.f32 v20, v30  }
0x5f7: {  	v15 =	vld [tilespmem:s11+$0xFFFFFFC0];
	v52 =	vmul.f32 $1.442695020e+00, v52;
	v57 =	vpop (erf)  }
0x5f8: {  	v17 =	vld [tilespmem:s11+$0xFFFFFFD0];
	v43 =	vperm.xlane v57, v1;
	v18 =	vperm.xlane v57, v8;
	v21 =	vpop (erf)  }
0x5f9: {  	v11 =	vld [tilespmem:s11+$0xFFFFFF80];
	v58 =	vperm.xlane v21, v1;
	v59 =	vperm.xlane v21, v2  }
0x5fa: {  	v20 =	vld [tilespmem:s11+$0x0];
	v60 =	vperm.xlane v21, v3;
	v23 =	vmul.f32 v12, v18;
	v18 =	vadd.f32 v14, v13  }
0x5fb: {  	v9 =	vld [tilespmem:s20+$0x30];
	v46 =	vperm.xlane v21, v4;
	v47 =	vperm.xlane v21, v5  }
0x5fc: {  	v10 =	vld [tilespmem:s11+$0xFFFFFF70];
	v48 =	vperm.xlane v21, v6;
	v28 =	vmul.f32 $2.000000030e-01, v18  }
0x5fd: {  	v49 =	vperm.xlane v21, v7;
	v50 =	vperm.xlane v21, v8;
	[tilespmem:s20+$0xFFFFFFF0] =	vst v21;
	v21 =	vld [tilespmem:s11+$0x20]  }
0x5fe: {  	v44 =	vperm.xlane v57, v2;
	v45 =	vperm.xlane v57, v3;
	v12 =	vld [tilespmem:s11+$0xFFFFFF90];
	v29 =	vmax.f32 v18, v28  }
0x5ff: {  	v31 =	vperm.xlane v57, v6;
	v13 =	vld [tilespmem:s11+$0xFFFFFFA0];
	v51 =	vmul.f32 $1.442695020e+00, v29  }
0x600: {  	v30 =	vperm.xlane v57, v7;
	v14 =	vld [tilespmem:s11+$0xFFFFFFB0];
	v36 =	vmul.f32 v41, v44  }
0x601: {  	v61 =	vmul.f32 v25, v59;
	v25 =	vld [tilespmem:s11+$0x30];
	(erf) = vpow2.f32 v51  }
0x602: {  	[tilespmem:s20+$0x80] =	vst v57;
	v37 =	vmul.f32 v24, v58;
	v62 =	vmul.f32 v26, v60;
	v24 =	vld [tilespmem:s11+$0x40]  }
0x603: {  	v46 =	vmul.f32 v27, v46;
	v26 =	vld [tilespmem:s11+$0x50];
	[tilespmem:s20+$0x70] =	vst v23;
	(erf) = vpow2.f32 v52  }
0x604: {  	v38 =	vmul.f32 v32, v47;
	v39 =	vmul.f32 v33, v48;
	v27 =	vld [tilespmem:s11+$0x60];
	[tilespmem:s20+$0xFFFFFF70] =	vst v37  }
0x605: {  	v35 =	vmul.f32 v34, v49;
	v33 =	vmul.f32 v40, v43;
	v34 =	vld [tilespmem:s11+$0x70];
	[tilespmem:s20+$0xFFFFFF80] =	vst v61  }
0x606: {  	v23 =	vld [tilespmem:s11+$0x10];
	[tilespmem:s20+$0xFFFFFF90] =	vst v62;
	v28 =	vperm.xlane v57, v4;
	v29 =	vperm.xlane v57, v5  }
0x607: {  	s14 =	simm.s32 $0x2;
	s15 =	simm.s32 $0x4D20;
	v32 =	vmul.f32 v42, v45;
	v37 =	vmul.f32 v56, v50;
	[tilespmem:s20+$0xFFFFFFA0] =	vst v46;
	v18 =	vld [tilespmem:s11+$0xFFFFFFE0]  }
.LBB2_28:
0x608: {  	v40 =	vld [tilespmem:s15+$0x80];
	s1 =	sadd.s32 $0x20, s1;
	[tilespmem:s20+$0xFFFFFFB0] =	vst v38;
	v28 =	vmul.f32 v9, v28;
	v29 =	vmul.f32 v19, v29;
	v9 =	vmov v25  }
0x609: {  	s14 =	sadd.s32 $0x2, s14;
	v31 =	vmul.f32 v16, v31;
	v30 =	vmul.f32 v22, v30;
	v25 =	vld [tilespmem:s1+$0x0];
	[tilespmem:s20+$0xFFFFFFC0] =	vst v39;
	v19 =	vmov v24  }
0x60a: {  	p0 =	slt.u32 s14, $0x7A;
	v24 =	vld [tilespmem:s1+$0xFFFFFFF0];
	v38 =	vpop (erf);
	[tilespmem:s20+$0xFFFFFFD0] =	vst v35;
	v16 =	vmov v26  }
0x60b: {  	v26 =	vld [tilespmem:s15+$0xFFFFFFF0];
	v41 =	vperm.xlane v38, v1;
	v35 =	vperm.xlane v38, v8;
	[tilespmem:s20+$0xFFFFFFE0] =	vst v37;
	v22 =	vmov v27  }
0x60c: {  	v42 =	vperm.xlane v38, v2;
	v43 =	vperm.xlane v38, v3;
	v27 =	vld [tilespmem:s15+$0xFFFFFF70];
	v37 =	vpop (erf);
	[tilespmem:s20+$0x0] =	vst v33  }
0x60d: {  	v33 =	vld [tilespmem:s15+$0xFFFFFF80];
	v39 =	vperm.xlane v37, v1;
	v34 =	vmul.f32 v34, v35;
	[tilespmem:s20+$0x10] =	vst v36  }
0x60e: {  	v36 =	vperm.xlane v37, v2;
	v35 =	vld [tilespmem:s15+$0xFFFFFF90];
	v25 =	vadd.f32 v25, v40;
	v40 =	vperm.xlane v37, v3;
	[tilespmem:s20+$0x20] =	vst v32  }
0x60f: {  	v44 =	vperm.xlane v37, v4;
	v45 =	vperm.xlane v37, v5;
	v32 =	vld [tilespmem:s15+$0xFFFFFFA0];
	[tilespmem:s11+$0x70] =	vst v34  }
0x610: {  	v46 =	vperm.xlane v37, v6;
	v24 =	vadd.f32 v24, v26;
	v26 =	vld [tilespmem:s15+$0xFFFFFFB0];
	v34 =	vmul.f32 $2.000000030e-01, v25;
	[tilespmem:s20+$0x30] =	vst v28  }
0x611: {  	v48 =	vperm.xlane v37, v7;
	v49 =	vperm.xlane v37, v8;
	v47 =	vld [tilespmem:s15+$0xFFFFFFC0];
	[tilespmem:s20+$0x40] =	vst v29  }
0x612: {  	v28 =	vperm.xlane v38, v4;
	v50 =	vmul.f32 $2.000000030e-01, v24;
	v51 =	vld [tilespmem:s15+$0xFFFFFFD0];
	v25 =	vmax.f32 v25, v34;
	[tilespmem:s20+$0x50] =	vst v31  }
0x613: {  	v29 =	vperm.xlane v38, v5;
	v34 =	vld [tilespmem:s15+$0xFFFFFFE0];
	v25 =	vmul.f32 $1.442695020e+00, v25;
	[tilespmem:s20+$0x60] =	vst v30;
	s20 =	smov.u32 s11;
	s11 =	smov.u32 s15  }
0x614: {  	v31 =	vperm.xlane v38, v6;
	v30 =	vperm.xlane v38, v7;
	v24 =	vmax.f32 v24, v50;
	v50 =	vld [tilespmem:s15+$0x0];
	[tilespmem:s20+$0xFFFFFFF0] =	vst v37  }
0x615: {  	v24 =	vmul.f32 $1.442695020e+00, v24;
	v52 =	vld [tilespmem:s15+$0x10];
	(erf) = vpow2.f32 v25;
	[tilespmem:s20+$0x80] =	vst v38  }
0x616: {  	v36 =	vmul.f32 v11, v36;
	v11 =	vmovc v33;
	v37 =	vmul.f32 v10, v39;
	v10 =	vmov v27;
	v53 =	vld [tilespmem:s15+$0x20]  }
.Ltmp13:
0x617: {  	v33 =	vmul.f32 v12, v40;
	v12 =	vmov v35;
	v25 =	vld [tilespmem:s15+$0x30];
	(erf) = vpow2.f32 v24;
	(pc) =	sbr.rel @p0 .LBB2_28-.Ltmp13, $4  }
0x618: {  	v40 =	vmul.f32 v13, v44;
	v13 =	vmovc v32;
	v38 =	vmul.f32 v14, v45;
	v14 =	vmov v26;
	v24 =	vld [tilespmem:s15+$0x40];
	[tilespmem:s20+$0xFFFFFF70] =	vst v37  }
0x619: {  	v35 =	vmul.f32 v17, v48;
	v39 =	vmul.f32 v15, v46;
	v15 =	vmovc v47;
	v17 =	vmov v51;
	v26 =	vld [tilespmem:s15+$0x50];
	[tilespmem:s20+$0xFFFFFF80] =	vst v36  }
0x61a: {  	v37 =	vmul.f32 v18, v49;
	v18 =	vmovc v34;
	v27 =	vld [tilespmem:s15+$0x60];
	[tilespmem:s20+$0xFFFFFF90] =	vst v33;
	v33 =	vmul.f32 v20, v41;
	v20 =	vmov v50  }
0x61b: {  	v32 =	vmul.f32 v21, v43;
	v36 =	vmul.f32 v23, v42;
	s15 =	sadd.s32 $0x120, s15;
	v23 =	vmovc v52;
	v34 =	vld [tilespmem:s11+$0x70];
	[tilespmem:s20+$0xFFFFFFA0] =	vst v40;
	v21 =	vmov v53  }
0x61c: {  	[tilespmem:s20+$0xFFFFFFB0] =	vst v38  }
0x61d: {  	[tilespmem:s20+$0xFFFFFFC0] =	vst v39  }
0x61e: {  	[tilespmem:s20+$0xFFFFFFD0] =	vst v35  }
0x61f: {  	[tilespmem:s20+$0xFFFFFFE0] =	vst v37  }
0x620: {  	[tilespmem:s20+$0x0] =	vst v33  }
0x621: {  	v9 =	vmul.f32 v9, v28;
	[tilespmem:s20+$0x10] =	vst v36  }
0x622: {  	v19 =	vmul.f32 v19, v29;
	[tilespmem:s20+$0x20] =	vst v32  }
0x623: {  	v16 =	vmul.f32 v16, v31;
	[tilespmem:s20+$0x30] =	vst v9  }
0x624: {  	v61 =	vpop (erf);
	[tilespmem:s20+$0x40] =	vst v19  }
0x625: {  	v9 =	vmul.f32 v22, v30;
	[tilespmem:s20+$0x50] =	vst v16;
	v62 =	vperm.xlane v61, v8;
	v39 =	vpop (erf)  }
0x626: {  	[tilespmem:s11+$0x80] =	vst v61;
	v40 =	vperm.xlane v39, v1  }
0x627: {  	[tilespmem:s20+$0x60] =	vst v9;
	v37 =	vmul.f32 v34, v62;
	v41 =	vperm.xlane v39, v2  }
0x628: {  	v9 =	vperm.xlane v39, v3;
	[tilespmem:s11+$0xFFFFFFF0] =	vst v39;
	v10 =	vmul.f32 v10, v40  }
0x629: {  	v42 =	vperm.xlane v39, v4;
	[tilespmem:s11+$0x70] =	vst v37;
	v11 =	vmul.f32 v11, v41  }
0x62a: {  	v43 =	vperm.xlane v39, v5;
	v9 =	vmul.f32 v12, v9;
	[tilespmem:s11+$0xFFFFFF70] =	vst v10  }
0x62b: {  	v46 =	vperm.xlane v61, v1;
	v44 =	vmul.f32 v13, v42;
	[tilespmem:s11+$0xFFFFFF80] =	vst v11  }
0x62c: {  	v45 =	vmul.f32 v14, v43;
	v10 =	vperm.xlane v39, v6;
	[tilespmem:s11+$0xFFFFFF90] =	vst v9  }
0x62d: {  	v12 =	vmul.f32 v20, v46;
	v11 =	vperm.xlane v39, v7;
	[tilespmem:s11+$0xFFFFFFA0] =	vst v44  }
0x62e: {  	v9 =	vperm.xlane v39, v8;
	[tilespmem:s11+$0xFFFFFFB0] =	vst v45;
	v10 =	vmul.f32 v15, v10  }
0x62f: {  	v47 =	vperm.xlane v61, v2;
	[tilespmem:s11+$0x0] =	vst v12;
	v11 =	vmul.f32 v17, v11  }
0x630: {  	v9 =	vmul.f32 v18, v9;
	[tilespmem:s11+$0xFFFFFFC0] =	vst v10;
	v10 =	vperm.xlane v61, v3  }
0x631: {  	v13 =	vmul.f32 v23, v47;
	[tilespmem:s11+$0xFFFFFFD0] =	vst v11;
	v11 =	vperm.xlane v61, v4  }
0x632: {  	[tilespmem:s11+$0xFFFFFFE0] =	vst v9;
	v9 =	vperm.xlane v61, v5;
	v10 =	vmul.f32 v21, v10  }
0x633: {  	v48 =	vperm.xlane v61, v6;
	[tilespmem:s11+$0x10] =	vst v13;
	v11 =	vmul.f32 v25, v11  }
0x634: {  	v49 =	vperm.xlane v61, v7;
	v9 =	vmul.f32 v24, v9;
	[tilespmem:s11+$0x20] =	vst v10  }
0x635: {  	v10 =	vmul.f32 v26, v48;
	[tilespmem:s11+$0x30] =	vst v11  }
0x636: {  	v11 =	vmul.f32 v27, v49;
	[tilespmem:s11+$0x40] =	vst v9  }
0x637: {  	[tilespmem:s11+$0x50] =	vst v10  }
0x638: {  	[tilespmem:s11+$0x60] =	vst v11  }
0x639: {  	v9 =	vld [tilespmem:$0x9090]  }
0x63a: {  	v10 =	vld [tilespmem:$0xA030];
	_ =	sdelay $0x4  }
0x63b: {  	v9 =	vadd.f32 v10, v9;
	_ =	sdelay $0x1  }
0x63c: {  	v10 =	vmul.f32 $2.000000030e-01, v9;
	_ =	sdelay $0x1  }
0x63d: {  	v9 =	vmax.f32 v9, v10  }
0x63e: {  	v9 =	vmul.f32 $1.442695020e+00, v9;
	_ =	sdelay $0x1  }
0x63f: {  	(erf) = vpow2.f32 v9;
	_ =	sdelay $0x6  }
0x640: {  	v9 =	vld [tilespmem:$0x9010]  }
0x641: {  	v10 =	vld [tilespmem:$0x9020]  }
0x642: {  	v50 =	vld [tilespmem:$0x9030];
	v11 =	vpop (erf)  }
0x643: {  	v52 =	vld [tilespmem:$0x9040];
	v51 =	vperm.xlane v11, v1  }
0x644: {  	v54 =	vld [tilespmem:$0x9050];
	v53 =	vperm.xlane v11, v2  }
0x645: {  	v56 =	vld [tilespmem:$0x9060];
	v55 =	vperm.xlane v11, v3;
	v9 =	vmul.f32 v9, v51  }
0x646: {  	v58 =	vld [tilespmem:$0x9070];
	[tilespmem:$0x9090] =	vst v11;
	v57 =	vperm.xlane v11, v4;
	v10 =	vmul.f32 v10, v53  }
0x647: {  	v60 =	vld [tilespmem:$0x9080];
	v59 =	vperm.xlane v11, v5;
	[tilespmem:$0x9010] =	vst v9;
	v9 =	vmul.f32 v50, v55  }
0x648: {  	v61 =	vperm.xlane v11, v6;
	[tilespmem:$0x9020] =	vst v10;
	v10 =	vmul.f32 v52, v57  }
0x649: {  	v62 =	vperm.xlane v11, v7;
	[tilespmem:$0x9030] =	vst v9;
	v9 =	vmul.f32 v54, v59  }
0x64a: {  	v11 =	vperm.xlane v11, v8;
	[tilespmem:$0x9040] =	vst v10;
	v10 =	vmul.f32 v56, v61  }
0x64b: {  	[tilespmem:$0x9050] =	vst v9;
	v9 =	vmul.f32 v58, v62  }
0x64c: {  	[tilespmem:$0x9060] =	vst v10;
	v10 =	vmul.f32 v60, v11  }
0x64d: {  	[tilespmem:$0x9070] =	vst v9  }
0x64e: {  	[tilespmem:$0x9080] =	vst v10  }
0x64f: {  	[spmem:s2] =	stream.indirect.scatter.add.f32 [tilespmem:s12], [sflag:$0x9], $0x90, s24, s31, $0xb8;
	v63 =	vld [tilespmem:$0x0]  }
0x650: {  	_ =	swait.ge [sflag:s28], $0x4650  }
0x651: {  	[sflag:s28] =	ssyncset.done $0x0  }
0x652: {  	[sflag:s28] =	ssyncadd.s32 $0xFFFFB9B0  }
0x653: {  	s1 =	stileid.u32;
	[bflag:$0x0] =	sbarrier.arrive $0xFFFF  }
0x654: {  	s1 =	sshll.u32 s1, $0x6;
	s20 =	rddreg [dreg:$0xe]  }
0x655: {  	s1 =	sor.u32 $0x1C09, s1;
	s14 =	rddreg [dreg:$0x15]  }
0x656: {  	[hbm:s20], [sflag:s1] =	dma.local [spmem:s14], $0x2BF2  }
0x657: {  	_ =	swait.ge [sflag:s28], $0x2BF2  }
0x658: {  	s23 =	rddreg [dreg:$0x16]  }
0x659: {  	s25 =	rddreg [dreg:$0xf];
	s11 =	sadd.s32 $0x1, s23  }
0x65a: {  	p0 =	sne.s32 s11, s25  }
.Ltmp14:
0x65b: {  	_ = 	snop;
	(pc) =	sbr.rel @p0 .LBB2_1-.Ltmp14, $3  }
0x65c: {  	_ =	sdelay $0x1  }
0x65d: {  	[sflag:s28] =	ssyncset.done $0x0  }
0x65e: {  	[sflag:s28] =	ssyncadd.s32 $0xFFFFD40E  }
0x65f: {  	_ =	sfence.sel $0x180000  }
0x660: {  	[bflag:$0x0] =	sbarrier.arrive $0xFFFF  }
0x661: {  	_ =	strace $0x90000047  }
0x662: {  	s0 =	stileid.u32;
	[bflag:$0x2] =	sbarrier.arrive $0xFFFF  }
0x663: {  	p0 =	sne.s32 s0, $0x0;
	s0 =	rddreg [dreg:$0x3]  }
0x664: {  	s0 =	sadd.s32 @!p0 $0x100000, s0  }
0x665: {  	[sflag:s0] =	ssyncadd.tile.s32 @!p0 $0x1;
	_ =	shalt  }
.Lfunc_end2:
_tile_overlayer_lowered:
.L_overlay_start_2:
0x666: {  	(tag) =	ssettag $0x2  }
0x667: {  	s0 =	rddreg [dreg:$0x0];
	s2 =	stileid.u32  }
0x668: {  	s1 =	rddreg [dreg:$0x1];
	p0 =	sne.s32 s2, $0x0  }
0x669: {  	s3 =	rddreg [dreg:$0x2];
	[bflag:$0x3] =	sbarrier.arrive $0xFFFF;
	s2 =	simm.s32 @!p0 $0x1C09  }
0x66a: {  	[timem:s3], [sflag:s2] =	dma.local @!p0 [hbm:s0], s1  }
0x66b: {  	s0 =	simm.s32 @!p0 $0x9  }
0x66c: {  	_ =	swait.ge @!p0 [sflag:s0], s1  }
0x66d: {  	s1 =	ssub.s32 @!p0 $0x0, s1;
	[sflag:s0] =	ssyncset.done @!p0 $0x0  }
0x66e: {  	[sflag:s0] =	ssyncadd.s32 @!p0 s1  }
0x66f: {  	[bflag:$0x3] =	sbarrier.arrive $0xFFFF  }
0x670: {  	_ =	shalt  }

</sc_bundles>
